<compile_context>
chip_gen: v7x
topology: tpu7x:2x2x1
jax: 0.10.2.dev20260603
libtpu: 0.0.44.dev20260713+nightly
codegen_flags: <defaults>
</compile_context>

<pallas_src>
import functools
import jax
import jax.numpy as jnp
from jax import lax
from jax.experimental import pallas as pl
from jax.experimental.pallas import tpu as pltpu
from jax.experimental.pallas import tpu_sc as plsc

OBS_VOCAB = 1000000
ACT_VOCAB = 1000
D = 16
BATCH = 16384
HIST = 50

V = OBS_VOCAB
B = BATCH
H = HIST
NC, NS = 2, 16
CW = 512
NCH = 976
NCHT = NCH // NS
HALF0 = NCH * CW
TAIL = V - 2 * HALF0
TAILP = 640
ZREG = 128
SPROJ = NCH * CW + TAILP + ZREG
ZSLOT = NCH * CW + TAILP
RW = B // NS
NQ = 8
QRW = RW // NQ
QIDX = QRW * H
CB8 = QRW // 16


def _sc_body(tblT_hbm, tail_hbm, obsT_hbm, w1_hbm, out_hbm,
             tch0, tch1, acc_v, w1_v, idx0, idx1, val0, val1, enc_v, sproj,
             sem0, sem1, gsem0, gsem1):
    cid = lax.axis_index("c")
    sid = lax.axis_index("s")

    pltpu.sync_copy(w1_hbm, w1_v)
    w1vec = w1_v[...]
    lanes = lax.iota(jnp.int32, 16)
    w1s = [jnp.sum(jnp.where(lanes == k, w1vec, 0.0)) for k in range(D)]

    half_base = cid * HALF0
    half_size = jnp.where(cid == 0, HALF0, V - HALF0)

    tch = (tch0, tch1)
    sems = (sem0, sem1)

    def src_slice(j):
        c = j * NS + sid
        g0 = pl.multiple_of(half_base + c * CW, 128)
        return tblT_hbm.at[:, pl.ds(g0, CW)], c

    def p1_start(j, buf):
        @pl.when(j < NCHT)
        def _():
            src, _ = src_slice(j)
            pltpu.async_copy(src, tch[buf], sems[buf])

    def col_reduce(buf_ref, ncols):
        def col_body(q, carry2):
            col = q * 16
            a = w1s[0] * buf_ref[0, pl.ds(col, 16)]
            for k in range(1, D):
                a = a + w1s[k] * buf_ref[k, pl.ds(col, 16)]
            acc_v[pl.ds(col, 16)] = a
            return carry2

        lax.fori_loop(0, ncols // 16, col_body, 0)

    def p1_finish(j, buf):
        @pl.when(j < NCHT)
        def _():
            src, c = src_slice(j)
            pltpu.make_async_copy(src, tch[buf], sems[buf]).wait()
            col_reduce(tch[buf], CW)
            pltpu.sync_copy(acc_v.at[pl.ds(0, CW)], sproj.at[pl.ds(c * CW, CW)])

    p1_start(0, 0)

    def p1_pair(m, carry):
        j0 = m * 2
        p1_start(j0 + 1, 1)
        p1_finish(j0, 0)
        p1_start(j0 + 2, 0)
        p1_finish(j0 + 1, 1)
        return carry

    lax.fori_loop(0, (NCHT + 1) // 2, p1_pair, 0)

    @pl.when((sid == 0) & (cid == 1))
    def _():
        pltpu.sync_copy(tail_hbm, tch0.at[:, pl.ds(0, TAILP)])
        col_reduce(tch0, TAILP)
        pltpu.sync_copy(acc_v.at[pl.ds(0, TAILP)],
                        sproj.at[pl.ds(NCH * CW, TAILP)])

    @pl.when(sid == 1)
    def _():
        zeros = jnp.zeros((16,), jnp.float32)
        for z in range(ZREG // 16):
            acc_v[pl.ds(z * 16, 16)] = zeros
        pltpu.sync_copy(acc_v.at[pl.ds(0, ZREG)], sproj.at[pl.ds(ZSLOT, ZREG)])

    plsc.subcore_barrier()

    base = sid * RW
    idxb = (idx0, idx1)
    valb = (val0, val1)
    gsems = (gsem0, gsem1)

    def q_start(hq, buf):
        r0 = base + hq * QRW
        pltpu.sync_copy(obsT_hbm.at[:, pl.ds(r0, QRW)], idxb[buf])

        def fix_body(h, carry2):
            for cb in range(CB8):
                col = cb * 16
                raw = idxb[buf][h, pl.ds(col, 16)] - half_base
                ok = (raw >= 0) & (raw < half_size)
                dummy = ZSLOT + ((col & (ZREG - 16)) | lanes)
                idxb[buf][h, pl.ds(col, 16)] = jnp.where(ok, raw, dummy)
            return carry2

        lax.fori_loop(0, H, fix_body, 0)

        def fire(h, carry2):
            pltpu.async_copy(sproj.at[idxb[buf].at[h]], valb[buf].at[h],
                             gsems[buf])
            return carry2

        lax.fori_loop(0, H, fire, 0)

    def q_finish(hq, buf):
        r0 = base + hq * QRW

        def drain(h, carry2):
            pltpu.make_async_copy(sproj.at[idxb[buf].at[h]], valb[buf].at[h],
                                  gsems[buf]).wait()
            return carry2

        lax.fori_loop(0, H, drain, 0)
        vv = valb[buf]

        def row_body(h, accs):
            return tuple(accs[cb] + vv[h, pl.ds(cb * 16, 16)]
                         for cb in range(CB8))

        accs = tuple(vv[0, pl.ds(cb * 16, 16)] for cb in range(CB8))
        accs = lax.fori_loop(1, H, row_body, accs)
        for cb in range(CB8):
            enc_v[pl.ds(cb * 16, 16)] = accs[cb]
        pltpu.sync_copy(enc_v, out_hbm.at[cid, pl.ds(r0, QRW)])

    q_start(0, 0)
    for hq in range(NQ):
        if hq + 1 < NQ:
            q_start(hq + 1, (hq + 1) % 2)
        q_finish(hq, hq % 2)


@functools.cache
def _bag():
    return pl.kernel(
        _sc_body,
        out_type=jax.ShapeDtypeStruct((NC, B), jnp.float32),
        mesh=plsc.VectorSubcoreMesh(core_axis_name="c", subcore_axis_name="s"),
        scratch_types=[
            pltpu.VMEM((D, CW), jnp.float32),
            pltpu.VMEM((D, CW), jnp.float32),
            pltpu.VMEM((TAILP,), jnp.float32),
            pltpu.VMEM((16,), jnp.float32),
            pltpu.VMEM((H, QRW), jnp.int32),
            pltpu.VMEM((H, QRW), jnp.int32),
            pltpu.VMEM((H, QRW), jnp.float32),
            pltpu.VMEM((H, QRW), jnp.float32),
            pltpu.VMEM((QRW,), jnp.float32),
            pltpu.VMEM_SHARED((SPROJ,), jnp.float32),
            pltpu.SemaphoreType.DMA,
            pltpu.SemaphoreType.DMA,
            pltpu.SemaphoreType.DMA,
            pltpu.SemaphoreType.DMA,
        ],
        compiler_params=pltpu.CompilerParams(use_tc_tiling_on_sc=True,
                                             needs_layout_passes=False),
    )


RB_ACT = 512


def _act_body(a_ref, tbl_ref, w_ref, b_ref, out_ref):
    a = a_ref[...]
    m = jnp.max(a, axis=1, keepdims=True)
    iota = lax.broadcasted_iota(jnp.int32, a.shape, 1)
    idx = jnp.min(jnp.where(a == m, iota, ACT_VOCAB), axis=1, keepdims=True)
    onehot = (iota == idx).astype(jnp.float32)
    emb = jnp.dot(onehot, tbl_ref[...], preferred_element_type=jnp.float32)
    w2 = w_ref[:, D:]
    r = jnp.sum(emb * w2, axis=1, keepdims=True)
    out_ref[...] = r + b_ref[0, 0]


def _act_part(actions, action_table, W, b2d):
    return pl.pallas_call(
        _act_body,
        grid=(BATCH // RB_ACT,),
        in_specs=[
            pl.BlockSpec((RB_ACT, ACT_VOCAB), lambda i: (i, 0)),
            pl.BlockSpec((ACT_VOCAB, D), lambda i: (0, 0)),
            pl.BlockSpec((1, 2 * D), lambda i: (0, 0)),
            pl.BlockSpec((1, 1), lambda i: (0, 0)),
        ],
        out_specs=pl.BlockSpec((RB_ACT, 1), lambda i: (i, 0)),
        out_shape=jax.ShapeDtypeStruct((BATCH, 1), jnp.float32),
    )(actions, action_table, W, b2d)


RB_COMB = 2048


def _comb_body(p_ref, act_ref, out_ref):
    s = p_ref[0:1, :] + p_ref[1:2, :]
    out_ref[...] = s + act_ref[...]


def _combine(parts, act_part):
    out2d = pl.pallas_call(
        _comb_body,
        grid=(BATCH // RB_COMB,),
        in_specs=[
            pl.BlockSpec((NC, RB_COMB), lambda i: (0, i)),
            pl.BlockSpec((1, RB_COMB), lambda i: (0, i)),
        ],
        out_specs=pl.BlockSpec((1, RB_COMB), lambda i: (0, i)),
        out_shape=jax.ShapeDtypeStruct((1, BATCH), jnp.float32),
    )(parts, act_part)
    return out2d.reshape(BATCH, 1)


def kernel(observation, actions, obs_table, action_table, W, b):
    obsT = observation.astype(jnp.int32).T
    w1s = W[0, :D] * (1.0 / H)
    tblT = obs_table.T
    tail = jnp.pad(lax.slice(tblT, (0, V - TAIL), (D, V)),
                   ((0, 0), (0, TAILP - TAIL)))
    parts = _bag()(tblT, tail, obsT, w1s)
    act = _act_part(actions, action_table, W,
                    b.reshape(1, 1).astype(jnp.float32))
    return _combine(parts, act.reshape(1, BATCH))

# --- scband reference (transcript-rebuilt; emitter-appended) ---
"""Pipeline reference for scband-embedding-critic-25572235280629 (READ-ONLY COPY).

The authoritative reference and input builder live on the scoring server;
editing this copy changes nothing except your own understanding.
"""

import jax, jax.numpy as jnp
import numpy as np

OBS_VOCAB = 1000000
ACT_VOCAB = 1000
EMBED_DIM = 16
BATCH = 16384
HIST = 50


def setup_inputs(seed: int = 0) -> dict:
    key = jax.random.key(seed)
    k1, k2, k3, k4, k5, k6 = jax.random.split(key, 6)
    observation = jax.random.randint(k1, (BATCH, HIST), 0, OBS_VOCAB, dtype=jnp.int64)
    actions = jax.random.normal(k2, (BATCH, ACT_VOCAB), dtype=jnp.float32)
    obs_table = jax.random.normal(k3, (OBS_VOCAB, EMBED_DIM), dtype=jnp.float32)
    action_table = jax.random.normal(k4, (ACT_VOCAB, EMBED_DIM), dtype=jnp.float32)
    W = jax.random.normal(k5, (1, 2 * EMBED_DIM), dtype=jnp.float32) * 0.1
    b = jax.random.normal(k6, (1,), dtype=jnp.float32) * 0.1
    return {"observation": observation, "actions": actions, "obs_table": obs_table, "action_table": action_table, "W": W, "b": b}


def reference(observation, actions, obs_table, action_table, W, b):
    # EmbeddingBag(mode='mean'): gather rows then mean over the bag dimension
    encoded_observations = jnp.mean(jnp.take(obs_table, observation, axis=0), axis=1)
    # actions = eye(action_length)[actions.argmax(dim=1)] -> one-hot rows
    idx = jnp.argmax(actions, axis=1)
    one_hot = jax.nn.one_hot(idx, action_table.shape[0], dtype=actions.dtype)
    # Embedding applied to one-hot == one_hot @ weight (row selection)
    encoded_actions = one_hot @ action_table
    concatenated = jnp.concatenate([encoded_observations, encoded_actions], axis=1)
    return concatenated @ W.T + b

if __name__ == "__main__":
    import jax
    _d = setup_inputs()
    print(jax.jit(kernel)(*tuple(_d.values())))

</pallas_src>

<mosaic_0001>
#map = affine_map<(d0, d1) -> (0, 0)>
#map1 = affine_map<(d0, d1) -> (0)>
module attributes {stable_mosaic.version = 14 : i64} {
  func.func @_sc_body(%arg0: i32, %arg1: i32, %arg2: memref<16x1000000xf32, #tpu.memory_space<hbm>>, %arg3: memref<16x640xf32, #tpu.memory_space<hbm>>, %arg4: memref<50x16384xi32, #tpu.memory_space<hbm>>, %arg5: memref<16xf32, #tpu.memory_space<hbm>>, %arg6: memref<2x16384xf32, #tpu.memory_space<hbm>>, %arg7: memref<16x512xf32, #tpu.memory_space<vmem>>, %arg8: memref<16x512xf32, #tpu.memory_space<vmem>>, %arg9: memref<640xf32, #tpu.memory_space<vmem>>, %arg10: memref<16xf32, #tpu.memory_space<vmem>>, %arg11: memref<50x128xi32, #tpu.memory_space<vmem>>, %arg12: memref<50x128xi32, #tpu.memory_space<vmem>>, %arg13: memref<50x128xf32, #tpu.memory_space<vmem>>, %arg14: memref<50x128xf32, #tpu.memory_space<vmem>>, %arg15: memref<128xf32, #tpu.memory_space<vmem>>, %arg16: memref<500480xf32, #tpu.memory_space<vmem_shared>>, %arg17: memref<!tpu.dma_semaphore, #tpu.memory_space<semaphore_mem>>, %arg18: memref<!tpu.dma_semaphore, #tpu.memory_space<semaphore_mem>>, %arg19: memref<!tpu.dma_semaphore, #tpu.memory_space<semaphore_mem>>, %arg20: memref<!tpu.dma_semaphore, #tpu.memory_space<semaphore_mem>>) attributes {dimension_semantics = [#tpu.dimension_semantics<core_parallel>, #tpu.dimension_semantics<subcore_parallel>], iteration_bounds = array<i64: 2, 16>, scalar_prefetch = 0 : i64, scratch_operands = 14 : i64, tpu.core_type = #tpu.core_type<sc_vector_subcore>, window_params = [{transform_indices = #map}, {transform_indices = #map}, {transform_indices = #map}, {transform_indices = #map1}, {transform_indices = #map}]} {
    "tpu.region"() ({
      %run_scoped3A = tpu.sem_alloc : memref<!tpu.dma_semaphore, #tpu.memory_space<semaphore_mem>>
      tpu.enqueue_dma source(%arg5 : memref<16xf32, #tpu.memory_space<hbm>>) target(%arg10 : memref<16xf32, #tpu.memory_space<vmem>>) target_semaphore(%run_scoped3A : memref<!tpu.dma_semaphore, #tpu.memory_space<semaphore_mem>>)
      tpu.wait_dma2 semaphore(%run_scoped3A : memref<!tpu.dma_semaphore, #tpu.memory_space<semaphore_mem>>) src(%arg5 : memref<16xf32, #tpu.memory_space<hbm>>) dst(%arg10 : memref<16xf32, #tpu.memory_space<vmem>>)
      tpu.yield
    }) : () -> ()
    %get3A = arith.constant 0 : index
    %get3A_0 = tpu.vector_load %arg10[%get3A] {strides = array<i32>} : memref<16xf32, #tpu.memory_space<vmem>>, vector<16xf32>,
    %iota3A = tpu.iota {dimensions = array<i32: 0>} : vector<16xi32>
    %eq3A = arith.constant 0 : i32
    %eq3A_1 = vector.broadcast %eq3A : i32 to vector<16xi32>
    %eq3A_2 = arith.cmpi eq, %iota3A, %eq3A_1 : vector<16xi32>
    %jit3A = arith.constant 0.000000e+00 : f32
    %broadcast_in_dim3A = vector.broadcast %jit3A : f32 to vector<16xf32>
    %select_n3A = arith.select %eq3A_2, %get3A_0, %broadcast_in_dim3A : vector<16xi1>, vector<16xf32>
    %reduce_sum3A = arith.constant true
    %reduce_sum3A_3 = vector.broadcast %reduce_sum3A : i1 to vector<16xi1>
    %reduce_sum3A_4 = tpu.scan <sum>, %select_n3A masked %reduce_sum3A_3 : vector<16xf32>, vector<16xi1> -> vector<16xf32>
    %reduce_sum3A_5 = vector.extract %reduce_sum3A_4[15] : f32 from vector<16xf32>
    %eq3A_6 = arith.constant 1 : i32
    %eq3A_7 = vector.broadcast %eq3A_6 : i32 to vector<16xi32>
    %eq3A_8 = arith.cmpi eq, %iota3A, %eq3A_7 : vector<16xi32>
    %jit3A_9 = arith.constant 0.000000e+00 : f32
    %broadcast_in_dim3A_10 = vector.broadcast %jit3A_9 : f32 to vector<16xf32>
    %select_n3A_11 = arith.select %eq3A_8, %get3A_0, %broadcast_in_dim3A_10 : vector<16xi1>, vector<16xf32>
    %reduce_sum3A_12 = arith.constant true
    %reduce_sum3A_13 = vector.broadcast %reduce_sum3A_12 : i1 to vector<16xi1>
    %reduce_sum3A_14 = tpu.scan <sum>, %select_n3A_11 masked %reduce_sum3A_13 : vector<16xf32>, vector<16xi1> -> vector<16xf32>
    %reduce_sum3A_15 = vector.extract %reduce_sum3A_14[15] : f32 from vector<16xf32>
    %eq3A_16 = arith.constant 2 : i32
    %eq3A_17 = vector.broadcast %eq3A_16 : i32 to vector<16xi32>
    %eq3A_18 = arith.cmpi eq, %iota3A, %eq3A_17 : vector<16xi32>
    %jit3A_19 = arith.constant 0.000000e+00 : f32
    %broadcast_in_dim3A_20 = vector.broadcast %jit3A_19 : f32 to vector<16xf32>
    %select_n3A_21 = arith.select %eq3A_18, %get3A_0, %broadcast_in_dim3A_20 : vector<16xi1>, vector<16xf32>
    %reduce_sum3A_22 = arith.constant true
    %reduce_sum3A_23 = vector.broadcast %reduce_sum3A_22 : i1 to vector<16xi1>
    %reduce_sum3A_24 = tpu.scan <sum>, %select_n3A_21 masked %reduce_sum3A_23 : vector<16xf32>, vector<16xi1> -> vector<16xf32>
    %reduce_sum3A_25 = vector.extract %reduce_sum3A_24[15] : f32 from vector<16xf32>
    %eq3A_26 = arith.constant 3 : i32
    %eq3A_27 = vector.broadcast %eq3A_26 : i32 to vector<16xi32>
    %eq3A_28 = arith.cmpi eq, %iota3A, %eq3A_27 : vector<16xi32>
    %jit3A_29 = arith.constant 0.000000e+00 : f32
    %broadcast_in_dim3A_30 = vector.broadcast %jit3A_29 : f32 to vector<16xf32>
    %select_n3A_31 = arith.select %eq3A_28, %get3A_0, %broadcast_in_dim3A_30 : vector<16xi1>, vector<16xf32>
    %reduce_sum3A_32 = arith.constant true
    %reduce_sum3A_33 = vector.broadcast %reduce_sum3A_32 : i1 to vector<16xi1>
    %reduce_sum3A_34 = tpu.scan <sum>, %select_n3A_31 masked %reduce_sum3A_33 : vector<16xf32>, vector<16xi1> -> vector<16xf32>
    %reduce_sum3A_35 = vector.extract %reduce_sum3A_34[15] : f32 from vector<16xf32>
    %eq3A_36 = arith.constant 4 : i32
    %eq3A_37 = vector.broadcast %eq3A_36 : i32 to vector<16xi32>
    %eq3A_38 = arith.cmpi eq, %iota3A, %eq3A_37 : vector<16xi32>
    %jit3A_39 = arith.constant 0.000000e+00 : f32
    %broadcast_in_dim3A_40 = vector.broadcast %jit3A_39 : f32 to vector<16xf32>
    %select_n3A_41 = arith.select %eq3A_38, %get3A_0, %broadcast_in_dim3A_40 : vector<16xi1>, vector<16xf32>
    %reduce_sum3A_42 = arith.constant true
    %reduce_sum3A_43 = vector.broadcast %reduce_sum3A_42 : i1 to vector<16xi1>
    %reduce_sum3A_44 = tpu.scan <sum>, %select_n3A_41 masked %reduce_sum3A_43 : vector<16xf32>, vector<16xi1> -> vector<16xf32>
    %reduce_sum3A_45 = vector.extract %reduce_sum3A_44[15] : f32 from vector<16xf32>
    %eq3A_46 = arith.constant 5 : i32
    %eq3A_47 = vector.broadcast %eq3A_46 : i32 to vector<16xi32>
    %eq3A_48 = arith.cmpi eq, %iota3A, %eq3A_47 : vector<16xi32>
    %jit3A_49 = arith.constant 0.000000e+00 : f32
    %broadcast_in_dim3A_50 = vector.broadcast %jit3A_49 : f32 to vector<16xf32>
    %select_n3A_51 = arith.select %eq3A_48, %get3A_0, %broadcast_in_dim3A_50 : vector<16xi1>, vector<16xf32>
    %reduce_sum3A_52 = arith.constant true
    %reduce_sum3A_53 = vector.broadcast %reduce_sum3A_52 : i1 to vector<16xi1>
    %reduce_sum3A_54 = tpu.scan <sum>, %select_n3A_51 masked %reduce_sum3A_53 : vector<16xf32>, vector<16xi1> -> vector<16xf32>
    %reduce_sum3A_55 = vector.extract %reduce_sum3A_54[15] : f32 from vector<16xf32>
    %eq3A_56 = arith.constant 6 : i32
    %eq3A_57 = vector.broadcast %eq3A_56 : i32 to vector<16xi32>
    %eq3A_58 = arith.cmpi eq, %iota3A, %eq3A_57 : vector<16xi32>
    %jit3A_59 = arith.constant 0.000000e+00 : f32
    %broadcast_in_dim3A_60 = vector.broadcast %jit3A_59 : f32 to vector<16xf32>
    %select_n3A_61 = arith.select %eq3A_58, %get3A_0, %broadcast_in_dim3A_60 : vector<16xi1>, vector<16xf32>
    %reduce_sum3A_62 = arith.constant true
    %reduce_sum3A_63 = vector.broadcast %reduce_sum3A_62 : i1 to vector<16xi1>
    %reduce_sum3A_64 = tpu.scan <sum>, %select_n3A_61 masked %reduce_sum3A_63 : vector<16xf32>, vector<16xi1> -> vector<16xf32>
    %reduce_sum3A_65 = vector.extract %reduce_sum3A_64[15] : f32 from vector<16xf32>
    %eq3A_66 = arith.constant 7 : i32
    %eq3A_67 = vector.broadcast %eq3A_66 : i32 to vector<16xi32>
    %eq3A_68 = arith.cmpi eq, %iota3A, %eq3A_67 : vector<16xi32>
    %jit3A_69 = arith.constant 0.000000e+00 : f32
    %broadcast_in_dim3A_70 = vector.broadcast %jit3A_69 : f32 to vector<16xf32>
    %select_n3A_71 = arith.select %eq3A_68, %get3A_0, %broadcast_in_dim3A_70 : vector<16xi1>, vector<16xf32>
    %reduce_sum3A_72 = arith.constant true
    %reduce_sum3A_73 = vector.broadcast %reduce_sum3A_72 : i1 to vector<16xi1>
    %reduce_sum3A_74 = tpu.scan <sum>, %select_n3A_71 masked %reduce_sum3A_73 : vector<16xf32>, vector<16xi1> -> vector<16xf32>
    %reduce_sum3A_75 = vector.extract %reduce_sum3A_74[15] : f32 from vector<16xf32>
    %eq3A_76 = arith.constant 8 : i32
    %eq3A_77 = vector.broadcast %eq3A_76 : i32 to vector<16xi32>
    %eq3A_78 = arith.cmpi eq, %iota3A, %eq3A_77 : vector<16xi32>
    %jit3A_79 = arith.constant 0.000000e+00 : f32
    %broadcast_in_dim3A_80 = vector.broadcast %jit3A_79 : f32 to vector<16xf32>
    %select_n3A_81 = arith.select %eq3A_78, %get3A_0, %broadcast_in_dim3A_80 : vector<16xi1>, vector<16xf32>
    %reduce_sum3A_82 = arith.constant true
    %reduce_sum3A_83 = vector.broadcast %reduce_sum3A_82 : i1 to vector<16xi1>
    %reduce_sum3A_84 = tpu.scan <sum>, %select_n3A_81 masked %reduce_sum3A_83 : vector<16xf32>, vector<16xi1> -> vector<16xf32>
    %reduce_sum3A_85 = vector.extract %reduce_sum3A_84[15] : f32 from vector<16xf32>
    %eq3A_86 = arith.constant 9 : i32
    %eq3A_87 = vector.broadcast %eq3A_86 : i32 to vector<16xi32>
    %eq3A_88 = arith.cmpi eq, %iota3A, %eq3A_87 : vector<16xi32>
    %jit3A_89 = arith.constant 0.000000e+00 : f32
    %broadcast_in_dim3A_90 = vector.broadcast %jit3A_89 : f32 to vector<16xf32>
    %select_n3A_91 = arith.select %eq3A_88, %get3A_0, %broadcast_in_dim3A_90 : vector<16xi1>, vector<16xf32>
    %reduce_sum3A_92 = arith.constant true
    %reduce_sum3A_93 = vector.broadcast %reduce_sum3A_92 : i1 to vector<16xi1>
    %reduce_sum3A_94 = tpu.scan <sum>, %select_n3A_91 masked %reduce_sum3A_93 : vector<16xf32>, vector<16xi1> -> vector<16xf32>
    %reduce_sum3A_95 = vector.extract %reduce_sum3A_94[15] : f32 from vector<16xf32>
    %eq3A_96 = arith.constant 10 : i32
    %eq3A_97 = vector.broadcast %eq3A_96 : i32 to vector<16xi32>
    %eq3A_98 = arith.cmpi eq, %iota3A, %eq3A_97 : vector<16xi32>
    %jit3A_99 = arith.constant 0.000000e+00 : f32
    %broadcast_in_dim3A_100 = vector.broadcast %jit3A_99 : f32 to vector<16xf32>
    %select_n3A_101 = arith.select %eq3A_98, %get3A_0, %broadcast_in_dim3A_100 : vector<16xi1>, vector<16xf32>
    %reduce_sum3A_102 = arith.constant true
    %reduce_sum3A_103 = vector.broadcast %reduce_sum3A_102 : i1 to vector<16xi1>
    %reduce_sum3A_104 = tpu.scan <sum>, %select_n3A_101 masked %reduce_sum3A_103 : vector<16xf32>, vector<16xi1> -> vector<16xf32>
    %reduce_sum3A_105 = vector.extract %reduce_sum3A_104[15] : f32 from vector<16xf32>
    %eq3A_106 = arith.constant 11 : i32
    %eq3A_107 = vector.broadcast %eq3A_106 : i32 to vector<16xi32>
    %eq3A_108 = arith.cmpi eq, %iota3A, %eq3A_107 : vector<16xi32>
    %jit3A_109 = arith.constant 0.000000e+00 : f32
    %broadcast_in_dim3A_110 = vector.broadcast %jit3A_109 : f32 to vector<16xf32>
    %select_n3A_111 = arith.select %eq3A_108, %get3A_0, %broadcast_in_dim3A_110 : vector<16xi1>, vector<16xf32>
    %reduce_sum3A_112 = arith.constant true
    %reduce_sum3A_113 = vector.broadcast %reduce_sum3A_112 : i1 to vector<16xi1>
    %reduce_sum3A_114 = tpu.scan <sum>, %select_n3A_111 masked %reduce_sum3A_113 : vector<16xf32>, vector<16xi1> -> vector<16xf32>
    %reduce_sum3A_115 = vector.extract %reduce_sum3A_114[15] : f32 from vector<16xf32>
    %eq3A_116 = arith.constant 12 : i32
    %eq3A_117 = vector.broadcast %eq3A_116 : i32 to vector<16xi32>
    %eq3A_118 = arith.cmpi eq, %iota3A, %eq3A_117 : vector<16xi32>
    %jit3A_119 = arith.constant 0.000000e+00 : f32
    %broadcast_in_dim3A_120 = vector.broadcast %jit3A_119 : f32 to vector<16xf32>
    %select_n3A_121 = arith.select %eq3A_118, %get3A_0, %broadcast_in_dim3A_120 : vector<16xi1>, vector<16xf32>
    %reduce_sum3A_122 = arith.constant true
    %reduce_sum3A_123 = vector.broadcast %reduce_sum3A_122 : i1 to vector<16xi1>
    %reduce_sum3A_124 = tpu.scan <sum>, %select_n3A_121 masked %reduce_sum3A_123 : vector<16xf32>, vector<16xi1> -> vector<16xf32>
    %reduce_sum3A_125 = vector.extract %reduce_sum3A_124[15] : f32 from vector<16xf32>
    %eq3A_126 = arith.constant 13 : i32
    %eq3A_127 = vector.broadcast %eq3A_126 : i32 to vector<16xi32>
    %eq3A_128 = arith.cmpi eq, %iota3A, %eq3A_127 : vector<16xi32>
    %jit3A_129 = arith.constant 0.000000e+00 : f32
    %broadcast_in_dim3A_130 = vector.broadcast %jit3A_129 : f32 to vector<16xf32>
    %select_n3A_131 = arith.select %eq3A_128, %get3A_0, %broadcast_in_dim3A_130 : vector<16xi1>, vector<16xf32>
    %reduce_sum3A_132 = arith.constant true
    %reduce_sum3A_133 = vector.broadcast %reduce_sum3A_132 : i1 to vector<16xi1>
    %reduce_sum3A_134 = tpu.scan <sum>, %select_n3A_131 masked %reduce_sum3A_133 : vector<16xf32>, vector<16xi1> -> vector<16xf32>
    %reduce_sum3A_135 = vector.extract %reduce_sum3A_134[15] : f32 from vector<16xf32>
    %eq3A_136 = arith.constant 14 : i32
    %eq3A_137 = vector.broadcast %eq3A_136 : i32 to vector<16xi32>
    %eq3A_138 = arith.cmpi eq, %iota3A, %eq3A_137 : vector<16xi32>
    %jit3A_139 = arith.constant 0.000000e+00 : f32
    %broadcast_in_dim3A_140 = vector.broadcast %jit3A_139 : f32 to vector<16xf32>
    %select_n3A_141 = arith.select %eq3A_138, %get3A_0, %broadcast_in_dim3A_140 : vector<16xi1>, vector<16xf32>
    %reduce_sum3A_142 = arith.constant true
    %reduce_sum3A_143 = vector.broadcast %reduce_sum3A_142 : i1 to vector<16xi1>
    %reduce_sum3A_144 = tpu.scan <sum>, %select_n3A_141 masked %reduce_sum3A_143 : vector<16xf32>, vector<16xi1> -> vector<16xf32>
    %reduce_sum3A_145 = vector.extract %reduce_sum3A_144[15] : f32 from vector<16xf32>
    %eq3A_146 = arith.constant 15 : i32
    %eq3A_147 = vector.broadcast %eq3A_146 : i32 to vector<16xi32>
    %eq3A_148 = arith.cmpi eq, %iota3A, %eq3A_147 : vector<16xi32>
    %jit3A_149 = arith.constant 0.000000e+00 : f32
    %broadcast_in_dim3A_150 = vector.broadcast %jit3A_149 : f32 to vector<16xf32>
    %select_n3A_151 = arith.select %eq3A_148, %get3A_0, %broadcast_in_dim3A_150 : vector<16xi1>, vector<16xf32>
    %reduce_sum3A_152 = arith.constant true
    %reduce_sum3A_153 = vector.broadcast %reduce_sum3A_152 : i1 to vector<16xi1>
    %reduce_sum3A_154 = tpu.scan <sum>, %select_n3A_151 masked %reduce_sum3A_153 : vector<16xf32>, vector<16xi1> -> vector<16xf32>
    %reduce_sum3A_155 = vector.extract %reduce_sum3A_154[15] : f32 from vector<16xf32>
    %mul3A = arith.constant 499712 : i32
    %mul3A_156 = arith.muli %arg0, %mul3A : i32
    %eq3A_157 = arith.constant 0 : i32
    %eq3A_158 = arith.cmpi eq, %arg0, %eq3A_157 : i32
    %jit3A_159 = arith.constant 499712 : i32
    %jit3A_160 = arith.constant 500288 : i32
    %select_n3A_161 = arith.select %eq3A_158, %jit3A_159, %jit3A_160 : i32
    %add3A = arith.constant 0 : i32
    %add3A_162 = arith.addi %add3A, %arg1 : i32
    %mul3A_163 = arith.constant 512 : i32
    %mul3A_164 = arith.muli %add3A_162, %mul3A_163 : i32
    %add3A_165 = arith.addi %mul3A_156, %mul3A_164 : i32
    %multiple_of3A = tpu.assume_multiple %add3A_165, 128 : i32
    %dma_start3A = arith.constant 0 : i32
    %dma_start3A_166 = tpu.memref_slice %arg2[%dma_start3A, %multiple_of3A] : memref<16x1000000xf32, #tpu.memory_space<hbm>> -> memref<16x512xf32, #tpu.memory_space<hbm>>
    %dma_start3A_167 = arith.constant 0 : i32
    %dma_start3A_168 = tpu.memref_slice %arg2[%dma_start3A_167, %multiple_of3A] : memref<16x1000000xf32, #tpu.memory_space<hbm>> -> memref<16x512xf32, #tpu.memory_space<hbm>>
    tpu.enqueue_dma source(%dma_start3A_168 : memref<16x512xf32, #tpu.memory_space<hbm>>) target(%arg7 : memref<16x512xf32, #tpu.memory_space<vmem>>) target_semaphore(%arg17 : memref<!tpu.dma_semaphore, #tpu.memory_space<semaphore_mem>>)
    %scan3A = arith.constant 0 : i32
    %scan3A_169 = arith.constant 0 : i32
    %scan3A_170 = arith.constant 31 : i32
    %scan3A_171 = arith.addi %scan3A_169, %scan3A_170 : i32
    %scan3A_172 = arith.constant 1 : i32
    scf.for %scan3A_793 = %scan3A_169 to %scan3A_171 step %scan3A_172  : i32 {
      %mul3A_794 = arith.constant 2 : i32
      %mul3A_795 = arith.muli %scan3A_793, %mul3A_794 : i32
      %add3A_796 = arith.constant 1 : i32
      %add3A_797 = arith.addi %mul3A_795, %add3A_796 : i32
      %lt3A = arith.constant 61 : i32
      %lt3A_798 = arith.cmpi slt, %add3A_797, %lt3A : i32
      %convert_element_type3A_799 = arith.extui %lt3A_798 : i1 to i32
      %cond3A_800 = arith.constant 0 : i32
      %cond3A_801 = arith.cmpi ne, %convert_element_type3A_799, %cond3A_800 : i32
      scf.if %cond3A_801 {
        %mul3A_821 = arith.constant 16 : i32
        %mul3A_822 = arith.muli %add3A_797, %mul3A_821 : i32
        %add3A_823 = arith.addi %mul3A_822, %arg1 : i32
        %mul3A_824 = arith.constant 512 : i32
        %mul3A_825 = arith.muli %add3A_823, %mul3A_824 : i32
        %add3A_826 = arith.addi %mul3A_156, %mul3A_825 : i32
        %multiple_of3A_827 = tpu.assume_multiple %add3A_826, 128 : i32
        %dma_start3A_828 = arith.constant 0 : i32
        %dma_start3A_829 = tpu.memref_slice %arg2[%dma_start3A_828, %multiple_of3A_827] : memref<16x1000000xf32, #tpu.memory_space<hbm>> -> memref<16x512xf32, #tpu.memory_space<hbm>>
        %dma_start3A_830 = arith.constant 0 : i32
        %dma_start3A_831 = tpu.memref_slice %arg2[%dma_start3A_830, %multiple_of3A_827] : memref<16x1000000xf32, #tpu.memory_space<hbm>> -> memref<16x512xf32, #tpu.memory_space<hbm>>
        tpu.enqueue_dma source(%dma_start3A_831 : memref<16x512xf32, #tpu.memory_space<hbm>>) target(%arg8 : memref<16x512xf32, #tpu.memory_space<vmem>>) target_semaphore(%arg18 : memref<!tpu.dma_semaphore, #tpu.memory_space<semaphore_mem>>)
      } else {
      }
      %lt3A_802 = arith.constant 61 : i32
      %lt3A_803 = arith.cmpi slt, %mul3A_795, %lt3A_802 : i32
      %convert_element_type3A_804 = arith.extui %lt3A_803 : i1 to i32
      %cond3A_805 = arith.constant 0 : i32
      %cond3A_806 = arith.cmpi ne, %convert_element_type3A_804, %cond3A_805 : i32
      scf.if %cond3A_806 {
        %mul3A_821 = arith.constant 16 : i32
        %mul3A_822 = arith.muli %mul3A_795, %mul3A_821 : i32
        %add3A_823 = arith.addi %mul3A_822, %arg1 : i32
        %mul3A_824 = arith.constant 512 : i32
        %mul3A_825 = arith.muli %add3A_823, %mul3A_824 : i32
        %add3A_826 = arith.addi %mul3A_156, %mul3A_825 : i32
        %multiple_of3A_827 = tpu.assume_multiple %add3A_826, 128 : i32
        %dma_wait3A = arith.constant 0 : i32
        %dma_wait3A_828 = tpu.memref_slice %arg2[%dma_wait3A, %multiple_of3A_827] : memref<16x1000000xf32, #tpu.memory_space<hbm>> -> memref<16x512xf32, #tpu.memory_space<hbm>>
        %dma_wait3A_829 = arith.constant 0 : i32
        %dma_wait3A_830 = tpu.memref_slice %arg2[%dma_wait3A_829, %multiple_of3A_827] : memref<16x1000000xf32, #tpu.memory_space<hbm>> -> memref<16x512xf32, #tpu.memory_space<hbm>>
        tpu.wait_dma2 semaphore(%arg17 : memref<!tpu.dma_semaphore, #tpu.memory_space<semaphore_mem>>) src(%dma_wait3A_830 : memref<16x512xf32, #tpu.memory_space<hbm>>) dst(%arg7 : memref<16x512xf32, #tpu.memory_space<vmem>>)
        %scan3A_831 = arith.constant 0 : i32
        %scan3A_832 = arith.constant 0 : i32
        %scan3A_833 = arith.constant 32 : i32
        %scan3A_834 = arith.addi %scan3A_832, %scan3A_833 : i32
        %scan3A_835 = arith.constant 1 : i32
        scf.for %scan3A_839 = %scan3A_832 to %scan3A_834 step %scan3A_835  : i32 {
          %mul3A_840 = arith.constant 16 : i32
          %mul3A_841 = arith.muli %scan3A_839, %mul3A_840 : i32
          %get3A_842 = arith.constant 0 : i32
          %get3A_843 = arith.index_cast %get3A_842 : i32 to index
          %get3A_844 = arith.index_cast %mul3A_841 : i32 to index
          %get3A_845 = tpu.vector_load %arg7[%get3A_843, %get3A_844] {strides = array<i32>} : memref<16x512xf32, #tpu.memory_space<vmem>>, vector<16xf32>,
          %mul3A_846 = vector.broadcast %reduce_sum3A_5 : f32 to vector<16xf32>
          %mul3A_847 = arith.mulf %mul3A_846, %get3A_845 : vector<16xf32>
          %get3A_848 = arith.constant 1 : i32
          %get3A_849 = arith.index_cast %get3A_848 : i32 to index
          %get3A_850 = arith.index_cast %mul3A_841 : i32 to index
          %get3A_851 = tpu.vector_load %arg7[%get3A_849, %get3A_850] {strides = array<i32>} : memref<16x512xf32, #tpu.memory_space<vmem>>, vector<16xf32>,
          %mul3A_852 = vector.broadcast %reduce_sum3A_15 : f32 to vector<16xf32>
          %mul3A_853 = arith.mulf %mul3A_852, %get3A_851 : vector<16xf32>
          %add3A_854 = arith.addf %mul3A_847, %mul3A_853 : vector<16xf32>
          %get3A_855 = arith.constant 2 : i32
          %get3A_856 = arith.index_cast %get3A_855 : i32 to index
          %get3A_857 = arith.index_cast %mul3A_841 : i32 to index
          %get3A_858 = tpu.vector_load %arg7[%get3A_856, %get3A_857] {strides = array<i32>} : memref<16x512xf32, #tpu.memory_space<vmem>>, vector<16xf32>,
          %mul3A_859 = vector.broadcast %reduce_sum3A_25 : f32 to vector<16xf32>
          %mul3A_860 = arith.mulf %mul3A_859, %get3A_858 : vector<16xf32>
          %add3A_861 = arith.addf %add3A_854, %mul3A_860 : vector<16xf32>
          %get3A_862 = arith.constant 3 : i32
          %get3A_863 = arith.index_cast %get3A_862 : i32 to index
          %get3A_864 = arith.index_cast %mul3A_841 : i32 to index
          %get3A_865 = tpu.vector_load %arg7[%get3A_863, %get3A_864] {strides = array<i32>} : memref<16x512xf32, #tpu.memory_space<vmem>>, vector<16xf32>,
          %mul3A_866 = vector.broadcast %reduce_sum3A_35 : f32 to vector<16xf32>
          %mul3A_867 = arith.mulf %mul3A_866, %get3A_865 : vector<16xf32>
          %add3A_868 = arith.addf %add3A_861, %mul3A_867 : vector<16xf32>
          %get3A_869 = arith.constant 4 : i32
          %get3A_870 = arith.index_cast %get3A_869 : i32 to index
          %get3A_871 = arith.index_cast %mul3A_841 : i32 to index
          %get3A_872 = tpu.vector_load %arg7[%get3A_870, %get3A_871] {strides = array<i32>} : memref<16x512xf32, #tpu.memory_space<vmem>>, vector<16xf32>,
          %mul3A_873 = vector.broadcast %reduce_sum3A_45 : f32 to vector<16xf32>
          %mul3A_874 = arith.mulf %mul3A_873, %get3A_872 : vector<16xf32>
          %add3A_875 = arith.addf %add3A_868, %mul3A_874 : vector<16xf32>
          %get3A_876 = arith.constant 5 : i32
          %get3A_877 = arith.index_cast %get3A_876 : i32 to index
          %get3A_878 = arith.index_cast %mul3A_841 : i32 to index
          %get3A_879 = tpu.vector_load %arg7[%get3A_877, %get3A_878] {strides = array<i32>} : memref<16x512xf32, #tpu.memory_space<vmem>>, vector<16xf32>,
          %mul3A_880 = vector.broadcast %reduce_sum3A_55 : f32 to vector<16xf32>
          %mul3A_881 = arith.mulf %mul3A_880, %get3A_879 : vector<16xf32>
          %add3A_882 = arith.addf %add3A_875, %mul3A_881 : vector<16xf32>
          %get3A_883 = arith.constant 6 : i32
          %get3A_884 = arith.index_cast %get3A_883 : i32 to index
          %get3A_885 = arith.index_cast %mul3A_841 : i32 to index
          %get3A_886 = tpu.vector_load %arg7[%get3A_884, %get3A_885] {strides = array<i32>} : memref<16x512xf32, #tpu.memory_space<vmem>>, vector<16xf32>,
          %mul3A_887 = vector.broadcast %reduce_sum3A_65 : f32 to vector<16xf32>
          %mul3A_888 = arith.mulf %mul3A_887, %get3A_886 : vector<16xf32>
          %add3A_889 = arith.addf %add3A_882, %mul3A_888 : vector<16xf32>
          %get3A_890 = arith.constant 7 : i32
          %get3A_891 = arith.index_cast %get3A_890 : i32 to index
          %get3A_892 = arith.index_cast %mul3A_841 : i32 to index
          %get3A_893 = tpu.vector_load %arg7[%get3A_891, %get3A_892] {strides = array<i32>} : memref<16x512xf32, #tpu.memory_space<vmem>>, vector<16xf32>,
          %mul3A_894 = vector.broadcast %reduce_sum3A_75 : f32 to vector<16xf32>
          %mul3A_895 = arith.mulf %mul3A_894, %get3A_893 : vector<16xf32>
          %add3A_896 = arith.addf %add3A_889, %mul3A_895 : vector<16xf32>
          %get3A_897 = arith.constant 8 : i32
          %get3A_898 = arith.index_cast %get3A_897 : i32 to index
          %get3A_899 = arith.index_cast %mul3A_841 : i32 to index
          %get3A_900 = tpu.vector_load %arg7[%get3A_898, %get3A_899] {strides = array<i32>} : memref<16x512xf32, #tpu.memory_space<vmem>>, vector<16xf32>,
          %mul3A_901 = vector.broadcast %reduce_sum3A_85 : f32 to vector<16xf32>
          %mul3A_902 = arith.mulf %mul3A_901, %get3A_900 : vector<16xf32>
          %add3A_903 = arith.addf %add3A_896, %mul3A_902 : vector<16xf32>
          %get3A_904 = arith.constant 9 : i32
          %get3A_905 = arith.index_cast %get3A_904 : i32 to index
          %get3A_906 = arith.index_cast %mul3A_841 : i32 to index
          %get3A_907 = tpu.vector_load %arg7[%get3A_905, %get3A_906] {strides = array<i32>} : memref<16x512xf32, #tpu.memory_space<vmem>>, vector<16xf32>,
          %mul3A_908 = vector.broadcast %reduce_sum3A_95 : f32 to vector<16xf32>
          %mul3A_909 = arith.mulf %mul3A_908, %get3A_907 : vector<16xf32>
          %add3A_910 = arith.addf %add3A_903, %mul3A_909 : vector<16xf32>
          %get3A_911 = arith.constant 10 : i32
          %get3A_912 = arith.index_cast %get3A_911 : i32 to index
          %get3A_913 = arith.index_cast %mul3A_841 : i32 to index
          %get3A_914 = tpu.vector_load %arg7[%get3A_912, %get3A_913] {strides = array<i32>} : memref<16x512xf32, #tpu.memory_space<vmem>>, vector<16xf32>,
          %mul3A_915 = vector.broadcast %reduce_sum3A_105 : f32 to vector<16xf32>
          %mul3A_916 = arith.mulf %mul3A_915, %get3A_914 : vector<16xf32>
          %add3A_917 = arith.addf %add3A_910, %mul3A_916 : vector<16xf32>
          %get3A_918 = arith.constant 11 : i32
          %get3A_919 = arith.index_cast %get3A_918 : i32 to index
          %get3A_920 = arith.index_cast %mul3A_841 : i32 to index
          %get3A_921 = tpu.vector_load %arg7[%get3A_919, %get3A_920] {strides = array<i32>} : memref<16x512xf32, #tpu.memory_space<vmem>>, vector<16xf32>,
          %mul3A_922 = vector.broadcast %reduce_sum3A_115 : f32 to vector<16xf32>
          %mul3A_923 = arith.mulf %mul3A_922, %get3A_921 : vector<16xf32>
          %add3A_924 = arith.addf %add3A_917, %mul3A_923 : vector<16xf32>
          %get3A_925 = arith.constant 12 : i32
          %get3A_926 = arith.index_cast %get3A_925 : i32 to index
          %get3A_927 = arith.index_cast %mul3A_841 : i32 to index
          %get3A_928 = tpu.vector_load %arg7[%get3A_926, %get3A_927] {strides = array<i32>} : memref<16x512xf32, #tpu.memory_space<vmem>>, vector<16xf32>,
          %mul3A_929 = vector.broadcast %reduce_sum3A_125 : f32 to vector<16xf32>
          %mul3A_930 = arith.mulf %mul3A_929, %get3A_928 : vector<16xf32>
          %add3A_931 = arith.addf %add3A_924, %mul3A_930 : vector<16xf32>
          %get3A_932 = arith.constant 13 : i32
          %get3A_933 = arith.index_cast %get3A_932 : i32 to index
          %get3A_934 = arith.index_cast %mul3A_841 : i32 to index
          %get3A_935 = tpu.vector_load %arg7[%get3A_933, %get3A_934] {strides = array<i32>} : memref<16x512xf32, #tpu.memory_space<vmem>>, vector<16xf32>,
          %mul3A_936 = vector.broadcast %reduce_sum3A_135 : f32 to vector<16xf32>
          %mul3A_937 = arith.mulf %mul3A_936, %get3A_935 : vector<16xf32>
          %add3A_938 = arith.addf %add3A_931, %mul3A_937 : vector<16xf32>
          %get3A_939 = arith.constant 14 : i32
          %get3A_940 = arith.index_cast %get3A_939 : i32 to index
          %get3A_941 = arith.index_cast %mul3A_841 : i32 to index
          %get3A_942 = tpu.vector_load %arg7[%get3A_940, %get3A_941] {strides = array<i32>} : memref<16x512xf32, #tpu.memory_space<vmem>>, vector<16xf32>,
          %mul3A_943 = vector.broadcast %reduce_sum3A_145 : f32 to vector<16xf32>
          %mul3A_944 = arith.mulf %mul3A_943, %get3A_942 : vector<16xf32>
          %add3A_945 = arith.addf %add3A_938, %mul3A_944 : vector<16xf32>
          %get3A_946 = arith.constant 15 : i32
          %get3A_947 = arith.index_cast %get3A_946 : i32 to index
          %get3A_948 = arith.index_cast %mul3A_841 : i32 to index
          %get3A_949 = tpu.vector_load %arg7[%get3A_947, %get3A_948] {strides = array<i32>} : memref<16x512xf32, #tpu.memory_space<vmem>>, vector<16xf32>,
          %mul3A_950 = vector.broadcast %reduce_sum3A_155 : f32 to vector<16xf32>
          %mul3A_951 = arith.mulf %mul3A_950, %get3A_949 : vector<16xf32>
          %add3A_952 = arith.addf %add3A_945, %mul3A_951 : vector<16xf32>
          %swap3A_953 = arith.index_cast %mul3A_841 : i32 to index
          %swap3A_954 = tpu.vector_load %arg9[%swap3A_953] {strides = array<i32>} : memref<640xf32, #tpu.memory_space<vmem>>, vector<16xf32>,
          tpu.vector_store %arg9[%swap3A_953], %add3A_952 {strides = array<i32>} : memref<640xf32, #tpu.memory_space<vmem>>, vector<16xf32>,
        }
        %scan3A_836 = arith.constant 32 : i32
        %mul3A_837 = arith.constant 512 : i32
        %mul3A_838 = arith.muli %add3A_823, %mul3A_837 : i32
        "tpu.region"() ({
          %run_scoped3A = tpu.sem_alloc : memref<!tpu.dma_semaphore, #tpu.memory_space<semaphore_mem>>
          %dma_start3A_839 = arith.constant 0 : i32
          %dma_start3A_840 = tpu.memref_slice %arg9[%dma_start3A_839] : memref<640xf32, #tpu.memory_space<vmem>> -> memref<512xf32, #tpu.memory_space<vmem>>
          %dma_start3A_841 = tpu.memref_slice %arg16[%mul3A_838] : memref<500480xf32, #tpu.memory_space<vmem_shared>> -> memref<512xf32, #tpu.memory_space<vmem_shared>>
          %dma_start3A_842 = tpu.memref_slice %arg16[%mul3A_838] : memref<500480xf32, #tpu.memory_space<vmem_shared>> -> memref<512xf32, #tpu.memory_space<vmem_shared>>
          %dma_start3A_843 = arith.constant 0 : i32
          %dma_start3A_844 = tpu.memref_slice %arg9[%dma_start3A_843] : memref<640xf32, #tpu.memory_space<vmem>> -> memref<512xf32, #tpu.memory_space<vmem>>
          tpu.enqueue_dma source(%dma_start3A_844 : memref<512xf32, #tpu.memory_space<vmem>>) target(%dma_start3A_842 : memref<512xf32, #tpu.memory_space<vmem_shared>>) target_semaphore(%run_scoped3A : memref<!tpu.dma_semaphore, #tpu.memory_space<semaphore_mem>>)
          %dma_wait3A_845 = arith.constant 0 : i32
          %dma_wait3A_846 = tpu.memref_slice %arg9[%dma_wait3A_845] : memref<640xf32, #tpu.memory_space<vmem>> -> memref<512xf32, #tpu.memory_space<vmem>>
          %dma_wait3A_847 = tpu.memref_slice %arg16[%mul3A_838] : memref<500480xf32, #tpu.memory_space<vmem_shared>> -> memref<512xf32, #tpu.memory_space<vmem_shared>>
          %dma_wait3A_848 = tpu.memref_slice %arg16[%mul3A_838] : memref<500480xf32, #tpu.memory_space<vmem_shared>> -> memref<512xf32, #tpu.memory_space<vmem_shared>>
          %dma_wait3A_849 = arith.constant 0 : i32
          %dma_wait3A_850 = tpu.memref_slice %arg9[%dma_wait3A_849] : memref<640xf32, #tpu.memory_space<vmem>> -> memref<512xf32, #tpu.memory_space<vmem>>
          tpu.wait_dma2 semaphore(%run_scoped3A : memref<!tpu.dma_semaphore, #tpu.memory_space<semaphore_mem>>) src(%dma_wait3A_850 : memref<512xf32, #tpu.memory_space<vmem>>) dst(%dma_wait3A_848 : memref<512xf32, #tpu.memory_space<vmem_shared>>)
          tpu.yield
        }) : () -> ()
      } else {
      }
      %add3A_807 = arith.constant 2 : i32
      %add3A_808 = arith.addi %mul3A_795, %add3A_807 : i32
      %lt3A_809 = arith.constant 61 : i32
      %lt3A_810 = arith.cmpi slt, %add3A_808, %lt3A_809 : i32
      %convert_element_type3A_811 = arith.extui %lt3A_810 : i1 to i32
      %cond3A_812 = arith.constant 0 : i32
      %cond3A_813 = arith.cmpi ne, %convert_element_type3A_811, %cond3A_812 : i32
      scf.if %cond3A_813 {
        %mul3A_821 = arith.constant 16 : i32
        %mul3A_822 = arith.muli %add3A_808, %mul3A_821 : i32
        %add3A_823 = arith.addi %mul3A_822, %arg1 : i32
        %mul3A_824 = arith.constant 512 : i32
        %mul3A_825 = arith.muli %add3A_823, %mul3A_824 : i32
        %add3A_826 = arith.addi %mul3A_156, %mul3A_825 : i32
        %multiple_of3A_827 = tpu.assume_multiple %add3A_826, 128 : i32
        %dma_start3A_828 = arith.constant 0 : i32
        %dma_start3A_829 = tpu.memref_slice %arg2[%dma_start3A_828, %multiple_of3A_827] : memref<16x1000000xf32, #tpu.memory_space<hbm>> -> memref<16x512xf32, #tpu.memory_space<hbm>>
        %dma_start3A_830 = arith.constant 0 : i32
        %dma_start3A_831 = tpu.memref_slice %arg2[%dma_start3A_830, %multiple_of3A_827] : memref<16x1000000xf32, #tpu.memory_space<hbm>> -> memref<16x512xf32, #tpu.memory_space<hbm>>
        tpu.enqueue_dma source(%dma_start3A_831 : memref<16x512xf32, #tpu.memory_space<hbm>>) target(%arg7 : memref<16x512xf32, #tpu.memory_space<vmem>>) target_semaphore(%arg17 : memref<!tpu.dma_semaphore, #tpu.memory_space<semaphore_mem>>)
      } else {
      }
      %add3A_814 = arith.constant 1 : i32
      %add3A_815 = arith.addi %mul3A_795, %add3A_814 : i32
      %lt3A_816 = arith.constant 61 : i32
      %lt3A_817 = arith.cmpi slt, %add3A_815, %lt3A_816 : i32
      %convert_element_type3A_818 = arith.extui %lt3A_817 : i1 to i32
      %cond3A_819 = arith.constant 0 : i32
      %cond3A_820 = arith.cmpi ne, %convert_element_type3A_818, %cond3A_819 : i32
      scf.if %cond3A_820 {
        %mul3A_821 = arith.constant 16 : i32
        %mul3A_822 = arith.muli %add3A_815, %mul3A_821 : i32
        %add3A_823 = arith.addi %mul3A_822, %arg1 : i32
        %mul3A_824 = arith.constant 512 : i32
        %mul3A_825 = arith.muli %add3A_823, %mul3A_824 : i32
        %add3A_826 = arith.addi %mul3A_156, %mul3A_825 : i32
        %multiple_of3A_827 = tpu.assume_multiple %add3A_826, 128 : i32
        %dma_wait3A = arith.constant 0 : i32
        %dma_wait3A_828 = tpu.memref_slice %arg2[%dma_wait3A, %multiple_of3A_827] : memref<16x1000000xf32, #tpu.memory_space<hbm>> -> memref<16x512xf32, #tpu.memory_space<hbm>>
        %dma_wait3A_829 = arith.constant 0 : i32
        %dma_wait3A_830 = tpu.memref_slice %arg2[%dma_wait3A_829, %multiple_of3A_827] : memref<16x1000000xf32, #tpu.memory_space<hbm>> -> memref<16x512xf32, #tpu.memory_space<hbm>>
        tpu.wait_dma2 semaphore(%arg18 : memref<!tpu.dma_semaphore, #tpu.memory_space<semaphore_mem>>) src(%dma_wait3A_830 : memref<16x512xf32, #tpu.memory_space<hbm>>) dst(%arg8 : memref<16x512xf32, #tpu.memory_space<vmem>>)
        %scan3A_831 = arith.constant 0 : i32
        %scan3A_832 = arith.constant 0 : i32
        %scan3A_833 = arith.constant 32 : i32
        %scan3A_834 = arith.addi %scan3A_832, %scan3A_833 : i32
        %scan3A_835 = arith.constant 1 : i32
        scf.for %scan3A_839 = %scan3A_832 to %scan3A_834 step %scan3A_835  : i32 {
          %mul3A_840 = arith.constant 16 : i32
          %mul3A_841 = arith.muli %scan3A_839, %mul3A_840 : i32
          %get3A_842 = arith.constant 0 : i32
          %get3A_843 = arith.index_cast %get3A_842 : i32 to index
          %get3A_844 = arith.index_cast %mul3A_841 : i32 to index
          %get3A_845 = tpu.vector_load %arg8[%get3A_843, %get3A_844] {strides = array<i32>} : memref<16x512xf32, #tpu.memory_space<vmem>>, vector<16xf32>,
          %mul3A_846 = vector.broadcast %reduce_sum3A_5 : f32 to vector<16xf32>
          %mul3A_847 = arith.mulf %mul3A_846, %get3A_845 : vector<16xf32>
          %get3A_848 = arith.constant 1 : i32
          %get3A_849 = arith.index_cast %get3A_848 : i32 to index
          %get3A_850 = arith.index_cast %mul3A_841 : i32 to index
          %get3A_851 = tpu.vector_load %arg8[%get3A_849, %get3A_850] {strides = array<i32>} : memref<16x512xf32, #tpu.memory_space<vmem>>, vector<16xf32>,
          %mul3A_852 = vector.broadcast %reduce_sum3A_15 : f32 to vector<16xf32>
          %mul3A_853 = arith.mulf %mul3A_852, %get3A_851 : vector<16xf32>
          %add3A_854 = arith.addf %mul3A_847, %mul3A_853 : vector<16xf32>
          %get3A_855 = arith.constant 2 : i32
          %get3A_856 = arith.index_cast %get3A_855 : i32 to index
          %get3A_857 = arith.index_cast %mul3A_841 : i32 to index
          %get3A_858 = tpu.vector_load %arg8[%get3A_856, %get3A_857] {strides = array<i32>} : memref<16x512xf32, #tpu.memory_space<vmem>>, vector<16xf32>,
          %mul3A_859 = vector.broadcast %reduce_sum3A_25 : f32 to vector<16xf32>
          %mul3A_860 = arith.mulf %mul3A_859, %get3A_858 : vector<16xf32>
          %add3A_861 = arith.addf %add3A_854, %mul3A_860 : vector<16xf32>
          %get3A_862 = arith.constant 3 : i32
          %get3A_863 = arith.index_cast %get3A_862 : i32 to index
          %get3A_864 = arith.index_cast %mul3A_841 : i32 to index
          %get3A_865 = tpu.vector_load %arg8[%get3A_863, %get3A_864] {strides = array<i32>} : memref<16x512xf32, #tpu.memory_space<vmem>>, vector<16xf32>,
          %mul3A_866 = vector.broadcast %reduce_sum3A_35 : f32 to vector<16xf32>
          %mul3A_867 = arith.mulf %mul3A_866, %get3A_865 : vector<16xf32>
          %add3A_868 = arith.addf %add3A_861, %mul3A_867 : vector<16xf32>
          %get3A_869 = arith.constant 4 : i32
          %get3A_870 = arith.index_cast %get3A_869 : i32 to index
          %get3A_871 = arith.index_cast %mul3A_841 : i32 to index
          %get3A_872 = tpu.vector_load %arg8[%get3A_870, %get3A_871] {strides = array<i32>} : memref<16x512xf32, #tpu.memory_space<vmem>>, vector<16xf32>,
          %mul3A_873 = vector.broadcast %reduce_sum3A_45 : f32 to vector<16xf32>
          %mul3A_874 = arith.mulf %mul3A_873, %get3A_872 : vector<16xf32>
          %add3A_875 = arith.addf %add3A_868, %mul3A_874 : vector<16xf32>
          %get3A_876 = arith.constant 5 : i32
          %get3A_877 = arith.index_cast %get3A_876 : i32 to index
          %get3A_878 = arith.index_cast %mul3A_841 : i32 to index
          %get3A_879 = tpu.vector_load %arg8[%get3A_877, %get3A_878] {strides = array<i32>} : memref<16x512xf32, #tpu.memory_space<vmem>>, vector<16xf32>,
          %mul3A_880 = vector.broadcast %reduce_sum3A_55 : f32 to vector<16xf32>
          %mul3A_881 = arith.mulf %mul3A_880, %get3A_879 : vector<16xf32>
          %add3A_882 = arith.addf %add3A_875, %mul3A_881 : vector<16xf32>
          %get3A_883 = arith.constant 6 : i32
          %get3A_884 = arith.index_cast %get3A_883 : i32 to index
          %get3A_885 = arith.index_cast %mul3A_841 : i32 to index
          %get3A_886 = tpu.vector_load %arg8[%get3A_884, %get3A_885] {strides = array<i32>} : memref<16x512xf32, #tpu.memory_space<vmem>>, vector<16xf32>,
          %mul3A_887 = vector.broadcast %reduce_sum3A_65 : f32 to vector<16xf32>
          %mul3A_888 = arith.mulf %mul3A_887, %get3A_886 : vector<16xf32>
          %add3A_889 = arith.addf %add3A_882, %mul3A_888 : vector<16xf32>
          %get3A_890 = arith.constant 7 : i32
          %get3A_891 = arith.index_cast %get3A_890 : i32 to index
          %get3A_892 = arith.index_cast %mul3A_841 : i32 to index
          %get3A_893 = tpu.vector_load %arg8[%get3A_891, %get3A_892] {strides = array<i32>} : memref<16x512xf32, #tpu.memory_space<vmem>>, vector<16xf32>,
          %mul3A_894 = vector.broadcast %reduce_sum3A_75 : f32 to vector<16xf32>
          %mul3A_895 = arith.mulf %mul3A_894, %get3A_893 : vector<16xf32>
          %add3A_896 = arith.addf %add3A_889, %mul3A_895 : vector<16xf32>
          %get3A_897 = arith.constant 8 : i32
          %get3A_898 = arith.index_cast %get3A_897 : i32 to index
          %get3A_899 = arith.index_cast %mul3A_841 : i32 to index
          %get3A_900 = tpu.vector_load %arg8[%get3A_898, %get3A_899] {strides = array<i32>} : memref<16x512xf32, #tpu.memory_space<vmem>>, vector<16xf32>,
          %mul3A_901 = vector.broadcast %reduce_sum3A_85 : f32 to vector<16xf32>
          %mul3A_902 = arith.mulf %mul3A_901, %get3A_900 : vector<16xf32>
          %add3A_903 = arith.addf %add3A_896, %mul3A_902 : vector<16xf32>
          %get3A_904 = arith.constant 9 : i32
          %get3A_905 = arith.index_cast %get3A_904 : i32 to index
          %get3A_906 = arith.index_cast %mul3A_841 : i32 to index
          %get3A_907 = tpu.vector_load %arg8[%get3A_905, %get3A_906] {strides = array<i32>} : memref<16x512xf32, #tpu.memory_space<vmem>>, vector<16xf32>,
          %mul3A_908 = vector.broadcast %reduce_sum3A_95 : f32 to vector<16xf32>
          %mul3A_909 = arith.mulf %mul3A_908, %get3A_907 : vector<16xf32>
          %add3A_910 = arith.addf %add3A_903, %mul3A_909 : vector<16xf32>
          %get3A_911 = arith.constant 10 : i32
          %get3A_912 = arith.index_cast %get3A_911 : i32 to index
          %get3A_913 = arith.index_cast %mul3A_841 : i32 to index
          %get3A_914 = tpu.vector_load %arg8[%get3A_912, %get3A_913] {strides = array<i32>} : memref<16x512xf32, #tpu.memory_space<vmem>>, vector<16xf32>,
          %mul3A_915 = vector.broadcast %reduce_sum3A_105 : f32 to vector<16xf32>
          %mul3A_916 = arith.mulf %mul3A_915, %get3A_914 : vector<16xf32>
          %add3A_917 = arith.addf %add3A_910, %mul3A_916 : vector<16xf32>
          %get3A_918 = arith.constant 11 : i32
          %get3A_919 = arith.index_cast %get3A_918 : i32 to index
          %get3A_920 = arith.index_cast %mul3A_841 : i32 to index
          %get3A_921 = tpu.vector_load %arg8[%get3A_919, %get3A_920] {strides = array<i32>} : memref<16x512xf32, #tpu.memory_space<vmem>>, vector<16xf32>,
          %mul3A_922 = vector.broadcast %reduce_sum3A_115 : f32 to vector<16xf32>
          %mul3A_923 = arith.mulf %mul3A_922, %get3A_921 : vector<16xf32>
          %add3A_924 = arith.addf %add3A_917, %mul3A_923 : vector<16xf32>
          %get3A_925 = arith.constant 12 : i32
          %get3A_926 = arith.index_cast %get3A_925 : i32 to index
          %get3A_927 = arith.index_cast %mul3A_841 : i32 to index
          %get3A_928 = tpu.vector_load %arg8[%get3A_926, %get3A_927] {strides = array<i32>} : memref<16x512xf32, #tpu.memory_space<vmem>>, vector<16xf32>,
          %mul3A_929 = vector.broadcast %reduce_sum3A_125 : f32 to vector<16xf32>
          %mul3A_930 = arith.mulf %mul3A_929, %get3A_928 : vector<16xf32>
          %add3A_931 = arith.addf %add3A_924, %mul3A_930 : vector<16xf32>
          %get3A_932 = arith.constant 13 : i32
          %get3A_933 = arith.index_cast %get3A_932 : i32 to index
          %get3A_934 = arith.index_cast %mul3A_841 : i32 to index
          %get3A_935 = tpu.vector_load %arg8[%get3A_933, %get3A_934] {strides = array<i32>} : memref<16x512xf32, #tpu.memory_space<vmem>>, vector<16xf32>,
          %mul3A_936 = vector.broadcast %reduce_sum3A_135 : f32 to vector<16xf32>
          %mul3A_937 = arith.mulf %mul3A_936, %get3A_935 : vector<16xf32>
          %add3A_938 = arith.addf %add3A_931, %mul3A_937 : vector<16xf32>
          %get3A_939 = arith.constant 14 : i32
          %get3A_940 = arith.index_cast %get3A_939 : i32 to index
          %get3A_941 = arith.index_cast %mul3A_841 : i32 to index
          %get3A_942 = tpu.vector_load %arg8[%get3A_940, %get3A_941] {strides = array<i32>} : memref<16x512xf32, #tpu.memory_space<vmem>>, vector<16xf32>,
          %mul3A_943 = vector.broadcast %reduce_sum3A_145 : f32 to vector<16xf32>
          %mul3A_944 = arith.mulf %mul3A_943, %get3A_942 : vector<16xf32>
          %add3A_945 = arith.addf %add3A_938, %mul3A_944 : vector<16xf32>
          %get3A_946 = arith.constant 15 : i32
          %get3A_947 = arith.index_cast %get3A_946 : i32 to index
          %get3A_948 = arith.index_cast %mul3A_841 : i32 to index
          %get3A_949 = tpu.vector_load %arg8[%get3A_947, %get3A_948] {strides = array<i32>} : memref<16x512xf32, #tpu.memory_space<vmem>>, vector<16xf32>,
          %mul3A_950 = vector.broadcast %reduce_sum3A_155 : f32 to vector<16xf32>
          %mul3A_951 = arith.mulf %mul3A_950, %get3A_949 : vector<16xf32>
          %add3A_952 = arith.addf %add3A_945, %mul3A_951 : vector<16xf32>
          %swap3A_953 = arith.index_cast %mul3A_841 : i32 to index
          %swap3A_954 = tpu.vector_load %arg9[%swap3A_953] {strides = array<i32>} : memref<640xf32, #tpu.memory_space<vmem>>, vector<16xf32>,
          tpu.vector_store %arg9[%swap3A_953], %add3A_952 {strides = array<i32>} : memref<640xf32, #tpu.memory_space<vmem>>, vector<16xf32>,
        }
        %scan3A_836 = arith.constant 32 : i32
        %mul3A_837 = arith.constant 512 : i32
        %mul3A_838 = arith.muli %add3A_823, %mul3A_837 : i32
        "tpu.region"() ({
          %run_scoped3A = tpu.sem_alloc : memref<!tpu.dma_semaphore, #tpu.memory_space<semaphore_mem>>
          %dma_start3A_839 = arith.constant 0 : i32
          %dma_start3A_840 = tpu.memref_slice %arg9[%dma_start3A_839] : memref<640xf32, #tpu.memory_space<vmem>> -> memref<512xf32, #tpu.memory_space<vmem>>
          %dma_start3A_841 = tpu.memref_slice %arg16[%mul3A_838] : memref<500480xf32, #tpu.memory_space<vmem_shared>> -> memref<512xf32, #tpu.memory_space<vmem_shared>>
          %dma_start3A_842 = tpu.memref_slice %arg16[%mul3A_838] : memref<500480xf32, #tpu.memory_space<vmem_shared>> -> memref<512xf32, #tpu.memory_space<vmem_shared>>
          %dma_start3A_843 = arith.constant 0 : i32
          %dma_start3A_844 = tpu.memref_slice %arg9[%dma_start3A_843] : memref<640xf32, #tpu.memory_space<vmem>> -> memref<512xf32, #tpu.memory_space<vmem>>
          tpu.enqueue_dma source(%dma_start3A_844 : memref<512xf32, #tpu.memory_space<vmem>>) target(%dma_start3A_842 : memref<512xf32, #tpu.memory_space<vmem_shared>>) target_semaphore(%run_scoped3A : memref<!tpu.dma_semaphore, #tpu.memory_space<semaphore_mem>>)
          %dma_wait3A_845 = arith.constant 0 : i32
          %dma_wait3A_846 = tpu.memref_slice %arg9[%dma_wait3A_845] : memref<640xf32, #tpu.memory_space<vmem>> -> memref<512xf32, #tpu.memory_space<vmem>>
          %dma_wait3A_847 = tpu.memref_slice %arg16[%mul3A_838] : memref<500480xf32, #tpu.memory_space<vmem_shared>> -> memref<512xf32, #tpu.memory_space<vmem_shared>>
          %dma_wait3A_848 = tpu.memref_slice %arg16[%mul3A_838] : memref<500480xf32, #tpu.memory_space<vmem_shared>> -> memref<512xf32, #tpu.memory_space<vmem_shared>>
          %dma_wait3A_849 = arith.constant 0 : i32
          %dma_wait3A_850 = tpu.memref_slice %arg9[%dma_wait3A_849] : memref<640xf32, #tpu.memory_space<vmem>> -> memref<512xf32, #tpu.memory_space<vmem>>
          tpu.wait_dma2 semaphore(%run_scoped3A : memref<!tpu.dma_semaphore, #tpu.memory_space<semaphore_mem>>) src(%dma_wait3A_850 : memref<512xf32, #tpu.memory_space<vmem>>) dst(%dma_wait3A_848 : memref<512xf32, #tpu.memory_space<vmem_shared>>)
          tpu.yield
        }) : () -> ()
      } else {
      }
    }
    %scan3A_173 = arith.constant 31 : i32
    %eq3A_174 = arith.constant 0 : i32
    %eq3A_175 = arith.cmpi eq, %arg1, %eq3A_174 : i32
    %eq3A_176 = arith.constant 1 : i32
    %eq3A_177 = arith.cmpi eq, %arg0, %eq3A_176 : i32
    %and3A = arith.andi %eq3A_175, %eq3A_177 : i1
    %convert_element_type3A = arith.extui %and3A : i1 to i32
    %cond3A = arith.constant 0 : i32
    %cond3A_178 = arith.cmpi ne, %convert_element_type3A, %cond3A : i32
    scf.if %cond3A_178 {
      "tpu.region"() ({
        %run_scoped3A = tpu.sem_alloc : memref<!tpu.dma_semaphore, #tpu.memory_space<semaphore_mem>>
        %dma_start3A_799 = arith.constant 0 : i32
        %dma_start3A_800 = arith.constant 0 : i32
        %dma_start3A_801 = tpu.memref_slice %arg7[%dma_start3A_799, %dma_start3A_800] : memref<16x512xf32, #tpu.memory_space<vmem>> -> memref<16x640xf32, #tpu.memory_space<vmem>>
        %dma_start3A_802 = arith.constant 0 : i32
        %dma_start3A_803 = arith.constant 0 : i32
        %dma_start3A_804 = tpu.memref_slice %arg7[%dma_start3A_802, %dma_start3A_803] : memref<16x512xf32, #tpu.memory_space<vmem>> -> memref<16x640xf32, #tpu.memory_space<vmem>>
        tpu.enqueue_dma source(%arg3 : memref<16x640xf32, #tpu.memory_space<hbm>>) target(%dma_start3A_804 : memref<16x640xf32, #tpu.memory_space<vmem>>) target_semaphore(%run_scoped3A : memref<!tpu.dma_semaphore, #tpu.memory_space<semaphore_mem>>)
        %dma_wait3A = arith.constant 0 : i32
        %dma_wait3A_805 = arith.constant 0 : i32
        %dma_wait3A_806 = tpu.memref_slice %arg7[%dma_wait3A, %dma_wait3A_805] : memref<16x512xf32, #tpu.memory_space<vmem>> -> memref<16x640xf32, #tpu.memory_space<vmem>>
        %dma_wait3A_807 = arith.constant 0 : i32
        %dma_wait3A_808 = arith.constant 0 : i32
        %dma_wait3A_809 = tpu.memref_slice %arg7[%dma_wait3A_807, %dma_wait3A_808] : memref<16x512xf32, #tpu.memory_space<vmem>> -> memref<16x640xf32, #tpu.memory_space<vmem>>
        tpu.wait_dma2 semaphore(%run_scoped3A : memref<!tpu.dma_semaphore, #tpu.memory_space<semaphore_mem>>) src(%arg3 : memref<16x640xf32, #tpu.memory_space<hbm>>) dst(%dma_wait3A_809 : memref<16x640xf32, #tpu.memory_space<vmem>>)
        tpu.yield
      }) : () -> ()
      %scan3A_793 = arith.constant 0 : i32
      %scan3A_794 = arith.constant 0 : i32
      %scan3A_795 = arith.constant 40 : i32
      %scan3A_796 = arith.addi %scan3A_794, %scan3A_795 : i32
      %scan3A_797 = arith.constant 1 : i32
      scf.for %scan3A_799 = %scan3A_794 to %scan3A_796 step %scan3A_797  : i32 {
        %mul3A_800 = arith.constant 16 : i32
        %mul3A_801 = arith.muli %scan3A_799, %mul3A_800 : i32
        %get3A_802 = arith.constant 0 : i32
        %get3A_803 = arith.index_cast %get3A_802 : i32 to index
        %get3A_804 = arith.index_cast %mul3A_801 : i32 to index
        %get3A_805 = tpu.vector_load %arg7[%get3A_803, %get3A_804] {strides = array<i32>} : memref<16x512xf32, #tpu.memory_space<vmem>>, vector<16xf32>,
        %mul3A_806 = vector.broadcast %reduce_sum3A_5 : f32 to vector<16xf32>
        %mul3A_807 = arith.mulf %mul3A_806, %get3A_805 : vector<16xf32>
        %get3A_808 = arith.constant 1 : i32
        %get3A_809 = arith.index_cast %get3A_808 : i32 to index
        %get3A_810 = arith.index_cast %mul3A_801 : i32 to index
        %get3A_811 = tpu.vector_load %arg7[%get3A_809, %get3A_810] {strides = array<i32>} : memref<16x512xf32, #tpu.memory_space<vmem>>, vector<16xf32>,
        %mul3A_812 = vector.broadcast %reduce_sum3A_15 : f32 to vector<16xf32>
        %mul3A_813 = arith.mulf %mul3A_812, %get3A_811 : vector<16xf32>
        %add3A_814 = arith.addf %mul3A_807, %mul3A_813 : vector<16xf32>
        %get3A_815 = arith.constant 2 : i32
        %get3A_816 = arith.index_cast %get3A_815 : i32 to index
        %get3A_817 = arith.index_cast %mul3A_801 : i32 to index
        %get3A_818 = tpu.vector_load %arg7[%get3A_816, %get3A_817] {strides = array<i32>} : memref<16x512xf32, #tpu.memory_space<vmem>>, vector<16xf32>,
        %mul3A_819 = vector.broadcast %reduce_sum3A_25 : f32 to vector<16xf32>
        %mul3A_820 = arith.mulf %mul3A_819, %get3A_818 : vector<16xf32>
        %add3A_821 = arith.addf %add3A_814, %mul3A_820 : vector<16xf32>
        %get3A_822 = arith.constant 3 : i32
        %get3A_823 = arith.index_cast %get3A_822 : i32 to index
        %get3A_824 = arith.index_cast %mul3A_801 : i32 to index
        %get3A_825 = tpu.vector_load %arg7[%get3A_823, %get3A_824] {strides = array<i32>} : memref<16x512xf32, #tpu.memory_space<vmem>>, vector<16xf32>,
        %mul3A_826 = vector.broadcast %reduce_sum3A_35 : f32 to vector<16xf32>
        %mul3A_827 = arith.mulf %mul3A_826, %get3A_825 : vector<16xf32>
        %add3A_828 = arith.addf %add3A_821, %mul3A_827 : vector<16xf32>
        %get3A_829 = arith.constant 4 : i32
        %get3A_830 = arith.index_cast %get3A_829 : i32 to index
        %get3A_831 = arith.index_cast %mul3A_801 : i32 to index
        %get3A_832 = tpu.vector_load %arg7[%get3A_830, %get3A_831] {strides = array<i32>} : memref<16x512xf32, #tpu.memory_space<vmem>>, vector<16xf32>,
        %mul3A_833 = vector.broadcast %reduce_sum3A_45 : f32 to vector<16xf32>
        %mul3A_834 = arith.mulf %mul3A_833, %get3A_832 : vector<16xf32>
        %add3A_835 = arith.addf %add3A_828, %mul3A_834 : vector<16xf32>
        %get3A_836 = arith.constant 5 : i32
        %get3A_837 = arith.index_cast %get3A_836 : i32 to index
        %get3A_838 = arith.index_cast %mul3A_801 : i32 to index
        %get3A_839 = tpu.vector_load %arg7[%get3A_837, %get3A_838] {strides = array<i32>} : memref<16x512xf32, #tpu.memory_space<vmem>>, vector<16xf32>,
        %mul3A_840 = vector.broadcast %reduce_sum3A_55 : f32 to vector<16xf32>
        %mul3A_841 = arith.mulf %mul3A_840, %get3A_839 : vector<16xf32>
        %add3A_842 = arith.addf %add3A_835, %mul3A_841 : vector<16xf32>
        %get3A_843 = arith.constant 6 : i32
        %get3A_844 = arith.index_cast %get3A_843 : i32 to index
        %get3A_845 = arith.index_cast %mul3A_801 : i32 to index
        %get3A_846 = tpu.vector_load %arg7[%get3A_844, %get3A_845] {strides = array<i32>} : memref<16x512xf32, #tpu.memory_space<vmem>>, vector<16xf32>,
        %mul3A_847 = vector.broadcast %reduce_sum3A_65 : f32 to vector<16xf32>
        %mul3A_848 = arith.mulf %mul3A_847, %get3A_846 : vector<16xf32>
        %add3A_849 = arith.addf %add3A_842, %mul3A_848 : vector<16xf32>
        %get3A_850 = arith.constant 7 : i32
        %get3A_851 = arith.index_cast %get3A_850 : i32 to index
        %get3A_852 = arith.index_cast %mul3A_801 : i32 to index
        %get3A_853 = tpu.vector_load %arg7[%get3A_851, %get3A_852] {strides = array<i32>} : memref<16x512xf32, #tpu.memory_space<vmem>>, vector<16xf32>,
        %mul3A_854 = vector.broadcast %reduce_sum3A_75 : f32 to vector<16xf32>
        %mul3A_855 = arith.mulf %mul3A_854, %get3A_853 : vector<16xf32>
        %add3A_856 = arith.addf %add3A_849, %mul3A_855 : vector<16xf32>
        %get3A_857 = arith.constant 8 : i32
        %get3A_858 = arith.index_cast %get3A_857 : i32 to index
        %get3A_859 = arith.index_cast %mul3A_801 : i32 to index
        %get3A_860 = tpu.vector_load %arg7[%get3A_858, %get3A_859] {strides = array<i32>} : memref<16x512xf32, #tpu.memory_space<vmem>>, vector<16xf32>,
        %mul3A_861 = vector.broadcast %reduce_sum3A_85 : f32 to vector<16xf32>
        %mul3A_862 = arith.mulf %mul3A_861, %get3A_860 : vector<16xf32>
        %add3A_863 = arith.addf %add3A_856, %mul3A_862 : vector<16xf32>
        %get3A_864 = arith.constant 9 : i32
        %get3A_865 = arith.index_cast %get3A_864 : i32 to index
        %get3A_866 = arith.index_cast %mul3A_801 : i32 to index
        %get3A_867 = tpu.vector_load %arg7[%get3A_865, %get3A_866] {strides = array<i32>} : memref<16x512xf32, #tpu.memory_space<vmem>>, vector<16xf32>,
        %mul3A_868 = vector.broadcast %reduce_sum3A_95 : f32 to vector<16xf32>
        %mul3A_869 = arith.mulf %mul3A_868, %get3A_867 : vector<16xf32>
        %add3A_870 = arith.addf %add3A_863, %mul3A_869 : vector<16xf32>
        %get3A_871 = arith.constant 10 : i32
        %get3A_872 = arith.index_cast %get3A_871 : i32 to index
        %get3A_873 = arith.index_cast %mul3A_801 : i32 to index
        %get3A_874 = tpu.vector_load %arg7[%get3A_872, %get3A_873] {strides = array<i32>} : memref<16x512xf32, #tpu.memory_space<vmem>>, vector<16xf32>,
        %mul3A_875 = vector.broadcast %reduce_sum3A_105 : f32 to vector<16xf32>
        %mul3A_876 = arith.mulf %mul3A_875, %get3A_874 : vector<16xf32>
        %add3A_877 = arith.addf %add3A_870, %mul3A_876 : vector<16xf32>
        %get3A_878 = arith.constant 11 : i32
        %get3A_879 = arith.index_cast %get3A_878 : i32 to index
        %get3A_880 = arith.index_cast %mul3A_801 : i32 to index
        %get3A_881 = tpu.vector_load %arg7[%get3A_879, %get3A_880] {strides = array<i32>} : memref<16x512xf32, #tpu.memory_space<vmem>>, vector<16xf32>,
        %mul3A_882 = vector.broadcast %reduce_sum3A_115 : f32 to vector<16xf32>
        %mul3A_883 = arith.mulf %mul3A_882, %get3A_881 : vector<16xf32>
        %add3A_884 = arith.addf %add3A_877, %mul3A_883 : vector<16xf32>
        %get3A_885 = arith.constant 12 : i32
        %get3A_886 = arith.index_cast %get3A_885 : i32 to index
        %get3A_887 = arith.index_cast %mul3A_801 : i32 to index
        %get3A_888 = tpu.vector_load %arg7[%get3A_886, %get3A_887] {strides = array<i32>} : memref<16x512xf32, #tpu.memory_space<vmem>>, vector<16xf32>,
        %mul3A_889 = vector.broadcast %reduce_sum3A_125 : f32 to vector<16xf32>
        %mul3A_890 = arith.mulf %mul3A_889, %get3A_888 : vector<16xf32>
        %add3A_891 = arith.addf %add3A_884, %mul3A_890 : vector<16xf32>
        %get3A_892 = arith.constant 13 : i32
        %get3A_893 = arith.index_cast %get3A_892 : i32 to index
        %get3A_894 = arith.index_cast %mul3A_801 : i32 to index
        %get3A_895 = tpu.vector_load %arg7[%get3A_893, %get3A_894] {strides = array<i32>} : memref<16x512xf32, #tpu.memory_space<vmem>>, vector<16xf32>,
        %mul3A_896 = vector.broadcast %reduce_sum3A_135 : f32 to vector<16xf32>
        %mul3A_897 = arith.mulf %mul3A_896, %get3A_895 : vector<16xf32>
        %add3A_898 = arith.addf %add3A_891, %mul3A_897 : vector<16xf32>
        %get3A_899 = arith.constant 14 : i32
        %get3A_900 = arith.index_cast %get3A_899 : i32 to index
        %get3A_901 = arith.index_cast %mul3A_801 : i32 to index
        %get3A_902 = tpu.vector_load %arg7[%get3A_900, %get3A_901] {strides = array<i32>} : memref<16x512xf32, #tpu.memory_space<vmem>>, vector<16xf32>,
        %mul3A_903 = vector.broadcast %reduce_sum3A_145 : f32 to vector<16xf32>
        %mul3A_904 = arith.mulf %mul3A_903, %get3A_902 : vector<16xf32>
        %add3A_905 = arith.addf %add3A_898, %mul3A_904 : vector<16xf32>
        %get3A_906 = arith.constant 15 : i32
        %get3A_907 = arith.index_cast %get3A_906 : i32 to index
        %get3A_908 = arith.index_cast %mul3A_801 : i32 to index
        %get3A_909 = tpu.vector_load %arg7[%get3A_907, %get3A_908] {strides = array<i32>} : memref<16x512xf32, #tpu.memory_space<vmem>>, vector<16xf32>,
        %mul3A_910 = vector.broadcast %reduce_sum3A_155 : f32 to vector<16xf32>
        %mul3A_911 = arith.mulf %mul3A_910, %get3A_909 : vector<16xf32>
        %add3A_912 = arith.addf %add3A_905, %mul3A_911 : vector<16xf32>
        %swap3A_913 = arith.index_cast %mul3A_801 : i32 to index
        %swap3A_914 = tpu.vector_load %arg9[%swap3A_913] {strides = array<i32>} : memref<640xf32, #tpu.memory_space<vmem>>, vector<16xf32>,
        tpu.vector_store %arg9[%swap3A_913], %add3A_912 {strides = array<i32>} : memref<640xf32, #tpu.memory_space<vmem>>, vector<16xf32>,
      }
      %scan3A_798 = arith.constant 40 : i32
      "tpu.region"() ({
        %run_scoped3A = tpu.sem_alloc : memref<!tpu.dma_semaphore, #tpu.memory_space<semaphore_mem>>
        %dma_start3A_799 = arith.constant 0 : i32
        %dma_start3A_800 = tpu.memref_slice %arg9[%dma_start3A_799] : memref<640xf32, #tpu.memory_space<vmem>> -> memref<640xf32, #tpu.memory_space<vmem>>
        %dma_start3A_801 = arith.constant 499712 : i32
        %dma_start3A_802 = tpu.memref_slice %arg16[%dma_start3A_801] : memref<500480xf32, #tpu.memory_space<vmem_shared>> -> memref<640xf32, #tpu.memory_space<vmem_shared>>
        %dma_start3A_803 = arith.constant 499712 : i32
        %dma_start3A_804 = tpu.memref_slice %arg16[%dma_start3A_803] : memref<500480xf32, #tpu.memory_space<vmem_shared>> -> memref<640xf32, #tpu.memory_space<vmem_shared>>
        %dma_start3A_805 = arith.constant 0 : i32
        %dma_start3A_806 = tpu.memref_slice %arg9[%dma_start3A_805] : memref<640xf32, #tpu.memory_space<vmem>> -> memref<640xf32, #tpu.memory_space<vmem>>
        tpu.enqueue_dma source(%dma_start3A_806 : memref<640xf32, #tpu.memory_space<vmem>>) target(%dma_start3A_804 : memref<640xf32, #tpu.memory_space<vmem_shared>>) target_semaphore(%run_scoped3A : memref<!tpu.dma_semaphore, #tpu.memory_space<semaphore_mem>>)
        %dma_wait3A = arith.constant 0 : i32
        %dma_wait3A_807 = tpu.memref_slice %arg9[%dma_wait3A] : memref<640xf32, #tpu.memory_space<vmem>> -> memref<640xf32, #tpu.memory_space<vmem>>
        %dma_wait3A_808 = arith.constant 499712 : i32
        %dma_wait3A_809 = tpu.memref_slice %arg16[%dma_wait3A_808] : memref<500480xf32, #tpu.memory_space<vmem_shared>> -> memref<640xf32, #tpu.memory_space<vmem_shared>>
        %dma_wait3A_810 = arith.constant 499712 : i32
        %dma_wait3A_811 = tpu.memref_slice %arg16[%dma_wait3A_810] : memref<500480xf32, #tpu.memory_space<vmem_shared>> -> memref<640xf32, #tpu.memory_space<vmem_shared>>
        %dma_wait3A_812 = arith.constant 0 : i32
        %dma_wait3A_813 = tpu.memref_slice %arg9[%dma_wait3A_812] : memref<640xf32, #tpu.memory_space<vmem>> -> memref<640xf32, #tpu.memory_space<vmem>>
        tpu.wait_dma2 semaphore(%run_scoped3A : memref<!tpu.dma_semaphore, #tpu.memory_space<semaphore_mem>>) src(%dma_wait3A_813 : memref<640xf32, #tpu.memory_space<vmem>>) dst(%dma_wait3A_811 : memref<640xf32, #tpu.memory_space<vmem_shared>>)
        tpu.yield
      }) : () -> ()
    } else {
    }
    %eq3A_179 = arith.constant 1 : i32
    %eq3A_180 = arith.cmpi eq, %arg1, %eq3A_179 : i32
    %convert_element_type3A_181 = arith.extui %eq3A_180 : i1 to i32
    %cond3A_182 = arith.constant 0 : i32
    %cond3A_183 = arith.cmpi ne, %convert_element_type3A_181, %cond3A_182 : i32
    scf.if %cond3A_183 {
      %broadcast_in_dim3A_793 = arith.constant 0.000000e+00 : f32
      %broadcast_in_dim3A_794 = vector.broadcast %broadcast_in_dim3A_793 : f32 to vector<16xf32>
      %swap3A_795 = arith.constant 0 : index
      %swap3A_796 = tpu.vector_load %arg9[%swap3A_795] {strides = array<i32>} : memref<640xf32, #tpu.memory_space<vmem>>, vector<16xf32>,
      tpu.vector_store %arg9[%swap3A_795], %broadcast_in_dim3A_794 {strides = array<i32>} : memref<640xf32, #tpu.memory_space<vmem>>, vector<16xf32>,
      %swap3A_797 = arith.constant 16 : index
      %swap3A_798 = tpu.vector_load %arg9[%swap3A_797] {strides = array<i32>} : memref<640xf32, #tpu.memory_space<vmem>>, vector<16xf32>,
      tpu.vector_store %arg9[%swap3A_797], %broadcast_in_dim3A_794 {strides = array<i32>} : memref<640xf32, #tpu.memory_space<vmem>>, vector<16xf32>,
      %swap3A_799 = arith.constant 32 : index
      %swap3A_800 = tpu.vector_load %arg9[%swap3A_799] {strides = array<i32>} : memref<640xf32, #tpu.memory_space<vmem>>, vector<16xf32>,
      tpu.vector_store %arg9[%swap3A_799], %broadcast_in_dim3A_794 {strides = array<i32>} : memref<640xf32, #tpu.memory_space<vmem>>, vector<16xf32>,
      %swap3A_801 = arith.constant 48 : index
      %swap3A_802 = tpu.vector_load %arg9[%swap3A_801] {strides = array<i32>} : memref<640xf32, #tpu.memory_space<vmem>>, vector<16xf32>,
      tpu.vector_store %arg9[%swap3A_801], %broadcast_in_dim3A_794 {strides = array<i32>} : memref<640xf32, #tpu.memory_space<vmem>>, vector<16xf32>,
      %swap3A_803 = arith.constant 64 : index
      %swap3A_804 = tpu.vector_load %arg9[%swap3A_803] {strides = array<i32>} : memref<640xf32, #tpu.memory_space<vmem>>, vector<16xf32>,
      tpu.vector_store %arg9[%swap3A_803], %broadcast_in_dim3A_794 {strides = array<i32>} : memref<640xf32, #tpu.memory_space<vmem>>, vector<16xf32>,
      %swap3A_805 = arith.constant 80 : index
      %swap3A_806 = tpu.vector_load %arg9[%swap3A_805] {strides = array<i32>} : memref<640xf32, #tpu.memory_space<vmem>>, vector<16xf32>,
      tpu.vector_store %arg9[%swap3A_805], %broadcast_in_dim3A_794 {strides = array<i32>} : memref<640xf32, #tpu.memory_space<vmem>>, vector<16xf32>,
      %swap3A_807 = arith.constant 96 : index
      %swap3A_808 = tpu.vector_load %arg9[%swap3A_807] {strides = array<i32>} : memref<640xf32, #tpu.memory_space<vmem>>, vector<16xf32>,
      tpu.vector_store %arg9[%swap3A_807], %broadcast_in_dim3A_794 {strides = array<i32>} : memref<640xf32, #tpu.memory_space<vmem>>, vector<16xf32>,
      %swap3A_809 = arith.constant 112 : index
      %swap3A_810 = tpu.vector_load %arg9[%swap3A_809] {strides = array<i32>} : memref<640xf32, #tpu.memory_space<vmem>>, vector<16xf32>,
      tpu.vector_store %arg9[%swap3A_809], %broadcast_in_dim3A_794 {strides = array<i32>} : memref<640xf32, #tpu.memory_space<vmem>>, vector<16xf32>,
      "tpu.region"() ({
        %run_scoped3A = tpu.sem_alloc : memref<!tpu.dma_semaphore, #tpu.memory_space<semaphore_mem>>
        %dma_start3A_811 = arith.constant 0 : i32
        %dma_start3A_812 = tpu.memref_slice %arg9[%dma_start3A_811] : memref<640xf32, #tpu.memory_space<vmem>> -> memref<128xf32, #tpu.memory_space<vmem>>
        %dma_start3A_813 = arith.constant 500352 : i32
        %dma_start3A_814 = tpu.memref_slice %arg16[%dma_start3A_813] : memref<500480xf32, #tpu.memory_space<vmem_shared>> -> memref<128xf32, #tpu.memory_space<vmem_shared>>
        %dma_start3A_815 = arith.constant 500352 : i32
        %dma_start3A_816 = tpu.memref_slice %arg16[%dma_start3A_815] : memref<500480xf32, #tpu.memory_space<vmem_shared>> -> memref<128xf32, #tpu.memory_space<vmem_shared>>
        %dma_start3A_817 = arith.constant 0 : i32
        %dma_start3A_818 = tpu.memref_slice %arg9[%dma_start3A_817] : memref<640xf32, #tpu.memory_space<vmem>> -> memref<128xf32, #tpu.memory_space<vmem>>
        tpu.enqueue_dma source(%dma_start3A_818 : memref<128xf32, #tpu.memory_space<vmem>>) target(%dma_start3A_816 : memref<128xf32, #tpu.memory_space<vmem_shared>>) target_semaphore(%run_scoped3A : memref<!tpu.dma_semaphore, #tpu.memory_space<semaphore_mem>>)
        %dma_wait3A = arith.constant 0 : i32
        %dma_wait3A_819 = tpu.memref_slice %arg9[%dma_wait3A] : memref<640xf32, #tpu.memory_space<vmem>> -> memref<128xf32, #tpu.memory_space<vmem>>
        %dma_wait3A_820 = arith.constant 500352 : i32
        %dma_wait3A_821 = tpu.memref_slice %arg16[%dma_wait3A_820] : memref<500480xf32, #tpu.memory_space<vmem_shared>> -> memref<128xf32, #tpu.memory_space<vmem_shared>>
        %dma_wait3A_822 = arith.constant 500352 : i32
        %dma_wait3A_823 = tpu.memref_slice %arg16[%dma_wait3A_822] : memref<500480xf32, #tpu.memory_space<vmem_shared>> -> memref<128xf32, #tpu.memory_space<vmem_shared>>
        %dma_wait3A_824 = arith.constant 0 : i32
        %dma_wait3A_825 = tpu.memref_slice %arg9[%dma_wait3A_824] : memref<640xf32, #tpu.memory_space<vmem>> -> memref<128xf32, #tpu.memory_space<vmem>>
        tpu.wait_dma2 semaphore(%run_scoped3A : memref<!tpu.dma_semaphore, #tpu.memory_space<semaphore_mem>>) src(%dma_wait3A_825 : memref<128xf32, #tpu.memory_space<vmem>>) dst(%dma_wait3A_823 : memref<128xf32, #tpu.memory_space<vmem_shared>>)
        tpu.yield
      }) : () -> ()
    } else {
    }
    %barrier3A = arith.constant 0 : index
    tpu.barrier barrier_id(%barrier3A)
    %mul3A_184 = arith.constant 1024 : i32
    %mul3A_185 = arith.muli %arg1, %mul3A_184 : i32
    %add3A_186 = arith.constant 0 : i32
    %add3A_187 = arith.addi %mul3A_185, %add3A_186 : i32
    "tpu.region"() ({
      %run_scoped3A = tpu.sem_alloc : memref<!tpu.dma_semaphore, #tpu.memory_space<semaphore_mem>>
      %dma_start3A_793 = arith.constant 0 : i32
      %dma_start3A_794 = tpu.memref_slice %arg4[%dma_start3A_793, %add3A_187] : memref<50x16384xi32, #tpu.memory_space<hbm>> -> memref<50x128xi32, #tpu.memory_space<hbm>>
      %dma_start3A_795 = arith.constant 0 : i32
      %dma_start3A_796 = tpu.memref_slice %arg4[%dma_start3A_795, %add3A_187] : memref<50x16384xi32, #tpu.memory_space<hbm>> -> memref<50x128xi32, #tpu.memory_space<hbm>>
      tpu.enqueue_dma source(%dma_start3A_796 : memref<50x128xi32, #tpu.memory_space<hbm>>) target(%arg11 : memref<50x128xi32, #tpu.memory_space<vmem>>) target_semaphore(%run_scoped3A : memref<!tpu.dma_semaphore, #tpu.memory_space<semaphore_mem>>)
      %dma_wait3A = arith.constant 0 : i32
      %dma_wait3A_797 = tpu.memref_slice %arg4[%dma_wait3A, %add3A_187] : memref<50x16384xi32, #tpu.memory_space<hbm>> -> memref<50x128xi32, #tpu.memory_space<hbm>>
      %dma_wait3A_798 = arith.constant 0 : i32
      %dma_wait3A_799 = tpu.memref_slice %arg4[%dma_wait3A_798, %add3A_187] : memref<50x16384xi32, #tpu.memory_space<hbm>> -> memref<50x128xi32, #tpu.memory_space<hbm>>
      tpu.wait_dma2 semaphore(%run_scoped3A : memref<!tpu.dma_semaphore, #tpu.memory_space<semaphore_mem>>) src(%dma_wait3A_799 : memref<50x128xi32, #tpu.memory_space<hbm>>) dst(%arg11 : memref<50x128xi32, #tpu.memory_space<vmem>>)
      tpu.yield
    }) : () -> ()
    %scan3A_188 = arith.constant 0 : i32
    %scan3A_189 = arith.constant 0 : i32
    %scan3A_190 = arith.constant 50 : i32
    %scan3A_191 = arith.addi %scan3A_189, %scan3A_190 : i32
    %scan3A_192 = arith.constant 1 : i32
    scf.for %scan3A_793 = %scan3A_189 to %scan3A_191 step %scan3A_192  : i32 {
      %get3A_794 = arith.index_cast %scan3A_793 : i32 to index
      %get3A_795 = arith.constant 0 : index
      %get3A_796 = tpu.vector_load %arg11[%get3A_794, %get3A_795] {strides = array<i32>} : memref<50x128xi32, #tpu.memory_space<vmem>>, vector<16xi32>,
      %sub3A = vector.broadcast %mul3A_156 : i32 to vector<16xi32>
      %sub3A_797 = arith.subi %get3A_796, %sub3A : vector<16xi32>
      %ge3A = arith.constant 0 : i32
      %ge3A_798 = vector.broadcast %ge3A : i32 to vector<16xi32>
      %ge3A_799 = arith.cmpi sge, %sub3A_797, %ge3A_798 : vector<16xi32>
      %lt3A = vector.broadcast %select_n3A_161 : i32 to vector<16xi32>
      %lt3A_800 = arith.cmpi slt, %sub3A_797, %lt3A : vector<16xi32>
      %and3A_801 = arith.andi %ge3A_799, %lt3A_800 : vector<16xi1>
      %or3A = arith.constant 0 : i32
      %or3A_802 = vector.broadcast %or3A : i32 to vector<16xi32>
      %or3A_803 = arith.ori %or3A_802, %iota3A : vector<16xi32>
      %add3A_804 = arith.constant 500352 : i32
      %add3A_805 = vector.broadcast %add3A_804 : i32 to vector<16xi32>
      %add3A_806 = arith.addi %add3A_805, %or3A_803 : vector<16xi32>
      %select_n3A_807 = arith.select %and3A_801, %sub3A_797, %add3A_806 : vector<16xi1>, vector<16xi32>
      %swap3A_808 = arith.index_cast %scan3A_793 : i32 to index
      %swap3A_809 = arith.constant 0 : index
      %swap3A_810 = tpu.vector_load %arg11[%swap3A_808, %swap3A_809] {strides = array<i32>} : memref<50x128xi32, #tpu.memory_space<vmem>>, vector<16xi32>,
      tpu.vector_store %arg11[%swap3A_808, %swap3A_809], %select_n3A_807 {strides = array<i32>} : memref<50x128xi32, #tpu.memory_space<vmem>>, vector<16xi32>,
      %get3A_811 = arith.index_cast %scan3A_793 : i32 to index
      %get3A_812 = arith.constant 16 : index
      %get3A_813 = tpu.vector_load %arg11[%get3A_811, %get3A_812] {strides = array<i32>} : memref<50x128xi32, #tpu.memory_space<vmem>>, vector<16xi32>,
      %sub3A_814 = vector.broadcast %mul3A_156 : i32 to vector<16xi32>
      %sub3A_815 = arith.subi %get3A_813, %sub3A_814 : vector<16xi32>
      %ge3A_816 = arith.constant 0 : i32
      %ge3A_817 = vector.broadcast %ge3A_816 : i32 to vector<16xi32>
      %ge3A_818 = arith.cmpi sge, %sub3A_815, %ge3A_817 : vector<16xi32>
      %lt3A_819 = vector.broadcast %select_n3A_161 : i32 to vector<16xi32>
      %lt3A_820 = arith.cmpi slt, %sub3A_815, %lt3A_819 : vector<16xi32>
      %and3A_821 = arith.andi %ge3A_818, %lt3A_820 : vector<16xi1>
      %or3A_822 = arith.constant 16 : i32
      %or3A_823 = vector.broadcast %or3A_822 : i32 to vector<16xi32>
      %or3A_824 = arith.ori %or3A_823, %iota3A : vector<16xi32>
      %add3A_825 = arith.constant 500352 : i32
      %add3A_826 = vector.broadcast %add3A_825 : i32 to vector<16xi32>
      %add3A_827 = arith.addi %add3A_826, %or3A_824 : vector<16xi32>
      %select_n3A_828 = arith.select %and3A_821, %sub3A_815, %add3A_827 : vector<16xi1>, vector<16xi32>
      %swap3A_829 = arith.index_cast %scan3A_793 : i32 to index
      %swap3A_830 = arith.constant 16 : index
      %swap3A_831 = tpu.vector_load %arg11[%swap3A_829, %swap3A_830] {strides = array<i32>} : memref<50x128xi32, #tpu.memory_space<vmem>>, vector<16xi32>,
      tpu.vector_store %arg11[%swap3A_829, %swap3A_830], %select_n3A_828 {strides = array<i32>} : memref<50x128xi32, #tpu.memory_space<vmem>>, vector<16xi32>,
      %get3A_832 = arith.index_cast %scan3A_793 : i32 to index
      %get3A_833 = arith.constant 32 : index
      %get3A_834 = tpu.vector_load %arg11[%get3A_832, %get3A_833] {strides = array<i32>} : memref<50x128xi32, #tpu.memory_space<vmem>>, vector<16xi32>,
      %sub3A_835 = vector.broadcast %mul3A_156 : i32 to vector<16xi32>
      %sub3A_836 = arith.subi %get3A_834, %sub3A_835 : vector<16xi32>
      %ge3A_837 = arith.constant 0 : i32
      %ge3A_838 = vector.broadcast %ge3A_837 : i32 to vector<16xi32>
      %ge3A_839 = arith.cmpi sge, %sub3A_836, %ge3A_838 : vector<16xi32>
      %lt3A_840 = vector.broadcast %select_n3A_161 : i32 to vector<16xi32>
      %lt3A_841 = arith.cmpi slt, %sub3A_836, %lt3A_840 : vector<16xi32>
      %and3A_842 = arith.andi %ge3A_839, %lt3A_841 : vector<16xi1>
      %or3A_843 = arith.constant 32 : i32
      %or3A_844 = vector.broadcast %or3A_843 : i32 to vector<16xi32>
      %or3A_845 = arith.ori %or3A_844, %iota3A : vector<16xi32>
      %add3A_846 = arith.constant 500352 : i32
      %add3A_847 = vector.broadcast %add3A_846 : i32 to vector<16xi32>
      %add3A_848 = arith.addi %add3A_847, %or3A_845 : vector<16xi32>
      %select_n3A_849 = arith.select %and3A_842, %sub3A_836, %add3A_848 : vector<16xi1>, vector<16xi32>
      %swap3A_850 = arith.index_cast %scan3A_793 : i32 to index
      %swap3A_851 = arith.constant 32 : index
      %swap3A_852 = tpu.vector_load %arg11[%swap3A_850, %swap3A_851] {strides = array<i32>} : memref<50x128xi32, #tpu.memory_space<vmem>>, vector<16xi32>,
      tpu.vector_store %arg11[%swap3A_850, %swap3A_851], %select_n3A_849 {strides = array<i32>} : memref<50x128xi32, #tpu.memory_space<vmem>>, vector<16xi32>,
      %get3A_853 = arith.index_cast %scan3A_793 : i32 to index
      %get3A_854 = arith.constant 48 : index
      %get3A_855 = tpu.vector_load %arg11[%get3A_853, %get3A_854] {strides = array<i32>} : memref<50x128xi32, #tpu.memory_space<vmem>>, vector<16xi32>,
      %sub3A_856 = vector.broadcast %mul3A_156 : i32 to vector<16xi32>
      %sub3A_857 = arith.subi %get3A_855, %sub3A_856 : vector<16xi32>
      %ge3A_858 = arith.constant 0 : i32
      %ge3A_859 = vector.broadcast %ge3A_858 : i32 to vector<16xi32>
      %ge3A_860 = arith.cmpi sge, %sub3A_857, %ge3A_859 : vector<16xi32>
      %lt3A_861 = vector.broadcast %select_n3A_161 : i32 to vector<16xi32>
      %lt3A_862 = arith.cmpi slt, %sub3A_857, %lt3A_861 : vector<16xi32>
      %and3A_863 = arith.andi %ge3A_860, %lt3A_862 : vector<16xi1>
      %or3A_864 = arith.constant 48 : i32
      %or3A_865 = vector.broadcast %or3A_864 : i32 to vector<16xi32>
      %or3A_866 = arith.ori %or3A_865, %iota3A : vector<16xi32>
      %add3A_867 = arith.constant 500352 : i32
      %add3A_868 = vector.broadcast %add3A_867 : i32 to vector<16xi32>
      %add3A_869 = arith.addi %add3A_868, %or3A_866 : vector<16xi32>
      %select_n3A_870 = arith.select %and3A_863, %sub3A_857, %add3A_869 : vector<16xi1>, vector<16xi32>
      %swap3A_871 = arith.index_cast %scan3A_793 : i32 to index
      %swap3A_872 = arith.constant 48 : index
      %swap3A_873 = tpu.vector_load %arg11[%swap3A_871, %swap3A_872] {strides = array<i32>} : memref<50x128xi32, #tpu.memory_space<vmem>>, vector<16xi32>,
      tpu.vector_store %arg11[%swap3A_871, %swap3A_872], %select_n3A_870 {strides = array<i32>} : memref<50x128xi32, #tpu.memory_space<vmem>>, vector<16xi32>,
      %get3A_874 = arith.index_cast %scan3A_793 : i32 to index
      %get3A_875 = arith.constant 64 : index
      %get3A_876 = tpu.vector_load %arg11[%get3A_874, %get3A_875] {strides = array<i32>} : memref<50x128xi32, #tpu.memory_space<vmem>>, vector<16xi32>,
      %sub3A_877 = vector.broadcast %mul3A_156 : i32 to vector<16xi32>
      %sub3A_878 = arith.subi %get3A_876, %sub3A_877 : vector<16xi32>
      %ge3A_879 = arith.constant 0 : i32
      %ge3A_880 = vector.broadcast %ge3A_879 : i32 to vector<16xi32>
      %ge3A_881 = arith.cmpi sge, %sub3A_878, %ge3A_880 : vector<16xi32>
      %lt3A_882 = vector.broadcast %select_n3A_161 : i32 to vector<16xi32>
      %lt3A_883 = arith.cmpi slt, %sub3A_878, %lt3A_882 : vector<16xi32>
      %and3A_884 = arith.andi %ge3A_881, %lt3A_883 : vector<16xi1>
      %or3A_885 = arith.constant 64 : i32
      %or3A_886 = vector.broadcast %or3A_885 : i32 to vector<16xi32>
      %or3A_887 = arith.ori %or3A_886, %iota3A : vector<16xi32>
      %add3A_888 = arith.constant 500352 : i32
      %add3A_889 = vector.broadcast %add3A_888 : i32 to vector<16xi32>
      %add3A_890 = arith.addi %add3A_889, %or3A_887 : vector<16xi32>
      %select_n3A_891 = arith.select %and3A_884, %sub3A_878, %add3A_890 : vector<16xi1>, vector<16xi32>
      %swap3A_892 = arith.index_cast %scan3A_793 : i32 to index
      %swap3A_893 = arith.constant 64 : index
      %swap3A_894 = tpu.vector_load %arg11[%swap3A_892, %swap3A_893] {strides = array<i32>} : memref<50x128xi32, #tpu.memory_space<vmem>>, vector<16xi32>,
      tpu.vector_store %arg11[%swap3A_892, %swap3A_893], %select_n3A_891 {strides = array<i32>} : memref<50x128xi32, #tpu.memory_space<vmem>>, vector<16xi32>,
      %get3A_895 = arith.index_cast %scan3A_793 : i32 to index
      %get3A_896 = arith.constant 80 : index
      %get3A_897 = tpu.vector_load %arg11[%get3A_895, %get3A_896] {strides = array<i32>} : memref<50x128xi32, #tpu.memory_space<vmem>>, vector<16xi32>,
      %sub3A_898 = vector.broadcast %mul3A_156 : i32 to vector<16xi32>
      %sub3A_899 = arith.subi %get3A_897, %sub3A_898 : vector<16xi32>
      %ge3A_900 = arith.constant 0 : i32
      %ge3A_901 = vector.broadcast %ge3A_900 : i32 to vector<16xi32>
      %ge3A_902 = arith.cmpi sge, %sub3A_899, %ge3A_901 : vector<16xi32>
      %lt3A_903 = vector.broadcast %select_n3A_161 : i32 to vector<16xi32>
      %lt3A_904 = arith.cmpi slt, %sub3A_899, %lt3A_903 : vector<16xi32>
      %and3A_905 = arith.andi %ge3A_902, %lt3A_904 : vector<16xi1>
      %or3A_906 = arith.constant 80 : i32
      %or3A_907 = vector.broadcast %or3A_906 : i32 to vector<16xi32>
      %or3A_908 = arith.ori %or3A_907, %iota3A : vector<16xi32>
      %add3A_909 = arith.constant 500352 : i32
      %add3A_910 = vector.broadcast %add3A_909 : i32 to vector<16xi32>
      %add3A_911 = arith.addi %add3A_910, %or3A_908 : vector<16xi32>
      %select_n3A_912 = arith.select %and3A_905, %sub3A_899, %add3A_911 : vector<16xi1>, vector<16xi32>
      %swap3A_913 = arith.index_cast %scan3A_793 : i32 to index
      %swap3A_914 = arith.constant 80 : index
      %swap3A_915 = tpu.vector_load %arg11[%swap3A_913, %swap3A_914] {strides = array<i32>} : memref<50x128xi32, #tpu.memory_space<vmem>>, vector<16xi32>,
      tpu.vector_store %arg11[%swap3A_913, %swap3A_914], %select_n3A_912 {strides = array<i32>} : memref<50x128xi32, #tpu.memory_space<vmem>>, vector<16xi32>,
      %get3A_916 = arith.index_cast %scan3A_793 : i32 to index
      %get3A_917 = arith.constant 96 : index
      %get3A_918 = tpu.vector_load %arg11[%get3A_916, %get3A_917] {strides = array<i32>} : memref<50x128xi32, #tpu.memory_space<vmem>>, vector<16xi32>,
      %sub3A_919 = vector.broadcast %mul3A_156 : i32 to vector<16xi32>
      %sub3A_920 = arith.subi %get3A_918, %sub3A_919 : vector<16xi32>
      %ge3A_921 = arith.constant 0 : i32
      %ge3A_922 = vector.broadcast %ge3A_921 : i32 to vector<16xi32>
      %ge3A_923 = arith.cmpi sge, %sub3A_920, %ge3A_922 : vector<16xi32>
      %lt3A_924 = vector.broadcast %select_n3A_161 : i32 to vector<16xi32>
      %lt3A_925 = arith.cmpi slt, %sub3A_920, %lt3A_924 : vector<16xi32>
      %and3A_926 = arith.andi %ge3A_923, %lt3A_925 : vector<16xi1>
      %or3A_927 = arith.constant 96 : i32
      %or3A_928 = vector.broadcast %or3A_927 : i32 to vector<16xi32>
      %or3A_929 = arith.ori %or3A_928, %iota3A : vector<16xi32>
      %add3A_930 = arith.constant 500352 : i32
      %add3A_931 = vector.broadcast %add3A_930 : i32 to vector<16xi32>
      %add3A_932 = arith.addi %add3A_931, %or3A_929 : vector<16xi32>
      %select_n3A_933 = arith.select %and3A_926, %sub3A_920, %add3A_932 : vector<16xi1>, vector<16xi32>
      %swap3A_934 = arith.index_cast %scan3A_793 : i32 to index
      %swap3A_935 = arith.constant 96 : index
      %swap3A_936 = tpu.vector_load %arg11[%swap3A_934, %swap3A_935] {strides = array<i32>} : memref<50x128xi32, #tpu.memory_space<vmem>>, vector<16xi32>,
      tpu.vector_store %arg11[%swap3A_934, %swap3A_935], %select_n3A_933 {strides = array<i32>} : memref<50x128xi32, #tpu.memory_space<vmem>>, vector<16xi32>,
      %get3A_937 = arith.index_cast %scan3A_793 : i32 to index
      %get3A_938 = arith.constant 112 : index
      %get3A_939 = tpu.vector_load %arg11[%get3A_937, %get3A_938] {strides = array<i32>} : memref<50x128xi32, #tpu.memory_space<vmem>>, vector<16xi32>,
      %sub3A_940 = vector.broadcast %mul3A_156 : i32 to vector<16xi32>
      %sub3A_941 = arith.subi %get3A_939, %sub3A_940 : vector<16xi32>
      %ge3A_942 = arith.constant 0 : i32
      %ge3A_943 = vector.broadcast %ge3A_942 : i32 to vector<16xi32>
      %ge3A_944 = arith.cmpi sge, %sub3A_941, %ge3A_943 : vector<16xi32>
      %lt3A_945 = vector.broadcast %select_n3A_161 : i32 to vector<16xi32>
      %lt3A_946 = arith.cmpi slt, %sub3A_941, %lt3A_945 : vector<16xi32>
      %and3A_947 = arith.andi %ge3A_944, %lt3A_946 : vector<16xi1>
      %or3A_948 = arith.constant 112 : i32
      %or3A_949 = vector.broadcast %or3A_948 : i32 to vector<16xi32>
      %or3A_950 = arith.ori %or3A_949, %iota3A : vector<16xi32>
      %add3A_951 = arith.constant 500352 : i32
      %add3A_952 = vector.broadcast %add3A_951 : i32 to vector<16xi32>
      %add3A_953 = arith.addi %add3A_952, %or3A_950 : vector<16xi32>
      %select_n3A_954 = arith.select %and3A_947, %sub3A_941, %add3A_953 : vector<16xi1>, vector<16xi32>
      %swap3A_955 = arith.index_cast %scan3A_793 : i32 to index
      %swap3A_956 = arith.constant 112 : index
      %swap3A_957 = tpu.vector_load %arg11[%swap3A_955, %swap3A_956] {strides = array<i32>} : memref<50x128xi32, #tpu.memory_space<vmem>>, vector<16xi32>,
      tpu.vector_store %arg11[%swap3A_955, %swap3A_956], %select_n3A_954 {strides = array<i32>} : memref<50x128xi32, #tpu.memory_space<vmem>>, vector<16xi32>,
    }
    %scan3A_193 = arith.constant 50 : i32
    %scan3A_194 = arith.constant 0 : i32
    %scan3A_195 = arith.constant 0 : i32
    %scan3A_196 = arith.constant 50 : i32
    %scan3A_197 = arith.addi %scan3A_195, %scan3A_196 : i32
    %scan3A_198 = arith.constant 1 : i32
    scf.for %scan3A_793 = %scan3A_195 to %scan3A_197 step %scan3A_198  : i32 {
      %dma_start3A_794 = arith.constant 0 : i32
      %dma_start3A_795 = tpu.memref_slice %arg13[%scan3A_793, %dma_start3A_794] : memref<50x128xf32, #tpu.memory_space<vmem>> -> memref<1x128xf32, #tpu.memory_space<vmem>>
      %dma_start3A_796 = tpu.memref_squeeze %dma_start3A_795 : memref<1x128xf32, #tpu.memory_space<vmem>> -> memref<128xf32, #tpu.memory_space<vmem>>
      %dma_start3A_797 = arith.constant 0 : i32
      %dma_start3A_798 = tpu.memref_slice %arg11[%scan3A_793, %dma_start3A_797] : memref<50x128xi32, #tpu.memory_space<vmem>> -> memref<1x128xi32, #tpu.memory_space<vmem>>
      %dma_start3A_799 = tpu.memref_squeeze %dma_start3A_798 : memref<1x128xi32, #tpu.memory_space<vmem>> -> memref<128xi32, #tpu.memory_space<vmem>>
      %dma_start3A_800 = arith.constant 0 : i32
      %dma_start3A_801 = tpu.memref_slice %arg16[%dma_start3A_800] : memref<500480xf32, #tpu.memory_space<vmem_shared>> -> memref<500480xf32, #tpu.memory_space<vmem_shared>>
      tpu.enqueue_indirect_dma source(%dma_start3A_801 : memref<500480xf32, #tpu.memory_space<vmem_shared>>) target(%dma_start3A_796 : memref<128xf32, #tpu.memory_space<vmem>>) offsets(%dma_start3A_799 : memref<128xi32, #tpu.memory_space<vmem>>) semaphore(%arg19 : memref<!tpu.dma_semaphore, #tpu.memory_space<semaphore_mem>>)
    }
    %scan3A_199 = arith.constant 50 : i32
    %add3A_200 = arith.constant 128 : i32
    %add3A_201 = arith.addi %mul3A_185, %add3A_200 : i32
    "tpu.region"() ({
      %run_scoped3A = tpu.sem_alloc : memref<!tpu.dma_semaphore, #tpu.memory_space<semaphore_mem>>
      %dma_start3A_793 = arith.constant 0 : i32
      %dma_start3A_794 = tpu.memref_slice %arg4[%dma_start3A_793, %add3A_201] : memref<50x16384xi32, #tpu.memory_space<hbm>> -> memref<50x128xi32, #tpu.memory_space<hbm>>
      %dma_start3A_795 = arith.constant 0 : i32
      %dma_start3A_796 = tpu.memref_slice %arg4[%dma_start3A_795, %add3A_201] : memref<50x16384xi32, #tpu.memory_space<hbm>> -> memref<50x128xi32, #tpu.memory_space<hbm>>
      tpu.enqueue_dma source(%dma_start3A_796 : memref<50x128xi32, #tpu.memory_space<hbm>>) target(%arg12 : memref<50x128xi32, #tpu.memory_space<vmem>>) target_semaphore(%run_scoped3A : memref<!tpu.dma_semaphore, #tpu.memory_space<semaphore_mem>>)
      %dma_wait3A = arith.constant 0 : i32
      %dma_wait3A_797 = tpu.memref_slice %arg4[%dma_wait3A, %add3A_201] : memref<50x16384xi32, #tpu.memory_space<hbm>> -> memref<50x128xi32, #tpu.memory_space<hbm>>
      %dma_wait3A_798 = arith.constant 0 : i32
      %dma_wait3A_799 = tpu.memref_slice %arg4[%dma_wait3A_798, %add3A_201] : memref<50x16384xi32, #tpu.memory_space<hbm>> -> memref<50x128xi32, #tpu.memory_space<hbm>>
      tpu.wait_dma2 semaphore(%run_scoped3A : memref<!tpu.dma_semaphore, #tpu.memory_space<semaphore_mem>>) src(%dma_wait3A_799 : memref<50x128xi32, #tpu.memory_space<hbm>>) dst(%arg12 : memref<50x128xi32, #tpu.memory_space<vmem>>)
      tpu.yield
    }) : () -> ()
    %scan3A_202 = arith.constant 0 : i32
    %scan3A_203 = arith.constant 0 : i32
    %scan3A_204 = arith.constant 50 : i32
    %scan3A_205 = arith.addi %scan3A_203, %scan3A_204 : i32
    %scan3A_206 = arith.constant 1 : i32
    scf.for %scan3A_793 = %scan3A_203 to %scan3A_205 step %scan3A_206  : i32 {
      %get3A_794 = arith.index_cast %scan3A_793 : i32 to index
      %get3A_795 = arith.constant 0 : index
      %get3A_796 = tpu.vector_load %arg12[%get3A_794, %get3A_795] {strides = array<i32>} : memref<50x128xi32, #tpu.memory_space<vmem>>, vector<16xi32>,
      %sub3A = vector.broadcast %mul3A_156 : i32 to vector<16xi32>
      %sub3A_797 = arith.subi %get3A_796, %sub3A : vector<16xi32>
      %ge3A = arith.constant 0 : i32
      %ge3A_798 = vector.broadcast %ge3A : i32 to vector<16xi32>
      %ge3A_799 = arith.cmpi sge, %sub3A_797, %ge3A_798 : vector<16xi32>
      %lt3A = vector.broadcast %select_n3A_161 : i32 to vector<16xi32>
      %lt3A_800 = arith.cmpi slt, %sub3A_797, %lt3A : vector<16xi32>
      %and3A_801 = arith.andi %ge3A_799, %lt3A_800 : vector<16xi1>
      %or3A = arith.constant 0 : i32
      %or3A_802 = vector.broadcast %or3A : i32 to vector<16xi32>
      %or3A_803 = arith.ori %or3A_802, %iota3A : vector<16xi32>
      %add3A_804 = arith.constant 500352 : i32
      %add3A_805 = vector.broadcast %add3A_804 : i32 to vector<16xi32>
      %add3A_806 = arith.addi %add3A_805, %or3A_803 : vector<16xi32>
      %select_n3A_807 = arith.select %and3A_801, %sub3A_797, %add3A_806 : vector<16xi1>, vector<16xi32>
      %swap3A_808 = arith.index_cast %scan3A_793 : i32 to index
      %swap3A_809 = arith.constant 0 : index
      %swap3A_810 = tpu.vector_load %arg12[%swap3A_808, %swap3A_809] {strides = array<i32>} : memref<50x128xi32, #tpu.memory_space<vmem>>, vector<16xi32>,
      tpu.vector_store %arg12[%swap3A_808, %swap3A_809], %select_n3A_807 {strides = array<i32>} : memref<50x128xi32, #tpu.memory_space<vmem>>, vector<16xi32>,
      %get3A_811 = arith.index_cast %scan3A_793 : i32 to index
      %get3A_812 = arith.constant 16 : index
      %get3A_813 = tpu.vector_load %arg12[%get3A_811, %get3A_812] {strides = array<i32>} : memref<50x128xi32, #tpu.memory_space<vmem>>, vector<16xi32>,
      %sub3A_814 = vector.broadcast %mul3A_156 : i32 to vector<16xi32>
      %sub3A_815 = arith.subi %get3A_813, %sub3A_814 : vector<16xi32>
      %ge3A_816 = arith.constant 0 : i32
      %ge3A_817 = vector.broadcast %ge3A_816 : i32 to vector<16xi32>
      %ge3A_818 = arith.cmpi sge, %sub3A_815, %ge3A_817 : vector<16xi32>
      %lt3A_819 = vector.broadcast %select_n3A_161 : i32 to vector<16xi32>
      %lt3A_820 = arith.cmpi slt, %sub3A_815, %lt3A_819 : vector<16xi32>
      %and3A_821 = arith.andi %ge3A_818, %lt3A_820 : vector<16xi1>
      %or3A_822 = arith.constant 16 : i32
      %or3A_823 = vector.broadcast %or3A_822 : i32 to vector<16xi32>
      %or3A_824 = arith.ori %or3A_823, %iota3A : vector<16xi32>
      %add3A_825 = arith.constant 500352 : i32
      %add3A_826 = vector.broadcast %add3A_825 : i32 to vector<16xi32>
      %add3A_827 = arith.addi %add3A_826, %or3A_824 : vector<16xi32>
      %select_n3A_828 = arith.select %and3A_821, %sub3A_815, %add3A_827 : vector<16xi1>, vector<16xi32>
      %swap3A_829 = arith.index_cast %scan3A_793 : i32 to index
      %swap3A_830 = arith.constant 16 : index
      %swap3A_831 = tpu.vector_load %arg12[%swap3A_829, %swap3A_830] {strides = array<i32>} : memref<50x128xi32, #tpu.memory_space<vmem>>, vector<16xi32>,
      tpu.vector_store %arg12[%swap3A_829, %swap3A_830], %select_n3A_828 {strides = array<i32>} : memref<50x128xi32, #tpu.memory_space<vmem>>, vector<16xi32>,
      %get3A_832 = arith.index_cast %scan3A_793 : i32 to index
      %get3A_833 = arith.constant 32 : index
      %get3A_834 = tpu.vector_load %arg12[%get3A_832, %get3A_833] {strides = array<i32>} : memref<50x128xi32, #tpu.memory_space<vmem>>, vector<16xi32>,
      %sub3A_835 = vector.broadcast %mul3A_156 : i32 to vector<16xi32>
      %sub3A_836 = arith.subi %get3A_834, %sub3A_835 : vector<16xi32>
      %ge3A_837 = arith.constant 0 : i32
      %ge3A_838 = vector.broadcast %ge3A_837 : i32 to vector<16xi32>
      %ge3A_839 = arith.cmpi sge, %sub3A_836, %ge3A_838 : vector<16xi32>
      %lt3A_840 = vector.broadcast %select_n3A_161 : i32 to vector<16xi32>
      %lt3A_841 = arith.cmpi slt, %sub3A_836, %lt3A_840 : vector<16xi32>
      %and3A_842 = arith.andi %ge3A_839, %lt3A_841 : vector<16xi1>
      %or3A_843 = arith.constant 32 : i32
      %or3A_844 = vector.broadcast %or3A_843 : i32 to vector<16xi32>
      %or3A_845 = arith.ori %or3A_844, %iota3A : vector<16xi32>
      %add3A_846 = arith.constant 500352 : i32
      %add3A_847 = vector.broadcast %add3A_846 : i32 to vector<16xi32>
      %add3A_848 = arith.addi %add3A_847, %or3A_845 : vector<16xi32>
      %select_n3A_849 = arith.select %and3A_842, %sub3A_836, %add3A_848 : vector<16xi1>, vector<16xi32>
      %swap3A_850 = arith.index_cast %scan3A_793 : i32 to index
      %swap3A_851 = arith.constant 32 : index
      %swap3A_852 = tpu.vector_load %arg12[%swap3A_850, %swap3A_851] {strides = array<i32>} : memref<50x128xi32, #tpu.memory_space<vmem>>, vector<16xi32>,
      tpu.vector_store %arg12[%swap3A_850, %swap3A_851], %select_n3A_849 {strides = array<i32>} : memref<50x128xi32, #tpu.memory_space<vmem>>, vector<16xi32>,
      %get3A_853 = arith.index_cast %scan3A_793 : i32 to index
      %get3A_854 = arith.constant 48 : index
      %get3A_855 = tpu.vector_load %arg12[%get3A_853, %get3A_854] {strides = array<i32>} : memref<50x128xi32, #tpu.memory_space<vmem>>, vector<16xi32>,
      %sub3A_856 = vector.broadcast %mul3A_156 : i32 to vector<16xi32>
      %sub3A_857 = arith.subi %get3A_855, %sub3A_856 : vector<16xi32>
      %ge3A_858 = arith.constant 0 : i32
      %ge3A_859 = vector.broadcast %ge3A_858 : i32 to vector<16xi32>
      %ge3A_860 = arith.cmpi sge, %sub3A_857, %ge3A_859 : vector<16xi32>
      %lt3A_861 = vector.broadcast %select_n3A_161 : i32 to vector<16xi32>
      %lt3A_862 = arith.cmpi slt, %sub3A_857, %lt3A_861 : vector<16xi32>
      %and3A_863 = arith.andi %ge3A_860, %lt3A_862 : vector<16xi1>
      %or3A_864 = arith.constant 48 : i32
      %or3A_865 = vector.broadcast %or3A_864 : i32 to vector<16xi32>
      %or3A_866 = arith.ori %or3A_865, %iota3A : vector<16xi32>
      %add3A_867 = arith.constant 500352 : i32
      %add3A_868 = vector.broadcast %add3A_867 : i32 to vector<16xi32>
      %add3A_869 = arith.addi %add3A_868, %or3A_866 : vector<16xi32>
      %select_n3A_870 = arith.select %and3A_863, %sub3A_857, %add3A_869 : vector<16xi1>, vector<16xi32>
      %swap3A_871 = arith.index_cast %scan3A_793 : i32 to index
      %swap3A_872 = arith.constant 48 : index
      %swap3A_873 = tpu.vector_load %arg12[%swap3A_871, %swap3A_872] {strides = array<i32>} : memref<50x128xi32, #tpu.memory_space<vmem>>, vector<16xi32>,
      tpu.vector_store %arg12[%swap3A_871, %swap3A_872], %select_n3A_870 {strides = array<i32>} : memref<50x128xi32, #tpu.memory_space<vmem>>, vector<16xi32>,
      %get3A_874 = arith.index_cast %scan3A_793 : i32 to index
      %get3A_875 = arith.constant 64 : index
      %get3A_876 = tpu.vector_load %arg12[%get3A_874, %get3A_875] {strides = array<i32>} : memref<50x128xi32, #tpu.memory_space<vmem>>, vector<16xi32>,
      %sub3A_877 = vector.broadcast %mul3A_156 : i32 to vector<16xi32>
      %sub3A_878 = arith.subi %get3A_876, %sub3A_877 : vector<16xi32>
      %ge3A_879 = arith.constant 0 : i32
      %ge3A_880 = vector.broadcast %ge3A_879 : i32 to vector<16xi32>
      %ge3A_881 = arith.cmpi sge, %sub3A_878, %ge3A_880 : vector<16xi32>
      %lt3A_882 = vector.broadcast %select_n3A_161 : i32 to vector<16xi32>
      %lt3A_883 = arith.cmpi slt, %sub3A_878, %lt3A_882 : vector<16xi32>
      %and3A_884 = arith.andi %ge3A_881, %lt3A_883 : vector<16xi1>
      %or3A_885 = arith.constant 64 : i32
      %or3A_886 = vector.broadcast %or3A_885 : i32 to vector<16xi32>
      %or3A_887 = arith.ori %or3A_886, %iota3A : vector<16xi32>
      %add3A_888 = arith.constant 500352 : i32
      %add3A_889 = vector.broadcast %add3A_888 : i32 to vector<16xi32>
      %add3A_890 = arith.addi %add3A_889, %or3A_887 : vector<16xi32>
      %select_n3A_891 = arith.select %and3A_884, %sub3A_878, %add3A_890 : vector<16xi1>, vector<16xi32>
      %swap3A_892 = arith.index_cast %scan3A_793 : i32 to index
      %swap3A_893 = arith.constant 64 : index
      %swap3A_894 = tpu.vector_load %arg12[%swap3A_892, %swap3A_893] {strides = array<i32>} : memref<50x128xi32, #tpu.memory_space<vmem>>, vector<16xi32>,
      tpu.vector_store %arg12[%swap3A_892, %swap3A_893], %select_n3A_891 {strides = array<i32>} : memref<50x128xi32, #tpu.memory_space<vmem>>, vector<16xi32>,
      %get3A_895 = arith.index_cast %scan3A_793 : i32 to index
      %get3A_896 = arith.constant 80 : index
      %get3A_897 = tpu.vector_load %arg12[%get3A_895, %get3A_896] {strides = array<i32>} : memref<50x128xi32, #tpu.memory_space<vmem>>, vector<16xi32>,
      %sub3A_898 = vector.broadcast %mul3A_156 : i32 to vector<16xi32>
      %sub3A_899 = arith.subi %get3A_897, %sub3A_898 : vector<16xi32>
      %ge3A_900 = arith.constant 0 : i32
      %ge3A_901 = vector.broadcast %ge3A_900 : i32 to vector<16xi32>
      %ge3A_902 = arith.cmpi sge, %sub3A_899, %ge3A_901 : vector<16xi32>
      %lt3A_903 = vector.broadcast %select_n3A_161 : i32 to vector<16xi32>
      %lt3A_904 = arith.cmpi slt, %sub3A_899, %lt3A_903 : vector<16xi32>
      %and3A_905 = arith.andi %ge3A_902, %lt3A_904 : vector<16xi1>
      %or3A_906 = arith.constant 80 : i32
      %or3A_907 = vector.broadcast %or3A_906 : i32 to vector<16xi32>
      %or3A_908 = arith.ori %or3A_907, %iota3A : vector<16xi32>
      %add3A_909 = arith.constant 500352 : i32
      %add3A_910 = vector.broadcast %add3A_909 : i32 to vector<16xi32>
      %add3A_911 = arith.addi %add3A_910, %or3A_908 : vector<16xi32>
      %select_n3A_912 = arith.select %and3A_905, %sub3A_899, %add3A_911 : vector<16xi1>, vector<16xi32>
      %swap3A_913 = arith.index_cast %scan3A_793 : i32 to index
      %swap3A_914 = arith.constant 80 : index
      %swap3A_915 = tpu.vector_load %arg12[%swap3A_913, %swap3A_914] {strides = array<i32>} : memref<50x128xi32, #tpu.memory_space<vmem>>, vector<16xi32>,
      tpu.vector_store %arg12[%swap3A_913, %swap3A_914], %select_n3A_912 {strides = array<i32>} : memref<50x128xi32, #tpu.memory_space<vmem>>, vector<16xi32>,
      %get3A_916 = arith.index_cast %scan3A_793 : i32 to index
      %get3A_917 = arith.constant 96 : index
      %get3A_918 = tpu.vector_load %arg12[%get3A_916, %get3A_917] {strides = array<i32>} : memref<50x128xi32, #tpu.memory_space<vmem>>, vector<16xi32>,
      %sub3A_919 = vector.broadcast %mul3A_156 : i32 to vector<16xi32>
      %sub3A_920 = arith.subi %get3A_918, %sub3A_919 : vector<16xi32>
      %ge3A_921 = arith.constant 0 : i32
      %ge3A_922 = vector.broadcast %ge3A_921 : i32 to vector<16xi32>
      %ge3A_923 = arith.cmpi sge, %sub3A_920, %ge3A_922 : vector<16xi32>
      %lt3A_924 = vector.broadcast %select_n3A_161 : i32 to vector<16xi32>
      %lt3A_925 = arith.cmpi slt, %sub3A_920, %lt3A_924 : vector<16xi32>
      %and3A_926 = arith.andi %ge3A_923, %lt3A_925 : vector<16xi1>
      %or3A_927 = arith.constant 96 : i32
      %or3A_928 = vector.broadcast %or3A_927 : i32 to vector<16xi32>
      %or3A_929 = arith.ori %or3A_928, %iota3A : vector<16xi32>
      %add3A_930 = arith.constant 500352 : i32
      %add3A_931 = vector.broadcast %add3A_930 : i32 to vector<16xi32>
      %add3A_932 = arith.addi %add3A_931, %or3A_929 : vector<16xi32>
      %select_n3A_933 = arith.select %and3A_926, %sub3A_920, %add3A_932 : vector<16xi1>, vector<16xi32>
      %swap3A_934 = arith.index_cast %scan3A_793 : i32 to index
      %swap3A_935 = arith.constant 96 : index
      %swap3A_936 = tpu.vector_load %arg12[%swap3A_934, %swap3A_935] {strides = array<i32>} : memref<50x128xi32, #tpu.memory_space<vmem>>, vector<16xi32>,
      tpu.vector_store %arg12[%swap3A_934, %swap3A_935], %select_n3A_933 {strides = array<i32>} : memref<50x128xi32, #tpu.memory_space<vmem>>, vector<16xi32>,
      %get3A_937 = arith.index_cast %scan3A_793 : i32 to index
      %get3A_938 = arith.constant 112 : index
      %get3A_939 = tpu.vector_load %arg12[%get3A_937, %get3A_938] {strides = array<i32>} : memref<50x128xi32, #tpu.memory_space<vmem>>, vector<16xi32>,
      %sub3A_940 = vector.broadcast %mul3A_156 : i32 to vector<16xi32>
      %sub3A_941 = arith.subi %get3A_939, %sub3A_940 : vector<16xi32>
      %ge3A_942 = arith.constant 0 : i32
      %ge3A_943 = vector.broadcast %ge3A_942 : i32 to vector<16xi32>
      %ge3A_944 = arith.cmpi sge, %sub3A_941, %ge3A_943 : vector<16xi32>
      %lt3A_945 = vector.broadcast %select_n3A_161 : i32 to vector<16xi32>
      %lt3A_946 = arith.cmpi slt, %sub3A_941, %lt3A_945 : vector<16xi32>
      %and3A_947 = arith.andi %ge3A_944, %lt3A_946 : vector<16xi1>
      %or3A_948 = arith.constant 112 : i32
      %or3A_949 = vector.broadcast %or3A_948 : i32 to vector<16xi32>
      %or3A_950 = arith.ori %or3A_949, %iota3A : vector<16xi32>
      %add3A_951 = arith.constant 500352 : i32
      %add3A_952 = vector.broadcast %add3A_951 : i32 to vector<16xi32>
      %add3A_953 = arith.addi %add3A_952, %or3A_950 : vector<16xi32>
      %select_n3A_954 = arith.select %and3A_947, %sub3A_941, %add3A_953 : vector<16xi1>, vector<16xi32>
      %swap3A_955 = arith.index_cast %scan3A_793 : i32 to index
      %swap3A_956 = arith.constant 112 : index
      %swap3A_957 = tpu.vector_load %arg12[%swap3A_955, %swap3A_956] {strides = array<i32>} : memref<50x128xi32, #tpu.memory_space<vmem>>, vector<16xi32>,
      tpu.vector_store %arg12[%swap3A_955, %swap3A_956], %select_n3A_954 {strides = array<i32>} : memref<50x128xi32, #tpu.memory_space<vmem>>, vector<16xi32>,
    }
    %scan3A_207 = arith.constant 50 : i32
    %scan3A_208 = arith.constant 0 : i32
    %scan3A_209 = arith.constant 0 : i32
    %scan3A_210 = arith.constant 50 : i32
    %scan3A_211 = arith.addi %scan3A_209, %scan3A_210 : i32
    %scan3A_212 = arith.constant 1 : i32
    scf.for %scan3A_793 = %scan3A_209 to %scan3A_211 step %scan3A_212  : i32 {
      %dma_start3A_794 = arith.constant 0 : i32
      %dma_start3A_795 = tpu.memref_slice %arg14[%scan3A_793, %dma_start3A_794] : memref<50x128xf32, #tpu.memory_space<vmem>> -> memref<1x128xf32, #tpu.memory_space<vmem>>
      %dma_start3A_796 = tpu.memref_squeeze %dma_start3A_795 : memref<1x128xf32, #tpu.memory_space<vmem>> -> memref<128xf32, #tpu.memory_space<vmem>>
      %dma_start3A_797 = arith.constant 0 : i32
      %dma_start3A_798 = tpu.memref_slice %arg12[%scan3A_793, %dma_start3A_797] : memref<50x128xi32, #tpu.memory_space<vmem>> -> memref<1x128xi32, #tpu.memory_space<vmem>>
      %dma_start3A_799 = tpu.memref_squeeze %dma_start3A_798 : memref<1x128xi32, #tpu.memory_space<vmem>> -> memref<128xi32, #tpu.memory_space<vmem>>
      %dma_start3A_800 = arith.constant 0 : i32
      %dma_start3A_801 = tpu.memref_slice %arg16[%dma_start3A_800] : memref<500480xf32, #tpu.memory_space<vmem_shared>> -> memref<500480xf32, #tpu.memory_space<vmem_shared>>
      tpu.enqueue_indirect_dma source(%dma_start3A_801 : memref<500480xf32, #tpu.memory_space<vmem_shared>>) target(%dma_start3A_796 : memref<128xf32, #tpu.memory_space<vmem>>) offsets(%dma_start3A_799 : memref<128xi32, #tpu.memory_space<vmem>>) semaphore(%arg20 : memref<!tpu.dma_semaphore, #tpu.memory_space<semaphore_mem>>)
    }
    %scan3A_213 = arith.constant 50 : i32
    %add3A_214 = arith.constant 0 : i32
    %add3A_215 = arith.addi %mul3A_185, %add3A_214 : i32
    %scan3A_216 = arith.constant 0 : i32
    %scan3A_217 = arith.constant 0 : i32
    %scan3A_218 = arith.constant 50 : i32
    %scan3A_219 = arith.addi %scan3A_217, %scan3A_218 : i32
    %scan3A_220 = arith.constant 1 : i32
    scf.for %scan3A_793 = %scan3A_217 to %scan3A_219 step %scan3A_220  : i32 {
      %dma_wait3A = arith.constant 0 : i32
      %dma_wait3A_794 = tpu.memref_slice %arg13[%scan3A_793, %dma_wait3A] : memref<50x128xf32, #tpu.memory_space<vmem>> -> memref<1x128xf32, #tpu.memory_space<vmem>>
      %dma_wait3A_795 = tpu.memref_squeeze %dma_wait3A_794 : memref<1x128xf32, #tpu.memory_space<vmem>> -> memref<128xf32, #tpu.memory_space<vmem>>
      %dma_wait3A_796 = arith.constant 0 : i32
      %dma_wait3A_797 = tpu.memref_slice %arg11[%scan3A_793, %dma_wait3A_796] : memref<50x128xi32, #tpu.memory_space<vmem>> -> memref<1x128xi32, #tpu.memory_space<vmem>>
      %dma_wait3A_798 = tpu.memref_squeeze %dma_wait3A_797 : memref<1x128xi32, #tpu.memory_space<vmem>> -> memref<128xi32, #tpu.memory_space<vmem>>
      %dma_wait3A_799 = arith.constant 0 : i32
      %dma_wait3A_800 = tpu.memref_slice %arg16[%dma_wait3A_799] : memref<500480xf32, #tpu.memory_space<vmem_shared>> -> memref<500480xf32, #tpu.memory_space<vmem_shared>>
      tpu.wait_indirect_dma semaphore(%arg19 : memref<!tpu.dma_semaphore, #tpu.memory_space<semaphore_mem>>) src(%dma_wait3A_800 : memref<500480xf32, #tpu.memory_space<vmem_shared>>) dst(%dma_wait3A_795 : memref<128xf32, #tpu.memory_space<vmem>>)
    }
    %scan3A_221 = arith.constant 50 : i32
    %get3A_222 = arith.constant 0 : i32
    %get3A_223 = arith.index_cast %get3A_222 : i32 to index
    %get3A_224 = arith.constant 0 : index
    %get3A_225 = tpu.vector_load %arg13[%get3A_223, %get3A_224] {strides = array<i32>} : memref<50x128xf32, #tpu.memory_space<vmem>>, vector<16xf32>,
    %get3A_226 = arith.constant 0 : i32
    %get3A_227 = arith.index_cast %get3A_226 : i32 to index
    %get3A_228 = arith.constant 16 : index
    %get3A_229 = tpu.vector_load %arg13[%get3A_227, %get3A_228] {strides = array<i32>} : memref<50x128xf32, #tpu.memory_space<vmem>>, vector<16xf32>,
    %get3A_230 = arith.constant 0 : i32
    %get3A_231 = arith.index_cast %get3A_230 : i32 to index
    %get3A_232 = arith.constant 32 : index
    %get3A_233 = tpu.vector_load %arg13[%get3A_231, %get3A_232] {strides = array<i32>} : memref<50x128xf32, #tpu.memory_space<vmem>>, vector<16xf32>,
    %get3A_234 = arith.constant 0 : i32
    %get3A_235 = arith.index_cast %get3A_234 : i32 to index
    %get3A_236 = arith.constant 48 : index
    %get3A_237 = tpu.vector_load %arg13[%get3A_235, %get3A_236] {strides = array<i32>} : memref<50x128xf32, #tpu.memory_space<vmem>>, vector<16xf32>,
    %get3A_238 = arith.constant 0 : i32
    %get3A_239 = arith.index_cast %get3A_238 : i32 to index
    %get3A_240 = arith.constant 64 : index
    %get3A_241 = tpu.vector_load %arg13[%get3A_239, %get3A_240] {strides = array<i32>} : memref<50x128xf32, #tpu.memory_space<vmem>>, vector<16xf32>,
    %get3A_242 = arith.constant 0 : i32
    %get3A_243 = arith.index_cast %get3A_242 : i32 to index
    %get3A_244 = arith.constant 80 : index
    %get3A_245 = tpu.vector_load %arg13[%get3A_243, %get3A_244] {strides = array<i32>} : memref<50x128xf32, #tpu.memory_space<vmem>>, vector<16xf32>,
    %get3A_246 = arith.constant 0 : i32
    %get3A_247 = arith.index_cast %get3A_246 : i32 to index
    %get3A_248 = arith.constant 96 : index
    %get3A_249 = tpu.vector_load %arg13[%get3A_247, %get3A_248] {strides = array<i32>} : memref<50x128xf32, #tpu.memory_space<vmem>>, vector<16xf32>,
    %get3A_250 = arith.constant 0 : i32
    %get3A_251 = arith.index_cast %get3A_250 : i32 to index
    %get3A_252 = arith.constant 112 : index
    %get3A_253 = tpu.vector_load %arg13[%get3A_251, %get3A_252] {strides = array<i32>} : memref<50x128xf32, #tpu.memory_space<vmem>>, vector<16xf32>,
    %scan3A_254 = arith.constant 1 : i32
    %scan3A_255 = arith.constant 49 : i32
    %scan3A_256 = arith.addi %scan3A_254, %scan3A_255 : i32
    %scan3A_257 = arith.constant 1 : i32
    %scan3A_258:8 = scf.for %scan3A_793 = %scan3A_254 to %scan3A_256 step %scan3A_257 iter_args(%scan3A_794 = %get3A_225, %scan3A_795 = %get3A_229, %scan3A_796 = %get3A_233, %scan3A_797 = %get3A_237, %scan3A_798 = %get3A_241, %scan3A_799 = %get3A_245, %scan3A_800 = %get3A_249, %scan3A_801 = %get3A_253) -> (vector<16xf32>, vector<16xf32>, vector<16xf32>, vector<16xf32>, vector<16xf32>, vector<16xf32>, vector<16xf32>, vector<16xf32>)  : i32 {
      %get3A_802 = arith.index_cast %scan3A_793 : i32 to index
      %get3A_803 = arith.constant 0 : index
      %get3A_804 = tpu.vector_load %arg13[%get3A_802, %get3A_803] {strides = array<i32>} : memref<50x128xf32, #tpu.memory_space<vmem>>, vector<16xf32>,
      %add3A_805 = arith.addf %scan3A_794, %get3A_804 : vector<16xf32>
      %get3A_806 = arith.index_cast %scan3A_793 : i32 to index
      %get3A_807 = arith.constant 16 : index
      %get3A_808 = tpu.vector_load %arg13[%get3A_806, %get3A_807] {strides = array<i32>} : memref<50x128xf32, #tpu.memory_space<vmem>>, vector<16xf32>,
      %add3A_809 = arith.addf %scan3A_795, %get3A_808 : vector<16xf32>
      %get3A_810 = arith.index_cast %scan3A_793 : i32 to index
      %get3A_811 = arith.constant 32 : index
      %get3A_812 = tpu.vector_load %arg13[%get3A_810, %get3A_811] {strides = array<i32>} : memref<50x128xf32, #tpu.memory_space<vmem>>, vector<16xf32>,
      %add3A_813 = arith.addf %scan3A_796, %get3A_812 : vector<16xf32>
      %get3A_814 = arith.index_cast %scan3A_793 : i32 to index
      %get3A_815 = arith.constant 48 : index
      %get3A_816 = tpu.vector_load %arg13[%get3A_814, %get3A_815] {strides = array<i32>} : memref<50x128xf32, #tpu.memory_space<vmem>>, vector<16xf32>,
      %add3A_817 = arith.addf %scan3A_797, %get3A_816 : vector<16xf32>
      %get3A_818 = arith.index_cast %scan3A_793 : i32 to index
      %get3A_819 = arith.constant 64 : index
      %get3A_820 = tpu.vector_load %arg13[%get3A_818, %get3A_819] {strides = array<i32>} : memref<50x128xf32, #tpu.memory_space<vmem>>, vector<16xf32>,
      %add3A_821 = arith.addf %scan3A_798, %get3A_820 : vector<16xf32>
      %get3A_822 = arith.index_cast %scan3A_793 : i32 to index
      %get3A_823 = arith.constant 80 : index
      %get3A_824 = tpu.vector_load %arg13[%get3A_822, %get3A_823] {strides = array<i32>} : memref<50x128xf32, #tpu.memory_space<vmem>>, vector<16xf32>,
      %add3A_825 = arith.addf %scan3A_799, %get3A_824 : vector<16xf32>
      %get3A_826 = arith.index_cast %scan3A_793 : i32 to index
      %get3A_827 = arith.constant 96 : index
      %get3A_828 = tpu.vector_load %arg13[%get3A_826, %get3A_827] {strides = array<i32>} : memref<50x128xf32, #tpu.memory_space<vmem>>, vector<16xf32>,
      %add3A_829 = arith.addf %scan3A_800, %get3A_828 : vector<16xf32>
      %get3A_830 = arith.index_cast %scan3A_793 : i32 to index
      %get3A_831 = arith.constant 112 : index
      %get3A_832 = tpu.vector_load %arg13[%get3A_830, %get3A_831] {strides = array<i32>} : memref<50x128xf32, #tpu.memory_space<vmem>>, vector<16xf32>,
      %add3A_833 = arith.addf %scan3A_801, %get3A_832 : vector<16xf32>
      scf.yield %add3A_805, %add3A_809, %add3A_813, %add3A_817, %add3A_821, %add3A_825, %add3A_829, %add3A_833 : vector<16xf32>, vector<16xf32>, vector<16xf32>, vector<16xf32>, vector<16xf32>, vector<16xf32>, vector<16xf32>, vector<16xf32>
    }
    %scan3A_259 = arith.constant 49 : i32
    %swap3A = arith.constant 0 : index
    %swap3A_260 = tpu.vector_load %arg15[%swap3A] {strides = array<i32>} : memref<128xf32, #tpu.memory_space<vmem>>, vector<16xf32>,
    tpu.vector_store %arg15[%swap3A], %scan3A_258#0 {strides = array<i32>} : memref<128xf32, #tpu.memory_space<vmem>>, vector<16xf32>,
    %swap3A_261 = arith.constant 16 : index
    %swap3A_262 = tpu.vector_load %arg15[%swap3A_261] {strides = array<i32>} : memref<128xf32, #tpu.memory_space<vmem>>, vector<16xf32>,
    tpu.vector_store %arg15[%swap3A_261], %scan3A_258#1 {strides = array<i32>} : memref<128xf32, #tpu.memory_space<vmem>>, vector<16xf32>,
    %swap3A_263 = arith.constant 32 : index
    %swap3A_264 = tpu.vector_load %arg15[%swap3A_263] {strides = array<i32>} : memref<128xf32, #tpu.memory_space<vmem>>, vector<16xf32>,
    tpu.vector_store %arg15[%swap3A_263], %scan3A_258#2 {strides = array<i32>} : memref<128xf32, #tpu.memory_space<vmem>>, vector<16xf32>,
    %swap3A_265 = arith.constant 48 : index
    %swap3A_266 = tpu.vector_load %arg15[%swap3A_265] {strides = array<i32>} : memref<128xf32, #tpu.memory_space<vmem>>, vector<16xf32>,
    tpu.vector_store %arg15[%swap3A_265], %scan3A_258#3 {strides = array<i32>} : memref<128xf32, #tpu.memory_space<vmem>>, vector<16xf32>,
    %swap3A_267 = arith.constant 64 : index
    %swap3A_268 = tpu.vector_load %arg15[%swap3A_267] {strides = array<i32>} : memref<128xf32, #tpu.memory_space<vmem>>, vector<16xf32>,
    tpu.vector_store %arg15[%swap3A_267], %scan3A_258#4 {strides = array<i32>} : memref<128xf32, #tpu.memory_space<vmem>>, vector<16xf32>,
    %swap3A_269 = arith.constant 80 : index
    %swap3A_270 = tpu.vector_load %arg15[%swap3A_269] {strides = array<i32>} : memref<128xf32, #tpu.memory_space<vmem>>, vector<16xf32>,
    tpu.vector_store %arg15[%swap3A_269], %scan3A_258#5 {strides = array<i32>} : memref<128xf32, #tpu.memory_space<vmem>>, vector<16xf32>,
    %swap3A_271 = arith.constant 96 : index
    %swap3A_272 = tpu.vector_load %arg15[%swap3A_271] {strides = array<i32>} : memref<128xf32, #tpu.memory_space<vmem>>, vector<16xf32>,
    tpu.vector_store %arg15[%swap3A_271], %scan3A_258#6 {strides = array<i32>} : memref<128xf32, #tpu.memory_space<vmem>>, vector<16xf32>,
    %swap3A_273 = arith.constant 112 : index
    %swap3A_274 = tpu.vector_load %arg15[%swap3A_273] {strides = array<i32>} : memref<128xf32, #tpu.memory_space<vmem>>, vector<16xf32>,
    tpu.vector_store %arg15[%swap3A_273], %scan3A_258#7 {strides = array<i32>} : memref<128xf32, #tpu.memory_space<vmem>>, vector<16xf32>,
    "tpu.region"() ({
      %run_scoped3A = tpu.sem_alloc : memref<!tpu.dma_semaphore, #tpu.memory_space<semaphore_mem>>
      %dma_start3A_793 = tpu.memref_slice %arg6[%arg0, %add3A_215] : memref<2x16384xf32, #tpu.memory_space<hbm>> -> memref<1x128xf32, #tpu.memory_space<hbm>>
      %dma_start3A_794 = tpu.memref_squeeze %dma_start3A_793 : memref<1x128xf32, #tpu.memory_space<hbm>> -> memref<128xf32, #tpu.memory_space<hbm>>
      %dma_start3A_795 = tpu.memref_slice %arg6[%arg0, %add3A_215] : memref<2x16384xf32, #tpu.memory_space<hbm>> -> memref<1x128xf32, #tpu.memory_space<hbm>>
      %dma_start3A_796 = tpu.memref_squeeze %dma_start3A_795 : memref<1x128xf32, #tpu.memory_space<hbm>> -> memref<128xf32, #tpu.memory_space<hbm>>
      tpu.enqueue_dma source(%arg15 : memref<128xf32, #tpu.memory_space<vmem>>) target(%dma_start3A_796 : memref<128xf32, #tpu.memory_space<hbm>>) target_semaphore(%run_scoped3A : memref<!tpu.dma_semaphore, #tpu.memory_space<semaphore_mem>>)
      %dma_wait3A = tpu.memref_slice %arg6[%arg0, %add3A_215] : memref<2x16384xf32, #tpu.memory_space<hbm>> -> memref<1x128xf32, #tpu.memory_space<hbm>>
      %dma_wait3A_797 = tpu.memref_squeeze %dma_wait3A : memref<1x128xf32, #tpu.memory_space<hbm>> -> memref<128xf32, #tpu.memory_space<hbm>>
      %dma_wait3A_798 = tpu.memref_slice %arg6[%arg0, %add3A_215] : memref<2x16384xf32, #tpu.memory_space<hbm>> -> memref<1x128xf32, #tpu.memory_space<hbm>>
      %dma_wait3A_799 = tpu.memref_squeeze %dma_wait3A_798 : memref<1x128xf32, #tpu.memory_space<hbm>> -> memref<128xf32, #tpu.memory_space<hbm>>
      tpu.wait_dma2 semaphore(%run_scoped3A : memref<!tpu.dma_semaphore, #tpu.memory_space<semaphore_mem>>) src(%arg15 : memref<128xf32, #tpu.memory_space<vmem>>) dst(%dma_wait3A_799 : memref<128xf32, #tpu.memory_space<hbm>>)
      tpu.yield
    }) : () -> ()
    %add3A_275 = arith.constant 256 : i32
    %add3A_276 = arith.addi %mul3A_185, %add3A_275 : i32
    "tpu.region"() ({
      %run_scoped3A = tpu.sem_alloc : memref<!tpu.dma_semaphore, #tpu.memory_space<semaphore_mem>>
      %dma_start3A_793 = arith.constant 0 : i32
      %dma_start3A_794 = tpu.memref_slice %arg4[%dma_start3A_793, %add3A_276] : memref<50x16384xi32, #tpu.memory_space<hbm>> -> memref<50x128xi32, #tpu.memory_space<hbm>>
      %dma_start3A_795 = arith.constant 0 : i32
      %dma_start3A_796 = tpu.memref_slice %arg4[%dma_start3A_795, %add3A_276] : memref<50x16384xi32, #tpu.memory_space<hbm>> -> memref<50x128xi32, #tpu.memory_space<hbm>>
      tpu.enqueue_dma source(%dma_start3A_796 : memref<50x128xi32, #tpu.memory_space<hbm>>) target(%arg11 : memref<50x128xi32, #tpu.memory_space<vmem>>) target_semaphore(%run_scoped3A : memref<!tpu.dma_semaphore, #tpu.memory_space<semaphore_mem>>)
      %dma_wait3A = arith.constant 0 : i32
      %dma_wait3A_797 = tpu.memref_slice %arg4[%dma_wait3A, %add3A_276] : memref<50x16384xi32, #tpu.memory_space<hbm>> -> memref<50x128xi32, #tpu.memory_space<hbm>>
      %dma_wait3A_798 = arith.constant 0 : i32
      %dma_wait3A_799 = tpu.memref_slice %arg4[%dma_wait3A_798, %add3A_276] : memref<50x16384xi32, #tpu.memory_space<hbm>> -> memref<50x128xi32, #tpu.memory_space<hbm>>
      tpu.wait_dma2 semaphore(%run_scoped3A : memref<!tpu.dma_semaphore, #tpu.memory_space<semaphore_mem>>) src(%dma_wait3A_799 : memref<50x128xi32, #tpu.memory_space<hbm>>) dst(%arg11 : memref<50x128xi32, #tpu.memory_space<vmem>>)
      tpu.yield
    }) : () -> ()
    %scan3A_277 = arith.constant 0 : i32
    %scan3A_278 = arith.constant 0 : i32
    %scan3A_279 = arith.constant 50 : i32
    %scan3A_280 = arith.addi %scan3A_278, %scan3A_279 : i32
    %scan3A_281 = arith.constant 1 : i32
    scf.for %scan3A_793 = %scan3A_278 to %scan3A_280 step %scan3A_281  : i32 {
      %get3A_794 = arith.index_cast %scan3A_793 : i32 to index
      %get3A_795 = arith.constant 0 : index
      %get3A_796 = tpu.vector_load %arg11[%get3A_794, %get3A_795] {strides = array<i32>} : memref<50x128xi32, #tpu.memory_space<vmem>>, vector<16xi32>,
      %sub3A = vector.broadcast %mul3A_156 : i32 to vector<16xi32>
      %sub3A_797 = arith.subi %get3A_796, %sub3A : vector<16xi32>
      %ge3A = arith.constant 0 : i32
      %ge3A_798 = vector.broadcast %ge3A : i32 to vector<16xi32>
      %ge3A_799 = arith.cmpi sge, %sub3A_797, %ge3A_798 : vector<16xi32>
      %lt3A = vector.broadcast %select_n3A_161 : i32 to vector<16xi32>
      %lt3A_800 = arith.cmpi slt, %sub3A_797, %lt3A : vector<16xi32>
      %and3A_801 = arith.andi %ge3A_799, %lt3A_800 : vector<16xi1>
      %or3A = arith.constant 0 : i32
      %or3A_802 = vector.broadcast %or3A : i32 to vector<16xi32>
      %or3A_803 = arith.ori %or3A_802, %iota3A : vector<16xi32>
      %add3A_804 = arith.constant 500352 : i32
      %add3A_805 = vector.broadcast %add3A_804 : i32 to vector<16xi32>
      %add3A_806 = arith.addi %add3A_805, %or3A_803 : vector<16xi32>
      %select_n3A_807 = arith.select %and3A_801, %sub3A_797, %add3A_806 : vector<16xi1>, vector<16xi32>
      %swap3A_808 = arith.index_cast %scan3A_793 : i32 to index
      %swap3A_809 = arith.constant 0 : index
      %swap3A_810 = tpu.vector_load %arg11[%swap3A_808, %swap3A_809] {strides = array<i32>} : memref<50x128xi32, #tpu.memory_space<vmem>>, vector<16xi32>,
      tpu.vector_store %arg11[%swap3A_808, %swap3A_809], %select_n3A_807 {strides = array<i32>} : memref<50x128xi32, #tpu.memory_space<vmem>>, vector<16xi32>,
      %get3A_811 = arith.index_cast %scan3A_793 : i32 to index
      %get3A_812 = arith.constant 16 : index
      %get3A_813 = tpu.vector_load %arg11[%get3A_811, %get3A_812] {strides = array<i32>} : memref<50x128xi32, #tpu.memory_space<vmem>>, vector<16xi32>,
      %sub3A_814 = vector.broadcast %mul3A_156 : i32 to vector<16xi32>
      %sub3A_815 = arith.subi %get3A_813, %sub3A_814 : vector<16xi32>
      %ge3A_816 = arith.constant 0 : i32
      %ge3A_817 = vector.broadcast %ge3A_816 : i32 to vector<16xi32>
      %ge3A_818 = arith.cmpi sge, %sub3A_815, %ge3A_817 : vector<16xi32>
      %lt3A_819 = vector.broadcast %select_n3A_161 : i32 to vector<16xi32>
      %lt3A_820 = arith.cmpi slt, %sub3A_815, %lt3A_819 : vector<16xi32>
      %and3A_821 = arith.andi %ge3A_818, %lt3A_820 : vector<16xi1>
      %or3A_822 = arith.constant 16 : i32
      %or3A_823 = vector.broadcast %or3A_822 : i32 to vector<16xi32>
      %or3A_824 = arith.ori %or3A_823, %iota3A : vector<16xi32>
      %add3A_825 = arith.constant 500352 : i32
      %add3A_826 = vector.broadcast %add3A_825 : i32 to vector<16xi32>
      %add3A_827 = arith.addi %add3A_826, %or3A_824 : vector<16xi32>
      %select_n3A_828 = arith.select %and3A_821, %sub3A_815, %add3A_827 : vector<16xi1>, vector<16xi32>
      %swap3A_829 = arith.index_cast %scan3A_793 : i32 to index
      %swap3A_830 = arith.constant 16 : index
      %swap3A_831 = tpu.vector_load %arg11[%swap3A_829, %swap3A_830] {strides = array<i32>} : memref<50x128xi32, #tpu.memory_space<vmem>>, vector<16xi32>,
      tpu.vector_store %arg11[%swap3A_829, %swap3A_830], %select_n3A_828 {strides = array<i32>} : memref<50x128xi32, #tpu.memory_space<vmem>>, vector<16xi32>,
      %get3A_832 = arith.index_cast %scan3A_793 : i32 to index
      %get3A_833 = arith.constant 32 : index
      %get3A_834 = tpu.vector_load %arg11[%get3A_832, %get3A_833] {strides = array<i32>} : memref<50x128xi32, #tpu.memory_space<vmem>>, vector<16xi32>,
      %sub3A_835 = vector.broadcast %mul3A_156 : i32 to vector<16xi32>
      %sub3A_836 = arith.subi %get3A_834, %sub3A_835 : vector<16xi32>
      %ge3A_837 = arith.constant 0 : i32
      %ge3A_838 = vector.broadcast %ge3A_837 : i32 to vector<16xi32>
      %ge3A_839 = arith.cmpi sge, %sub3A_836, %ge3A_838 : vector<16xi32>
      %lt3A_840 = vector.broadcast %select_n3A_161 : i32 to vector<16xi32>
      %lt3A_841 = arith.cmpi slt, %sub3A_836, %lt3A_840 : vector<16xi32>
      %and3A_842 = arith.andi %ge3A_839, %lt3A_841 : vector<16xi1>
      %or3A_843 = arith.constant 32 : i32
      %or3A_844 = vector.broadcast %or3A_843 : i32 to vector<16xi32>
      %or3A_845 = arith.ori %or3A_844, %iota3A : vector<16xi32>
      %add3A_846 = arith.constant 500352 : i32
      %add3A_847 = vector.broadcast %add3A_846 : i32 to vector<16xi32>
      %add3A_848 = arith.addi %add3A_847, %or3A_845 : vector<16xi32>
      %select_n3A_849 = arith.select %and3A_842, %sub3A_836, %add3A_848 : vector<16xi1>, vector<16xi32>
      %swap3A_850 = arith.index_cast %scan3A_793 : i32 to index
      %swap3A_851 = arith.constant 32 : index
      %swap3A_852 = tpu.vector_load %arg11[%swap3A_850, %swap3A_851] {strides = array<i32>} : memref<50x128xi32, #tpu.memory_space<vmem>>, vector<16xi32>,
      tpu.vector_store %arg11[%swap3A_850, %swap3A_851], %select_n3A_849 {strides = array<i32>} : memref<50x128xi32, #tpu.memory_space<vmem>>, vector<16xi32>,
      %get3A_853 = arith.index_cast %scan3A_793 : i32 to index
      %get3A_854 = arith.constant 48 : index
      %get3A_855 = tpu.vector_load %arg11[%get3A_853, %get3A_854] {strides = array<i32>} : memref<50x128xi32, #tpu.memory_space<vmem>>, vector<16xi32>,
      %sub3A_856 = vector.broadcast %mul3A_156 : i32 to vector<16xi32>
      %sub3A_857 = arith.subi %get3A_855, %sub3A_856 : vector<16xi32>
      %ge3A_858 = arith.constant 0 : i32
      %ge3A_859 = vector.broadcast %ge3A_858 : i32 to vector<16xi32>
      %ge3A_860 = arith.cmpi sge, %sub3A_857, %ge3A_859 : vector<16xi32>
      %lt3A_861 = vector.broadcast %select_n3A_161 : i32 to vector<16xi32>
      %lt3A_862 = arith.cmpi slt, %sub3A_857, %lt3A_861 : vector<16xi32>
      %and3A_863 = arith.andi %ge3A_860, %lt3A_862 : vector<16xi1>
      %or3A_864 = arith.constant 48 : i32
      %or3A_865 = vector.broadcast %or3A_864 : i32 to vector<16xi32>
      %or3A_866 = arith.ori %or3A_865, %iota3A : vector<16xi32>
      %add3A_867 = arith.constant 500352 : i32
      %add3A_868 = vector.broadcast %add3A_867 : i32 to vector<16xi32>
      %add3A_869 = arith.addi %add3A_868, %or3A_866 : vector<16xi32>
      %select_n3A_870 = arith.select %and3A_863, %sub3A_857, %add3A_869 : vector<16xi1>, vector<16xi32>
      %swap3A_871 = arith.index_cast %scan3A_793 : i32 to index
      %swap3A_872 = arith.constant 48 : index
      %swap3A_873 = tpu.vector_load %arg11[%swap3A_871, %swap3A_872] {strides = array<i32>} : memref<50x128xi32, #tpu.memory_space<vmem>>, vector<16xi32>,
      tpu.vector_store %arg11[%swap3A_871, %swap3A_872], %select_n3A_870 {strides = array<i32>} : memref<50x128xi32, #tpu.memory_space<vmem>>, vector<16xi32>,
      %get3A_874 = arith.index_cast %scan3A_793 : i32 to index
      %get3A_875 = arith.constant 64 : index
      %get3A_876 = tpu.vector_load %arg11[%get3A_874, %get3A_875] {strides = array<i32>} : memref<50x128xi32, #tpu.memory_space<vmem>>, vector<16xi32>,
      %sub3A_877 = vector.broadcast %mul3A_156 : i32 to vector<16xi32>
      %sub3A_878 = arith.subi %get3A_876, %sub3A_877 : vector<16xi32>
      %ge3A_879 = arith.constant 0 : i32
      %ge3A_880 = vector.broadcast %ge3A_879 : i32 to vector<16xi32>
      %ge3A_881 = arith.cmpi sge, %sub3A_878, %ge3A_880 : vector<16xi32>
      %lt3A_882 = vector.broadcast %select_n3A_161 : i32 to vector<16xi32>
      %lt3A_883 = arith.cmpi slt, %sub3A_878, %lt3A_882 : vector<16xi32>
      %and3A_884 = arith.andi %ge3A_881, %lt3A_883 : vector<16xi1>
      %or3A_885 = arith.constant 64 : i32
      %or3A_886 = vector.broadcast %or3A_885 : i32 to vector<16xi32>
      %or3A_887 = arith.ori %or3A_886, %iota3A : vector<16xi32>
      %add3A_888 = arith.constant 500352 : i32
      %add3A_889 = vector.broadcast %add3A_888 : i32 to vector<16xi32>
      %add3A_890 = arith.addi %add3A_889, %or3A_887 : vector<16xi32>
      %select_n3A_891 = arith.select %and3A_884, %sub3A_878, %add3A_890 : vector<16xi1>, vector<16xi32>
      %swap3A_892 = arith.index_cast %scan3A_793 : i32 to index
      %swap3A_893 = arith.constant 64 : index
      %swap3A_894 = tpu.vector_load %arg11[%swap3A_892, %swap3A_893] {strides = array<i32>} : memref<50x128xi32, #tpu.memory_space<vmem>>, vector<16xi32>,
      tpu.vector_store %arg11[%swap3A_892, %swap3A_893], %select_n3A_891 {strides = array<i32>} : memref<50x128xi32, #tpu.memory_space<vmem>>, vector<16xi32>,
      %get3A_895 = arith.index_cast %scan3A_793 : i32 to index
      %get3A_896 = arith.constant 80 : index
      %get3A_897 = tpu.vector_load %arg11[%get3A_895, %get3A_896] {strides = array<i32>} : memref<50x128xi32, #tpu.memory_space<vmem>>, vector<16xi32>,
      %sub3A_898 = vector.broadcast %mul3A_156 : i32 to vector<16xi32>
      %sub3A_899 = arith.subi %get3A_897, %sub3A_898 : vector<16xi32>
      %ge3A_900 = arith.constant 0 : i32
      %ge3A_901 = vector.broadcast %ge3A_900 : i32 to vector<16xi32>
      %ge3A_902 = arith.cmpi sge, %sub3A_899, %ge3A_901 : vector<16xi32>
      %lt3A_903 = vector.broadcast %select_n3A_161 : i32 to vector<16xi32>
      %lt3A_904 = arith.cmpi slt, %sub3A_899, %lt3A_903 : vector<16xi32>
      %and3A_905 = arith.andi %ge3A_902, %lt3A_904 : vector<16xi1>
      %or3A_906 = arith.constant 80 : i32
      %or3A_907 = vector.broadcast %or3A_906 : i32 to vector<16xi32>
      %or3A_908 = arith.ori %or3A_907, %iota3A : vector<16xi32>
      %add3A_909 = arith.constant 500352 : i32
      %add3A_910 = vector.broadcast %add3A_909 : i32 to vector<16xi32>
      %add3A_911 = arith.addi %add3A_910, %or3A_908 : vector<16xi32>
      %select_n3A_912 = arith.select %and3A_905, %sub3A_899, %add3A_911 : vector<16xi1>, vector<16xi32>
      %swap3A_913 = arith.index_cast %scan3A_793 : i32 to index
      %swap3A_914 = arith.constant 80 : index
      %swap3A_915 = tpu.vector_load %arg11[%swap3A_913, %swap3A_914] {strides = array<i32>} : memref<50x128xi32, #tpu.memory_space<vmem>>, vector<16xi32>,
      tpu.vector_store %arg11[%swap3A_913, %swap3A_914], %select_n3A_912 {strides = array<i32>} : memref<50x128xi32, #tpu.memory_space<vmem>>, vector<16xi32>,
      %get3A_916 = arith.index_cast %scan3A_793 : i32 to index
      %get3A_917 = arith.constant 96 : index
      %get3A_918 = tpu.vector_load %arg11[%get3A_916, %get3A_917] {strides = array<i32>} : memref<50x128xi32, #tpu.memory_space<vmem>>, vector<16xi32>,
      %sub3A_919 = vector.broadcast %mul3A_156 : i32 to vector<16xi32>
      %sub3A_920 = arith.subi %get3A_918, %sub3A_919 : vector<16xi32>
      %ge3A_921 = arith.constant 0 : i32
      %ge3A_922 = vector.broadcast %ge3A_921 : i32 to vector<16xi32>
      %ge3A_923 = arith.cmpi sge, %sub3A_920, %ge3A_922 : vector<16xi32>
      %lt3A_924 = vector.broadcast %select_n3A_161 : i32 to vector<16xi32>
      %lt3A_925 = arith.cmpi slt, %sub3A_920, %lt3A_924 : vector<16xi32>
      %and3A_926 = arith.andi %ge3A_923, %lt3A_925 : vector<16xi1>
      %or3A_927 = arith.constant 96 : i32
      %or3A_928 = vector.broadcast %or3A_927 : i32 to vector<16xi32>
      %or3A_929 = arith.ori %or3A_928, %iota3A : vector<16xi32>
      %add3A_930 = arith.constant 500352 : i32
      %add3A_931 = vector.broadcast %add3A_930 : i32 to vector<16xi32>
      %add3A_932 = arith.addi %add3A_931, %or3A_929 : vector<16xi32>
      %select_n3A_933 = arith.select %and3A_926, %sub3A_920, %add3A_932 : vector<16xi1>, vector<16xi32>
      %swap3A_934 = arith.index_cast %scan3A_793 : i32 to index
      %swap3A_935 = arith.constant 96 : index
      %swap3A_936 = tpu.vector_load %arg11[%swap3A_934, %swap3A_935] {strides = array<i32>} : memref<50x128xi32, #tpu.memory_space<vmem>>, vector<16xi32>,
      tpu.vector_store %arg11[%swap3A_934, %swap3A_935], %select_n3A_933 {strides = array<i32>} : memref<50x128xi32, #tpu.memory_space<vmem>>, vector<16xi32>,
      %get3A_937 = arith.index_cast %scan3A_793 : i32 to index
      %get3A_938 = arith.constant 112 : index
      %get3A_939 = tpu.vector_load %arg11[%get3A_937, %get3A_938] {strides = array<i32>} : memref<50x128xi32, #tpu.memory_space<vmem>>, vector<16xi32>,
      %sub3A_940 = vector.broadcast %mul3A_156 : i32 to vector<16xi32>
      %sub3A_941 = arith.subi %get3A_939, %sub3A_940 : vector<16xi32>
      %ge3A_942 = arith.constant 0 : i32
      %ge3A_943 = vector.broadcast %ge3A_942 : i32 to vector<16xi32>
      %ge3A_944 = arith.cmpi sge, %sub3A_941, %ge3A_943 : vector<16xi32>
      %lt3A_945 = vector.broadcast %select_n3A_161 : i32 to vector<16xi32>
      %lt3A_946 = arith.cmpi slt, %sub3A_941, %lt3A_945 : vector<16xi32>
      %and3A_947 = arith.andi %ge3A_944, %lt3A_946 : vector<16xi1>
      %or3A_948 = arith.constant 112 : i32
      %or3A_949 = vector.broadcast %or3A_948 : i32 to vector<16xi32>
      %or3A_950 = arith.ori %or3A_949, %iota3A : vector<16xi32>
      %add3A_951 = arith.constant 500352 : i32
      %add3A_952 = vector.broadcast %add3A_951 : i32 to vector<16xi32>
      %add3A_953 = arith.addi %add3A_952, %or3A_950 : vector<16xi32>
      %select_n3A_954 = arith.select %and3A_947, %sub3A_941, %add3A_953 : vector<16xi1>, vector<16xi32>
      %swap3A_955 = arith.index_cast %scan3A_793 : i32 to index
      %swap3A_956 = arith.constant 112 : index
      %swap3A_957 = tpu.vector_load %arg11[%swap3A_955, %swap3A_956] {strides = array<i32>} : memref<50x128xi32, #tpu.memory_space<vmem>>, vector<16xi32>,
      tpu.vector_store %arg11[%swap3A_955, %swap3A_956], %select_n3A_954 {strides = array<i32>} : memref<50x128xi32, #tpu.memory_space<vmem>>, vector<16xi32>,
    }
    %scan3A_282 = arith.constant 50 : i32
    %scan3A_283 = arith.constant 0 : i32
    %scan3A_284 = arith.constant 0 : i32
    %scan3A_285 = arith.constant 50 : i32
    %scan3A_286 = arith.addi %scan3A_284, %scan3A_285 : i32
    %scan3A_287 = arith.constant 1 : i32
    scf.for %scan3A_793 = %scan3A_284 to %scan3A_286 step %scan3A_287  : i32 {
      %dma_start3A_794 = arith.constant 0 : i32
      %dma_start3A_795 = tpu.memref_slice %arg13[%scan3A_793, %dma_start3A_794] : memref<50x128xf32, #tpu.memory_space<vmem>> -> memref<1x128xf32, #tpu.memory_space<vmem>>
      %dma_start3A_796 = tpu.memref_squeeze %dma_start3A_795 : memref<1x128xf32, #tpu.memory_space<vmem>> -> memref<128xf32, #tpu.memory_space<vmem>>
      %dma_start3A_797 = arith.constant 0 : i32
      %dma_start3A_798 = tpu.memref_slice %arg11[%scan3A_793, %dma_start3A_797] : memref<50x128xi32, #tpu.memory_space<vmem>> -> memref<1x128xi32, #tpu.memory_space<vmem>>
      %dma_start3A_799 = tpu.memref_squeeze %dma_start3A_798 : memref<1x128xi32, #tpu.memory_space<vmem>> -> memref<128xi32, #tpu.memory_space<vmem>>
      %dma_start3A_800 = arith.constant 0 : i32
      %dma_start3A_801 = tpu.memref_slice %arg16[%dma_start3A_800] : memref<500480xf32, #tpu.memory_space<vmem_shared>> -> memref<500480xf32, #tpu.memory_space<vmem_shared>>
      tpu.enqueue_indirect_dma source(%dma_start3A_801 : memref<500480xf32, #tpu.memory_space<vmem_shared>>) target(%dma_start3A_796 : memref<128xf32, #tpu.memory_space<vmem>>) offsets(%dma_start3A_799 : memref<128xi32, #tpu.memory_space<vmem>>) semaphore(%arg19 : memref<!tpu.dma_semaphore, #tpu.memory_space<semaphore_mem>>)
    }
    %scan3A_288 = arith.constant 50 : i32
    %add3A_289 = arith.constant 128 : i32
    %add3A_290 = arith.addi %mul3A_185, %add3A_289 : i32
    %scan3A_291 = arith.constant 0 : i32
    %scan3A_292 = arith.constant 0 : i32
    %scan3A_293 = arith.constant 50 : i32
    %scan3A_294 = arith.addi %scan3A_292, %scan3A_293 : i32
    %scan3A_295 = arith.constant 1 : i32
    scf.for %scan3A_793 = %scan3A_292 to %scan3A_294 step %scan3A_295  : i32 {
      %dma_wait3A = arith.constant 0 : i32
      %dma_wait3A_794 = tpu.memref_slice %arg14[%scan3A_793, %dma_wait3A] : memref<50x128xf32, #tpu.memory_space<vmem>> -> memref<1x128xf32, #tpu.memory_space<vmem>>
      %dma_wait3A_795 = tpu.memref_squeeze %dma_wait3A_794 : memref<1x128xf32, #tpu.memory_space<vmem>> -> memref<128xf32, #tpu.memory_space<vmem>>
      %dma_wait3A_796 = arith.constant 0 : i32
      %dma_wait3A_797 = tpu.memref_slice %arg12[%scan3A_793, %dma_wait3A_796] : memref<50x128xi32, #tpu.memory_space<vmem>> -> memref<1x128xi32, #tpu.memory_space<vmem>>
      %dma_wait3A_798 = tpu.memref_squeeze %dma_wait3A_797 : memref<1x128xi32, #tpu.memory_space<vmem>> -> memref<128xi32, #tpu.memory_space<vmem>>
      %dma_wait3A_799 = arith.constant 0 : i32
      %dma_wait3A_800 = tpu.memref_slice %arg16[%dma_wait3A_799] : memref<500480xf32, #tpu.memory_space<vmem_shared>> -> memref<500480xf32, #tpu.memory_space<vmem_shared>>
      tpu.wait_indirect_dma semaphore(%arg20 : memref<!tpu.dma_semaphore, #tpu.memory_space<semaphore_mem>>) src(%dma_wait3A_800 : memref<500480xf32, #tpu.memory_space<vmem_shared>>) dst(%dma_wait3A_795 : memref<128xf32, #tpu.memory_space<vmem>>)
    }
    %scan3A_296 = arith.constant 50 : i32
    %get3A_297 = arith.constant 0 : i32
    %get3A_298 = arith.index_cast %get3A_297 : i32 to index
    %get3A_299 = arith.constant 0 : index
    %get3A_300 = tpu.vector_load %arg14[%get3A_298, %get3A_299] {strides = array<i32>} : memref<50x128xf32, #tpu.memory_space<vmem>>, vector<16xf32>,
    %get3A_301 = arith.constant 0 : i32
    %get3A_302 = arith.index_cast %get3A_301 : i32 to index
    %get3A_303 = arith.constant 16 : index
    %get3A_304 = tpu.vector_load %arg14[%get3A_302, %get3A_303] {strides = array<i32>} : memref<50x128xf32, #tpu.memory_space<vmem>>, vector<16xf32>,
    %get3A_305 = arith.constant 0 : i32
    %get3A_306 = arith.index_cast %get3A_305 : i32 to index
    %get3A_307 = arith.constant 32 : index
    %get3A_308 = tpu.vector_load %arg14[%get3A_306, %get3A_307] {strides = array<i32>} : memref<50x128xf32, #tpu.memory_space<vmem>>, vector<16xf32>,
    %get3A_309 = arith.constant 0 : i32
    %get3A_310 = arith.index_cast %get3A_309 : i32 to index
    %get3A_311 = arith.constant 48 : index
    %get3A_312 = tpu.vector_load %arg14[%get3A_310, %get3A_311] {strides = array<i32>} : memref<50x128xf32, #tpu.memory_space<vmem>>, vector<16xf32>,
    %get3A_313 = arith.constant 0 : i32
    %get3A_314 = arith.index_cast %get3A_313 : i32 to index
    %get3A_315 = arith.constant 64 : index
    %get3A_316 = tpu.vector_load %arg14[%get3A_314, %get3A_315] {strides = array<i32>} : memref<50x128xf32, #tpu.memory_space<vmem>>, vector<16xf32>,
    %get3A_317 = arith.constant 0 : i32
    %get3A_318 = arith.index_cast %get3A_317 : i32 to index
    %get3A_319 = arith.constant 80 : index
    %get3A_320 = tpu.vector_load %arg14[%get3A_318, %get3A_319] {strides = array<i32>} : memref<50x128xf32, #tpu.memory_space<vmem>>, vector<16xf32>,
    %get3A_321 = arith.constant 0 : i32
    %get3A_322 = arith.index_cast %get3A_321 : i32 to index
    %get3A_323 = arith.constant 96 : index
    %get3A_324 = tpu.vector_load %arg14[%get3A_322, %get3A_323] {strides = array<i32>} : memref<50x128xf32, #tpu.memory_space<vmem>>, vector<16xf32>,
    %get3A_325 = arith.constant 0 : i32
    %get3A_326 = arith.index_cast %get3A_325 : i32 to index
    %get3A_327 = arith.constant 112 : index
    %get3A_328 = tpu.vector_load %arg14[%get3A_326, %get3A_327] {strides = array<i32>} : memref<50x128xf32, #tpu.memory_space<vmem>>, vector<16xf32>,
    %scan3A_329 = arith.constant 1 : i32
    %scan3A_330 = arith.constant 49 : i32
    %scan3A_331 = arith.addi %scan3A_329, %scan3A_330 : i32
    %scan3A_332 = arith.constant 1 : i32
    %scan3A_333:8 = scf.for %scan3A_793 = %scan3A_329 to %scan3A_331 step %scan3A_332 iter_args(%scan3A_794 = %get3A_300, %scan3A_795 = %get3A_304, %scan3A_796 = %get3A_308, %scan3A_797 = %get3A_312, %scan3A_798 = %get3A_316, %scan3A_799 = %get3A_320, %scan3A_800 = %get3A_324, %scan3A_801 = %get3A_328) -> (vector<16xf32>, vector<16xf32>, vector<16xf32>, vector<16xf32>, vector<16xf32>, vector<16xf32>, vector<16xf32>, vector<16xf32>)  : i32 {
      %get3A_802 = arith.index_cast %scan3A_793 : i32 to index
      %get3A_803 = arith.constant 0 : index
      %get3A_804 = tpu.vector_load %arg14[%get3A_802, %get3A_803] {strides = array<i32>} : memref<50x128xf32, #tpu.memory_space<vmem>>, vector<16xf32>,
      %add3A_805 = arith.addf %scan3A_794, %get3A_804 : vector<16xf32>
      %get3A_806 = arith.index_cast %scan3A_793 : i32 to index
      %get3A_807 = arith.constant 16 : index
      %get3A_808 = tpu.vector_load %arg14[%get3A_806, %get3A_807] {strides = array<i32>} : memref<50x128xf32, #tpu.memory_space<vmem>>, vector<16xf32>,
      %add3A_809 = arith.addf %scan3A_795, %get3A_808 : vector<16xf32>
      %get3A_810 = arith.index_cast %scan3A_793 : i32 to index
      %get3A_811 = arith.constant 32 : index
      %get3A_812 = tpu.vector_load %arg14[%get3A_810, %get3A_811] {strides = array<i32>} : memref<50x128xf32, #tpu.memory_space<vmem>>, vector<16xf32>,
      %add3A_813 = arith.addf %scan3A_796, %get3A_812 : vector<16xf32>
      %get3A_814 = arith.index_cast %scan3A_793 : i32 to index
      %get3A_815 = arith.constant 48 : index
      %get3A_816 = tpu.vector_load %arg14[%get3A_814, %get3A_815] {strides = array<i32>} : memref<50x128xf32, #tpu.memory_space<vmem>>, vector<16xf32>,
      %add3A_817 = arith.addf %scan3A_797, %get3A_816 : vector<16xf32>
      %get3A_818 = arith.index_cast %scan3A_793 : i32 to index
      %get3A_819 = arith.constant 64 : index
      %get3A_820 = tpu.vector_load %arg14[%get3A_818, %get3A_819] {strides = array<i32>} : memref<50x128xf32, #tpu.memory_space<vmem>>, vector<16xf32>,
      %add3A_821 = arith.addf %scan3A_798, %get3A_820 : vector<16xf32>
      %get3A_822 = arith.index_cast %scan3A_793 : i32 to index
      %get3A_823 = arith.constant 80 : index
      %get3A_824 = tpu.vector_load %arg14[%get3A_822, %get3A_823] {strides = array<i32>} : memref<50x128xf32, #tpu.memory_space<vmem>>, vector<16xf32>,
      %add3A_825 = arith.addf %scan3A_799, %get3A_824 : vector<16xf32>
      %get3A_826 = arith.index_cast %scan3A_793 : i32 to index
      %get3A_827 = arith.constant 96 : index
      %get3A_828 = tpu.vector_load %arg14[%get3A_826, %get3A_827] {strides = array<i32>} : memref<50x128xf32, #tpu.memory_space<vmem>>, vector<16xf32>,
      %add3A_829 = arith.addf %scan3A_800, %get3A_828 : vector<16xf32>
      %get3A_830 = arith.index_cast %scan3A_793 : i32 to index
      %get3A_831 = arith.constant 112 : index
      %get3A_832 = tpu.vector_load %arg14[%get3A_830, %get3A_831] {strides = array<i32>} : memref<50x128xf32, #tpu.memory_space<vmem>>, vector<16xf32>,
      %add3A_833 = arith.addf %scan3A_801, %get3A_832 : vector<16xf32>
      scf.yield %add3A_805, %add3A_809, %add3A_813, %add3A_817, %add3A_821, %add3A_825, %add3A_829, %add3A_833 : vector<16xf32>, vector<16xf32>, vector<16xf32>, vector<16xf32>, vector<16xf32>, vector<16xf32>, vector<16xf32>, vector<16xf32>
    }
    %scan3A_334 = arith.constant 49 : i32
    %swap3A_335 = arith.constant 0 : index
    %swap3A_336 = tpu.vector_load %arg15[%swap3A_335] {strides = array<i32>} : memref<128xf32, #tpu.memory_space<vmem>>, vector<16xf32>,
    tpu.vector_store %arg15[%swap3A_335], %scan3A_333#0 {strides = array<i32>} : memref<128xf32, #tpu.memory_space<vmem>>, vector<16xf32>,
    %swap3A_337 = arith.constant 16 : index
    %swap3A_338 = tpu.vector_load %arg15[%swap3A_337] {strides = array<i32>} : memref<128xf32, #tpu.memory_space<vmem>>, vector<16xf32>,
    tpu.vector_store %arg15[%swap3A_337], %scan3A_333#1 {strides = array<i32>} : memref<128xf32, #tpu.memory_space<vmem>>, vector<16xf32>,
    %swap3A_339 = arith.constant 32 : index
    %swap3A_340 = tpu.vector_load %arg15[%swap3A_339] {strides = array<i32>} : memref<128xf32, #tpu.memory_space<vmem>>, vector<16xf32>,
    tpu.vector_store %arg15[%swap3A_339], %scan3A_333#2 {strides = array<i32>} : memref<128xf32, #tpu.memory_space<vmem>>, vector<16xf32>,
    %swap3A_341 = arith.constant 48 : index
    %swap3A_342 = tpu.vector_load %arg15[%swap3A_341] {strides = array<i32>} : memref<128xf32, #tpu.memory_space<vmem>>, vector<16xf32>,
    tpu.vector_store %arg15[%swap3A_341], %scan3A_333#3 {strides = array<i32>} : memref<128xf32, #tpu.memory_space<vmem>>, vector<16xf32>,
    %swap3A_343 = arith.constant 64 : index
    %swap3A_344 = tpu.vector_load %arg15[%swap3A_343] {strides = array<i32>} : memref<128xf32, #tpu.memory_space<vmem>>, vector<16xf32>,
    tpu.vector_store %arg15[%swap3A_343], %scan3A_333#4 {strides = array<i32>} : memref<128xf32, #tpu.memory_space<vmem>>, vector<16xf32>,
    %swap3A_345 = arith.constant 80 : index
    %swap3A_346 = tpu.vector_load %arg15[%swap3A_345] {strides = array<i32>} : memref<128xf32, #tpu.memory_space<vmem>>, vector<16xf32>,
    tpu.vector_store %arg15[%swap3A_345], %scan3A_333#5 {strides = array<i32>} : memref<128xf32, #tpu.memory_space<vmem>>, vector<16xf32>,
    %swap3A_347 = arith.constant 96 : index
    %swap3A_348 = tpu.vector_load %arg15[%swap3A_347] {strides = array<i32>} : memref<128xf32, #tpu.memory_space<vmem>>, vector<16xf32>,
    tpu.vector_store %arg15[%swap3A_347], %scan3A_333#6 {strides = array<i32>} : memref<128xf32, #tpu.memory_space<vmem>>, vector<16xf32>,
    %swap3A_349 = arith.constant 112 : index
    %swap3A_350 = tpu.vector_load %arg15[%swap3A_349] {strides = array<i32>} : memref<128xf32, #tpu.memory_space<vmem>>, vector<16xf32>,
    tpu.vector_store %arg15[%swap3A_349], %scan3A_333#7 {strides = array<i32>} : memref<128xf32, #tpu.memory_space<vmem>>, vector<16xf32>,
    "tpu.region"() ({
      %run_scoped3A = tpu.sem_alloc : memref<!tpu.dma_semaphore, #tpu.memory_space<semaphore_mem>>
      %dma_start3A_793 = tpu.memref_slice %arg6[%arg0, %add3A_290] : memref<2x16384xf32, #tpu.memory_space<hbm>> -> memref<1x128xf32, #tpu.memory_space<hbm>>
      %dma_start3A_794 = tpu.memref_squeeze %dma_start3A_793 : memref<1x128xf32, #tpu.memory_space<hbm>> -> memref<128xf32, #tpu.memory_space<hbm>>
      %dma_start3A_795 = tpu.memref_slice %arg6[%arg0, %add3A_290] : memref<2x16384xf32, #tpu.memory_space<hbm>> -> memref<1x128xf32, #tpu.memory_space<hbm>>
      %dma_start3A_796 = tpu.memref_squeeze %dma_start3A_795 : memref<1x128xf32, #tpu.memory_space<hbm>> -> memref<128xf32, #tpu.memory_space<hbm>>
      tpu.enqueue_dma source(%arg15 : memref<128xf32, #tpu.memory_space<vmem>>) target(%dma_start3A_796 : memref<128xf32, #tpu.memory_space<hbm>>) target_semaphore(%run_scoped3A : memref<!tpu.dma_semaphore, #tpu.memory_space<semaphore_mem>>)
      %dma_wait3A = tpu.memref_slice %arg6[%arg0, %add3A_290] : memref<2x16384xf32, #tpu.memory_space<hbm>> -> memref<1x128xf32, #tpu.memory_space<hbm>>
      %dma_wait3A_797 = tpu.memref_squeeze %dma_wait3A : memref<1x128xf32, #tpu.memory_space<hbm>> -> memref<128xf32, #tpu.memory_space<hbm>>
      %dma_wait3A_798 = tpu.memref_slice %arg6[%arg0, %add3A_290] : memref<2x16384xf32, #tpu.memory_space<hbm>> -> memref<1x128xf32, #tpu.memory_space<hbm>>
      %dma_wait3A_799 = tpu.memref_squeeze %dma_wait3A_798 : memref<1x128xf32, #tpu.memory_space<hbm>> -> memref<128xf32, #tpu.memory_space<hbm>>
      tpu.wait_dma2 semaphore(%run_scoped3A : memref<!tpu.dma_semaphore, #tpu.memory_space<semaphore_mem>>) src(%arg15 : memref<128xf32, #tpu.memory_space<vmem>>) dst(%dma_wait3A_799 : memref<128xf32, #tpu.memory_space<hbm>>)
      tpu.yield
    }) : () -> ()
    %add3A_351 = arith.constant 384 : i32
    %add3A_352 = arith.addi %mul3A_185, %add3A_351 : i32
    "tpu.region"() ({
      %run_scoped3A = tpu.sem_alloc : memref<!tpu.dma_semaphore, #tpu.memory_space<semaphore_mem>>
      %dma_start3A_793 = arith.constant 0 : i32
      %dma_start3A_794 = tpu.memref_slice %arg4[%dma_start3A_793, %add3A_352] : memref<50x16384xi32, #tpu.memory_space<hbm>> -> memref<50x128xi32, #tpu.memory_space<hbm>>
      %dma_start3A_795 = arith.constant 0 : i32
      %dma_start3A_796 = tpu.memref_slice %arg4[%dma_start3A_795, %add3A_352] : memref<50x16384xi32, #tpu.memory_space<hbm>> -> memref<50x128xi32, #tpu.memory_space<hbm>>
      tpu.enqueue_dma source(%dma_start3A_796 : memref<50x128xi32, #tpu.memory_space<hbm>>) target(%arg12 : memref<50x128xi32, #tpu.memory_space<vmem>>) target_semaphore(%run_scoped3A : memref<!tpu.dma_semaphore, #tpu.memory_space<semaphore_mem>>)
      %dma_wait3A = arith.constant 0 : i32
      %dma_wait3A_797 = tpu.memref_slice %arg4[%dma_wait3A, %add3A_352] : memref<50x16384xi32, #tpu.memory_space<hbm>> -> memref<50x128xi32, #tpu.memory_space<hbm>>
      %dma_wait3A_798 = arith.constant 0 : i32
      %dma_wait3A_799 = tpu.memref_slice %arg4[%dma_wait3A_798, %add3A_352] : memref<50x16384xi32, #tpu.memory_space<hbm>> -> memref<50x128xi32, #tpu.memory_space<hbm>>
      tpu.wait_dma2 semaphore(%run_scoped3A : memref<!tpu.dma_semaphore, #tpu.memory_space<semaphore_mem>>) src(%dma_wait3A_799 : memref<50x128xi32, #tpu.memory_space<hbm>>) dst(%arg12 : memref<50x128xi32, #tpu.memory_space<vmem>>)
      tpu.yield
    }) : () -> ()
    %scan3A_353 = arith.constant 0 : i32
    %scan3A_354 = arith.constant 0 : i32
    %scan3A_355 = arith.constant 50 : i32
    %scan3A_356 = arith.addi %scan3A_354, %scan3A_355 : i32
    %scan3A_357 = arith.constant 1 : i32
    scf.for %scan3A_793 = %scan3A_354 to %scan3A_356 step %scan3A_357  : i32 {
      %get3A_794 = arith.index_cast %scan3A_793 : i32 to index
      %get3A_795 = arith.constant 0 : index
      %get3A_796 = tpu.vector_load %arg12[%get3A_794, %get3A_795] {strides = array<i32>} : memref<50x128xi32, #tpu.memory_space<vmem>>, vector<16xi32>,
      %sub3A = vector.broadcast %mul3A_156 : i32 to vector<16xi32>
      %sub3A_797 = arith.subi %get3A_796, %sub3A : vector<16xi32>
      %ge3A = arith.constant 0 : i32
      %ge3A_798 = vector.broadcast %ge3A : i32 to vector<16xi32>
      %ge3A_799 = arith.cmpi sge, %sub3A_797, %ge3A_798 : vector<16xi32>
      %lt3A = vector.broadcast %select_n3A_161 : i32 to vector<16xi32>
      %lt3A_800 = arith.cmpi slt, %sub3A_797, %lt3A : vector<16xi32>
      %and3A_801 = arith.andi %ge3A_799, %lt3A_800 : vector<16xi1>
      %or3A = arith.constant 0 : i32
      %or3A_802 = vector.broadcast %or3A : i32 to vector<16xi32>
      %or3A_803 = arith.ori %or3A_802, %iota3A : vector<16xi32>
      %add3A_804 = arith.constant 500352 : i32
      %add3A_805 = vector.broadcast %add3A_804 : i32 to vector<16xi32>
      %add3A_806 = arith.addi %add3A_805, %or3A_803 : vector<16xi32>
      %select_n3A_807 = arith.select %and3A_801, %sub3A_797, %add3A_806 : vector<16xi1>, vector<16xi32>
      %swap3A_808 = arith.index_cast %scan3A_793 : i32 to index
      %swap3A_809 = arith.constant 0 : index
      %swap3A_810 = tpu.vector_load %arg12[%swap3A_808, %swap3A_809] {strides = array<i32>} : memref<50x128xi32, #tpu.memory_space<vmem>>, vector<16xi32>,
      tpu.vector_store %arg12[%swap3A_808, %swap3A_809], %select_n3A_807 {strides = array<i32>} : memref<50x128xi32, #tpu.memory_space<vmem>>, vector<16xi32>,
      %get3A_811 = arith.index_cast %scan3A_793 : i32 to index
      %get3A_812 = arith.constant 16 : index
      %get3A_813 = tpu.vector_load %arg12[%get3A_811, %get3A_812] {strides = array<i32>} : memref<50x128xi32, #tpu.memory_space<vmem>>, vector<16xi32>,
      %sub3A_814 = vector.broadcast %mul3A_156 : i32 to vector<16xi32>
      %sub3A_815 = arith.subi %get3A_813, %sub3A_814 : vector<16xi32>
      %ge3A_816 = arith.constant 0 : i32
      %ge3A_817 = vector.broadcast %ge3A_816 : i32 to vector<16xi32>
      %ge3A_818 = arith.cmpi sge, %sub3A_815, %ge3A_817 : vector<16xi32>
      %lt3A_819 = vector.broadcast %select_n3A_161 : i32 to vector<16xi32>
      %lt3A_820 = arith.cmpi slt, %sub3A_815, %lt3A_819 : vector<16xi32>
      %and3A_821 = arith.andi %ge3A_818, %lt3A_820 : vector<16xi1>
      %or3A_822 = arith.constant 16 : i32
      %or3A_823 = vector.broadcast %or3A_822 : i32 to vector<16xi32>
      %or3A_824 = arith.ori %or3A_823, %iota3A : vector<16xi32>
      %add3A_825 = arith.constant 500352 : i32
      %add3A_826 = vector.broadcast %add3A_825 : i32 to vector<16xi32>
      %add3A_827 = arith.addi %add3A_826, %or3A_824 : vector<16xi32>
      %select_n3A_828 = arith.select %and3A_821, %sub3A_815, %add3A_827 : vector<16xi1>, vector<16xi32>
      %swap3A_829 = arith.index_cast %scan3A_793 : i32 to index
      %swap3A_830 = arith.constant 16 : index
      %swap3A_831 = tpu.vector_load %arg12[%swap3A_829, %swap3A_830] {strides = array<i32>} : memref<50x128xi32, #tpu.memory_space<vmem>>, vector<16xi32>,
      tpu.vector_store %arg12[%swap3A_829, %swap3A_830], %select_n3A_828 {strides = array<i32>} : memref<50x128xi32, #tpu.memory_space<vmem>>, vector<16xi32>,
      %get3A_832 = arith.index_cast %scan3A_793 : i32 to index
      %get3A_833 = arith.constant 32 : index
      %get3A_834 = tpu.vector_load %arg12[%get3A_832, %get3A_833] {strides = array<i32>} : memref<50x128xi32, #tpu.memory_space<vmem>>, vector<16xi32>,
      %sub3A_835 = vector.broadcast %mul3A_156 : i32 to vector<16xi32>
      %sub3A_836 = arith.subi %get3A_834, %sub3A_835 : vector<16xi32>
      %ge3A_837 = arith.constant 0 : i32
      %ge3A_838 = vector.broadcast %ge3A_837 : i32 to vector<16xi32>
      %ge3A_839 = arith.cmpi sge, %sub3A_836, %ge3A_838 : vector<16xi32>
      %lt3A_840 = vector.broadcast %select_n3A_161 : i32 to vector<16xi32>
      %lt3A_841 = arith.cmpi slt, %sub3A_836, %lt3A_840 : vector<16xi32>
      %and3A_842 = arith.andi %ge3A_839, %lt3A_841 : vector<16xi1>
      %or3A_843 = arith.constant 32 : i32
      %or3A_844 = vector.broadcast %or3A_843 : i32 to vector<16xi32>
      %or3A_845 = arith.ori %or3A_844, %iota3A : vector<16xi32>
      %add3A_846 = arith.constant 500352 : i32
      %add3A_847 = vector.broadcast %add3A_846 : i32 to vector<16xi32>
      %add3A_848 = arith.addi %add3A_847, %or3A_845 : vector<16xi32>
      %select_n3A_849 = arith.select %and3A_842, %sub3A_836, %add3A_848 : vector<16xi1>, vector<16xi32>
      %swap3A_850 = arith.index_cast %scan3A_793 : i32 to index
      %swap3A_851 = arith.constant 32 : index
      %swap3A_852 = tpu.vector_load %arg12[%swap3A_850, %swap3A_851] {strides = array<i32>} : memref<50x128xi32, #tpu.memory_space<vmem>>, vector<16xi32>,
      tpu.vector_store %arg12[%swap3A_850, %swap3A_851], %select_n3A_849 {strides = array<i32>} : memref<50x128xi32, #tpu.memory_space<vmem>>, vector<16xi32>,
      %get3A_853 = arith.index_cast %scan3A_793 : i32 to index
      %get3A_854 = arith.constant 48 : index
      %get3A_855 = tpu.vector_load %arg12[%get3A_853, %get3A_854] {strides = array<i32>} : memref<50x128xi32, #tpu.memory_space<vmem>>, vector<16xi32>,
      %sub3A_856 = vector.broadcast %mul3A_156 : i32 to vector<16xi32>
      %sub3A_857 = arith.subi %get3A_855, %sub3A_856 : vector<16xi32>
      %ge3A_858 = arith.constant 0 : i32
      %ge3A_859 = vector.broadcast %ge3A_858 : i32 to vector<16xi32>
      %ge3A_860 = arith.cmpi sge, %sub3A_857, %ge3A_859 : vector<16xi32>
      %lt3A_861 = vector.broadcast %select_n3A_161 : i32 to vector<16xi32>
      %lt3A_862 = arith.cmpi slt, %sub3A_857, %lt3A_861 : vector<16xi32>
      %and3A_863 = arith.andi %ge3A_860, %lt3A_862 : vector<16xi1>
      %or3A_864 = arith.constant 48 : i32
      %or3A_865 = vector.broadcast %or3A_864 : i32 to vector<16xi32>
      %or3A_866 = arith.ori %or3A_865, %iota3A : vector<16xi32>
      %add3A_867 = arith.constant 500352 : i32
      %add3A_868 = vector.broadcast %add3A_867 : i32 to vector<16xi32>
      %add3A_869 = arith.addi %add3A_868, %or3A_866 : vector<16xi32>
      %select_n3A_870 = arith.select %and3A_863, %sub3A_857, %add3A_869 : vector<16xi1>, vector<16xi32>
      %swap3A_871 = arith.index_cast %scan3A_793 : i32 to index
      %swap3A_872 = arith.constant 48 : index
      %swap3A_873 = tpu.vector_load %arg12[%swap3A_871, %swap3A_872] {strides = array<i32>} : memref<50x128xi32, #tpu.memory_space<vmem>>, vector<16xi32>,
      tpu.vector_store %arg12[%swap3A_871, %swap3A_872], %select_n3A_870 {strides = array<i32>} : memref<50x128xi32, #tpu.memory_space<vmem>>, vector<16xi32>,
      %get3A_874 = arith.index_cast %scan3A_793 : i32 to index
      %get3A_875 = arith.constant 64 : index
      %get3A_876 = tpu.vector_load %arg12[%get3A_874, %get3A_875] {strides = array<i32>} : memref<50x128xi32, #tpu.memory_space<vmem>>, vector<16xi32>,
      %sub3A_877 = vector.broadcast %mul3A_156 : i32 to vector<16xi32>
      %sub3A_878 = arith.subi %get3A_876, %sub3A_877 : vector<16xi32>
      %ge3A_879 = arith.constant 0 : i32
      %ge3A_880 = vector.broadcast %ge3A_879 : i32 to vector<16xi32>
      %ge3A_881 = arith.cmpi sge, %sub3A_878, %ge3A_880 : vector<16xi32>
      %lt3A_882 = vector.broadcast %select_n3A_161 : i32 to vector<16xi32>
      %lt3A_883 = arith.cmpi slt, %sub3A_878, %lt3A_882 : vector<16xi32>
      %and3A_884 = arith.andi %ge3A_881, %lt3A_883 : vector<16xi1>
      %or3A_885 = arith.constant 64 : i32
      %or3A_886 = vector.broadcast %or3A_885 : i32 to vector<16xi32>
      %or3A_887 = arith.ori %or3A_886, %iota3A : vector<16xi32>
      %add3A_888 = arith.constant 500352 : i32
      %add3A_889 = vector.broadcast %add3A_888 : i32 to vector<16xi32>
      %add3A_890 = arith.addi %add3A_889, %or3A_887 : vector<16xi32>
      %select_n3A_891 = arith.select %and3A_884, %sub3A_878, %add3A_890 : vector<16xi1>, vector<16xi32>
      %swap3A_892 = arith.index_cast %scan3A_793 : i32 to index
      %swap3A_893 = arith.constant 64 : index
      %swap3A_894 = tpu.vector_load %arg12[%swap3A_892, %swap3A_893] {strides = array<i32>} : memref<50x128xi32, #tpu.memory_space<vmem>>, vector<16xi32>,
      tpu.vector_store %arg12[%swap3A_892, %swap3A_893], %select_n3A_891 {strides = array<i32>} : memref<50x128xi32, #tpu.memory_space<vmem>>, vector<16xi32>,
      %get3A_895 = arith.index_cast %scan3A_793 : i32 to index
      %get3A_896 = arith.constant 80 : index
      %get3A_897 = tpu.vector_load %arg12[%get3A_895, %get3A_896] {strides = array<i32>} : memref<50x128xi32, #tpu.memory_space<vmem>>, vector<16xi32>,
      %sub3A_898 = vector.broadcast %mul3A_156 : i32 to vector<16xi32>
      %sub3A_899 = arith.subi %get3A_897, %sub3A_898 : vector<16xi32>
      %ge3A_900 = arith.constant 0 : i32
      %ge3A_901 = vector.broadcast %ge3A_900 : i32 to vector<16xi32>
      %ge3A_902 = arith.cmpi sge, %sub3A_899, %ge3A_901 : vector<16xi32>
      %lt3A_903 = vector.broadcast %select_n3A_161 : i32 to vector<16xi32>
      %lt3A_904 = arith.cmpi slt, %sub3A_899, %lt3A_903 : vector<16xi32>
      %and3A_905 = arith.andi %ge3A_902, %lt3A_904 : vector<16xi1>
      %or3A_906 = arith.constant 80 : i32
      %or3A_907 = vector.broadcast %or3A_906 : i32 to vector<16xi32>
      %or3A_908 = arith.ori %or3A_907, %iota3A : vector<16xi32>
      %add3A_909 = arith.constant 500352 : i32
      %add3A_910 = vector.broadcast %add3A_909 : i32 to vector<16xi32>
      %add3A_911 = arith.addi %add3A_910, %or3A_908 : vector<16xi32>
      %select_n3A_912 = arith.select %and3A_905, %sub3A_899, %add3A_911 : vector<16xi1>, vector<16xi32>
      %swap3A_913 = arith.index_cast %scan3A_793 : i32 to index
      %swap3A_914 = arith.constant 80 : index
      %swap3A_915 = tpu.vector_load %arg12[%swap3A_913, %swap3A_914] {strides = array<i32>} : memref<50x128xi32, #tpu.memory_space<vmem>>, vector<16xi32>,
      tpu.vector_store %arg12[%swap3A_913, %swap3A_914], %select_n3A_912 {strides = array<i32>} : memref<50x128xi32, #tpu.memory_space<vmem>>, vector<16xi32>,
      %get3A_916 = arith.index_cast %scan3A_793 : i32 to index
      %get3A_917 = arith.constant 96 : index
      %get3A_918 = tpu.vector_load %arg12[%get3A_916, %get3A_917] {strides = array<i32>} : memref<50x128xi32, #tpu.memory_space<vmem>>, vector<16xi32>,
      %sub3A_919 = vector.broadcast %mul3A_156 : i32 to vector<16xi32>
      %sub3A_920 = arith.subi %get3A_918, %sub3A_919 : vector<16xi32>
      %ge3A_921 = arith.constant 0 : i32
      %ge3A_922 = vector.broadcast %ge3A_921 : i32 to vector<16xi32>
      %ge3A_923 = arith.cmpi sge, %sub3A_920, %ge3A_922 : vector<16xi32>
      %lt3A_924 = vector.broadcast %select_n3A_161 : i32 to vector<16xi32>
      %lt3A_925 = arith.cmpi slt, %sub3A_920, %lt3A_924 : vector<16xi32>
      %and3A_926 = arith.andi %ge3A_923, %lt3A_925 : vector<16xi1>
      %or3A_927 = arith.constant 96 : i32
      %or3A_928 = vector.broadcast %or3A_927 : i32 to vector<16xi32>
      %or3A_929 = arith.ori %or3A_928, %iota3A : vector<16xi32>
      %add3A_930 = arith.constant 500352 : i32
      %add3A_931 = vector.broadcast %add3A_930 : i32 to vector<16xi32>
      %add3A_932 = arith.addi %add3A_931, %or3A_929 : vector<16xi32>
      %select_n3A_933 = arith.select %and3A_926, %sub3A_920, %add3A_932 : vector<16xi1>, vector<16xi32>
      %swap3A_934 = arith.index_cast %scan3A_793 : i32 to index
      %swap3A_935 = arith.constant 96 : index
      %swap3A_936 = tpu.vector_load %arg12[%swap3A_934, %swap3A_935] {strides = array<i32>} : memref<50x128xi32, #tpu.memory_space<vmem>>, vector<16xi32>,
      tpu.vector_store %arg12[%swap3A_934, %swap3A_935], %select_n3A_933 {strides = array<i32>} : memref<50x128xi32, #tpu.memory_space<vmem>>, vector<16xi32>,
      %get3A_937 = arith.index_cast %scan3A_793 : i32 to index
      %get3A_938 = arith.constant 112 : index
      %get3A_939 = tpu.vector_load %arg12[%get3A_937, %get3A_938] {strides = array<i32>} : memref<50x128xi32, #tpu.memory_space<vmem>>, vector<16xi32>,
      %sub3A_940 = vector.broadcast %mul3A_156 : i32 to vector<16xi32>
      %sub3A_941 = arith.subi %get3A_939, %sub3A_940 : vector<16xi32>
      %ge3A_942 = arith.constant 0 : i32
      %ge3A_943 = vector.broadcast %ge3A_942 : i32 to vector<16xi32>
      %ge3A_944 = arith.cmpi sge, %sub3A_941, %ge3A_943 : vector<16xi32>
      %lt3A_945 = vector.broadcast %select_n3A_161 : i32 to vector<16xi32>
      %lt3A_946 = arith.cmpi slt, %sub3A_941, %lt3A_945 : vector<16xi32>
      %and3A_947 = arith.andi %ge3A_944, %lt3A_946 : vector<16xi1>
      %or3A_948 = arith.constant 112 : i32
      %or3A_949 = vector.broadcast %or3A_948 : i32 to vector<16xi32>
      %or3A_950 = arith.ori %or3A_949, %iota3A : vector<16xi32>
      %add3A_951 = arith.constant 500352 : i32
      %add3A_952 = vector.broadcast %add3A_951 : i32 to vector<16xi32>
      %add3A_953 = arith.addi %add3A_952, %or3A_950 : vector<16xi32>
      %select_n3A_954 = arith.select %and3A_947, %sub3A_941, %add3A_953 : vector<16xi1>, vector<16xi32>
      %swap3A_955 = arith.index_cast %scan3A_793 : i32 to index
      %swap3A_956 = arith.constant 112 : index
      %swap3A_957 = tpu.vector_load %arg12[%swap3A_955, %swap3A_956] {strides = array<i32>} : memref<50x128xi32, #tpu.memory_space<vmem>>, vector<16xi32>,
      tpu.vector_store %arg12[%swap3A_955, %swap3A_956], %select_n3A_954 {strides = array<i32>} : memref<50x128xi32, #tpu.memory_space<vmem>>, vector<16xi32>,
    }
    %scan3A_358 = arith.constant 50 : i32
    %scan3A_359 = arith.constant 0 : i32
    %scan3A_360 = arith.constant 0 : i32
    %scan3A_361 = arith.constant 50 : i32
    %scan3A_362 = arith.addi %scan3A_360, %scan3A_361 : i32
    %scan3A_363 = arith.constant 1 : i32
    scf.for %scan3A_793 = %scan3A_360 to %scan3A_362 step %scan3A_363  : i32 {
      %dma_start3A_794 = arith.constant 0 : i32
      %dma_start3A_795 = tpu.memref_slice %arg14[%scan3A_793, %dma_start3A_794] : memref<50x128xf32, #tpu.memory_space<vmem>> -> memref<1x128xf32, #tpu.memory_space<vmem>>
      %dma_start3A_796 = tpu.memref_squeeze %dma_start3A_795 : memref<1x128xf32, #tpu.memory_space<vmem>> -> memref<128xf32, #tpu.memory_space<vmem>>
      %dma_start3A_797 = arith.constant 0 : i32
      %dma_start3A_798 = tpu.memref_slice %arg12[%scan3A_793, %dma_start3A_797] : memref<50x128xi32, #tpu.memory_space<vmem>> -> memref<1x128xi32, #tpu.memory_space<vmem>>
      %dma_start3A_799 = tpu.memref_squeeze %dma_start3A_798 : memref<1x128xi32, #tpu.memory_space<vmem>> -> memref<128xi32, #tpu.memory_space<vmem>>
      %dma_start3A_800 = arith.constant 0 : i32
      %dma_start3A_801 = tpu.memref_slice %arg16[%dma_start3A_800] : memref<500480xf32, #tpu.memory_space<vmem_shared>> -> memref<500480xf32, #tpu.memory_space<vmem_shared>>
      tpu.enqueue_indirect_dma source(%dma_start3A_801 : memref<500480xf32, #tpu.memory_space<vmem_shared>>) target(%dma_start3A_796 : memref<128xf32, #tpu.memory_space<vmem>>) offsets(%dma_start3A_799 : memref<128xi32, #tpu.memory_space<vmem>>) semaphore(%arg20 : memref<!tpu.dma_semaphore, #tpu.memory_space<semaphore_mem>>)
    }
    %scan3A_364 = arith.constant 50 : i32
    %add3A_365 = arith.constant 256 : i32
    %add3A_366 = arith.addi %mul3A_185, %add3A_365 : i32
    %scan3A_367 = arith.constant 0 : i32
    %scan3A_368 = arith.constant 0 : i32
    %scan3A_369 = arith.constant 50 : i32
    %scan3A_370 = arith.addi %scan3A_368, %scan3A_369 : i32
    %scan3A_371 = arith.constant 1 : i32
    scf.for %scan3A_793 = %scan3A_368 to %scan3A_370 step %scan3A_371  : i32 {
      %dma_wait3A = arith.constant 0 : i32
      %dma_wait3A_794 = tpu.memref_slice %arg13[%scan3A_793, %dma_wait3A] : memref<50x128xf32, #tpu.memory_space<vmem>> -> memref<1x128xf32, #tpu.memory_space<vmem>>
      %dma_wait3A_795 = tpu.memref_squeeze %dma_wait3A_794 : memref<1x128xf32, #tpu.memory_space<vmem>> -> memref<128xf32, #tpu.memory_space<vmem>>
      %dma_wait3A_796 = arith.constant 0 : i32
      %dma_wait3A_797 = tpu.memref_slice %arg11[%scan3A_793, %dma_wait3A_796] : memref<50x128xi32, #tpu.memory_space<vmem>> -> memref<1x128xi32, #tpu.memory_space<vmem>>
      %dma_wait3A_798 = tpu.memref_squeeze %dma_wait3A_797 : memref<1x128xi32, #tpu.memory_space<vmem>> -> memref<128xi32, #tpu.memory_space<vmem>>
      %dma_wait3A_799 = arith.constant 0 : i32
      %dma_wait3A_800 = tpu.memref_slice %arg16[%dma_wait3A_799] : memref<500480xf32, #tpu.memory_space<vmem_shared>> -> memref<500480xf32, #tpu.memory_space<vmem_shared>>
      tpu.wait_indirect_dma semaphore(%arg19 : memref<!tpu.dma_semaphore, #tpu.memory_space<semaphore_mem>>) src(%dma_wait3A_800 : memref<500480xf32, #tpu.memory_space<vmem_shared>>) dst(%dma_wait3A_795 : memref<128xf32, #tpu.memory_space<vmem>>)
    }
    %scan3A_372 = arith.constant 50 : i32
    %get3A_373 = arith.constant 0 : i32
    %get3A_374 = arith.index_cast %get3A_373 : i32 to index
    %get3A_375 = arith.constant 0 : index
    %get3A_376 = tpu.vector_load %arg13[%get3A_374, %get3A_375] {strides = array<i32>} : memref<50x128xf32, #tpu.memory_space<vmem>>, vector<16xf32>,
    %get3A_377 = arith.constant 0 : i32
    %get3A_378 = arith.index_cast %get3A_377 : i32 to index
    %get3A_379 = arith.constant 16 : index
    %get3A_380 = tpu.vector_load %arg13[%get3A_378, %get3A_379] {strides = array<i32>} : memref<50x128xf32, #tpu.memory_space<vmem>>, vector<16xf32>,
    %get3A_381 = arith.constant 0 : i32
    %get3A_382 = arith.index_cast %get3A_381 : i32 to index
    %get3A_383 = arith.constant 32 : index
    %get3A_384 = tpu.vector_load %arg13[%get3A_382, %get3A_383] {strides = array<i32>} : memref<50x128xf32, #tpu.memory_space<vmem>>, vector<16xf32>,
    %get3A_385 = arith.constant 0 : i32
    %get3A_386 = arith.index_cast %get3A_385 : i32 to index
    %get3A_387 = arith.constant 48 : index
    %get3A_388 = tpu.vector_load %arg13[%get3A_386, %get3A_387] {strides = array<i32>} : memref<50x128xf32, #tpu.memory_space<vmem>>, vector<16xf32>,
    %get3A_389 = arith.constant 0 : i32
    %get3A_390 = arith.index_cast %get3A_389 : i32 to index
    %get3A_391 = arith.constant 64 : index
    %get3A_392 = tpu.vector_load %arg13[%get3A_390, %get3A_391] {strides = array<i32>} : memref<50x128xf32, #tpu.memory_space<vmem>>, vector<16xf32>,
    %get3A_393 = arith.constant 0 : i32
    %get3A_394 = arith.index_cast %get3A_393 : i32 to index
    %get3A_395 = arith.constant 80 : index
    %get3A_396 = tpu.vector_load %arg13[%get3A_394, %get3A_395] {strides = array<i32>} : memref<50x128xf32, #tpu.memory_space<vmem>>, vector<16xf32>,
    %get3A_397 = arith.constant 0 : i32
    %get3A_398 = arith.index_cast %get3A_397 : i32 to index
    %get3A_399 = arith.constant 96 : index
    %get3A_400 = tpu.vector_load %arg13[%get3A_398, %get3A_399] {strides = array<i32>} : memref<50x128xf32, #tpu.memory_space<vmem>>, vector<16xf32>,
    %get3A_401 = arith.constant 0 : i32
    %get3A_402 = arith.index_cast %get3A_401 : i32 to index
    %get3A_403 = arith.constant 112 : index
    %get3A_404 = tpu.vector_load %arg13[%get3A_402, %get3A_403] {strides = array<i32>} : memref<50x128xf32, #tpu.memory_space<vmem>>, vector<16xf32>,
    %scan3A_405 = arith.constant 1 : i32
    %scan3A_406 = arith.constant 49 : i32
    %scan3A_407 = arith.addi %scan3A_405, %scan3A_406 : i32
    %scan3A_408 = arith.constant 1 : i32
    %scan3A_409:8 = scf.for %scan3A_793 = %scan3A_405 to %scan3A_407 step %scan3A_408 iter_args(%scan3A_794 = %get3A_376, %scan3A_795 = %get3A_380, %scan3A_796 = %get3A_384, %scan3A_797 = %get3A_388, %scan3A_798 = %get3A_392, %scan3A_799 = %get3A_396, %scan3A_800 = %get3A_400, %scan3A_801 = %get3A_404) -> (vector<16xf32>, vector<16xf32>, vector<16xf32>, vector<16xf32>, vector<16xf32>, vector<16xf32>, vector<16xf32>, vector<16xf32>)  : i32 {
      %get3A_802 = arith.index_cast %scan3A_793 : i32 to index
      %get3A_803 = arith.constant 0 : index
      %get3A_804 = tpu.vector_load %arg13[%get3A_802, %get3A_803] {strides = array<i32>} : memref<50x128xf32, #tpu.memory_space<vmem>>, vector<16xf32>,
      %add3A_805 = arith.addf %scan3A_794, %get3A_804 : vector<16xf32>
      %get3A_806 = arith.index_cast %scan3A_793 : i32 to index
      %get3A_807 = arith.constant 16 : index
      %get3A_808 = tpu.vector_load %arg13[%get3A_806, %get3A_807] {strides = array<i32>} : memref<50x128xf32, #tpu.memory_space<vmem>>, vector<16xf32>,
      %add3A_809 = arith.addf %scan3A_795, %get3A_808 : vector<16xf32>
      %get3A_810 = arith.index_cast %scan3A_793 : i32 to index
      %get3A_811 = arith.constant 32 : index
      %get3A_812 = tpu.vector_load %arg13[%get3A_810, %get3A_811] {strides = array<i32>} : memref<50x128xf32, #tpu.memory_space<vmem>>, vector<16xf32>,
      %add3A_813 = arith.addf %scan3A_796, %get3A_812 : vector<16xf32>
      %get3A_814 = arith.index_cast %scan3A_793 : i32 to index
      %get3A_815 = arith.constant 48 : index
      %get3A_816 = tpu.vector_load %arg13[%get3A_814, %get3A_815] {strides = array<i32>} : memref<50x128xf32, #tpu.memory_space<vmem>>, vector<16xf32>,
      %add3A_817 = arith.addf %scan3A_797, %get3A_816 : vector<16xf32>
      %get3A_818 = arith.index_cast %scan3A_793 : i32 to index
      %get3A_819 = arith.constant 64 : index
      %get3A_820 = tpu.vector_load %arg13[%get3A_818, %get3A_819] {strides = array<i32>} : memref<50x128xf32, #tpu.memory_space<vmem>>, vector<16xf32>,
      %add3A_821 = arith.addf %scan3A_798, %get3A_820 : vector<16xf32>
      %get3A_822 = arith.index_cast %scan3A_793 : i32 to index
      %get3A_823 = arith.constant 80 : index
      %get3A_824 = tpu.vector_load %arg13[%get3A_822, %get3A_823] {strides = array<i32>} : memref<50x128xf32, #tpu.memory_space<vmem>>, vector<16xf32>,
      %add3A_825 = arith.addf %scan3A_799, %get3A_824 : vector<16xf32>
      %get3A_826 = arith.index_cast %scan3A_793 : i32 to index
      %get3A_827 = arith.constant 96 : index
      %get3A_828 = tpu.vector_load %arg13[%get3A_826, %get3A_827] {strides = array<i32>} : memref<50x128xf32, #tpu.memory_space<vmem>>, vector<16xf32>,
      %add3A_829 = arith.addf %scan3A_800, %get3A_828 : vector<16xf32>
      %get3A_830 = arith.index_cast %scan3A_793 : i32 to index
      %get3A_831 = arith.constant 112 : index
      %get3A_832 = tpu.vector_load %arg13[%get3A_830, %get3A_831] {strides = array<i32>} : memref<50x128xf32, #tpu.memory_space<vmem>>, vector<16xf32>,
      %add3A_833 = arith.addf %scan3A_801, %get3A_832 : vector<16xf32>
      scf.yield %add3A_805, %add3A_809, %add3A_813, %add3A_817, %add3A_821, %add3A_825, %add3A_829, %add3A_833 : vector<16xf32>, vector<16xf32>, vector<16xf32>, vector<16xf32>, vector<16xf32>, vector<16xf32>, vector<16xf32>, vector<16xf32>
    }
    %scan3A_410 = arith.constant 49 : i32
    %swap3A_411 = arith.constant 0 : index
    %swap3A_412 = tpu.vector_load %arg15[%swap3A_411] {strides = array<i32>} : memref<128xf32, #tpu.memory_space<vmem>>, vector<16xf32>,
    tpu.vector_store %arg15[%swap3A_411], %scan3A_409#0 {strides = array<i32>} : memref<128xf32, #tpu.memory_space<vmem>>, vector<16xf32>,
    %swap3A_413 = arith.constant 16 : index
    %swap3A_414 = tpu.vector_load %arg15[%swap3A_413] {strides = array<i32>} : memref<128xf32, #tpu.memory_space<vmem>>, vector<16xf32>,
    tpu.vector_store %arg15[%swap3A_413], %scan3A_409#1 {strides = array<i32>} : memref<128xf32, #tpu.memory_space<vmem>>, vector<16xf32>,
    %swap3A_415 = arith.constant 32 : index
    %swap3A_416 = tpu.vector_load %arg15[%swap3A_415] {strides = array<i32>} : memref<128xf32, #tpu.memory_space<vmem>>, vector<16xf32>,
    tpu.vector_store %arg15[%swap3A_415], %scan3A_409#2 {strides = array<i32>} : memref<128xf32, #tpu.memory_space<vmem>>, vector<16xf32>,
    %swap3A_417 = arith.constant 48 : index
    %swap3A_418 = tpu.vector_load %arg15[%swap3A_417] {strides = array<i32>} : memref<128xf32, #tpu.memory_space<vmem>>, vector<16xf32>,
    tpu.vector_store %arg15[%swap3A_417], %scan3A_409#3 {strides = array<i32>} : memref<128xf32, #tpu.memory_space<vmem>>, vector<16xf32>,
    %swap3A_419 = arith.constant 64 : index
    %swap3A_420 = tpu.vector_load %arg15[%swap3A_419] {strides = array<i32>} : memref<128xf32, #tpu.memory_space<vmem>>, vector<16xf32>,
    tpu.vector_store %arg15[%swap3A_419], %scan3A_409#4 {strides = array<i32>} : memref<128xf32, #tpu.memory_space<vmem>>, vector<16xf32>,
    %swap3A_421 = arith.constant 80 : index
    %swap3A_422 = tpu.vector_load %arg15[%swap3A_421] {strides = array<i32>} : memref<128xf32, #tpu.memory_space<vmem>>, vector<16xf32>,
    tpu.vector_store %arg15[%swap3A_421], %scan3A_409#5 {strides = array<i32>} : memref<128xf32, #tpu.memory_space<vmem>>, vector<16xf32>,
    %swap3A_423 = arith.constant 96 : index
    %swap3A_424 = tpu.vector_load %arg15[%swap3A_423] {strides = array<i32>} : memref<128xf32, #tpu.memory_space<vmem>>, vector<16xf32>,
    tpu.vector_store %arg15[%swap3A_423], %scan3A_409#6 {strides = array<i32>} : memref<128xf32, #tpu.memory_space<vmem>>, vector<16xf32>,
    %swap3A_425 = arith.constant 112 : index
    %swap3A_426 = tpu.vector_load %arg15[%swap3A_425] {strides = array<i32>} : memref<128xf32, #tpu.memory_space<vmem>>, vector<16xf32>,
    tpu.vector_store %arg15[%swap3A_425], %scan3A_409#7 {strides = array<i32>} : memref<128xf32, #tpu.memory_space<vmem>>, vector<16xf32>,
    "tpu.region"() ({
      %run_scoped3A = tpu.sem_alloc : memref<!tpu.dma_semaphore, #tpu.memory_space<semaphore_mem>>
      %dma_start3A_793 = tpu.memref_slice %arg6[%arg0, %add3A_366] : memref<2x16384xf32, #tpu.memory_space<hbm>> -> memref<1x128xf32, #tpu.memory_space<hbm>>
      %dma_start3A_794 = tpu.memref_squeeze %dma_start3A_793 : memref<1x128xf32, #tpu.memory_space<hbm>> -> memref<128xf32, #tpu.memory_space<hbm>>
      %dma_start3A_795 = tpu.memref_slice %arg6[%arg0, %add3A_366] : memref<2x16384xf32, #tpu.memory_space<hbm>> -> memref<1x128xf32, #tpu.memory_space<hbm>>
      %dma_start3A_796 = tpu.memref_squeeze %dma_start3A_795 : memref<1x128xf32, #tpu.memory_space<hbm>> -> memref<128xf32, #tpu.memory_space<hbm>>
      tpu.enqueue_dma source(%arg15 : memref<128xf32, #tpu.memory_space<vmem>>) target(%dma_start3A_796 : memref<128xf32, #tpu.memory_space<hbm>>) target_semaphore(%run_scoped3A : memref<!tpu.dma_semaphore, #tpu.memory_space<semaphore_mem>>)
      %dma_wait3A = tpu.memref_slice %arg6[%arg0, %add3A_366] : memref<2x16384xf32, #tpu.memory_space<hbm>> -> memref<1x128xf32, #tpu.memory_space<hbm>>
      %dma_wait3A_797 = tpu.memref_squeeze %dma_wait3A : memref<1x128xf32, #tpu.memory_space<hbm>> -> memref<128xf32, #tpu.memory_space<hbm>>
      %dma_wait3A_798 = tpu.memref_slice %arg6[%arg0, %add3A_366] : memref<2x16384xf32, #tpu.memory_space<hbm>> -> memref<1x128xf32, #tpu.memory_space<hbm>>
      %dma_wait3A_799 = tpu.memref_squeeze %dma_wait3A_798 : memref<1x128xf32, #tpu.memory_space<hbm>> -> memref<128xf32, #tpu.memory_space<hbm>>
      tpu.wait_dma2 semaphore(%run_scoped3A : memref<!tpu.dma_semaphore, #tpu.memory_space<semaphore_mem>>) src(%arg15 : memref<128xf32, #tpu.memory_space<vmem>>) dst(%dma_wait3A_799 : memref<128xf32, #tpu.memory_space<hbm>>)
      tpu.yield
    }) : () -> ()
    %add3A_427 = arith.constant 512 : i32
    %add3A_428 = arith.addi %mul3A_185, %add3A_427 : i32
    "tpu.region"() ({
      %run_scoped3A = tpu.sem_alloc : memref<!tpu.dma_semaphore, #tpu.memory_space<semaphore_mem>>
      %dma_start3A_793 = arith.constant 0 : i32
      %dma_start3A_794 = tpu.memref_slice %arg4[%dma_start3A_793, %add3A_428] : memref<50x16384xi32, #tpu.memory_space<hbm>> -> memref<50x128xi32, #tpu.memory_space<hbm>>
      %dma_start3A_795 = arith.constant 0 : i32
      %dma_start3A_796 = tpu.memref_slice %arg4[%dma_start3A_795, %add3A_428] : memref<50x16384xi32, #tpu.memory_space<hbm>> -> memref<50x128xi32, #tpu.memory_space<hbm>>
      tpu.enqueue_dma source(%dma_start3A_796 : memref<50x128xi32, #tpu.memory_space<hbm>>) target(%arg11 : memref<50x128xi32, #tpu.memory_space<vmem>>) target_semaphore(%run_scoped3A : memref<!tpu.dma_semaphore, #tpu.memory_space<semaphore_mem>>)
      %dma_wait3A = arith.constant 0 : i32
      %dma_wait3A_797 = tpu.memref_slice %arg4[%dma_wait3A, %add3A_428] : memref<50x16384xi32, #tpu.memory_space<hbm>> -> memref<50x128xi32, #tpu.memory_space<hbm>>
      %dma_wait3A_798 = arith.constant 0 : i32
      %dma_wait3A_799 = tpu.memref_slice %arg4[%dma_wait3A_798, %add3A_428] : memref<50x16384xi32, #tpu.memory_space<hbm>> -> memref<50x128xi32, #tpu.memory_space<hbm>>
      tpu.wait_dma2 semaphore(%run_scoped3A : memref<!tpu.dma_semaphore, #tpu.memory_space<semaphore_mem>>) src(%dma_wait3A_799 : memref<50x128xi32, #tpu.memory_space<hbm>>) dst(%arg11 : memref<50x128xi32, #tpu.memory_space<vmem>>)
      tpu.yield
    }) : () -> ()
    %scan3A_429 = arith.constant 0 : i32
    %scan3A_430 = arith.constant 0 : i32
    %scan3A_431 = arith.constant 50 : i32
    %scan3A_432 = arith.addi %scan3A_430, %scan3A_431 : i32
    %scan3A_433 = arith.constant 1 : i32
    scf.for %scan3A_793 = %scan3A_430 to %scan3A_432 step %scan3A_433  : i32 {
      %get3A_794 = arith.index_cast %scan3A_793 : i32 to index
      %get3A_795 = arith.constant 0 : index
      %get3A_796 = tpu.vector_load %arg11[%get3A_794, %get3A_795] {strides = array<i32>} : memref<50x128xi32, #tpu.memory_space<vmem>>, vector<16xi32>,
      %sub3A = vector.broadcast %mul3A_156 : i32 to vector<16xi32>
      %sub3A_797 = arith.subi %get3A_796, %sub3A : vector<16xi32>
      %ge3A = arith.constant 0 : i32
      %ge3A_798 = vector.broadcast %ge3A : i32 to vector<16xi32>
      %ge3A_799 = arith.cmpi sge, %sub3A_797, %ge3A_798 : vector<16xi32>
      %lt3A = vector.broadcast %select_n3A_161 : i32 to vector<16xi32>
      %lt3A_800 = arith.cmpi slt, %sub3A_797, %lt3A : vector<16xi32>
      %and3A_801 = arith.andi %ge3A_799, %lt3A_800 : vector<16xi1>
      %or3A = arith.constant 0 : i32
      %or3A_802 = vector.broadcast %or3A : i32 to vector<16xi32>
      %or3A_803 = arith.ori %or3A_802, %iota3A : vector<16xi32>
      %add3A_804 = arith.constant 500352 : i32
      %add3A_805 = vector.broadcast %add3A_804 : i32 to vector<16xi32>
      %add3A_806 = arith.addi %add3A_805, %or3A_803 : vector<16xi32>
      %select_n3A_807 = arith.select %and3A_801, %sub3A_797, %add3A_806 : vector<16xi1>, vector<16xi32>
      %swap3A_808 = arith.index_cast %scan3A_793 : i32 to index
      %swap3A_809 = arith.constant 0 : index
      %swap3A_810 = tpu.vector_load %arg11[%swap3A_808, %swap3A_809] {strides = array<i32>} : memref<50x128xi32, #tpu.memory_space<vmem>>, vector<16xi32>,
      tpu.vector_store %arg11[%swap3A_808, %swap3A_809], %select_n3A_807 {strides = array<i32>} : memref<50x128xi32, #tpu.memory_space<vmem>>, vector<16xi32>,
      %get3A_811 = arith.index_cast %scan3A_793 : i32 to index
      %get3A_812 = arith.constant 16 : index
      %get3A_813 = tpu.vector_load %arg11[%get3A_811, %get3A_812] {strides = array<i32>} : memref<50x128xi32, #tpu.memory_space<vmem>>, vector<16xi32>,
      %sub3A_814 = vector.broadcast %mul3A_156 : i32 to vector<16xi32>
      %sub3A_815 = arith.subi %get3A_813, %sub3A_814 : vector<16xi32>
      %ge3A_816 = arith.constant 0 : i32
      %ge3A_817 = vector.broadcast %ge3A_816 : i32 to vector<16xi32>
      %ge3A_818 = arith.cmpi sge, %sub3A_815, %ge3A_817 : vector<16xi32>
      %lt3A_819 = vector.broadcast %select_n3A_161 : i32 to vector<16xi32>
      %lt3A_820 = arith.cmpi slt, %sub3A_815, %lt3A_819 : vector<16xi32>
      %and3A_821 = arith.andi %ge3A_818, %lt3A_820 : vector<16xi1>
      %or3A_822 = arith.constant 16 : i32
      %or3A_823 = vector.broadcast %or3A_822 : i32 to vector<16xi32>
      %or3A_824 = arith.ori %or3A_823, %iota3A : vector<16xi32>
      %add3A_825 = arith.constant 500352 : i32
      %add3A_826 = vector.broadcast %add3A_825 : i32 to vector<16xi32>
      %add3A_827 = arith.addi %add3A_826, %or3A_824 : vector<16xi32>
      %select_n3A_828 = arith.select %and3A_821, %sub3A_815, %add3A_827 : vector<16xi1>, vector<16xi32>
      %swap3A_829 = arith.index_cast %scan3A_793 : i32 to index
      %swap3A_830 = arith.constant 16 : index
      %swap3A_831 = tpu.vector_load %arg11[%swap3A_829, %swap3A_830] {strides = array<i32>} : memref<50x128xi32, #tpu.memory_space<vmem>>, vector<16xi32>,
      tpu.vector_store %arg11[%swap3A_829, %swap3A_830], %select_n3A_828 {strides = array<i32>} : memref<50x128xi32, #tpu.memory_space<vmem>>, vector<16xi32>,
      %get3A_832 = arith.index_cast %scan3A_793 : i32 to index
      %get3A_833 = arith.constant 32 : index
      %get3A_834 = tpu.vector_load %arg11[%get3A_832, %get3A_833] {strides = array<i32>} : memref<50x128xi32, #tpu.memory_space<vmem>>, vector<16xi32>,
      %sub3A_835 = vector.broadcast %mul3A_156 : i32 to vector<16xi32>
      %sub3A_836 = arith.subi %get3A_834, %sub3A_835 : vector<16xi32>
      %ge3A_837 = arith.constant 0 : i32
      %ge3A_838 = vector.broadcast %ge3A_837 : i32 to vector<16xi32>
      %ge3A_839 = arith.cmpi sge, %sub3A_836, %ge3A_838 : vector<16xi32>
      %lt3A_840 = vector.broadcast %select_n3A_161 : i32 to vector<16xi32>
      %lt3A_841 = arith.cmpi slt, %sub3A_836, %lt3A_840 : vector<16xi32>
      %and3A_842 = arith.andi %ge3A_839, %lt3A_841 : vector<16xi1>
      %or3A_843 = arith.constant 32 : i32
      %or3A_844 = vector.broadcast %or3A_843 : i32 to vector<16xi32>
      %or3A_845 = arith.ori %or3A_844, %iota3A : vector<16xi32>
      %add3A_846 = arith.constant 500352 : i32
      %add3A_847 = vector.broadcast %add3A_846 : i32 to vector<16xi32>
      %add3A_848 = arith.addi %add3A_847, %or3A_845 : vector<16xi32>
      %select_n3A_849 = arith.select %and3A_842, %sub3A_836, %add3A_848 : vector<16xi1>, vector<16xi32>
      %swap3A_850 = arith.index_cast %scan3A_793 : i32 to index
      %swap3A_851 = arith.constant 32 : index
      %swap3A_852 = tpu.vector_load %arg11[%swap3A_850, %swap3A_851] {strides = array<i32>} : memref<50x128xi32, #tpu.memory_space<vmem>>, vector<16xi32>,
      tpu.vector_store %arg11[%swap3A_850, %swap3A_851], %select_n3A_849 {strides = array<i32>} : memref<50x128xi32, #tpu.memory_space<vmem>>, vector<16xi32>,
      %get3A_853 = arith.index_cast %scan3A_793 : i32 to index
      %get3A_854 = arith.constant 48 : index
      %get3A_855 = tpu.vector_load %arg11[%get3A_853, %get3A_854] {strides = array<i32>} : memref<50x128xi32, #tpu.memory_space<vmem>>, vector<16xi32>,
      %sub3A_856 = vector.broadcast %mul3A_156 : i32 to vector<16xi32>
      %sub3A_857 = arith.subi %get3A_855, %sub3A_856 : vector<16xi32>
      %ge3A_858 = arith.constant 0 : i32
      %ge3A_859 = vector.broadcast %ge3A_858 : i32 to vector<16xi32>
      %ge3A_860 = arith.cmpi sge, %sub3A_857, %ge3A_859 : vector<16xi32>
      %lt3A_861 = vector.broadcast %select_n3A_161 : i32 to vector<16xi32>
      %lt3A_862 = arith.cmpi slt, %sub3A_857, %lt3A_861 : vector<16xi32>
      %and3A_863 = arith.andi %ge3A_860, %lt3A_862 : vector<16xi1>
      %or3A_864 = arith.constant 48 : i32
      %or3A_865 = vector.broadcast %or3A_864 : i32 to vector<16xi32>
      %or3A_866 = arith.ori %or3A_865, %iota3A : vector<16xi32>
      %add3A_867 = arith.constant 500352 : i32
      %add3A_868 = vector.broadcast %add3A_867 : i32 to vector<16xi32>
      %add3A_869 = arith.addi %add3A_868, %or3A_866 : vector<16xi32>
      %select_n3A_870 = arith.select %and3A_863, %sub3A_857, %add3A_869 : vector<16xi1>, vector<16xi32>
      %swap3A_871 = arith.index_cast %scan3A_793 : i32 to index
      %swap3A_872 = arith.constant 48 : index
      %swap3A_873 = tpu.vector_load %arg11[%swap3A_871, %swap3A_872] {strides = array<i32>} : memref<50x128xi32, #tpu.memory_space<vmem>>, vector<16xi32>,
      tpu.vector_store %arg11[%swap3A_871, %swap3A_872], %select_n3A_870 {strides = array<i32>} : memref<50x128xi32, #tpu.memory_space<vmem>>, vector<16xi32>,
      %get3A_874 = arith.index_cast %scan3A_793 : i32 to index
      %get3A_875 = arith.constant 64 : index
      %get3A_876 = tpu.vector_load %arg11[%get3A_874, %get3A_875] {strides = array<i32>} : memref<50x128xi32, #tpu.memory_space<vmem>>, vector<16xi32>,
      %sub3A_877 = vector.broadcast %mul3A_156 : i32 to vector<16xi32>
      %sub3A_878 = arith.subi %get3A_876, %sub3A_877 : vector<16xi32>
      %ge3A_879 = arith.constant 0 : i32
      %ge3A_880 = vector.broadcast %ge3A_879 : i32 to vector<16xi32>
      %ge3A_881 = arith.cmpi sge, %sub3A_878, %ge3A_880 : vector<16xi32>
      %lt3A_882 = vector.broadcast %select_n3A_161 : i32 to vector<16xi32>
      %lt3A_883 = arith.cmpi slt, %sub3A_878, %lt3A_882 : vector<16xi32>
      %and3A_884 = arith.andi %ge3A_881, %lt3A_883 : vector<16xi1>
      %or3A_885 = arith.constant 64 : i32
      %or3A_886 = vector.broadcast %or3A_885 : i32 to vector<16xi32>
      %or3A_887 = arith.ori %or3A_886, %iota3A : vector<16xi32>
      %add3A_888 = arith.constant 500352 : i32
      %add3A_889 = vector.broadcast %add3A_888 : i32 to vector<16xi32>
      %add3A_890 = arith.addi %add3A_889, %or3A_887 : vector<16xi32>
      %select_n3A_891 = arith.select %and3A_884, %sub3A_878, %add3A_890 : vector<16xi1>, vector<16xi32>
      %swap3A_892 = arith.index_cast %scan3A_793 : i32 to index
      %swap3A_893 = arith.constant 64 : index
      %swap3A_894 = tpu.vector_load %arg11[%swap3A_892, %swap3A_893] {strides = array<i32>} : memref<50x128xi32, #tpu.memory_space<vmem>>, vector<16xi32>,
      tpu.vector_store %arg11[%swap3A_892, %swap3A_893], %select_n3A_891 {strides = array<i32>} : memref<50x128xi32, #tpu.memory_space<vmem>>, vector<16xi32>,
      %get3A_895 = arith.index_cast %scan3A_793 : i32 to index
      %get3A_896 = arith.constant 80 : index
      %get3A_897 = tpu.vector_load %arg11[%get3A_895, %get3A_896] {strides = array<i32>} : memref<50x128xi32, #tpu.memory_space<vmem>>, vector<16xi32>,
      %sub3A_898 = vector.broadcast %mul3A_156 : i32 to vector<16xi32>
      %sub3A_899 = arith.subi %get3A_897, %sub3A_898 : vector<16xi32>
      %ge3A_900 = arith.constant 0 : i32
      %ge3A_901 = vector.broadcast %ge3A_900 : i32 to vector<16xi32>
      %ge3A_902 = arith.cmpi sge, %sub3A_899, %ge3A_901 : vector<16xi32>
      %lt3A_903 = vector.broadcast %select_n3A_161 : i32 to vector<16xi32>
      %lt3A_904 = arith.cmpi slt, %sub3A_899, %lt3A_903 : vector<16xi32>
      %and3A_905 = arith.andi %ge3A_902, %lt3A_904 : vector<16xi1>
      %or3A_906 = arith.constant 80 : i32
      %or3A_907 = vector.broadcast %or3A_906 : i32 to vector<16xi32>
      %or3A_908 = arith.ori %or3A_907, %iota3A : vector<16xi32>
      %add3A_909 = arith.constant 500352 : i32
      %add3A_910 = vector.broadcast %add3A_909 : i32 to vector<16xi32>
      %add3A_911 = arith.addi %add3A_910, %or3A_908 : vector<16xi32>
      %select_n3A_912 = arith.select %and3A_905, %sub3A_899, %add3A_911 : vector<16xi1>, vector<16xi32>
      %swap3A_913 = arith.index_cast %scan3A_793 : i32 to index
      %swap3A_914 = arith.constant 80 : index
      %swap3A_915 = tpu.vector_load %arg11[%swap3A_913, %swap3A_914] {strides = array<i32>} : memref<50x128xi32, #tpu.memory_space<vmem>>, vector<16xi32>,
      tpu.vector_store %arg11[%swap3A_913, %swap3A_914], %select_n3A_912 {strides = array<i32>} : memref<50x128xi32, #tpu.memory_space<vmem>>, vector<16xi32>,
      %get3A_916 = arith.index_cast %scan3A_793 : i32 to index
      %get3A_917 = arith.constant 96 : index
      %get3A_918 = tpu.vector_load %arg11[%get3A_916, %get3A_917] {strides = array<i32>} : memref<50x128xi32, #tpu.memory_space<vmem>>, vector<16xi32>,
      %sub3A_919 = vector.broadcast %mul3A_156 : i32 to vector<16xi32>
      %sub3A_920 = arith.subi %get3A_918, %sub3A_919 : vector<16xi32>
      %ge3A_921 = arith.constant 0 : i32
      %ge3A_922 = vector.broadcast %ge3A_921 : i32 to vector<16xi32>
      %ge3A_923 = arith.cmpi sge, %sub3A_920, %ge3A_922 : vector<16xi32>
      %lt3A_924 = vector.broadcast %select_n3A_161 : i32 to vector<16xi32>
      %lt3A_925 = arith.cmpi slt, %sub3A_920, %lt3A_924 : vector<16xi32>
      %and3A_926 = arith.andi %ge3A_923, %lt3A_925 : vector<16xi1>
      %or3A_927 = arith.constant 96 : i32
      %or3A_928 = vector.broadcast %or3A_927 : i32 to vector<16xi32>
      %or3A_929 = arith.ori %or3A_928, %iota3A : vector<16xi32>
      %add3A_930 = arith.constant 500352 : i32
      %add3A_931 = vector.broadcast %add3A_930 : i32 to vector<16xi32>
      %add3A_932 = arith.addi %add3A_931, %or3A_929 : vector<16xi32>
      %select_n3A_933 = arith.select %and3A_926, %sub3A_920, %add3A_932 : vector<16xi1>, vector<16xi32>
      %swap3A_934 = arith.index_cast %scan3A_793 : i32 to index
      %swap3A_935 = arith.constant 96 : index
      %swap3A_936 = tpu.vector_load %arg11[%swap3A_934, %swap3A_935] {strides = array<i32>} : memref<50x128xi32, #tpu.memory_space<vmem>>, vector<16xi32>,
      tpu.vector_store %arg11[%swap3A_934, %swap3A_935], %select_n3A_933 {strides = array<i32>} : memref<50x128xi32, #tpu.memory_space<vmem>>, vector<16xi32>,
      %get3A_937 = arith.index_cast %scan3A_793 : i32 to index
      %get3A_938 = arith.constant 112 : index
      %get3A_939 = tpu.vector_load %arg11[%get3A_937, %get3A_938] {strides = array<i32>} : memref<50x128xi32, #tpu.memory_space<vmem>>, vector<16xi32>,
      %sub3A_940 = vector.broadcast %mul3A_156 : i32 to vector<16xi32>
      %sub3A_941 = arith.subi %get3A_939, %sub3A_940 : vector<16xi32>
      %ge3A_942 = arith.constant 0 : i32
      %ge3A_943 = vector.broadcast %ge3A_942 : i32 to vector<16xi32>
      %ge3A_944 = arith.cmpi sge, %sub3A_941, %ge3A_943 : vector<16xi32>
      %lt3A_945 = vector.broadcast %select_n3A_161 : i32 to vector<16xi32>
      %lt3A_946 = arith.cmpi slt, %sub3A_941, %lt3A_945 : vector<16xi32>
      %and3A_947 = arith.andi %ge3A_944, %lt3A_946 : vector<16xi1>
      %or3A_948 = arith.constant 112 : i32
      %or3A_949 = vector.broadcast %or3A_948 : i32 to vector<16xi32>
      %or3A_950 = arith.ori %or3A_949, %iota3A : vector<16xi32>
      %add3A_951 = arith.constant 500352 : i32
      %add3A_952 = vector.broadcast %add3A_951 : i32 to vector<16xi32>
      %add3A_953 = arith.addi %add3A_952, %or3A_950 : vector<16xi32>
      %select_n3A_954 = arith.select %and3A_947, %sub3A_941, %add3A_953 : vector<16xi1>, vector<16xi32>
      %swap3A_955 = arith.index_cast %scan3A_793 : i32 to index
      %swap3A_956 = arith.constant 112 : index
      %swap3A_957 = tpu.vector_load %arg11[%swap3A_955, %swap3A_956] {strides = array<i32>} : memref<50x128xi32, #tpu.memory_space<vmem>>, vector<16xi32>,
      tpu.vector_store %arg11[%swap3A_955, %swap3A_956], %select_n3A_954 {strides = array<i32>} : memref<50x128xi32, #tpu.memory_space<vmem>>, vector<16xi32>,
    }
    %scan3A_434 = arith.constant 50 : i32
    %scan3A_435 = arith.constant 0 : i32
    %scan3A_436 = arith.constant 0 : i32
    %scan3A_437 = arith.constant 50 : i32
    %scan3A_438 = arith.addi %scan3A_436, %scan3A_437 : i32
    %scan3A_439 = arith.constant 1 : i32
    scf.for %scan3A_793 = %scan3A_436 to %scan3A_438 step %scan3A_439  : i32 {
      %dma_start3A_794 = arith.constant 0 : i32
      %dma_start3A_795 = tpu.memref_slice %arg13[%scan3A_793, %dma_start3A_794] : memref<50x128xf32, #tpu.memory_space<vmem>> -> memref<1x128xf32, #tpu.memory_space<vmem>>
      %dma_start3A_796 = tpu.memref_squeeze %dma_start3A_795 : memref<1x128xf32, #tpu.memory_space<vmem>> -> memref<128xf32, #tpu.memory_space<vmem>>
      %dma_start3A_797 = arith.constant 0 : i32
      %dma_start3A_798 = tpu.memref_slice %arg11[%scan3A_793, %dma_start3A_797] : memref<50x128xi32, #tpu.memory_space<vmem>> -> memref<1x128xi32, #tpu.memory_space<vmem>>
      %dma_start3A_799 = tpu.memref_squeeze %dma_start3A_798 : memref<1x128xi32, #tpu.memory_space<vmem>> -> memref<128xi32, #tpu.memory_space<vmem>>
      %dma_start3A_800 = arith.constant 0 : i32
      %dma_start3A_801 = tpu.memref_slice %arg16[%dma_start3A_800] : memref<500480xf32, #tpu.memory_space<vmem_shared>> -> memref<500480xf32, #tpu.memory_space<vmem_shared>>
      tpu.enqueue_indirect_dma source(%dma_start3A_801 : memref<500480xf32, #tpu.memory_space<vmem_shared>>) target(%dma_start3A_796 : memref<128xf32, #tpu.memory_space<vmem>>) offsets(%dma_start3A_799 : memref<128xi32, #tpu.memory_space<vmem>>) semaphore(%arg19 : memref<!tpu.dma_semaphore, #tpu.memory_space<semaphore_mem>>)
    }
    %scan3A_440 = arith.constant 50 : i32
    %add3A_441 = arith.constant 384 : i32
    %add3A_442 = arith.addi %mul3A_185, %add3A_441 : i32
    %scan3A_443 = arith.constant 0 : i32
    %scan3A_444 = arith.constant 0 : i32
    %scan3A_445 = arith.constant 50 : i32
    %scan3A_446 = arith.addi %scan3A_444, %scan3A_445 : i32
    %scan3A_447 = arith.constant 1 : i32
    scf.for %scan3A_793 = %scan3A_444 to %scan3A_446 step %scan3A_447  : i32 {
      %dma_wait3A = arith.constant 0 : i32
      %dma_wait3A_794 = tpu.memref_slice %arg14[%scan3A_793, %dma_wait3A] : memref<50x128xf32, #tpu.memory_space<vmem>> -> memref<1x128xf32, #tpu.memory_space<vmem>>
      %dma_wait3A_795 = tpu.memref_squeeze %dma_wait3A_794 : memref<1x128xf32, #tpu.memory_space<vmem>> -> memref<128xf32, #tpu.memory_space<vmem>>
      %dma_wait3A_796 = arith.constant 0 : i32
      %dma_wait3A_797 = tpu.memref_slice %arg12[%scan3A_793, %dma_wait3A_796] : memref<50x128xi32, #tpu.memory_space<vmem>> -> memref<1x128xi32, #tpu.memory_space<vmem>>
      %dma_wait3A_798 = tpu.memref_squeeze %dma_wait3A_797 : memref<1x128xi32, #tpu.memory_space<vmem>> -> memref<128xi32, #tpu.memory_space<vmem>>
      %dma_wait3A_799 = arith.constant 0 : i32
      %dma_wait3A_800 = tpu.memref_slice %arg16[%dma_wait3A_799] : memref<500480xf32, #tpu.memory_space<vmem_shared>> -> memref<500480xf32, #tpu.memory_space<vmem_shared>>
      tpu.wait_indirect_dma semaphore(%arg20 : memref<!tpu.dma_semaphore, #tpu.memory_space<semaphore_mem>>) src(%dma_wait3A_800 : memref<500480xf32, #tpu.memory_space<vmem_shared>>) dst(%dma_wait3A_795 : memref<128xf32, #tpu.memory_space<vmem>>)
    }
    %scan3A_448 = arith.constant 50 : i32
    %get3A_449 = arith.constant 0 : i32
    %get3A_450 = arith.index_cast %get3A_449 : i32 to index
    %get3A_451 = arith.constant 0 : index
    %get3A_452 = tpu.vector_load %arg14[%get3A_450, %get3A_451] {strides = array<i32>} : memref<50x128xf32, #tpu.memory_space<vmem>>, vector<16xf32>,
    %get3A_453 = arith.constant 0 : i32
    %get3A_454 = arith.index_cast %get3A_453 : i32 to index
    %get3A_455 = arith.constant 16 : index
    %get3A_456 = tpu.vector_load %arg14[%get3A_454, %get3A_455] {strides = array<i32>} : memref<50x128xf32, #tpu.memory_space<vmem>>, vector<16xf32>,
    %get3A_457 = arith.constant 0 : i32
    %get3A_458 = arith.index_cast %get3A_457 : i32 to index
    %get3A_459 = arith.constant 32 : index
    %get3A_460 = tpu.vector_load %arg14[%get3A_458, %get3A_459] {strides = array<i32>} : memref<50x128xf32, #tpu.memory_space<vmem>>, vector<16xf32>,
    %get3A_461 = arith.constant 0 : i32
    %get3A_462 = arith.index_cast %get3A_461 : i32 to index
    %get3A_463 = arith.constant 48 : index
    %get3A_464 = tpu.vector_load %arg14[%get3A_462, %get3A_463] {strides = array<i32>} : memref<50x128xf32, #tpu.memory_space<vmem>>, vector<16xf32>,
    %get3A_465 = arith.constant 0 : i32
    %get3A_466 = arith.index_cast %get3A_465 : i32 to index
    %get3A_467 = arith.constant 64 : index
    %get3A_468 = tpu.vector_load %arg14[%get3A_466, %get3A_467] {strides = array<i32>} : memref<50x128xf32, #tpu.memory_space<vmem>>, vector<16xf32>,
    %get3A_469 = arith.constant 0 : i32
    %get3A_470 = arith.index_cast %get3A_469 : i32 to index
    %get3A_471 = arith.constant 80 : index
    %get3A_472 = tpu.vector_load %arg14[%get3A_470, %get3A_471] {strides = array<i32>} : memref<50x128xf32, #tpu.memory_space<vmem>>, vector<16xf32>,
    %get3A_473 = arith.constant 0 : i32
    %get3A_474 = arith.index_cast %get3A_473 : i32 to index
    %get3A_475 = arith.constant 96 : index
    %get3A_476 = tpu.vector_load %arg14[%get3A_474, %get3A_475] {strides = array<i32>} : memref<50x128xf32, #tpu.memory_space<vmem>>, vector<16xf32>,
    %get3A_477 = arith.constant 0 : i32
    %get3A_478 = arith.index_cast %get3A_477 : i32 to index
    %get3A_479 = arith.constant 112 : index
    %get3A_480 = tpu.vector_load %arg14[%get3A_478, %get3A_479] {strides = array<i32>} : memref<50x128xf32, #tpu.memory_space<vmem>>, vector<16xf32>,
    %scan3A_481 = arith.constant 1 : i32
    %scan3A_482 = arith.constant 49 : i32
    %scan3A_483 = arith.addi %scan3A_481, %scan3A_482 : i32
    %scan3A_484 = arith.constant 1 : i32
    %scan3A_485:8 = scf.for %scan3A_793 = %scan3A_481 to %scan3A_483 step %scan3A_484 iter_args(%scan3A_794 = %get3A_452, %scan3A_795 = %get3A_456, %scan3A_796 = %get3A_460, %scan3A_797 = %get3A_464, %scan3A_798 = %get3A_468, %scan3A_799 = %get3A_472, %scan3A_800 = %get3A_476, %scan3A_801 = %get3A_480) -> (vector<16xf32>, vector<16xf32>, vector<16xf32>, vector<16xf32>, vector<16xf32>, vector<16xf32>, vector<16xf32>, vector<16xf32>)  : i32 {
      %get3A_802 = arith.index_cast %scan3A_793 : i32 to index
      %get3A_803 = arith.constant 0 : index
      %get3A_804 = tpu.vector_load %arg14[%get3A_802, %get3A_803] {strides = array<i32>} : memref<50x128xf32, #tpu.memory_space<vmem>>, vector<16xf32>,
      %add3A_805 = arith.addf %scan3A_794, %get3A_804 : vector<16xf32>
      %get3A_806 = arith.index_cast %scan3A_793 : i32 to index
      %get3A_807 = arith.constant 16 : index
      %get3A_808 = tpu.vector_load %arg14[%get3A_806, %get3A_807] {strides = array<i32>} : memref<50x128xf32, #tpu.memory_space<vmem>>, vector<16xf32>,
      %add3A_809 = arith.addf %scan3A_795, %get3A_808 : vector<16xf32>
      %get3A_810 = arith.index_cast %scan3A_793 : i32 to index
      %get3A_811 = arith.constant 32 : index
      %get3A_812 = tpu.vector_load %arg14[%get3A_810, %get3A_811] {strides = array<i32>} : memref<50x128xf32, #tpu.memory_space<vmem>>, vector<16xf32>,
      %add3A_813 = arith.addf %scan3A_796, %get3A_812 : vector<16xf32>
      %get3A_814 = arith.index_cast %scan3A_793 : i32 to index
      %get3A_815 = arith.constant 48 : index
      %get3A_816 = tpu.vector_load %arg14[%get3A_814, %get3A_815] {strides = array<i32>} : memref<50x128xf32, #tpu.memory_space<vmem>>, vector<16xf32>,
      %add3A_817 = arith.addf %scan3A_797, %get3A_816 : vector<16xf32>
      %get3A_818 = arith.index_cast %scan3A_793 : i32 to index
      %get3A_819 = arith.constant 64 : index
      %get3A_820 = tpu.vector_load %arg14[%get3A_818, %get3A_819] {strides = array<i32>} : memref<50x128xf32, #tpu.memory_space<vmem>>, vector<16xf32>,
      %add3A_821 = arith.addf %scan3A_798, %get3A_820 : vector<16xf32>
      %get3A_822 = arith.index_cast %scan3A_793 : i32 to index
      %get3A_823 = arith.constant 80 : index
      %get3A_824 = tpu.vector_load %arg14[%get3A_822, %get3A_823] {strides = array<i32>} : memref<50x128xf32, #tpu.memory_space<vmem>>, vector<16xf32>,
      %add3A_825 = arith.addf %scan3A_799, %get3A_824 : vector<16xf32>
      %get3A_826 = arith.index_cast %scan3A_793 : i32 to index
      %get3A_827 = arith.constant 96 : index
      %get3A_828 = tpu.vector_load %arg14[%get3A_826, %get3A_827] {strides = array<i32>} : memref<50x128xf32, #tpu.memory_space<vmem>>, vector<16xf32>,
      %add3A_829 = arith.addf %scan3A_800, %get3A_828 : vector<16xf32>
      %get3A_830 = arith.index_cast %scan3A_793 : i32 to index
      %get3A_831 = arith.constant 112 : index
      %get3A_832 = tpu.vector_load %arg14[%get3A_830, %get3A_831] {strides = array<i32>} : memref<50x128xf32, #tpu.memory_space<vmem>>, vector<16xf32>,
      %add3A_833 = arith.addf %scan3A_801, %get3A_832 : vector<16xf32>
      scf.yield %add3A_805, %add3A_809, %add3A_813, %add3A_817, %add3A_821, %add3A_825, %add3A_829, %add3A_833 : vector<16xf32>, vector<16xf32>, vector<16xf32>, vector<16xf32>, vector<16xf32>, vector<16xf32>, vector<16xf32>, vector<16xf32>
    }
    %scan3A_486 = arith.constant 49 : i32
    %swap3A_487 = arith.constant 0 : index
    %swap3A_488 = tpu.vector_load %arg15[%swap3A_487] {strides = array<i32>} : memref<128xf32, #tpu.memory_space<vmem>>, vector<16xf32>,
    tpu.vector_store %arg15[%swap3A_487], %scan3A_485#0 {strides = array<i32>} : memref<128xf32, #tpu.memory_space<vmem>>, vector<16xf32>,
    %swap3A_489 = arith.constant 16 : index
    %swap3A_490 = tpu.vector_load %arg15[%swap3A_489] {strides = array<i32>} : memref<128xf32, #tpu.memory_space<vmem>>, vector<16xf32>,
    tpu.vector_store %arg15[%swap3A_489], %scan3A_485#1 {strides = array<i32>} : memref<128xf32, #tpu.memory_space<vmem>>, vector<16xf32>,
    %swap3A_491 = arith.constant 32 : index
    %swap3A_492 = tpu.vector_load %arg15[%swap3A_491] {strides = array<i32>} : memref<128xf32, #tpu.memory_space<vmem>>, vector<16xf32>,
    tpu.vector_store %arg15[%swap3A_491], %scan3A_485#2 {strides = array<i32>} : memref<128xf32, #tpu.memory_space<vmem>>, vector<16xf32>,
    %swap3A_493 = arith.constant 48 : index
    %swap3A_494 = tpu.vector_load %arg15[%swap3A_493] {strides = array<i32>} : memref<128xf32, #tpu.memory_space<vmem>>, vector<16xf32>,
    tpu.vector_store %arg15[%swap3A_493], %scan3A_485#3 {strides = array<i32>} : memref<128xf32, #tpu.memory_space<vmem>>, vector<16xf32>,
    %swap3A_495 = arith.constant 64 : index
    %swap3A_496 = tpu.vector_load %arg15[%swap3A_495] {strides = array<i32>} : memref<128xf32, #tpu.memory_space<vmem>>, vector<16xf32>,
    tpu.vector_store %arg15[%swap3A_495], %scan3A_485#4 {strides = array<i32>} : memref<128xf32, #tpu.memory_space<vmem>>, vector<16xf32>,
    %swap3A_497 = arith.constant 80 : index
    %swap3A_498 = tpu.vector_load %arg15[%swap3A_497] {strides = array<i32>} : memref<128xf32, #tpu.memory_space<vmem>>, vector<16xf32>,
    tpu.vector_store %arg15[%swap3A_497], %scan3A_485#5 {strides = array<i32>} : memref<128xf32, #tpu.memory_space<vmem>>, vector<16xf32>,
    %swap3A_499 = arith.constant 96 : index
    %swap3A_500 = tpu.vector_load %arg15[%swap3A_499] {strides = array<i32>} : memref<128xf32, #tpu.memory_space<vmem>>, vector<16xf32>,
    tpu.vector_store %arg15[%swap3A_499], %scan3A_485#6 {strides = array<i32>} : memref<128xf32, #tpu.memory_space<vmem>>, vector<16xf32>,
    %swap3A_501 = arith.constant 112 : index
    %swap3A_502 = tpu.vector_load %arg15[%swap3A_501] {strides = array<i32>} : memref<128xf32, #tpu.memory_space<vmem>>, vector<16xf32>,
    tpu.vector_store %arg15[%swap3A_501], %scan3A_485#7 {strides = array<i32>} : memref<128xf32, #tpu.memory_space<vmem>>, vector<16xf32>,
    "tpu.region"() ({
      %run_scoped3A = tpu.sem_alloc : memref<!tpu.dma_semaphore, #tpu.memory_space<semaphore_mem>>
      %dma_start3A_793 = tpu.memref_slice %arg6[%arg0, %add3A_442] : memref<2x16384xf32, #tpu.memory_space<hbm>> -> memref<1x128xf32, #tpu.memory_space<hbm>>
      %dma_start3A_794 = tpu.memref_squeeze %dma_start3A_793 : memref<1x128xf32, #tpu.memory_space<hbm>> -> memref<128xf32, #tpu.memory_space<hbm>>
      %dma_start3A_795 = tpu.memref_slice %arg6[%arg0, %add3A_442] : memref<2x16384xf32, #tpu.memory_space<hbm>> -> memref<1x128xf32, #tpu.memory_space<hbm>>
      %dma_start3A_796 = tpu.memref_squeeze %dma_start3A_795 : memref<1x128xf32, #tpu.memory_space<hbm>> -> memref<128xf32, #tpu.memory_space<hbm>>
      tpu.enqueue_dma source(%arg15 : memref<128xf32, #tpu.memory_space<vmem>>) target(%dma_start3A_796 : memref<128xf32, #tpu.memory_space<hbm>>) target_semaphore(%run_scoped3A : memref<!tpu.dma_semaphore, #tpu.memory_space<semaphore_mem>>)
      %dma_wait3A = tpu.memref_slice %arg6[%arg0, %add3A_442] : memref<2x16384xf32, #tpu.memory_space<hbm>> -> memref<1x128xf32, #tpu.memory_space<hbm>>
      %dma_wait3A_797 = tpu.memref_squeeze %dma_wait3A : memref<1x128xf32, #tpu.memory_space<hbm>> -> memref<128xf32, #tpu.memory_space<hbm>>
      %dma_wait3A_798 = tpu.memref_slice %arg6[%arg0, %add3A_442] : memref<2x16384xf32, #tpu.memory_space<hbm>> -> memref<1x128xf32, #tpu.memory_space<hbm>>
      %dma_wait3A_799 = tpu.memref_squeeze %dma_wait3A_798 : memref<1x128xf32, #tpu.memory_space<hbm>> -> memref<128xf32, #tpu.memory_space<hbm>>
      tpu.wait_dma2 semaphore(%run_scoped3A : memref<!tpu.dma_semaphore, #tpu.memory_space<semaphore_mem>>) src(%arg15 : memref<128xf32, #tpu.memory_space<vmem>>) dst(%dma_wait3A_799 : memref<128xf32, #tpu.memory_space<hbm>>)
      tpu.yield
    }) : () -> ()
    %add3A_503 = arith.constant 640 : i32
    %add3A_504 = arith.addi %mul3A_185, %add3A_503 : i32
    "tpu.region"() ({
      %run_scoped3A = tpu.sem_alloc : memref<!tpu.dma_semaphore, #tpu.memory_space<semaphore_mem>>
      %dma_start3A_793 = arith.constant 0 : i32
      %dma_start3A_794 = tpu.memref_slice %arg4[%dma_start3A_793, %add3A_504] : memref<50x16384xi32, #tpu.memory_space<hbm>> -> memref<50x128xi32, #tpu.memory_space<hbm>>
      %dma_start3A_795 = arith.constant 0 : i32
      %dma_start3A_796 = tpu.memref_slice %arg4[%dma_start3A_795, %add3A_504] : memref<50x16384xi32, #tpu.memory_space<hbm>> -> memref<50x128xi32, #tpu.memory_space<hbm>>
      tpu.enqueue_dma source(%dma_start3A_796 : memref<50x128xi32, #tpu.memory_space<hbm>>) target(%arg12 : memref<50x128xi32, #tpu.memory_space<vmem>>) target_semaphore(%run_scoped3A : memref<!tpu.dma_semaphore, #tpu.memory_space<semaphore_mem>>)
      %dma_wait3A = arith.constant 0 : i32
      %dma_wait3A_797 = tpu.memref_slice %arg4[%dma_wait3A, %add3A_504] : memref<50x16384xi32, #tpu.memory_space<hbm>> -> memref<50x128xi32, #tpu.memory_space<hbm>>
      %dma_wait3A_798 = arith.constant 0 : i32
      %dma_wait3A_799 = tpu.memref_slice %arg4[%dma_wait3A_798, %add3A_504] : memref<50x16384xi32, #tpu.memory_space<hbm>> -> memref<50x128xi32, #tpu.memory_space<hbm>>
      tpu.wait_dma2 semaphore(%run_scoped3A : memref<!tpu.dma_semaphore, #tpu.memory_space<semaphore_mem>>) src(%dma_wait3A_799 : memref<50x128xi32, #tpu.memory_space<hbm>>) dst(%arg12 : memref<50x128xi32, #tpu.memory_space<vmem>>)
      tpu.yield
    }) : () -> ()
    %scan3A_505 = arith.constant 0 : i32
    %scan3A_506 = arith.constant 0 : i32
    %scan3A_507 = arith.constant 50 : i32
    %scan3A_508 = arith.addi %scan3A_506, %scan3A_507 : i32
    %scan3A_509 = arith.constant 1 : i32
    scf.for %scan3A_793 = %scan3A_506 to %scan3A_508 step %scan3A_509  : i32 {
      %get3A_794 = arith.index_cast %scan3A_793 : i32 to index
      %get3A_795 = arith.constant 0 : index
      %get3A_796 = tpu.vector_load %arg12[%get3A_794, %get3A_795] {strides = array<i32>} : memref<50x128xi32, #tpu.memory_space<vmem>>, vector<16xi32>,
      %sub3A = vector.broadcast %mul3A_156 : i32 to vector<16xi32>
      %sub3A_797 = arith.subi %get3A_796, %sub3A : vector<16xi32>
      %ge3A = arith.constant 0 : i32
      %ge3A_798 = vector.broadcast %ge3A : i32 to vector<16xi32>
      %ge3A_799 = arith.cmpi sge, %sub3A_797, %ge3A_798 : vector<16xi32>
      %lt3A = vector.broadcast %select_n3A_161 : i32 to vector<16xi32>
      %lt3A_800 = arith.cmpi slt, %sub3A_797, %lt3A : vector<16xi32>
      %and3A_801 = arith.andi %ge3A_799, %lt3A_800 : vector<16xi1>
      %or3A = arith.constant 0 : i32
      %or3A_802 = vector.broadcast %or3A : i32 to vector<16xi32>
      %or3A_803 = arith.ori %or3A_802, %iota3A : vector<16xi32>
      %add3A_804 = arith.constant 500352 : i32
      %add3A_805 = vector.broadcast %add3A_804 : i32 to vector<16xi32>
      %add3A_806 = arith.addi %add3A_805, %or3A_803 : vector<16xi32>
      %select_n3A_807 = arith.select %and3A_801, %sub3A_797, %add3A_806 : vector<16xi1>, vector<16xi32>
      %swap3A_808 = arith.index_cast %scan3A_793 : i32 to index
      %swap3A_809 = arith.constant 0 : index
      %swap3A_810 = tpu.vector_load %arg12[%swap3A_808, %swap3A_809] {strides = array<i32>} : memref<50x128xi32, #tpu.memory_space<vmem>>, vector<16xi32>,
      tpu.vector_store %arg12[%swap3A_808, %swap3A_809], %select_n3A_807 {strides = array<i32>} : memref<50x128xi32, #tpu.memory_space<vmem>>, vector<16xi32>,
      %get3A_811 = arith.index_cast %scan3A_793 : i32 to index
      %get3A_812 = arith.constant 16 : index
      %get3A_813 = tpu.vector_load %arg12[%get3A_811, %get3A_812] {strides = array<i32>} : memref<50x128xi32, #tpu.memory_space<vmem>>, vector<16xi32>,
      %sub3A_814 = vector.broadcast %mul3A_156 : i32 to vector<16xi32>
      %sub3A_815 = arith.subi %get3A_813, %sub3A_814 : vector<16xi32>
      %ge3A_816 = arith.constant 0 : i32
      %ge3A_817 = vector.broadcast %ge3A_816 : i32 to vector<16xi32>
      %ge3A_818 = arith.cmpi sge, %sub3A_815, %ge3A_817 : vector<16xi32>
      %lt3A_819 = vector.broadcast %select_n3A_161 : i32 to vector<16xi32>
      %lt3A_820 = arith.cmpi slt, %sub3A_815, %lt3A_819 : vector<16xi32>
      %and3A_821 = arith.andi %ge3A_818, %lt3A_820 : vector<16xi1>
      %or3A_822 = arith.constant 16 : i32
      %or3A_823 = vector.broadcast %or3A_822 : i32 to vector<16xi32>
      %or3A_824 = arith.ori %or3A_823, %iota3A : vector<16xi32>
      %add3A_825 = arith.constant 500352 : i32
      %add3A_826 = vector.broadcast %add3A_825 : i32 to vector<16xi32>
      %add3A_827 = arith.addi %add3A_826, %or3A_824 : vector<16xi32>
      %select_n3A_828 = arith.select %and3A_821, %sub3A_815, %add3A_827 : vector<16xi1>, vector<16xi32>
      %swap3A_829 = arith.index_cast %scan3A_793 : i32 to index
      %swap3A_830 = arith.constant 16 : index
      %swap3A_831 = tpu.vector_load %arg12[%swap3A_829, %swap3A_830] {strides = array<i32>} : memref<50x128xi32, #tpu.memory_space<vmem>>, vector<16xi32>,
      tpu.vector_store %arg12[%swap3A_829, %swap3A_830], %select_n3A_828 {strides = array<i32>} : memref<50x128xi32, #tpu.memory_space<vmem>>, vector<16xi32>,
      %get3A_832 = arith.index_cast %scan3A_793 : i32 to index
      %get3A_833 = arith.constant 32 : index
      %get3A_834 = tpu.vector_load %arg12[%get3A_832, %get3A_833] {strides = array<i32>} : memref<50x128xi32, #tpu.memory_space<vmem>>, vector<16xi32>,
      %sub3A_835 = vector.broadcast %mul3A_156 : i32 to vector<16xi32>
      %sub3A_836 = arith.subi %get3A_834, %sub3A_835 : vector<16xi32>
      %ge3A_837 = arith.constant 0 : i32
      %ge3A_838 = vector.broadcast %ge3A_837 : i32 to vector<16xi32>
      %ge3A_839 = arith.cmpi sge, %sub3A_836, %ge3A_838 : vector<16xi32>
      %lt3A_840 = vector.broadcast %select_n3A_161 : i32 to vector<16xi32>
      %lt3A_841 = arith.cmpi slt, %sub3A_836, %lt3A_840 : vector<16xi32>
      %and3A_842 = arith.andi %ge3A_839, %lt3A_841 : vector<16xi1>
      %or3A_843 = arith.constant 32 : i32
      %or3A_844 = vector.broadcast %or3A_843 : i32 to vector<16xi32>
      %or3A_845 = arith.ori %or3A_844, %iota3A : vector<16xi32>
      %add3A_846 = arith.constant 500352 : i32
      %add3A_847 = vector.broadcast %add3A_846 : i32 to vector<16xi32>
      %add3A_848 = arith.addi %add3A_847, %or3A_845 : vector<16xi32>
      %select_n3A_849 = arith.select %and3A_842, %sub3A_836, %add3A_848 : vector<16xi1>, vector<16xi32>
      %swap3A_850 = arith.index_cast %scan3A_793 : i32 to index
      %swap3A_851 = arith.constant 32 : index
      %swap3A_852 = tpu.vector_load %arg12[%swap3A_850, %swap3A_851] {strides = array<i32>} : memref<50x128xi32, #tpu.memory_space<vmem>>, vector<16xi32>,
      tpu.vector_store %arg12[%swap3A_850, %swap3A_851], %select_n3A_849 {strides = array<i32>} : memref<50x128xi32, #tpu.memory_space<vmem>>, vector<16xi32>,
      %get3A_853 = arith.index_cast %scan3A_793 : i32 to index
      %get3A_854 = arith.constant 48 : index
      %get3A_855 = tpu.vector_load %arg12[%get3A_853, %get3A_854] {strides = array<i32>} : memref<50x128xi32, #tpu.memory_space<vmem>>, vector<16xi32>,
      %sub3A_856 = vector.broadcast %mul3A_156 : i32 to vector<16xi32>
      %sub3A_857 = arith.subi %get3A_855, %sub3A_856 : vector<16xi32>
      %ge3A_858 = arith.constant 0 : i32
      %ge3A_859 = vector.broadcast %ge3A_858 : i32 to vector<16xi32>
      %ge3A_860 = arith.cmpi sge, %sub3A_857, %ge3A_859 : vector<16xi32>
      %lt3A_861 = vector.broadcast %select_n3A_161 : i32 to vector<16xi32>
      %lt3A_862 = arith.cmpi slt, %sub3A_857, %lt3A_861 : vector<16xi32>
      %and3A_863 = arith.andi %ge3A_860, %lt3A_862 : vector<16xi1>
      %or3A_864 = arith.constant 48 : i32
      %or3A_865 = vector.broadcast %or3A_864 : i32 to vector<16xi32>
      %or3A_866 = arith.ori %or3A_865, %iota3A : vector<16xi32>
      %add3A_867 = arith.constant 500352 : i32
      %add3A_868 = vector.broadcast %add3A_867 : i32 to vector<16xi32>
      %add3A_869 = arith.addi %add3A_868, %or3A_866 : vector<16xi32>
      %select_n3A_870 = arith.select %and3A_863, %sub3A_857, %add3A_869 : vector<16xi1>, vector<16xi32>
      %swap3A_871 = arith.index_cast %scan3A_793 : i32 to index
      %swap3A_872 = arith.constant 48 : index
      %swap3A_873 = tpu.vector_load %arg12[%swap3A_871, %swap3A_872] {strides = array<i32>} : memref<50x128xi32, #tpu.memory_space<vmem>>, vector<16xi32>,
      tpu.vector_store %arg12[%swap3A_871, %swap3A_872], %select_n3A_870 {strides = array<i32>} : memref<50x128xi32, #tpu.memory_space<vmem>>, vector<16xi32>,
      %get3A_874 = arith.index_cast %scan3A_793 : i32 to index
      %get3A_875 = arith.constant 64 : index
      %get3A_876 = tpu.vector_load %arg12[%get3A_874, %get3A_875] {strides = array<i32>} : memref<50x128xi32, #tpu.memory_space<vmem>>, vector<16xi32>,
      %sub3A_877 = vector.broadcast %mul3A_156 : i32 to vector<16xi32>
      %sub3A_878 = arith.subi %get3A_876, %sub3A_877 : vector<16xi32>
      %ge3A_879 = arith.constant 0 : i32
      %ge3A_880 = vector.broadcast %ge3A_879 : i32 to vector<16xi32>
      %ge3A_881 = arith.cmpi sge, %sub3A_878, %ge3A_880 : vector<16xi32>
      %lt3A_882 = vector.broadcast %select_n3A_161 : i32 to vector<16xi32>
      %lt3A_883 = arith.cmpi slt, %sub3A_878, %lt3A_882 : vector<16xi32>
      %and3A_884 = arith.andi %ge3A_881, %lt3A_883 : vector<16xi1>
      %or3A_885 = arith.constant 64 : i32
      %or3A_886 = vector.broadcast %or3A_885 : i32 to vector<16xi32>
      %or3A_887 = arith.ori %or3A_886, %iota3A : vector<16xi32>
      %add3A_888 = arith.constant 500352 : i32
      %add3A_889 = vector.broadcast %add3A_888 : i32 to vector<16xi32>
      %add3A_890 = arith.addi %add3A_889, %or3A_887 : vector<16xi32>
      %select_n3A_891 = arith.select %and3A_884, %sub3A_878, %add3A_890 : vector<16xi1>, vector<16xi32>
      %swap3A_892 = arith.index_cast %scan3A_793 : i32 to index
      %swap3A_893 = arith.constant 64 : index
      %swap3A_894 = tpu.vector_load %arg12[%swap3A_892, %swap3A_893] {strides = array<i32>} : memref<50x128xi32, #tpu.memory_space<vmem>>, vector<16xi32>,
      tpu.vector_store %arg12[%swap3A_892, %swap3A_893], %select_n3A_891 {strides = array<i32>} : memref<50x128xi32, #tpu.memory_space<vmem>>, vector<16xi32>,
      %get3A_895 = arith.index_cast %scan3A_793 : i32 to index
      %get3A_896 = arith.constant 80 : index
      %get3A_897 = tpu.vector_load %arg12[%get3A_895, %get3A_896] {strides = array<i32>} : memref<50x128xi32, #tpu.memory_space<vmem>>, vector<16xi32>,
      %sub3A_898 = vector.broadcast %mul3A_156 : i32 to vector<16xi32>
      %sub3A_899 = arith.subi %get3A_897, %sub3A_898 : vector<16xi32>
      %ge3A_900 = arith.constant 0 : i32
      %ge3A_901 = vector.broadcast %ge3A_900 : i32 to vector<16xi32>
      %ge3A_902 = arith.cmpi sge, %sub3A_899, %ge3A_901 : vector<16xi32>
      %lt3A_903 = vector.broadcast %select_n3A_161 : i32 to vector<16xi32>
      %lt3A_904 = arith.cmpi slt, %sub3A_899, %lt3A_903 : vector<16xi32>
      %and3A_905 = arith.andi %ge3A_902, %lt3A_904 : vector<16xi1>
      %or3A_906 = arith.constant 80 : i32
      %or3A_907 = vector.broadcast %or3A_906 : i32 to vector<16xi32>
      %or3A_908 = arith.ori %or3A_907, %iota3A : vector<16xi32>
      %add3A_909 = arith.constant 500352 : i32
      %add3A_910 = vector.broadcast %add3A_909 : i32 to vector<16xi32>
      %add3A_911 = arith.addi %add3A_910, %or3A_908 : vector<16xi32>
      %select_n3A_912 = arith.select %and3A_905, %sub3A_899, %add3A_911 : vector<16xi1>, vector<16xi32>
      %swap3A_913 = arith.index_cast %scan3A_793 : i32 to index
      %swap3A_914 = arith.constant 80 : index
      %swap3A_915 = tpu.vector_load %arg12[%swap3A_913, %swap3A_914] {strides = array<i32>} : memref<50x128xi32, #tpu.memory_space<vmem>>, vector<16xi32>,
      tpu.vector_store %arg12[%swap3A_913, %swap3A_914], %select_n3A_912 {strides = array<i32>} : memref<50x128xi32, #tpu.memory_space<vmem>>, vector<16xi32>,
      %get3A_916 = arith.index_cast %scan3A_793 : i32 to index
      %get3A_917 = arith.constant 96 : index
      %get3A_918 = tpu.vector_load %arg12[%get3A_916, %get3A_917] {strides = array<i32>} : memref<50x128xi32, #tpu.memory_space<vmem>>, vector<16xi32>,
      %sub3A_919 = vector.broadcast %mul3A_156 : i32 to vector<16xi32>
      %sub3A_920 = arith.subi %get3A_918, %sub3A_919 : vector<16xi32>
      %ge3A_921 = arith.constant 0 : i32
      %ge3A_922 = vector.broadcast %ge3A_921 : i32 to vector<16xi32>
      %ge3A_923 = arith.cmpi sge, %sub3A_920, %ge3A_922 : vector<16xi32>
      %lt3A_924 = vector.broadcast %select_n3A_161 : i32 to vector<16xi32>
      %lt3A_925 = arith.cmpi slt, %sub3A_920, %lt3A_924 : vector<16xi32>
      %and3A_926 = arith.andi %ge3A_923, %lt3A_925 : vector<16xi1>
      %or3A_927 = arith.constant 96 : i32
      %or3A_928 = vector.broadcast %or3A_927 : i32 to vector<16xi32>
      %or3A_929 = arith.ori %or3A_928, %iota3A : vector<16xi32>
      %add3A_930 = arith.constant 500352 : i32
      %add3A_931 = vector.broadcast %add3A_930 : i32 to vector<16xi32>
      %add3A_932 = arith.addi %add3A_931, %or3A_929 : vector<16xi32>
      %select_n3A_933 = arith.select %and3A_926, %sub3A_920, %add3A_932 : vector<16xi1>, vector<16xi32>
      %swap3A_934 = arith.index_cast %scan3A_793 : i32 to index
      %swap3A_935 = arith.constant 96 : index
      %swap3A_936 = tpu.vector_load %arg12[%swap3A_934, %swap3A_935] {strides = array<i32>} : memref<50x128xi32, #tpu.memory_space<vmem>>, vector<16xi32>,
      tpu.vector_store %arg12[%swap3A_934, %swap3A_935], %select_n3A_933 {strides = array<i32>} : memref<50x128xi32, #tpu.memory_space<vmem>>, vector<16xi32>,
      %get3A_937 = arith.index_cast %scan3A_793 : i32 to index
      %get3A_938 = arith.constant 112 : index
      %get3A_939 = tpu.vector_load %arg12[%get3A_937, %get3A_938] {strides = array<i32>} : memref<50x128xi32, #tpu.memory_space<vmem>>, vector<16xi32>,
      %sub3A_940 = vector.broadcast %mul3A_156 : i32 to vector<16xi32>
      %sub3A_941 = arith.subi %get3A_939, %sub3A_940 : vector<16xi32>
      %ge3A_942 = arith.constant 0 : i32
      %ge3A_943 = vector.broadcast %ge3A_942 : i32 to vector<16xi32>
      %ge3A_944 = arith.cmpi sge, %sub3A_941, %ge3A_943 : vector<16xi32>
      %lt3A_945 = vector.broadcast %select_n3A_161 : i32 to vector<16xi32>
      %lt3A_946 = arith.cmpi slt, %sub3A_941, %lt3A_945 : vector<16xi32>
      %and3A_947 = arith.andi %ge3A_944, %lt3A_946 : vector<16xi1>
      %or3A_948 = arith.constant 112 : i32
      %or3A_949 = vector.broadcast %or3A_948 : i32 to vector<16xi32>
      %or3A_950 = arith.ori %or3A_949, %iota3A : vector<16xi32>
      %add3A_951 = arith.constant 500352 : i32
      %add3A_952 = vector.broadcast %add3A_951 : i32 to vector<16xi32>
      %add3A_953 = arith.addi %add3A_952, %or3A_950 : vector<16xi32>
      %select_n3A_954 = arith.select %and3A_947, %sub3A_941, %add3A_953 : vector<16xi1>, vector<16xi32>
      %swap3A_955 = arith.index_cast %scan3A_793 : i32 to index
      %swap3A_956 = arith.constant 112 : index
      %swap3A_957 = tpu.vector_load %arg12[%swap3A_955, %swap3A_956] {strides = array<i32>} : memref<50x128xi32, #tpu.memory_space<vmem>>, vector<16xi32>,
      tpu.vector_store %arg12[%swap3A_955, %swap3A_956], %select_n3A_954 {strides = array<i32>} : memref<50x128xi32, #tpu.memory_space<vmem>>, vector<16xi32>,
    }
    %scan3A_510 = arith.constant 50 : i32
    %scan3A_511 = arith.constant 0 : i32
    %scan3A_512 = arith.constant 0 : i32
    %scan3A_513 = arith.constant 50 : i32
    %scan3A_514 = arith.addi %scan3A_512, %scan3A_513 : i32
    %scan3A_515 = arith.constant 1 : i32
    scf.for %scan3A_793 = %scan3A_512 to %scan3A_514 step %scan3A_515  : i32 {
      %dma_start3A_794 = arith.constant 0 : i32
      %dma_start3A_795 = tpu.memref_slice %arg14[%scan3A_793, %dma_start3A_794] : memref<50x128xf32, #tpu.memory_space<vmem>> -> memref<1x128xf32, #tpu.memory_space<vmem>>
      %dma_start3A_796 = tpu.memref_squeeze %dma_start3A_795 : memref<1x128xf32, #tpu.memory_space<vmem>> -> memref<128xf32, #tpu.memory_space<vmem>>
      %dma_start3A_797 = arith.constant 0 : i32
      %dma_start3A_798 = tpu.memref_slice %arg12[%scan3A_793, %dma_start3A_797] : memref<50x128xi32, #tpu.memory_space<vmem>> -> memref<1x128xi32, #tpu.memory_space<vmem>>
      %dma_start3A_799 = tpu.memref_squeeze %dma_start3A_798 : memref<1x128xi32, #tpu.memory_space<vmem>> -> memref<128xi32, #tpu.memory_space<vmem>>
      %dma_start3A_800 = arith.constant 0 : i32
      %dma_start3A_801 = tpu.memref_slice %arg16[%dma_start3A_800] : memref<500480xf32, #tpu.memory_space<vmem_shared>> -> memref<500480xf32, #tpu.memory_space<vmem_shared>>
      tpu.enqueue_indirect_dma source(%dma_start3A_801 : memref<500480xf32, #tpu.memory_space<vmem_shared>>) target(%dma_start3A_796 : memref<128xf32, #tpu.memory_space<vmem>>) offsets(%dma_start3A_799 : memref<128xi32, #tpu.memory_space<vmem>>) semaphore(%arg20 : memref<!tpu.dma_semaphore, #tpu.memory_space<semaphore_mem>>)
    }
    %scan3A_516 = arith.constant 50 : i32
    %add3A_517 = arith.constant 512 : i32
    %add3A_518 = arith.addi %mul3A_185, %add3A_517 : i32
    %scan3A_519 = arith.constant 0 : i32
    %scan3A_520 = arith.constant 0 : i32
    %scan3A_521 = arith.constant 50 : i32
    %scan3A_522 = arith.addi %scan3A_520, %scan3A_521 : i32
    %scan3A_523 = arith.constant 1 : i32
    scf.for %scan3A_793 = %scan3A_520 to %scan3A_522 step %scan3A_523  : i32 {
      %dma_wait3A = arith.constant 0 : i32
      %dma_wait3A_794 = tpu.memref_slice %arg13[%scan3A_793, %dma_wait3A] : memref<50x128xf32, #tpu.memory_space<vmem>> -> memref<1x128xf32, #tpu.memory_space<vmem>>
      %dma_wait3A_795 = tpu.memref_squeeze %dma_wait3A_794 : memref<1x128xf32, #tpu.memory_space<vmem>> -> memref<128xf32, #tpu.memory_space<vmem>>
      %dma_wait3A_796 = arith.constant 0 : i32
      %dma_wait3A_797 = tpu.memref_slice %arg11[%scan3A_793, %dma_wait3A_796] : memref<50x128xi32, #tpu.memory_space<vmem>> -> memref<1x128xi32, #tpu.memory_space<vmem>>
      %dma_wait3A_798 = tpu.memref_squeeze %dma_wait3A_797 : memref<1x128xi32, #tpu.memory_space<vmem>> -> memref<128xi32, #tpu.memory_space<vmem>>
      %dma_wait3A_799 = arith.constant 0 : i32
      %dma_wait3A_800 = tpu.memref_slice %arg16[%dma_wait3A_799] : memref<500480xf32, #tpu.memory_space<vmem_shared>> -> memref<500480xf32, #tpu.memory_space<vmem_shared>>
      tpu.wait_indirect_dma semaphore(%arg19 : memref<!tpu.dma_semaphore, #tpu.memory_space<semaphore_mem>>) src(%dma_wait3A_800 : memref<500480xf32, #tpu.memory_space<vmem_shared>>) dst(%dma_wait3A_795 : memref<128xf32, #tpu.memory_space<vmem>>)
    }
    %scan3A_524 = arith.constant 50 : i32
    %get3A_525 = arith.constant 0 : i32
    %get3A_526 = arith.index_cast %get3A_525 : i32 to index
    %get3A_527 = arith.constant 0 : index
    %get3A_528 = tpu.vector_load %arg13[%get3A_526, %get3A_527] {strides = array<i32>} : memref<50x128xf32, #tpu.memory_space<vmem>>, vector<16xf32>,
    %get3A_529 = arith.constant 0 : i32
    %get3A_530 = arith.index_cast %get3A_529 : i32 to index
    %get3A_531 = arith.constant 16 : index
    %get3A_532 = tpu.vector_load %arg13[%get3A_530, %get3A_531] {strides = array<i32>} : memref<50x128xf32, #tpu.memory_space<vmem>>, vector<16xf32>,
    %get3A_533 = arith.constant 0 : i32
    %get3A_534 = arith.index_cast %get3A_533 : i32 to index
    %get3A_535 = arith.constant 32 : index
    %get3A_536 = tpu.vector_load %arg13[%get3A_534, %get3A_535] {strides = array<i32>} : memref<50x128xf32, #tpu.memory_space<vmem>>, vector<16xf32>,
    %get3A_537 = arith.constant 0 : i32
    %get3A_538 = arith.index_cast %get3A_537 : i32 to index
    %get3A_539 = arith.constant 48 : index
    %get3A_540 = tpu.vector_load %arg13[%get3A_538, %get3A_539] {strides = array<i32>} : memref<50x128xf32, #tpu.memory_space<vmem>>, vector<16xf32>,
    %get3A_541 = arith.constant 0 : i32
    %get3A_542 = arith.index_cast %get3A_541 : i32 to index
    %get3A_543 = arith.constant 64 : index
    %get3A_544 = tpu.vector_load %arg13[%get3A_542, %get3A_543] {strides = array<i32>} : memref<50x128xf32, #tpu.memory_space<vmem>>, vector<16xf32>,
    %get3A_545 = arith.constant 0 : i32
    %get3A_546 = arith.index_cast %get3A_545 : i32 to index
    %get3A_547 = arith.constant 80 : index
    %get3A_548 = tpu.vector_load %arg13[%get3A_546, %get3A_547] {strides = array<i32>} : memref<50x128xf32, #tpu.memory_space<vmem>>, vector<16xf32>,
    %get3A_549 = arith.constant 0 : i32
    %get3A_550 = arith.index_cast %get3A_549 : i32 to index
    %get3A_551 = arith.constant 96 : index
    %get3A_552 = tpu.vector_load %arg13[%get3A_550, %get3A_551] {strides = array<i32>} : memref<50x128xf32, #tpu.memory_space<vmem>>, vector<16xf32>,
    %get3A_553 = arith.constant 0 : i32
    %get3A_554 = arith.index_cast %get3A_553 : i32 to index
    %get3A_555 = arith.constant 112 : index
    %get3A_556 = tpu.vector_load %arg13[%get3A_554, %get3A_555] {strides = array<i32>} : memref<50x128xf32, #tpu.memory_space<vmem>>, vector<16xf32>,
    %scan3A_557 = arith.constant 1 : i32
    %scan3A_558 = arith.constant 49 : i32
    %scan3A_559 = arith.addi %scan3A_557, %scan3A_558 : i32
    %scan3A_560 = arith.constant 1 : i32
    %scan3A_561:8 = scf.for %scan3A_793 = %scan3A_557 to %scan3A_559 step %scan3A_560 iter_args(%scan3A_794 = %get3A_528, %scan3A_795 = %get3A_532, %scan3A_796 = %get3A_536, %scan3A_797 = %get3A_540, %scan3A_798 = %get3A_544, %scan3A_799 = %get3A_548, %scan3A_800 = %get3A_552, %scan3A_801 = %get3A_556) -> (vector<16xf32>, vector<16xf32>, vector<16xf32>, vector<16xf32>, vector<16xf32>, vector<16xf32>, vector<16xf32>, vector<16xf32>)  : i32 {
      %get3A_802 = arith.index_cast %scan3A_793 : i32 to index
      %get3A_803 = arith.constant 0 : index
      %get3A_804 = tpu.vector_load %arg13[%get3A_802, %get3A_803] {strides = array<i32>} : memref<50x128xf32, #tpu.memory_space<vmem>>, vector<16xf32>,
      %add3A_805 = arith.addf %scan3A_794, %get3A_804 : vector<16xf32>
      %get3A_806 = arith.index_cast %scan3A_793 : i32 to index
      %get3A_807 = arith.constant 16 : index
      %get3A_808 = tpu.vector_load %arg13[%get3A_806, %get3A_807] {strides = array<i32>} : memref<50x128xf32, #tpu.memory_space<vmem>>, vector<16xf32>,
      %add3A_809 = arith.addf %scan3A_795, %get3A_808 : vector<16xf32>
      %get3A_810 = arith.index_cast %scan3A_793 : i32 to index
      %get3A_811 = arith.constant 32 : index
      %get3A_812 = tpu.vector_load %arg13[%get3A_810, %get3A_811] {strides = array<i32>} : memref<50x128xf32, #tpu.memory_space<vmem>>, vector<16xf32>,
      %add3A_813 = arith.addf %scan3A_796, %get3A_812 : vector<16xf32>
      %get3A_814 = arith.index_cast %scan3A_793 : i32 to index
      %get3A_815 = arith.constant 48 : index
      %get3A_816 = tpu.vector_load %arg13[%get3A_814, %get3A_815] {strides = array<i32>} : memref<50x128xf32, #tpu.memory_space<vmem>>, vector<16xf32>,
      %add3A_817 = arith.addf %scan3A_797, %get3A_816 : vector<16xf32>
      %get3A_818 = arith.index_cast %scan3A_793 : i32 to index
      %get3A_819 = arith.constant 64 : index
      %get3A_820 = tpu.vector_load %arg13[%get3A_818, %get3A_819] {strides = array<i32>} : memref<50x128xf32, #tpu.memory_space<vmem>>, vector<16xf32>,
      %add3A_821 = arith.addf %scan3A_798, %get3A_820 : vector<16xf32>
      %get3A_822 = arith.index_cast %scan3A_793 : i32 to index
      %get3A_823 = arith.constant 80 : index
      %get3A_824 = tpu.vector_load %arg13[%get3A_822, %get3A_823] {strides = array<i32>} : memref<50x128xf32, #tpu.memory_space<vmem>>, vector<16xf32>,
      %add3A_825 = arith.addf %scan3A_799, %get3A_824 : vector<16xf32>
      %get3A_826 = arith.index_cast %scan3A_793 : i32 to index
      %get3A_827 = arith.constant 96 : index
      %get3A_828 = tpu.vector_load %arg13[%get3A_826, %get3A_827] {strides = array<i32>} : memref<50x128xf32, #tpu.memory_space<vmem>>, vector<16xf32>,
      %add3A_829 = arith.addf %scan3A_800, %get3A_828 : vector<16xf32>
      %get3A_830 = arith.index_cast %scan3A_793 : i32 to index
      %get3A_831 = arith.constant 112 : index
      %get3A_832 = tpu.vector_load %arg13[%get3A_830, %get3A_831] {strides = array<i32>} : memref<50x128xf32, #tpu.memory_space<vmem>>, vector<16xf32>,
      %add3A_833 = arith.addf %scan3A_801, %get3A_832 : vector<16xf32>
      scf.yield %add3A_805, %add3A_809, %add3A_813, %add3A_817, %add3A_821, %add3A_825, %add3A_829, %add3A_833 : vector<16xf32>, vector<16xf32>, vector<16xf32>, vector<16xf32>, vector<16xf32>, vector<16xf32>, vector<16xf32>, vector<16xf32>
    }
    %scan3A_562 = arith.constant 49 : i32
    %swap3A_563 = arith.constant 0 : index
    %swap3A_564 = tpu.vector_load %arg15[%swap3A_563] {strides = array<i32>} : memref<128xf32, #tpu.memory_space<vmem>>, vector<16xf32>,
    tpu.vector_store %arg15[%swap3A_563], %scan3A_561#0 {strides = array<i32>} : memref<128xf32, #tpu.memory_space<vmem>>, vector<16xf32>,
    %swap3A_565 = arith.constant 16 : index
    %swap3A_566 = tpu.vector_load %arg15[%swap3A_565] {strides = array<i32>} : memref<128xf32, #tpu.memory_space<vmem>>, vector<16xf32>,
    tpu.vector_store %arg15[%swap3A_565], %scan3A_561#1 {strides = array<i32>} : memref<128xf32, #tpu.memory_space<vmem>>, vector<16xf32>,
    %swap3A_567 = arith.constant 32 : index
    %swap3A_568 = tpu.vector_load %arg15[%swap3A_567] {strides = array<i32>} : memref<128xf32, #tpu.memory_space<vmem>>, vector<16xf32>,
    tpu.vector_store %arg15[%swap3A_567], %scan3A_561#2 {strides = array<i32>} : memref<128xf32, #tpu.memory_space<vmem>>, vector<16xf32>,
    %swap3A_569 = arith.constant 48 : index
    %swap3A_570 = tpu.vector_load %arg15[%swap3A_569] {strides = array<i32>} : memref<128xf32, #tpu.memory_space<vmem>>, vector<16xf32>,
    tpu.vector_store %arg15[%swap3A_569], %scan3A_561#3 {strides = array<i32>} : memref<128xf32, #tpu.memory_space<vmem>>, vector<16xf32>,
    %swap3A_571 = arith.constant 64 : index
    %swap3A_572 = tpu.vector_load %arg15[%swap3A_571] {strides = array<i32>} : memref<128xf32, #tpu.memory_space<vmem>>, vector<16xf32>,
    tpu.vector_store %arg15[%swap3A_571], %scan3A_561#4 {strides = array<i32>} : memref<128xf32, #tpu.memory_space<vmem>>, vector<16xf32>,
    %swap3A_573 = arith.constant 80 : index
    %swap3A_574 = tpu.vector_load %arg15[%swap3A_573] {strides = array<i32>} : memref<128xf32, #tpu.memory_space<vmem>>, vector<16xf32>,
    tpu.vector_store %arg15[%swap3A_573], %scan3A_561#5 {strides = array<i32>} : memref<128xf32, #tpu.memory_space<vmem>>, vector<16xf32>,
    %swap3A_575 = arith.constant 96 : index
    %swap3A_576 = tpu.vector_load %arg15[%swap3A_575] {strides = array<i32>} : memref<128xf32, #tpu.memory_space<vmem>>, vector<16xf32>,
    tpu.vector_store %arg15[%swap3A_575], %scan3A_561#6 {strides = array<i32>} : memref<128xf32, #tpu.memory_space<vmem>>, vector<16xf32>,
    %swap3A_577 = arith.constant 112 : index
    %swap3A_578 = tpu.vector_load %arg15[%swap3A_577] {strides = array<i32>} : memref<128xf32, #tpu.memory_space<vmem>>, vector<16xf32>,
    tpu.vector_store %arg15[%swap3A_577], %scan3A_561#7 {strides = array<i32>} : memref<128xf32, #tpu.memory_space<vmem>>, vector<16xf32>,
    "tpu.region"() ({
      %run_scoped3A = tpu.sem_alloc : memref<!tpu.dma_semaphore, #tpu.memory_space<semaphore_mem>>
      %dma_start3A_793 = tpu.memref_slice %arg6[%arg0, %add3A_518] : memref<2x16384xf32, #tpu.memory_space<hbm>> -> memref<1x128xf32, #tpu.memory_space<hbm>>
      %dma_start3A_794 = tpu.memref_squeeze %dma_start3A_793 : memref<1x128xf32, #tpu.memory_space<hbm>> -> memref<128xf32, #tpu.memory_space<hbm>>
      %dma_start3A_795 = tpu.memref_slice %arg6[%arg0, %add3A_518] : memref<2x16384xf32, #tpu.memory_space<hbm>> -> memref<1x128xf32, #tpu.memory_space<hbm>>
      %dma_start3A_796 = tpu.memref_squeeze %dma_start3A_795 : memref<1x128xf32, #tpu.memory_space<hbm>> -> memref<128xf32, #tpu.memory_space<hbm>>
      tpu.enqueue_dma source(%arg15 : memref<128xf32, #tpu.memory_space<vmem>>) target(%dma_start3A_796 : memref<128xf32, #tpu.memory_space<hbm>>) target_semaphore(%run_scoped3A : memref<!tpu.dma_semaphore, #tpu.memory_space<semaphore_mem>>)
      %dma_wait3A = tpu.memref_slice %arg6[%arg0, %add3A_518] : memref<2x16384xf32, #tpu.memory_space<hbm>> -> memref<1x128xf32, #tpu.memory_space<hbm>>
      %dma_wait3A_797 = tpu.memref_squeeze %dma_wait3A : memref<1x128xf32, #tpu.memory_space<hbm>> -> memref<128xf32, #tpu.memory_space<hbm>>
      %dma_wait3A_798 = tpu.memref_slice %arg6[%arg0, %add3A_518] : memref<2x16384xf32, #tpu.memory_space<hbm>> -> memref<1x128xf32, #tpu.memory_space<hbm>>
      %dma_wait3A_799 = tpu.memref_squeeze %dma_wait3A_798 : memref<1x128xf32, #tpu.memory_space<hbm>> -> memref<128xf32, #tpu.memory_space<hbm>>
      tpu.wait_dma2 semaphore(%run_scoped3A : memref<!tpu.dma_semaphore, #tpu.memory_space<semaphore_mem>>) src(%arg15 : memref<128xf32, #tpu.memory_space<vmem>>) dst(%dma_wait3A_799 : memref<128xf32, #tpu.memory_space<hbm>>)
      tpu.yield
    }) : () -> ()
    %add3A_579 = arith.constant 768 : i32
    %add3A_580 = arith.addi %mul3A_185, %add3A_579 : i32
    "tpu.region"() ({
      %run_scoped3A = tpu.sem_alloc : memref<!tpu.dma_semaphore, #tpu.memory_space<semaphore_mem>>
      %dma_start3A_793 = arith.constant 0 : i32
      %dma_start3A_794 = tpu.memref_slice %arg4[%dma_start3A_793, %add3A_580] : memref<50x16384xi32, #tpu.memory_space<hbm>> -> memref<50x128xi32, #tpu.memory_space<hbm>>
      %dma_start3A_795 = arith.constant 0 : i32
      %dma_start3A_796 = tpu.memref_slice %arg4[%dma_start3A_795, %add3A_580] : memref<50x16384xi32, #tpu.memory_space<hbm>> -> memref<50x128xi32, #tpu.memory_space<hbm>>
      tpu.enqueue_dma source(%dma_start3A_796 : memref<50x128xi32, #tpu.memory_space<hbm>>) target(%arg11 : memref<50x128xi32, #tpu.memory_space<vmem>>) target_semaphore(%run_scoped3A : memref<!tpu.dma_semaphore, #tpu.memory_space<semaphore_mem>>)
      %dma_wait3A = arith.constant 0 : i32
      %dma_wait3A_797 = tpu.memref_slice %arg4[%dma_wait3A, %add3A_580] : memref<50x16384xi32, #tpu.memory_space<hbm>> -> memref<50x128xi32, #tpu.memory_space<hbm>>
      %dma_wait3A_798 = arith.constant 0 : i32
      %dma_wait3A_799 = tpu.memref_slice %arg4[%dma_wait3A_798, %add3A_580] : memref<50x16384xi32, #tpu.memory_space<hbm>> -> memref<50x128xi32, #tpu.memory_space<hbm>>
      tpu.wait_dma2 semaphore(%run_scoped3A : memref<!tpu.dma_semaphore, #tpu.memory_space<semaphore_mem>>) src(%dma_wait3A_799 : memref<50x128xi32, #tpu.memory_space<hbm>>) dst(%arg11 : memref<50x128xi32, #tpu.memory_space<vmem>>)
      tpu.yield
    }) : () -> ()
    %scan3A_581 = arith.constant 0 : i32
    %scan3A_582 = arith.constant 0 : i32
    %scan3A_583 = arith.constant 50 : i32
    %scan3A_584 = arith.addi %scan3A_582, %scan3A_583 : i32
    %scan3A_585 = arith.constant 1 : i32
    scf.for %scan3A_793 = %scan3A_582 to %scan3A_584 step %scan3A_585  : i32 {
      %get3A_794 = arith.index_cast %scan3A_793 : i32 to index
      %get3A_795 = arith.constant 0 : index
      %get3A_796 = tpu.vector_load %arg11[%get3A_794, %get3A_795] {strides = array<i32>} : memref<50x128xi32, #tpu.memory_space<vmem>>, vector<16xi32>,
      %sub3A = vector.broadcast %mul3A_156 : i32 to vector<16xi32>
      %sub3A_797 = arith.subi %get3A_796, %sub3A : vector<16xi32>
      %ge3A = arith.constant 0 : i32
      %ge3A_798 = vector.broadcast %ge3A : i32 to vector<16xi32>
      %ge3A_799 = arith.cmpi sge, %sub3A_797, %ge3A_798 : vector<16xi32>
      %lt3A = vector.broadcast %select_n3A_161 : i32 to vector<16xi32>
      %lt3A_800 = arith.cmpi slt, %sub3A_797, %lt3A : vector<16xi32>
      %and3A_801 = arith.andi %ge3A_799, %lt3A_800 : vector<16xi1>
      %or3A = arith.constant 0 : i32
      %or3A_802 = vector.broadcast %or3A : i32 to vector<16xi32>
      %or3A_803 = arith.ori %or3A_802, %iota3A : vector<16xi32>
      %add3A_804 = arith.constant 500352 : i32
      %add3A_805 = vector.broadcast %add3A_804 : i32 to vector<16xi32>
      %add3A_806 = arith.addi %add3A_805, %or3A_803 : vector<16xi32>
      %select_n3A_807 = arith.select %and3A_801, %sub3A_797, %add3A_806 : vector<16xi1>, vector<16xi32>
      %swap3A_808 = arith.index_cast %scan3A_793 : i32 to index
      %swap3A_809 = arith.constant 0 : index
      %swap3A_810 = tpu.vector_load %arg11[%swap3A_808, %swap3A_809] {strides = array<i32>} : memref<50x128xi32, #tpu.memory_space<vmem>>, vector<16xi32>,
      tpu.vector_store %arg11[%swap3A_808, %swap3A_809], %select_n3A_807 {strides = array<i32>} : memref<50x128xi32, #tpu.memory_space<vmem>>, vector<16xi32>,
      %get3A_811 = arith.index_cast %scan3A_793 : i32 to index
      %get3A_812 = arith.constant 16 : index
      %get3A_813 = tpu.vector_load %arg11[%get3A_811, %get3A_812] {strides = array<i32>} : memref<50x128xi32, #tpu.memory_space<vmem>>, vector<16xi32>,
      %sub3A_814 = vector.broadcast %mul3A_156 : i32 to vector<16xi32>
      %sub3A_815 = arith.subi %get3A_813, %sub3A_814 : vector<16xi32>
      %ge3A_816 = arith.constant 0 : i32
      %ge3A_817 = vector.broadcast %ge3A_816 : i32 to vector<16xi32>
      %ge3A_818 = arith.cmpi sge, %sub3A_815, %ge3A_817 : vector<16xi32>
      %lt3A_819 = vector.broadcast %select_n3A_161 : i32 to vector<16xi32>
      %lt3A_820 = arith.cmpi slt, %sub3A_815, %lt3A_819 : vector<16xi32>
      %and3A_821 = arith.andi %ge3A_818, %lt3A_820 : vector<16xi1>
      %or3A_822 = arith.constant 16 : i32
      %or3A_823 = vector.broadcast %or3A_822 : i32 to vector<16xi32>
      %or3A_824 = arith.ori %or3A_823, %iota3A : vector<16xi32>
      %add3A_825 = arith.constant 500352 : i32
      %add3A_826 = vector.broadcast %add3A_825 : i32 to vector<16xi32>
      %add3A_827 = arith.addi %add3A_826, %or3A_824 : vector<16xi32>
      %select_n3A_828 = arith.select %and3A_821, %sub3A_815, %add3A_827 : vector<16xi1>, vector<16xi32>
      %swap3A_829 = arith.index_cast %scan3A_793 : i32 to index
      %swap3A_830 = arith.constant 16 : index
      %swap3A_831 = tpu.vector_load %arg11[%swap3A_829, %swap3A_830] {strides = array<i32>} : memref<50x128xi32, #tpu.memory_space<vmem>>, vector<16xi32>,
      tpu.vector_store %arg11[%swap3A_829, %swap3A_830], %select_n3A_828 {strides = array<i32>} : memref<50x128xi32, #tpu.memory_space<vmem>>, vector<16xi32>,
      %get3A_832 = arith.index_cast %scan3A_793 : i32 to index
      %get3A_833 = arith.constant 32 : index
      %get3A_834 = tpu.vector_load %arg11[%get3A_832, %get3A_833] {strides = array<i32>} : memref<50x128xi32, #tpu.memory_space<vmem>>, vector<16xi32>,
      %sub3A_835 = vector.broadcast %mul3A_156 : i32 to vector<16xi32>
      %sub3A_836 = arith.subi %get3A_834, %sub3A_835 : vector<16xi32>
      %ge3A_837 = arith.constant 0 : i32
      %ge3A_838 = vector.broadcast %ge3A_837 : i32 to vector<16xi32>
      %ge3A_839 = arith.cmpi sge, %sub3A_836, %ge3A_838 : vector<16xi32>
      %lt3A_840 = vector.broadcast %select_n3A_161 : i32 to vector<16xi32>
      %lt3A_841 = arith.cmpi slt, %sub3A_836, %lt3A_840 : vector<16xi32>
      %and3A_842 = arith.andi %ge3A_839, %lt3A_841 : vector<16xi1>
      %or3A_843 = arith.constant 32 : i32
      %or3A_844 = vector.broadcast %or3A_843 : i32 to vector<16xi32>
      %or3A_845 = arith.ori %or3A_844, %iota3A : vector<16xi32>
      %add3A_846 = arith.constant 500352 : i32
      %add3A_847 = vector.broadcast %add3A_846 : i32 to vector<16xi32>
      %add3A_848 = arith.addi %add3A_847, %or3A_845 : vector<16xi32>
      %select_n3A_849 = arith.select %and3A_842, %sub3A_836, %add3A_848 : vector<16xi1>, vector<16xi32>
      %swap3A_850 = arith.index_cast %scan3A_793 : i32 to index
      %swap3A_851 = arith.constant 32 : index
      %swap3A_852 = tpu.vector_load %arg11[%swap3A_850, %swap3A_851] {strides = array<i32>} : memref<50x128xi32, #tpu.memory_space<vmem>>, vector<16xi32>,
      tpu.vector_store %arg11[%swap3A_850, %swap3A_851], %select_n3A_849 {strides = array<i32>} : memref<50x128xi32, #tpu.memory_space<vmem>>, vector<16xi32>,
      %get3A_853 = arith.index_cast %scan3A_793 : i32 to index
      %get3A_854 = arith.constant 48 : index
      %get3A_855 = tpu.vector_load %arg11[%get3A_853, %get3A_854] {strides = array<i32>} : memref<50x128xi32, #tpu.memory_space<vmem>>, vector<16xi32>,
      %sub3A_856 = vector.broadcast %mul3A_156 : i32 to vector<16xi32>
      %sub3A_857 = arith.subi %get3A_855, %sub3A_856 : vector<16xi32>
      %ge3A_858 = arith.constant 0 : i32
      %ge3A_859 = vector.broadcast %ge3A_858 : i32 to vector<16xi32>
      %ge3A_860 = arith.cmpi sge, %sub3A_857, %ge3A_859 : vector<16xi32>
      %lt3A_861 = vector.broadcast %select_n3A_161 : i32 to vector<16xi32>
      %lt3A_862 = arith.cmpi slt, %sub3A_857, %lt3A_861 : vector<16xi32>
      %and3A_863 = arith.andi %ge3A_860, %lt3A_862 : vector<16xi1>
      %or3A_864 = arith.constant 48 : i32
      %or3A_865 = vector.broadcast %or3A_864 : i32 to vector<16xi32>
      %or3A_866 = arith.ori %or3A_865, %iota3A : vector<16xi32>
      %add3A_867 = arith.constant 500352 : i32
      %add3A_868 = vector.broadcast %add3A_867 : i32 to vector<16xi32>
      %add3A_869 = arith.addi %add3A_868, %or3A_866 : vector<16xi32>
      %select_n3A_870 = arith.select %and3A_863, %sub3A_857, %add3A_869 : vector<16xi1>, vector<16xi32>
      %swap3A_871 = arith.index_cast %scan3A_793 : i32 to index
      %swap3A_872 = arith.constant 48 : index
      %swap3A_873 = tpu.vector_load %arg11[%swap3A_871, %swap3A_872] {strides = array<i32>} : memref<50x128xi32, #tpu.memory_space<vmem>>, vector<16xi32>,
      tpu.vector_store %arg11[%swap3A_871, %swap3A_872], %select_n3A_870 {strides = array<i32>} : memref<50x128xi32, #tpu.memory_space<vmem>>, vector<16xi32>,
      %get3A_874 = arith.index_cast %scan3A_793 : i32 to index
      %get3A_875 = arith.constant 64 : index
      %get3A_876 = tpu.vector_load %arg11[%get3A_874, %get3A_875] {strides = array<i32>} : memref<50x128xi32, #tpu.memory_space<vmem>>, vector<16xi32>,
      %sub3A_877 = vector.broadcast %mul3A_156 : i32 to vector<16xi32>
      %sub3A_878 = arith.subi %get3A_876, %sub3A_877 : vector<16xi32>
      %ge3A_879 = arith.constant 0 : i32
      %ge3A_880 = vector.broadcast %ge3A_879 : i32 to vector<16xi32>
      %ge3A_881 = arith.cmpi sge, %sub3A_878, %ge3A_880 : vector<16xi32>
      %lt3A_882 = vector.broadcast %select_n3A_161 : i32 to vector<16xi32>
      %lt3A_883 = arith.cmpi slt, %sub3A_878, %lt3A_882 : vector<16xi32>
      %and3A_884 = arith.andi %ge3A_881, %lt3A_883 : vector<16xi1>
      %or3A_885 = arith.constant 64 : i32
      %or3A_886 = vector.broadcast %or3A_885 : i32 to vector<16xi32>
      %or3A_887 = arith.ori %or3A_886, %iota3A : vector<16xi32>
      %add3A_888 = arith.constant 500352 : i32
      %add3A_889 = vector.broadcast %add3A_888 : i32 to vector<16xi32>
      %add3A_890 = arith.addi %add3A_889, %or3A_887 : vector<16xi32>
      %select_n3A_891 = arith.select %and3A_884, %sub3A_878, %add3A_890 : vector<16xi1>, vector<16xi32>
      %swap3A_892 = arith.index_cast %scan3A_793 : i32 to index
      %swap3A_893 = arith.constant 64 : index
      %swap3A_894 = tpu.vector_load %arg11[%swap3A_892, %swap3A_893] {strides = array<i32>} : memref<50x128xi32, #tpu.memory_space<vmem>>, vector<16xi32>,
      tpu.vector_store %arg11[%swap3A_892, %swap3A_893], %select_n3A_891 {strides = array<i32>} : memref<50x128xi32, #tpu.memory_space<vmem>>, vector<16xi32>,
      %get3A_895 = arith.index_cast %scan3A_793 : i32 to index
      %get3A_896 = arith.constant 80 : index
      %get3A_897 = tpu.vector_load %arg11[%get3A_895, %get3A_896] {strides = array<i32>} : memref<50x128xi32, #tpu.memory_space<vmem>>, vector<16xi32>,
      %sub3A_898 = vector.broadcast %mul3A_156 : i32 to vector<16xi32>
      %sub3A_899 = arith.subi %get3A_897, %sub3A_898 : vector<16xi32>
      %ge3A_900 = arith.constant 0 : i32
      %ge3A_901 = vector.broadcast %ge3A_900 : i32 to vector<16xi32>
      %ge3A_902 = arith.cmpi sge, %sub3A_899, %ge3A_901 : vector<16xi32>
      %lt3A_903 = vector.broadcast %select_n3A_161 : i32 to vector<16xi32>
      %lt3A_904 = arith.cmpi slt, %sub3A_899, %lt3A_903 : vector<16xi32>
      %and3A_905 = arith.andi %ge3A_902, %lt3A_904 : vector<16xi1>
      %or3A_906 = arith.constant 80 : i32
      %or3A_907 = vector.broadcast %or3A_906 : i32 to vector<16xi32>
      %or3A_908 = arith.ori %or3A_907, %iota3A : vector<16xi32>
      %add3A_909 = arith.constant 500352 : i32
      %add3A_910 = vector.broadcast %add3A_909 : i32 to vector<16xi32>
      %add3A_911 = arith.addi %add3A_910, %or3A_908 : vector<16xi32>
      %select_n3A_912 = arith.select %and3A_905, %sub3A_899, %add3A_911 : vector<16xi1>, vector<16xi32>
      %swap3A_913 = arith.index_cast %scan3A_793 : i32 to index
      %swap3A_914 = arith.constant 80 : index
      %swap3A_915 = tpu.vector_load %arg11[%swap3A_913, %swap3A_914] {strides = array<i32>} : memref<50x128xi32, #tpu.memory_space<vmem>>, vector<16xi32>,
      tpu.vector_store %arg11[%swap3A_913, %swap3A_914], %select_n3A_912 {strides = array<i32>} : memref<50x128xi32, #tpu.memory_space<vmem>>, vector<16xi32>,
      %get3A_916 = arith.index_cast %scan3A_793 : i32 to index
      %get3A_917 = arith.constant 96 : index
      %get3A_918 = tpu.vector_load %arg11[%get3A_916, %get3A_917] {strides = array<i32>} : memref<50x128xi32, #tpu.memory_space<vmem>>, vector<16xi32>,
      %sub3A_919 = vector.broadcast %mul3A_156 : i32 to vector<16xi32>
      %sub3A_920 = arith.subi %get3A_918, %sub3A_919 : vector<16xi32>
      %ge3A_921 = arith.constant 0 : i32
      %ge3A_922 = vector.broadcast %ge3A_921 : i32 to vector<16xi32>
      %ge3A_923 = arith.cmpi sge, %sub3A_920, %ge3A_922 : vector<16xi32>
      %lt3A_924 = vector.broadcast %select_n3A_161 : i32 to vector<16xi32>
      %lt3A_925 = arith.cmpi slt, %sub3A_920, %lt3A_924 : vector<16xi32>
      %and3A_926 = arith.andi %ge3A_923, %lt3A_925 : vector<16xi1>
      %or3A_927 = arith.constant 96 : i32
      %or3A_928 = vector.broadcast %or3A_927 : i32 to vector<16xi32>
      %or3A_929 = arith.ori %or3A_928, %iota3A : vector<16xi32>
      %add3A_930 = arith.constant 500352 : i32
      %add3A_931 = vector.broadcast %add3A_930 : i32 to vector<16xi32>
      %add3A_932 = arith.addi %add3A_931, %or3A_929 : vector<16xi32>
      %select_n3A_933 = arith.select %and3A_926, %sub3A_920, %add3A_932 : vector<16xi1>, vector<16xi32>
      %swap3A_934 = arith.index_cast %scan3A_793 : i32 to index
      %swap3A_935 = arith.constant 96 : index
      %swap3A_936 = tpu.vector_load %arg11[%swap3A_934, %swap3A_935] {strides = array<i32>} : memref<50x128xi32, #tpu.memory_space<vmem>>, vector<16xi32>,
      tpu.vector_store %arg11[%swap3A_934, %swap3A_935], %select_n3A_933 {strides = array<i32>} : memref<50x128xi32, #tpu.memory_space<vmem>>, vector<16xi32>,
      %get3A_937 = arith.index_cast %scan3A_793 : i32 to index
      %get3A_938 = arith.constant 112 : index
      %get3A_939 = tpu.vector_load %arg11[%get3A_937, %get3A_938] {strides = array<i32>} : memref<50x128xi32, #tpu.memory_space<vmem>>, vector<16xi32>,
      %sub3A_940 = vector.broadcast %mul3A_156 : i32 to vector<16xi32>
      %sub3A_941 = arith.subi %get3A_939, %sub3A_940 : vector<16xi32>
      %ge3A_942 = arith.constant 0 : i32
      %ge3A_943 = vector.broadcast %ge3A_942 : i32 to vector<16xi32>
      %ge3A_944 = arith.cmpi sge, %sub3A_941, %ge3A_943 : vector<16xi32>
      %lt3A_945 = vector.broadcast %select_n3A_161 : i32 to vector<16xi32>
      %lt3A_946 = arith.cmpi slt, %sub3A_941, %lt3A_945 : vector<16xi32>
      %and3A_947 = arith.andi %ge3A_944, %lt3A_946 : vector<16xi1>
      %or3A_948 = arith.constant 112 : i32
      %or3A_949 = vector.broadcast %or3A_948 : i32 to vector<16xi32>
      %or3A_950 = arith.ori %or3A_949, %iota3A : vector<16xi32>
      %add3A_951 = arith.constant 500352 : i32
      %add3A_952 = vector.broadcast %add3A_951 : i32 to vector<16xi32>
      %add3A_953 = arith.addi %add3A_952, %or3A_950 : vector<16xi32>
      %select_n3A_954 = arith.select %and3A_947, %sub3A_941, %add3A_953 : vector<16xi1>, vector<16xi32>
      %swap3A_955 = arith.index_cast %scan3A_793 : i32 to index
      %swap3A_956 = arith.constant 112 : index
      %swap3A_957 = tpu.vector_load %arg11[%swap3A_955, %swap3A_956] {strides = array<i32>} : memref<50x128xi32, #tpu.memory_space<vmem>>, vector<16xi32>,
      tpu.vector_store %arg11[%swap3A_955, %swap3A_956], %select_n3A_954 {strides = array<i32>} : memref<50x128xi32, #tpu.memory_space<vmem>>, vector<16xi32>,
    }
    %scan3A_586 = arith.constant 50 : i32
    %scan3A_587 = arith.constant 0 : i32
    %scan3A_588 = arith.constant 0 : i32
    %scan3A_589 = arith.constant 50 : i32
    %scan3A_590 = arith.addi %scan3A_588, %scan3A_589 : i32
    %scan3A_591 = arith.constant 1 : i32
    scf.for %scan3A_793 = %scan3A_588 to %scan3A_590 step %scan3A_591  : i32 {
      %dma_start3A_794 = arith.constant 0 : i32
      %dma_start3A_795 = tpu.memref_slice %arg13[%scan3A_793, %dma_start3A_794] : memref<50x128xf32, #tpu.memory_space<vmem>> -> memref<1x128xf32, #tpu.memory_space<vmem>>
      %dma_start3A_796 = tpu.memref_squeeze %dma_start3A_795 : memref<1x128xf32, #tpu.memory_space<vmem>> -> memref<128xf32, #tpu.memory_space<vmem>>
      %dma_start3A_797 = arith.constant 0 : i32
      %dma_start3A_798 = tpu.memref_slice %arg11[%scan3A_793, %dma_start3A_797] : memref<50x128xi32, #tpu.memory_space<vmem>> -> memref<1x128xi32, #tpu.memory_space<vmem>>
      %dma_start3A_799 = tpu.memref_squeeze %dma_start3A_798 : memref<1x128xi32, #tpu.memory_space<vmem>> -> memref<128xi32, #tpu.memory_space<vmem>>
      %dma_start3A_800 = arith.constant 0 : i32
      %dma_start3A_801 = tpu.memref_slice %arg16[%dma_start3A_800] : memref<500480xf32, #tpu.memory_space<vmem_shared>> -> memref<500480xf32, #tpu.memory_space<vmem_shared>>
      tpu.enqueue_indirect_dma source(%dma_start3A_801 : memref<500480xf32, #tpu.memory_space<vmem_shared>>) target(%dma_start3A_796 : memref<128xf32, #tpu.memory_space<vmem>>) offsets(%dma_start3A_799 : memref<128xi32, #tpu.memory_space<vmem>>) semaphore(%arg19 : memref<!tpu.dma_semaphore, #tpu.memory_space<semaphore_mem>>)
    }
    %scan3A_592 = arith.constant 50 : i32
    %add3A_593 = arith.constant 640 : i32
    %add3A_594 = arith.addi %mul3A_185, %add3A_593 : i32
    %scan3A_595 = arith.constant 0 : i32
    %scan3A_596 = arith.constant 0 : i32
    %scan3A_597 = arith.constant 50 : i32
    %scan3A_598 = arith.addi %scan3A_596, %scan3A_597 : i32
    %scan3A_599 = arith.constant 1 : i32
    scf.for %scan3A_793 = %scan3A_596 to %scan3A_598 step %scan3A_599  : i32 {
      %dma_wait3A = arith.constant 0 : i32
      %dma_wait3A_794 = tpu.memref_slice %arg14[%scan3A_793, %dma_wait3A] : memref<50x128xf32, #tpu.memory_space<vmem>> -> memref<1x128xf32, #tpu.memory_space<vmem>>
      %dma_wait3A_795 = tpu.memref_squeeze %dma_wait3A_794 : memref<1x128xf32, #tpu.memory_space<vmem>> -> memref<128xf32, #tpu.memory_space<vmem>>
      %dma_wait3A_796 = arith.constant 0 : i32
      %dma_wait3A_797 = tpu.memref_slice %arg12[%scan3A_793, %dma_wait3A_796] : memref<50x128xi32, #tpu.memory_space<vmem>> -> memref<1x128xi32, #tpu.memory_space<vmem>>
      %dma_wait3A_798 = tpu.memref_squeeze %dma_wait3A_797 : memref<1x128xi32, #tpu.memory_space<vmem>> -> memref<128xi32, #tpu.memory_space<vmem>>
      %dma_wait3A_799 = arith.constant 0 : i32
      %dma_wait3A_800 = tpu.memref_slice %arg16[%dma_wait3A_799] : memref<500480xf32, #tpu.memory_space<vmem_shared>> -> memref<500480xf32, #tpu.memory_space<vmem_shared>>
      tpu.wait_indirect_dma semaphore(%arg20 : memref<!tpu.dma_semaphore, #tpu.memory_space<semaphore_mem>>) src(%dma_wait3A_800 : memref<500480xf32, #tpu.memory_space<vmem_shared>>) dst(%dma_wait3A_795 : memref<128xf32, #tpu.memory_space<vmem>>)
    }
    %scan3A_600 = arith.constant 50 : i32
    %get3A_601 = arith.constant 0 : i32
    %get3A_602 = arith.index_cast %get3A_601 : i32 to index
    %get3A_603 = arith.constant 0 : index
    %get3A_604 = tpu.vector_load %arg14[%get3A_602, %get3A_603] {strides = array<i32>} : memref<50x128xf32, #tpu.memory_space<vmem>>, vector<16xf32>,
    %get3A_605 = arith.constant 0 : i32
    %get3A_606 = arith.index_cast %get3A_605 : i32 to index
    %get3A_607 = arith.constant 16 : index
    %get3A_608 = tpu.vector_load %arg14[%get3A_606, %get3A_607] {strides = array<i32>} : memref<50x128xf32, #tpu.memory_space<vmem>>, vector<16xf32>,
    %get3A_609 = arith.constant 0 : i32
    %get3A_610 = arith.index_cast %get3A_609 : i32 to index
    %get3A_611 = arith.constant 32 : index
    %get3A_612 = tpu.vector_load %arg14[%get3A_610, %get3A_611] {strides = array<i32>} : memref<50x128xf32, #tpu.memory_space<vmem>>, vector<16xf32>,
    %get3A_613 = arith.constant 0 : i32
    %get3A_614 = arith.index_cast %get3A_613 : i32 to index
    %get3A_615 = arith.constant 48 : index
    %get3A_616 = tpu.vector_load %arg14[%get3A_614, %get3A_615] {strides = array<i32>} : memref<50x128xf32, #tpu.memory_space<vmem>>, vector<16xf32>,
    %get3A_617 = arith.constant 0 : i32
    %get3A_618 = arith.index_cast %get3A_617 : i32 to index
    %get3A_619 = arith.constant 64 : index
    %get3A_620 = tpu.vector_load %arg14[%get3A_618, %get3A_619] {strides = array<i32>} : memref<50x128xf32, #tpu.memory_space<vmem>>, vector<16xf32>,
    %get3A_621 = arith.constant 0 : i32
    %get3A_622 = arith.index_cast %get3A_621 : i32 to index
    %get3A_623 = arith.constant 80 : index
    %get3A_624 = tpu.vector_load %arg14[%get3A_622, %get3A_623] {strides = array<i32>} : memref<50x128xf32, #tpu.memory_space<vmem>>, vector<16xf32>,
    %get3A_625 = arith.constant 0 : i32
    %get3A_626 = arith.index_cast %get3A_625 : i32 to index
    %get3A_627 = arith.constant 96 : index
    %get3A_628 = tpu.vector_load %arg14[%get3A_626, %get3A_627] {strides = array<i32>} : memref<50x128xf32, #tpu.memory_space<vmem>>, vector<16xf32>,
    %get3A_629 = arith.constant 0 : i32
    %get3A_630 = arith.index_cast %get3A_629 : i32 to index
    %get3A_631 = arith.constant 112 : index
    %get3A_632 = tpu.vector_load %arg14[%get3A_630, %get3A_631] {strides = array<i32>} : memref<50x128xf32, #tpu.memory_space<vmem>>, vector<16xf32>,
    %scan3A_633 = arith.constant 1 : i32
    %scan3A_634 = arith.constant 49 : i32
    %scan3A_635 = arith.addi %scan3A_633, %scan3A_634 : i32
    %scan3A_636 = arith.constant 1 : i32
    %scan3A_637:8 = scf.for %scan3A_793 = %scan3A_633 to %scan3A_635 step %scan3A_636 iter_args(%scan3A_794 = %get3A_604, %scan3A_795 = %get3A_608, %scan3A_796 = %get3A_612, %scan3A_797 = %get3A_616, %scan3A_798 = %get3A_620, %scan3A_799 = %get3A_624, %scan3A_800 = %get3A_628, %scan3A_801 = %get3A_632) -> (vector<16xf32>, vector<16xf32>, vector<16xf32>, vector<16xf32>, vector<16xf32>, vector<16xf32>, vector<16xf32>, vector<16xf32>)  : i32 {
      %get3A_802 = arith.index_cast %scan3A_793 : i32 to index
      %get3A_803 = arith.constant 0 : index
      %get3A_804 = tpu.vector_load %arg14[%get3A_802, %get3A_803] {strides = array<i32>} : memref<50x128xf32, #tpu.memory_space<vmem>>, vector<16xf32>,
      %add3A_805 = arith.addf %scan3A_794, %get3A_804 : vector<16xf32>
      %get3A_806 = arith.index_cast %scan3A_793 : i32 to index
      %get3A_807 = arith.constant 16 : index
      %get3A_808 = tpu.vector_load %arg14[%get3A_806, %get3A_807] {strides = array<i32>} : memref<50x128xf32, #tpu.memory_space<vmem>>, vector<16xf32>,
      %add3A_809 = arith.addf %scan3A_795, %get3A_808 : vector<16xf32>
      %get3A_810 = arith.index_cast %scan3A_793 : i32 to index
      %get3A_811 = arith.constant 32 : index
      %get3A_812 = tpu.vector_load %arg14[%get3A_810, %get3A_811] {strides = array<i32>} : memref<50x128xf32, #tpu.memory_space<vmem>>, vector<16xf32>,
      %add3A_813 = arith.addf %scan3A_796, %get3A_812 : vector<16xf32>
      %get3A_814 = arith.index_cast %scan3A_793 : i32 to index
      %get3A_815 = arith.constant 48 : index
      %get3A_816 = tpu.vector_load %arg14[%get3A_814, %get3A_815] {strides = array<i32>} : memref<50x128xf32, #tpu.memory_space<vmem>>, vector<16xf32>,
      %add3A_817 = arith.addf %scan3A_797, %get3A_816 : vector<16xf32>
      %get3A_818 = arith.index_cast %scan3A_793 : i32 to index
      %get3A_819 = arith.constant 64 : index
      %get3A_820 = tpu.vector_load %arg14[%get3A_818, %get3A_819] {strides = array<i32>} : memref<50x128xf32, #tpu.memory_space<vmem>>, vector<16xf32>,
      %add3A_821 = arith.addf %scan3A_798, %get3A_820 : vector<16xf32>
      %get3A_822 = arith.index_cast %scan3A_793 : i32 to index
      %get3A_823 = arith.constant 80 : index
      %get3A_824 = tpu.vector_load %arg14[%get3A_822, %get3A_823] {strides = array<i32>} : memref<50x128xf32, #tpu.memory_space<vmem>>, vector<16xf32>,
      %add3A_825 = arith.addf %scan3A_799, %get3A_824 : vector<16xf32>
      %get3A_826 = arith.index_cast %scan3A_793 : i32 to index
      %get3A_827 = arith.constant 96 : index
      %get3A_828 = tpu.vector_load %arg14[%get3A_826, %get3A_827] {strides = array<i32>} : memref<50x128xf32, #tpu.memory_space<vmem>>, vector<16xf32>,
      %add3A_829 = arith.addf %scan3A_800, %get3A_828 : vector<16xf32>
      %get3A_830 = arith.index_cast %scan3A_793 : i32 to index
      %get3A_831 = arith.constant 112 : index
      %get3A_832 = tpu.vector_load %arg14[%get3A_830, %get3A_831] {strides = array<i32>} : memref<50x128xf32, #tpu.memory_space<vmem>>, vector<16xf32>,
      %add3A_833 = arith.addf %scan3A_801, %get3A_832 : vector<16xf32>
      scf.yield %add3A_805, %add3A_809, %add3A_813, %add3A_817, %add3A_821, %add3A_825, %add3A_829, %add3A_833 : vector<16xf32>, vector<16xf32>, vector<16xf32>, vector<16xf32>, vector<16xf32>, vector<16xf32>, vector<16xf32>, vector<16xf32>
    }
    %scan3A_638 = arith.constant 49 : i32
    %swap3A_639 = arith.constant 0 : index
    %swap3A_640 = tpu.vector_load %arg15[%swap3A_639] {strides = array<i32>} : memref<128xf32, #tpu.memory_space<vmem>>, vector<16xf32>,
    tpu.vector_store %arg15[%swap3A_639], %scan3A_637#0 {strides = array<i32>} : memref<128xf32, #tpu.memory_space<vmem>>, vector<16xf32>,
    %swap3A_641 = arith.constant 16 : index
    %swap3A_642 = tpu.vector_load %arg15[%swap3A_641] {strides = array<i32>} : memref<128xf32, #tpu.memory_space<vmem>>, vector<16xf32>,
    tpu.vector_store %arg15[%swap3A_641], %scan3A_637#1 {strides = array<i32>} : memref<128xf32, #tpu.memory_space<vmem>>, vector<16xf32>,
    %swap3A_643 = arith.constant 32 : index
    %swap3A_644 = tpu.vector_load %arg15[%swap3A_643] {strides = array<i32>} : memref<128xf32, #tpu.memory_space<vmem>>, vector<16xf32>,
    tpu.vector_store %arg15[%swap3A_643], %scan3A_637#2 {strides = array<i32>} : memref<128xf32, #tpu.memory_space<vmem>>, vector<16xf32>,
    %swap3A_645 = arith.constant 48 : index
    %swap3A_646 = tpu.vector_load %arg15[%swap3A_645] {strides = array<i32>} : memref<128xf32, #tpu.memory_space<vmem>>, vector<16xf32>,
    tpu.vector_store %arg15[%swap3A_645], %scan3A_637#3 {strides = array<i32>} : memref<128xf32, #tpu.memory_space<vmem>>, vector<16xf32>,
    %swap3A_647 = arith.constant 64 : index
    %swap3A_648 = tpu.vector_load %arg15[%swap3A_647] {strides = array<i32>} : memref<128xf32, #tpu.memory_space<vmem>>, vector<16xf32>,
    tpu.vector_store %arg15[%swap3A_647], %scan3A_637#4 {strides = array<i32>} : memref<128xf32, #tpu.memory_space<vmem>>, vector<16xf32>,
    %swap3A_649 = arith.constant 80 : index
    %swap3A_650 = tpu.vector_load %arg15[%swap3A_649] {strides = array<i32>} : memref<128xf32, #tpu.memory_space<vmem>>, vector<16xf32>,
    tpu.vector_store %arg15[%swap3A_649], %scan3A_637#5 {strides = array<i32>} : memref<128xf32, #tpu.memory_space<vmem>>, vector<16xf32>,
    %swap3A_651 = arith.constant 96 : index
    %swap3A_652 = tpu.vector_load %arg15[%swap3A_651] {strides = array<i32>} : memref<128xf32, #tpu.memory_space<vmem>>, vector<16xf32>,
    tpu.vector_store %arg15[%swap3A_651], %scan3A_637#6 {strides = array<i32>} : memref<128xf32, #tpu.memory_space<vmem>>, vector<16xf32>,
    %swap3A_653 = arith.constant 112 : index
    %swap3A_654 = tpu.vector_load %arg15[%swap3A_653] {strides = array<i32>} : memref<128xf32, #tpu.memory_space<vmem>>, vector<16xf32>,
    tpu.vector_store %arg15[%swap3A_653], %scan3A_637#7 {strides = array<i32>} : memref<128xf32, #tpu.memory_space<vmem>>, vector<16xf32>,
    "tpu.region"() ({
      %run_scoped3A = tpu.sem_alloc : memref<!tpu.dma_semaphore, #tpu.memory_space<semaphore_mem>>
      %dma_start3A_793 = tpu.memref_slice %arg6[%arg0, %add3A_594] : memref<2x16384xf32, #tpu.memory_space<hbm>> -> memref<1x128xf32, #tpu.memory_space<hbm>>
      %dma_start3A_794 = tpu.memref_squeeze %dma_start3A_793 : memref<1x128xf32, #tpu.memory_space<hbm>> -> memref<128xf32, #tpu.memory_space<hbm>>
      %dma_start3A_795 = tpu.memref_slice %arg6[%arg0, %add3A_594] : memref<2x16384xf32, #tpu.memory_space<hbm>> -> memref<1x128xf32, #tpu.memory_space<hbm>>
      %dma_start3A_796 = tpu.memref_squeeze %dma_start3A_795 : memref<1x128xf32, #tpu.memory_space<hbm>> -> memref<128xf32, #tpu.memory_space<hbm>>
      tpu.enqueue_dma source(%arg15 : memref<128xf32, #tpu.memory_space<vmem>>) target(%dma_start3A_796 : memref<128xf32, #tpu.memory_space<hbm>>) target_semaphore(%run_scoped3A : memref<!tpu.dma_semaphore, #tpu.memory_space<semaphore_mem>>)
      %dma_wait3A = tpu.memref_slice %arg6[%arg0, %add3A_594] : memref<2x16384xf32, #tpu.memory_space<hbm>> -> memref<1x128xf32, #tpu.memory_space<hbm>>
      %dma_wait3A_797 = tpu.memref_squeeze %dma_wait3A : memref<1x128xf32, #tpu.memory_space<hbm>> -> memref<128xf32, #tpu.memory_space<hbm>>
      %dma_wait3A_798 = tpu.memref_slice %arg6[%arg0, %add3A_594] : memref<2x16384xf32, #tpu.memory_space<hbm>> -> memref<1x128xf32, #tpu.memory_space<hbm>>
      %dma_wait3A_799 = tpu.memref_squeeze %dma_wait3A_798 : memref<1x128xf32, #tpu.memory_space<hbm>> -> memref<128xf32, #tpu.memory_space<hbm>>
      tpu.wait_dma2 semaphore(%run_scoped3A : memref<!tpu.dma_semaphore, #tpu.memory_space<semaphore_mem>>) src(%arg15 : memref<128xf32, #tpu.memory_space<vmem>>) dst(%dma_wait3A_799 : memref<128xf32, #tpu.memory_space<hbm>>)
      tpu.yield
    }) : () -> ()
    %add3A_655 = arith.constant 896 : i32
    %add3A_656 = arith.addi %mul3A_185, %add3A_655 : i32
    "tpu.region"() ({
      %run_scoped3A = tpu.sem_alloc : memref<!tpu.dma_semaphore, #tpu.memory_space<semaphore_mem>>
      %dma_start3A_793 = arith.constant 0 : i32
      %dma_start3A_794 = tpu.memref_slice %arg4[%dma_start3A_793, %add3A_656] : memref<50x16384xi32, #tpu.memory_space<hbm>> -> memref<50x128xi32, #tpu.memory_space<hbm>>
      %dma_start3A_795 = arith.constant 0 : i32
      %dma_start3A_796 = tpu.memref_slice %arg4[%dma_start3A_795, %add3A_656] : memref<50x16384xi32, #tpu.memory_space<hbm>> -> memref<50x128xi32, #tpu.memory_space<hbm>>
      tpu.enqueue_dma source(%dma_start3A_796 : memref<50x128xi32, #tpu.memory_space<hbm>>) target(%arg12 : memref<50x128xi32, #tpu.memory_space<vmem>>) target_semaphore(%run_scoped3A : memref<!tpu.dma_semaphore, #tpu.memory_space<semaphore_mem>>)
      %dma_wait3A = arith.constant 0 : i32
      %dma_wait3A_797 = tpu.memref_slice %arg4[%dma_wait3A, %add3A_656] : memref<50x16384xi32, #tpu.memory_space<hbm>> -> memref<50x128xi32, #tpu.memory_space<hbm>>
      %dma_wait3A_798 = arith.constant 0 : i32
      %dma_wait3A_799 = tpu.memref_slice %arg4[%dma_wait3A_798, %add3A_656] : memref<50x16384xi32, #tpu.memory_space<hbm>> -> memref<50x128xi32, #tpu.memory_space<hbm>>
      tpu.wait_dma2 semaphore(%run_scoped3A : memref<!tpu.dma_semaphore, #tpu.memory_space<semaphore_mem>>) src(%dma_wait3A_799 : memref<50x128xi32, #tpu.memory_space<hbm>>) dst(%arg12 : memref<50x128xi32, #tpu.memory_space<vmem>>)
      tpu.yield
    }) : () -> ()
    %scan3A_657 = arith.constant 0 : i32
    %scan3A_658 = arith.constant 0 : i32
    %scan3A_659 = arith.constant 50 : i32
    %scan3A_660 = arith.addi %scan3A_658, %scan3A_659 : i32
    %scan3A_661 = arith.constant 1 : i32
    scf.for %scan3A_793 = %scan3A_658 to %scan3A_660 step %scan3A_661  : i32 {
      %get3A_794 = arith.index_cast %scan3A_793 : i32 to index
      %get3A_795 = arith.constant 0 : index
      %get3A_796 = tpu.vector_load %arg12[%get3A_794, %get3A_795] {strides = array<i32>} : memref<50x128xi32, #tpu.memory_space<vmem>>, vector<16xi32>,
      %sub3A = vector.broadcast %mul3A_156 : i32 to vector<16xi32>
      %sub3A_797 = arith.subi %get3A_796, %sub3A : vector<16xi32>
      %ge3A = arith.constant 0 : i32
      %ge3A_798 = vector.broadcast %ge3A : i32 to vector<16xi32>
      %ge3A_799 = arith.cmpi sge, %sub3A_797, %ge3A_798 : vector<16xi32>
      %lt3A = vector.broadcast %select_n3A_161 : i32 to vector<16xi32>
      %lt3A_800 = arith.cmpi slt, %sub3A_797, %lt3A : vector<16xi32>
      %and3A_801 = arith.andi %ge3A_799, %lt3A_800 : vector<16xi1>
      %or3A = arith.constant 0 : i32
      %or3A_802 = vector.broadcast %or3A : i32 to vector<16xi32>
      %or3A_803 = arith.ori %or3A_802, %iota3A : vector<16xi32>
      %add3A_804 = arith.constant 500352 : i32
      %add3A_805 = vector.broadcast %add3A_804 : i32 to vector<16xi32>
      %add3A_806 = arith.addi %add3A_805, %or3A_803 : vector<16xi32>
      %select_n3A_807 = arith.select %and3A_801, %sub3A_797, %add3A_806 : vector<16xi1>, vector<16xi32>
      %swap3A_808 = arith.index_cast %scan3A_793 : i32 to index
      %swap3A_809 = arith.constant 0 : index
      %swap3A_810 = tpu.vector_load %arg12[%swap3A_808, %swap3A_809] {strides = array<i32>} : memref<50x128xi32, #tpu.memory_space<vmem>>, vector<16xi32>,
      tpu.vector_store %arg12[%swap3A_808, %swap3A_809], %select_n3A_807 {strides = array<i32>} : memref<50x128xi32, #tpu.memory_space<vmem>>, vector<16xi32>,
      %get3A_811 = arith.index_cast %scan3A_793 : i32 to index
      %get3A_812 = arith.constant 16 : index
      %get3A_813 = tpu.vector_load %arg12[%get3A_811, %get3A_812] {strides = array<i32>} : memref<50x128xi32, #tpu.memory_space<vmem>>, vector<16xi32>,
      %sub3A_814 = vector.broadcast %mul3A_156 : i32 to vector<16xi32>
      %sub3A_815 = arith.subi %get3A_813, %sub3A_814 : vector<16xi32>
      %ge3A_816 = arith.constant 0 : i32
      %ge3A_817 = vector.broadcast %ge3A_816 : i32 to vector<16xi32>
      %ge3A_818 = arith.cmpi sge, %sub3A_815, %ge3A_817 : vector<16xi32>
      %lt3A_819 = vector.broadcast %select_n3A_161 : i32 to vector<16xi32>
      %lt3A_820 = arith.cmpi slt, %sub3A_815, %lt3A_819 : vector<16xi32>
      %and3A_821 = arith.andi %ge3A_818, %lt3A_820 : vector<16xi1>
      %or3A_822 = arith.constant 16 : i32
      %or3A_823 = vector.broadcast %or3A_822 : i32 to vector<16xi32>
      %or3A_824 = arith.ori %or3A_823, %iota3A : vector<16xi32>
      %add3A_825 = arith.constant 500352 : i32
      %add3A_826 = vector.broadcast %add3A_825 : i32 to vector<16xi32>
      %add3A_827 = arith.addi %add3A_826, %or3A_824 : vector<16xi32>
      %select_n3A_828 = arith.select %and3A_821, %sub3A_815, %add3A_827 : vector<16xi1>, vector<16xi32>
      %swap3A_829 = arith.index_cast %scan3A_793 : i32 to index
      %swap3A_830 = arith.constant 16 : index
      %swap3A_831 = tpu.vector_load %arg12[%swap3A_829, %swap3A_830] {strides = array<i32>} : memref<50x128xi32, #tpu.memory_space<vmem>>, vector<16xi32>,
      tpu.vector_store %arg12[%swap3A_829, %swap3A_830], %select_n3A_828 {strides = array<i32>} : memref<50x128xi32, #tpu.memory_space<vmem>>, vector<16xi32>,
      %get3A_832 = arith.index_cast %scan3A_793 : i32 to index
      %get3A_833 = arith.constant 32 : index
      %get3A_834 = tpu.vector_load %arg12[%get3A_832, %get3A_833] {strides = array<i32>} : memref<50x128xi32, #tpu.memory_space<vmem>>, vector<16xi32>,
      %sub3A_835 = vector.broadcast %mul3A_156 : i32 to vector<16xi32>
      %sub3A_836 = arith.subi %get3A_834, %sub3A_835 : vector<16xi32>
      %ge3A_837 = arith.constant 0 : i32
      %ge3A_838 = vector.broadcast %ge3A_837 : i32 to vector<16xi32>
      %ge3A_839 = arith.cmpi sge, %sub3A_836, %ge3A_838 : vector<16xi32>
      %lt3A_840 = vector.broadcast %select_n3A_161 : i32 to vector<16xi32>
      %lt3A_841 = arith.cmpi slt, %sub3A_836, %lt3A_840 : vector<16xi32>
      %and3A_842 = arith.andi %ge3A_839, %lt3A_841 : vector<16xi1>
      %or3A_843 = arith.constant 32 : i32
      %or3A_844 = vector.broadcast %or3A_843 : i32 to vector<16xi32>
      %or3A_845 = arith.ori %or3A_844, %iota3A : vector<16xi32>
      %add3A_846 = arith.constant 500352 : i32
      %add3A_847 = vector.broadcast %add3A_846 : i32 to vector<16xi32>
      %add3A_848 = arith.addi %add3A_847, %or3A_845 : vector<16xi32>
      %select_n3A_849 = arith.select %and3A_842, %sub3A_836, %add3A_848 : vector<16xi1>, vector<16xi32>
      %swap3A_850 = arith.index_cast %scan3A_793 : i32 to index
      %swap3A_851 = arith.constant 32 : index
      %swap3A_852 = tpu.vector_load %arg12[%swap3A_850, %swap3A_851] {strides = array<i32>} : memref<50x128xi32, #tpu.memory_space<vmem>>, vector<16xi32>,
      tpu.vector_store %arg12[%swap3A_850, %swap3A_851], %select_n3A_849 {strides = array<i32>} : memref<50x128xi32, #tpu.memory_space<vmem>>, vector<16xi32>,
      %get3A_853 = arith.index_cast %scan3A_793 : i32 to index
      %get3A_854 = arith.constant 48 : index
      %get3A_855 = tpu.vector_load %arg12[%get3A_853, %get3A_854] {strides = array<i32>} : memref<50x128xi32, #tpu.memory_space<vmem>>, vector<16xi32>,
      %sub3A_856 = vector.broadcast %mul3A_156 : i32 to vector<16xi32>
      %sub3A_857 = arith.subi %get3A_855, %sub3A_856 : vector<16xi32>
      %ge3A_858 = arith.constant 0 : i32
      %ge3A_859 = vector.broadcast %ge3A_858 : i32 to vector<16xi32>
      %ge3A_860 = arith.cmpi sge, %sub3A_857, %ge3A_859 : vector<16xi32>
      %lt3A_861 = vector.broadcast %select_n3A_161 : i32 to vector<16xi32>
      %lt3A_862 = arith.cmpi slt, %sub3A_857, %lt3A_861 : vector<16xi32>
      %and3A_863 = arith.andi %ge3A_860, %lt3A_862 : vector<16xi1>
      %or3A_864 = arith.constant 48 : i32
      %or3A_865 = vector.broadcast %or3A_864 : i32 to vector<16xi32>
      %or3A_866 = arith.ori %or3A_865, %iota3A : vector<16xi32>
      %add3A_867 = arith.constant 500352 : i32
      %add3A_868 = vector.broadcast %add3A_867 : i32 to vector<16xi32>
      %add3A_869 = arith.addi %add3A_868, %or3A_866 : vector<16xi32>
      %select_n3A_870 = arith.select %and3A_863, %sub3A_857, %add3A_869 : vector<16xi1>, vector<16xi32>
      %swap3A_871 = arith.index_cast %scan3A_793 : i32 to index
      %swap3A_872 = arith.constant 48 : index
      %swap3A_873 = tpu.vector_load %arg12[%swap3A_871, %swap3A_872] {strides = array<i32>} : memref<50x128xi32, #tpu.memory_space<vmem>>, vector<16xi32>,
      tpu.vector_store %arg12[%swap3A_871, %swap3A_872], %select_n3A_870 {strides = array<i32>} : memref<50x128xi32, #tpu.memory_space<vmem>>, vector<16xi32>,
      %get3A_874 = arith.index_cast %scan3A_793 : i32 to index
      %get3A_875 = arith.constant 64 : index
      %get3A_876 = tpu.vector_load %arg12[%get3A_874, %get3A_875] {strides = array<i32>} : memref<50x128xi32, #tpu.memory_space<vmem>>, vector<16xi32>,
      %sub3A_877 = vector.broadcast %mul3A_156 : i32 to vector<16xi32>
      %sub3A_878 = arith.subi %get3A_876, %sub3A_877 : vector<16xi32>
      %ge3A_879 = arith.constant 0 : i32
      %ge3A_880 = vector.broadcast %ge3A_879 : i32 to vector<16xi32>
      %ge3A_881 = arith.cmpi sge, %sub3A_878, %ge3A_880 : vector<16xi32>
      %lt3A_882 = vector.broadcast %select_n3A_161 : i32 to vector<16xi32>
      %lt3A_883 = arith.cmpi slt, %sub3A_878, %lt3A_882 : vector<16xi32>
      %and3A_884 = arith.andi %ge3A_881, %lt3A_883 : vector<16xi1>
      %or3A_885 = arith.constant 64 : i32
      %or3A_886 = vector.broadcast %or3A_885 : i32 to vector<16xi32>
      %or3A_887 = arith.ori %or3A_886, %iota3A : vector<16xi32>
      %add3A_888 = arith.constant 500352 : i32
      %add3A_889 = vector.broadcast %add3A_888 : i32 to vector<16xi32>
      %add3A_890 = arith.addi %add3A_889, %or3A_887 : vector<16xi32>
      %select_n3A_891 = arith.select %and3A_884, %sub3A_878, %add3A_890 : vector<16xi1>, vector<16xi32>
      %swap3A_892 = arith.index_cast %scan3A_793 : i32 to index
      %swap3A_893 = arith.constant 64 : index
      %swap3A_894 = tpu.vector_load %arg12[%swap3A_892, %swap3A_893] {strides = array<i32>} : memref<50x128xi32, #tpu.memory_space<vmem>>, vector<16xi32>,
      tpu.vector_store %arg12[%swap3A_892, %swap3A_893], %select_n3A_891 {strides = array<i32>} : memref<50x128xi32, #tpu.memory_space<vmem>>, vector<16xi32>,
      %get3A_895 = arith.index_cast %scan3A_793 : i32 to index
      %get3A_896 = arith.constant 80 : index
      %get3A_897 = tpu.vector_load %arg12[%get3A_895, %get3A_896] {strides = array<i32>} : memref<50x128xi32, #tpu.memory_space<vmem>>, vector<16xi32>,
      %sub3A_898 = vector.broadcast %mul3A_156 : i32 to vector<16xi32>
      %sub3A_899 = arith.subi %get3A_897, %sub3A_898 : vector<16xi32>
      %ge3A_900 = arith.constant 0 : i32
      %ge3A_901 = vector.broadcast %ge3A_900 : i32 to vector<16xi32>
      %ge3A_902 = arith.cmpi sge, %sub3A_899, %ge3A_901 : vector<16xi32>
      %lt3A_903 = vector.broadcast %select_n3A_161 : i32 to vector<16xi32>
      %lt3A_904 = arith.cmpi slt, %sub3A_899, %lt3A_903 : vector<16xi32>
      %and3A_905 = arith.andi %ge3A_902, %lt3A_904 : vector<16xi1>
      %or3A_906 = arith.constant 80 : i32
      %or3A_907 = vector.broadcast %or3A_906 : i32 to vector<16xi32>
      %or3A_908 = arith.ori %or3A_907, %iota3A : vector<16xi32>
      %add3A_909 = arith.constant 500352 : i32
      %add3A_910 = vector.broadcast %add3A_909 : i32 to vector<16xi32>
      %add3A_911 = arith.addi %add3A_910, %or3A_908 : vector<16xi32>
      %select_n3A_912 = arith.select %and3A_905, %sub3A_899, %add3A_911 : vector<16xi1>, vector<16xi32>
      %swap3A_913 = arith.index_cast %scan3A_793 : i32 to index
      %swap3A_914 = arith.constant 80 : index
      %swap3A_915 = tpu.vector_load %arg12[%swap3A_913, %swap3A_914] {strides = array<i32>} : memref<50x128xi32, #tpu.memory_space<vmem>>, vector<16xi32>,
      tpu.vector_store %arg12[%swap3A_913, %swap3A_914], %select_n3A_912 {strides = array<i32>} : memref<50x128xi32, #tpu.memory_space<vmem>>, vector<16xi32>,
      %get3A_916 = arith.index_cast %scan3A_793 : i32 to index
      %get3A_917 = arith.constant 96 : index
      %get3A_918 = tpu.vector_load %arg12[%get3A_916, %get3A_917] {strides = array<i32>} : memref<50x128xi32, #tpu.memory_space<vmem>>, vector<16xi32>,
      %sub3A_919 = vector.broadcast %mul3A_156 : i32 to vector<16xi32>
      %sub3A_920 = arith.subi %get3A_918, %sub3A_919 : vector<16xi32>
      %ge3A_921 = arith.constant 0 : i32
      %ge3A_922 = vector.broadcast %ge3A_921 : i32 to vector<16xi32>
      %ge3A_923 = arith.cmpi sge, %sub3A_920, %ge3A_922 : vector<16xi32>
      %lt3A_924 = vector.broadcast %select_n3A_161 : i32 to vector<16xi32>
      %lt3A_925 = arith.cmpi slt, %sub3A_920, %lt3A_924 : vector<16xi32>
      %and3A_926 = arith.andi %ge3A_923, %lt3A_925 : vector<16xi1>
      %or3A_927 = arith.constant 96 : i32
      %or3A_928 = vector.broadcast %or3A_927 : i32 to vector<16xi32>
      %or3A_929 = arith.ori %or3A_928, %iota3A : vector<16xi32>
      %add3A_930 = arith.constant 500352 : i32
      %add3A_931 = vector.broadcast %add3A_930 : i32 to vector<16xi32>
      %add3A_932 = arith.addi %add3A_931, %or3A_929 : vector<16xi32>
      %select_n3A_933 = arith.select %and3A_926, %sub3A_920, %add3A_932 : vector<16xi1>, vector<16xi32>
      %swap3A_934 = arith.index_cast %scan3A_793 : i32 to index
      %swap3A_935 = arith.constant 96 : index
      %swap3A_936 = tpu.vector_load %arg12[%swap3A_934, %swap3A_935] {strides = array<i32>} : memref<50x128xi32, #tpu.memory_space<vmem>>, vector<16xi32>,
      tpu.vector_store %arg12[%swap3A_934, %swap3A_935], %select_n3A_933 {strides = array<i32>} : memref<50x128xi32, #tpu.memory_space<vmem>>, vector<16xi32>,
      %get3A_937 = arith.index_cast %scan3A_793 : i32 to index
      %get3A_938 = arith.constant 112 : index
      %get3A_939 = tpu.vector_load %arg12[%get3A_937, %get3A_938] {strides = array<i32>} : memref<50x128xi32, #tpu.memory_space<vmem>>, vector<16xi32>,
      %sub3A_940 = vector.broadcast %mul3A_156 : i32 to vector<16xi32>
      %sub3A_941 = arith.subi %get3A_939, %sub3A_940 : vector<16xi32>
      %ge3A_942 = arith.constant 0 : i32
      %ge3A_943 = vector.broadcast %ge3A_942 : i32 to vector<16xi32>
      %ge3A_944 = arith.cmpi sge, %sub3A_941, %ge3A_943 : vector<16xi32>
      %lt3A_945 = vector.broadcast %select_n3A_161 : i32 to vector<16xi32>
      %lt3A_946 = arith.cmpi slt, %sub3A_941, %lt3A_945 : vector<16xi32>
      %and3A_947 = arith.andi %ge3A_944, %lt3A_946 : vector<16xi1>
      %or3A_948 = arith.constant 112 : i32
      %or3A_949 = vector.broadcast %or3A_948 : i32 to vector<16xi32>
      %or3A_950 = arith.ori %or3A_949, %iota3A : vector<16xi32>
      %add3A_951 = arith.constant 500352 : i32
      %add3A_952 = vector.broadcast %add3A_951 : i32 to vector<16xi32>
      %add3A_953 = arith.addi %add3A_952, %or3A_950 : vector<16xi32>
      %select_n3A_954 = arith.select %and3A_947, %sub3A_941, %add3A_953 : vector<16xi1>, vector<16xi32>
      %swap3A_955 = arith.index_cast %scan3A_793 : i32 to index
      %swap3A_956 = arith.constant 112 : index
      %swap3A_957 = tpu.vector_load %arg12[%swap3A_955, %swap3A_956] {strides = array<i32>} : memref<50x128xi32, #tpu.memory_space<vmem>>, vector<16xi32>,
      tpu.vector_store %arg12[%swap3A_955, %swap3A_956], %select_n3A_954 {strides = array<i32>} : memref<50x128xi32, #tpu.memory_space<vmem>>, vector<16xi32>,
    }
    %scan3A_662 = arith.constant 50 : i32
    %scan3A_663 = arith.constant 0 : i32
    %scan3A_664 = arith.constant 0 : i32
    %scan3A_665 = arith.constant 50 : i32
    %scan3A_666 = arith.addi %scan3A_664, %scan3A_665 : i32
    %scan3A_667 = arith.constant 1 : i32
    scf.for %scan3A_793 = %scan3A_664 to %scan3A_666 step %scan3A_667  : i32 {
      %dma_start3A_794 = arith.constant 0 : i32
      %dma_start3A_795 = tpu.memref_slice %arg14[%scan3A_793, %dma_start3A_794] : memref<50x128xf32, #tpu.memory_space<vmem>> -> memref<1x128xf32, #tpu.memory_space<vmem>>
      %dma_start3A_796 = tpu.memref_squeeze %dma_start3A_795 : memref<1x128xf32, #tpu.memory_space<vmem>> -> memref<128xf32, #tpu.memory_space<vmem>>
      %dma_start3A_797 = arith.constant 0 : i32
      %dma_start3A_798 = tpu.memref_slice %arg12[%scan3A_793, %dma_start3A_797] : memref<50x128xi32, #tpu.memory_space<vmem>> -> memref<1x128xi32, #tpu.memory_space<vmem>>
      %dma_start3A_799 = tpu.memref_squeeze %dma_start3A_798 : memref<1x128xi32, #tpu.memory_space<vmem>> -> memref<128xi32, #tpu.memory_space<vmem>>
      %dma_start3A_800 = arith.constant 0 : i32
      %dma_start3A_801 = tpu.memref_slice %arg16[%dma_start3A_800] : memref<500480xf32, #tpu.memory_space<vmem_shared>> -> memref<500480xf32, #tpu.memory_space<vmem_shared>>
      tpu.enqueue_indirect_dma source(%dma_start3A_801 : memref<500480xf32, #tpu.memory_space<vmem_shared>>) target(%dma_start3A_796 : memref<128xf32, #tpu.memory_space<vmem>>) offsets(%dma_start3A_799 : memref<128xi32, #tpu.memory_space<vmem>>) semaphore(%arg20 : memref<!tpu.dma_semaphore, #tpu.memory_space<semaphore_mem>>)
    }
    %scan3A_668 = arith.constant 50 : i32
    %add3A_669 = arith.constant 768 : i32
    %add3A_670 = arith.addi %mul3A_185, %add3A_669 : i32
    %scan3A_671 = arith.constant 0 : i32
    %scan3A_672 = arith.constant 0 : i32
    %scan3A_673 = arith.constant 50 : i32
    %scan3A_674 = arith.addi %scan3A_672, %scan3A_673 : i32
    %scan3A_675 = arith.constant 1 : i32
    scf.for %scan3A_793 = %scan3A_672 to %scan3A_674 step %scan3A_675  : i32 {
      %dma_wait3A = arith.constant 0 : i32
      %dma_wait3A_794 = tpu.memref_slice %arg13[%scan3A_793, %dma_wait3A] : memref<50x128xf32, #tpu.memory_space<vmem>> -> memref<1x128xf32, #tpu.memory_space<vmem>>
      %dma_wait3A_795 = tpu.memref_squeeze %dma_wait3A_794 : memref<1x128xf32, #tpu.memory_space<vmem>> -> memref<128xf32, #tpu.memory_space<vmem>>
      %dma_wait3A_796 = arith.constant 0 : i32
      %dma_wait3A_797 = tpu.memref_slice %arg11[%scan3A_793, %dma_wait3A_796] : memref<50x128xi32, #tpu.memory_space<vmem>> -> memref<1x128xi32, #tpu.memory_space<vmem>>
      %dma_wait3A_798 = tpu.memref_squeeze %dma_wait3A_797 : memref<1x128xi32, #tpu.memory_space<vmem>> -> memref<128xi32, #tpu.memory_space<vmem>>
      %dma_wait3A_799 = arith.constant 0 : i32
      %dma_wait3A_800 = tpu.memref_slice %arg16[%dma_wait3A_799] : memref<500480xf32, #tpu.memory_space<vmem_shared>> -> memref<500480xf32, #tpu.memory_space<vmem_shared>>
      tpu.wait_indirect_dma semaphore(%arg19 : memref<!tpu.dma_semaphore, #tpu.memory_space<semaphore_mem>>) src(%dma_wait3A_800 : memref<500480xf32, #tpu.memory_space<vmem_shared>>) dst(%dma_wait3A_795 : memref<128xf32, #tpu.memory_space<vmem>>)
    }
    %scan3A_676 = arith.constant 50 : i32
    %get3A_677 = arith.constant 0 : i32
    %get3A_678 = arith.index_cast %get3A_677 : i32 to index
    %get3A_679 = arith.constant 0 : index
    %get3A_680 = tpu.vector_load %arg13[%get3A_678, %get3A_679] {strides = array<i32>} : memref<50x128xf32, #tpu.memory_space<vmem>>, vector<16xf32>,
    %get3A_681 = arith.constant 0 : i32
    %get3A_682 = arith.index_cast %get3A_681 : i32 to index
    %get3A_683 = arith.constant 16 : index
    %get3A_684 = tpu.vector_load %arg13[%get3A_682, %get3A_683] {strides = array<i32>} : memref<50x128xf32, #tpu.memory_space<vmem>>, vector<16xf32>,
    %get3A_685 = arith.constant 0 : i32
    %get3A_686 = arith.index_cast %get3A_685 : i32 to index
    %get3A_687 = arith.constant 32 : index
    %get3A_688 = tpu.vector_load %arg13[%get3A_686, %get3A_687] {strides = array<i32>} : memref<50x128xf32, #tpu.memory_space<vmem>>, vector<16xf32>,
    %get3A_689 = arith.constant 0 : i32
    %get3A_690 = arith.index_cast %get3A_689 : i32 to index
    %get3A_691 = arith.constant 48 : index
    %get3A_692 = tpu.vector_load %arg13[%get3A_690, %get3A_691] {strides = array<i32>} : memref<50x128xf32, #tpu.memory_space<vmem>>, vector<16xf32>,
    %get3A_693 = arith.constant 0 : i32
    %get3A_694 = arith.index_cast %get3A_693 : i32 to index
    %get3A_695 = arith.constant 64 : index
    %get3A_696 = tpu.vector_load %arg13[%get3A_694, %get3A_695] {strides = array<i32>} : memref<50x128xf32, #tpu.memory_space<vmem>>, vector<16xf32>,
    %get3A_697 = arith.constant 0 : i32
    %get3A_698 = arith.index_cast %get3A_697 : i32 to index
    %get3A_699 = arith.constant 80 : index
    %get3A_700 = tpu.vector_load %arg13[%get3A_698, %get3A_699] {strides = array<i32>} : memref<50x128xf32, #tpu.memory_space<vmem>>, vector<16xf32>,
    %get3A_701 = arith.constant 0 : i32
    %get3A_702 = arith.index_cast %get3A_701 : i32 to index
    %get3A_703 = arith.constant 96 : index
    %get3A_704 = tpu.vector_load %arg13[%get3A_702, %get3A_703] {strides = array<i32>} : memref<50x128xf32, #tpu.memory_space<vmem>>, vector<16xf32>,
    %get3A_705 = arith.constant 0 : i32
    %get3A_706 = arith.index_cast %get3A_705 : i32 to index
    %get3A_707 = arith.constant 112 : index
    %get3A_708 = tpu.vector_load %arg13[%get3A_706, %get3A_707] {strides = array<i32>} : memref<50x128xf32, #tpu.memory_space<vmem>>, vector<16xf32>,
    %scan3A_709 = arith.constant 1 : i32
    %scan3A_710 = arith.constant 49 : i32
    %scan3A_711 = arith.addi %scan3A_709, %scan3A_710 : i32
    %scan3A_712 = arith.constant 1 : i32
    %scan3A_713:8 = scf.for %scan3A_793 = %scan3A_709 to %scan3A_711 step %scan3A_712 iter_args(%scan3A_794 = %get3A_680, %scan3A_795 = %get3A_684, %scan3A_796 = %get3A_688, %scan3A_797 = %get3A_692, %scan3A_798 = %get3A_696, %scan3A_799 = %get3A_700, %scan3A_800 = %get3A_704, %scan3A_801 = %get3A_708) -> (vector<16xf32>, vector<16xf32>, vector<16xf32>, vector<16xf32>, vector<16xf32>, vector<16xf32>, vector<16xf32>, vector<16xf32>)  : i32 {
      %get3A_802 = arith.index_cast %scan3A_793 : i32 to index
      %get3A_803 = arith.constant 0 : index
      %get3A_804 = tpu.vector_load %arg13[%get3A_802, %get3A_803] {strides = array<i32>} : memref<50x128xf32, #tpu.memory_space<vmem>>, vector<16xf32>,
      %add3A_805 = arith.addf %scan3A_794, %get3A_804 : vector<16xf32>
      %get3A_806 = arith.index_cast %scan3A_793 : i32 to index
      %get3A_807 = arith.constant 16 : index
      %get3A_808 = tpu.vector_load %arg13[%get3A_806, %get3A_807] {strides = array<i32>} : memref<50x128xf32, #tpu.memory_space<vmem>>, vector<16xf32>,
      %add3A_809 = arith.addf %scan3A_795, %get3A_808 : vector<16xf32>
      %get3A_810 = arith.index_cast %scan3A_793 : i32 to index
      %get3A_811 = arith.constant 32 : index
      %get3A_812 = tpu.vector_load %arg13[%get3A_810, %get3A_811] {strides = array<i32>} : memref<50x128xf32, #tpu.memory_space<vmem>>, vector<16xf32>,
      %add3A_813 = arith.addf %scan3A_796, %get3A_812 : vector<16xf32>
      %get3A_814 = arith.index_cast %scan3A_793 : i32 to index
      %get3A_815 = arith.constant 48 : index
      %get3A_816 = tpu.vector_load %arg13[%get3A_814, %get3A_815] {strides = array<i32>} : memref<50x128xf32, #tpu.memory_space<vmem>>, vector<16xf32>,
      %add3A_817 = arith.addf %scan3A_797, %get3A_816 : vector<16xf32>
      %get3A_818 = arith.index_cast %scan3A_793 : i32 to index
      %get3A_819 = arith.constant 64 : index
      %get3A_820 = tpu.vector_load %arg13[%get3A_818, %get3A_819] {strides = array<i32>} : memref<50x128xf32, #tpu.memory_space<vmem>>, vector<16xf32>,
      %add3A_821 = arith.addf %scan3A_798, %get3A_820 : vector<16xf32>
      %get3A_822 = arith.index_cast %scan3A_793 : i32 to index
      %get3A_823 = arith.constant 80 : index
      %get3A_824 = tpu.vector_load %arg13[%get3A_822, %get3A_823] {strides = array<i32>} : memref<50x128xf32, #tpu.memory_space<vmem>>, vector<16xf32>,
      %add3A_825 = arith.addf %scan3A_799, %get3A_824 : vector<16xf32>
      %get3A_826 = arith.index_cast %scan3A_793 : i32 to index
      %get3A_827 = arith.constant 96 : index
      %get3A_828 = tpu.vector_load %arg13[%get3A_826, %get3A_827] {strides = array<i32>} : memref<50x128xf32, #tpu.memory_space<vmem>>, vector<16xf32>,
      %add3A_829 = arith.addf %scan3A_800, %get3A_828 : vector<16xf32>
      %get3A_830 = arith.index_cast %scan3A_793 : i32 to index
      %get3A_831 = arith.constant 112 : index
      %get3A_832 = tpu.vector_load %arg13[%get3A_830, %get3A_831] {strides = array<i32>} : memref<50x128xf32, #tpu.memory_space<vmem>>, vector<16xf32>,
      %add3A_833 = arith.addf %scan3A_801, %get3A_832 : vector<16xf32>
      scf.yield %add3A_805, %add3A_809, %add3A_813, %add3A_817, %add3A_821, %add3A_825, %add3A_829, %add3A_833 : vector<16xf32>, vector<16xf32>, vector<16xf32>, vector<16xf32>, vector<16xf32>, vector<16xf32>, vector<16xf32>, vector<16xf32>
    }
    %scan3A_714 = arith.constant 49 : i32
    %swap3A_715 = arith.constant 0 : index
    %swap3A_716 = tpu.vector_load %arg15[%swap3A_715] {strides = array<i32>} : memref<128xf32, #tpu.memory_space<vmem>>, vector<16xf32>,
    tpu.vector_store %arg15[%swap3A_715], %scan3A_713#0 {strides = array<i32>} : memref<128xf32, #tpu.memory_space<vmem>>, vector<16xf32>,
    %swap3A_717 = arith.constant 16 : index
    %swap3A_718 = tpu.vector_load %arg15[%swap3A_717] {strides = array<i32>} : memref<128xf32, #tpu.memory_space<vmem>>, vector<16xf32>,
    tpu.vector_store %arg15[%swap3A_717], %scan3A_713#1 {strides = array<i32>} : memref<128xf32, #tpu.memory_space<vmem>>, vector<16xf32>,
    %swap3A_719 = arith.constant 32 : index
    %swap3A_720 = tpu.vector_load %arg15[%swap3A_719] {strides = array<i32>} : memref<128xf32, #tpu.memory_space<vmem>>, vector<16xf32>,
    tpu.vector_store %arg15[%swap3A_719], %scan3A_713#2 {strides = array<i32>} : memref<128xf32, #tpu.memory_space<vmem>>, vector<16xf32>,
    %swap3A_721 = arith.constant 48 : index
    %swap3A_722 = tpu.vector_load %arg15[%swap3A_721] {strides = array<i32>} : memref<128xf32, #tpu.memory_space<vmem>>, vector<16xf32>,
    tpu.vector_store %arg15[%swap3A_721], %scan3A_713#3 {strides = array<i32>} : memref<128xf32, #tpu.memory_space<vmem>>, vector<16xf32>,
    %swap3A_723 = arith.constant 64 : index
    %swap3A_724 = tpu.vector_load %arg15[%swap3A_723] {strides = array<i32>} : memref<128xf32, #tpu.memory_space<vmem>>, vector<16xf32>,
    tpu.vector_store %arg15[%swap3A_723], %scan3A_713#4 {strides = array<i32>} : memref<128xf32, #tpu.memory_space<vmem>>, vector<16xf32>,
    %swap3A_725 = arith.constant 80 : index
    %swap3A_726 = tpu.vector_load %arg15[%swap3A_725] {strides = array<i32>} : memref<128xf32, #tpu.memory_space<vmem>>, vector<16xf32>,
    tpu.vector_store %arg15[%swap3A_725], %scan3A_713#5 {strides = array<i32>} : memref<128xf32, #tpu.memory_space<vmem>>, vector<16xf32>,
    %swap3A_727 = arith.constant 96 : index
    %swap3A_728 = tpu.vector_load %arg15[%swap3A_727] {strides = array<i32>} : memref<128xf32, #tpu.memory_space<vmem>>, vector<16xf32>,
    tpu.vector_store %arg15[%swap3A_727], %scan3A_713#6 {strides = array<i32>} : memref<128xf32, #tpu.memory_space<vmem>>, vector<16xf32>,
    %swap3A_729 = arith.constant 112 : index
    %swap3A_730 = tpu.vector_load %arg15[%swap3A_729] {strides = array<i32>} : memref<128xf32, #tpu.memory_space<vmem>>, vector<16xf32>,
    tpu.vector_store %arg15[%swap3A_729], %scan3A_713#7 {strides = array<i32>} : memref<128xf32, #tpu.memory_space<vmem>>, vector<16xf32>,
    "tpu.region"() ({
      %run_scoped3A = tpu.sem_alloc : memref<!tpu.dma_semaphore, #tpu.memory_space<semaphore_mem>>
      %dma_start3A_793 = tpu.memref_slice %arg6[%arg0, %add3A_670] : memref<2x16384xf32, #tpu.memory_space<hbm>> -> memref<1x128xf32, #tpu.memory_space<hbm>>
      %dma_start3A_794 = tpu.memref_squeeze %dma_start3A_793 : memref<1x128xf32, #tpu.memory_space<hbm>> -> memref<128xf32, #tpu.memory_space<hbm>>
      %dma_start3A_795 = tpu.memref_slice %arg6[%arg0, %add3A_670] : memref<2x16384xf32, #tpu.memory_space<hbm>> -> memref<1x128xf32, #tpu.memory_space<hbm>>
      %dma_start3A_796 = tpu.memref_squeeze %dma_start3A_795 : memref<1x128xf32, #tpu.memory_space<hbm>> -> memref<128xf32, #tpu.memory_space<hbm>>
      tpu.enqueue_dma source(%arg15 : memref<128xf32, #tpu.memory_space<vmem>>) target(%dma_start3A_796 : memref<128xf32, #tpu.memory_space<hbm>>) target_semaphore(%run_scoped3A : memref<!tpu.dma_semaphore, #tpu.memory_space<semaphore_mem>>)
      %dma_wait3A = tpu.memref_slice %arg6[%arg0, %add3A_670] : memref<2x16384xf32, #tpu.memory_space<hbm>> -> memref<1x128xf32, #tpu.memory_space<hbm>>
      %dma_wait3A_797 = tpu.memref_squeeze %dma_wait3A : memref<1x128xf32, #tpu.memory_space<hbm>> -> memref<128xf32, #tpu.memory_space<hbm>>
      %dma_wait3A_798 = tpu.memref_slice %arg6[%arg0, %add3A_670] : memref<2x16384xf32, #tpu.memory_space<hbm>> -> memref<1x128xf32, #tpu.memory_space<hbm>>
      %dma_wait3A_799 = tpu.memref_squeeze %dma_wait3A_798 : memref<1x128xf32, #tpu.memory_space<hbm>> -> memref<128xf32, #tpu.memory_space<hbm>>
      tpu.wait_dma2 semaphore(%run_scoped3A : memref<!tpu.dma_semaphore, #tpu.memory_space<semaphore_mem>>) src(%arg15 : memref<128xf32, #tpu.memory_space<vmem>>) dst(%dma_wait3A_799 : memref<128xf32, #tpu.memory_space<hbm>>)
      tpu.yield
    }) : () -> ()
    %add3A_731 = arith.constant 896 : i32
    %add3A_732 = arith.addi %mul3A_185, %add3A_731 : i32
    %scan3A_733 = arith.constant 0 : i32
    %scan3A_734 = arith.constant 0 : i32
    %scan3A_735 = arith.constant 50 : i32
    %scan3A_736 = arith.addi %scan3A_734, %scan3A_735 : i32
    %scan3A_737 = arith.constant 1 : i32
    scf.for %scan3A_793 = %scan3A_734 to %scan3A_736 step %scan3A_737  : i32 {
      %dma_wait3A = arith.constant 0 : i32
      %dma_wait3A_794 = tpu.memref_slice %arg14[%scan3A_793, %dma_wait3A] : memref<50x128xf32, #tpu.memory_space<vmem>> -> memref<1x128xf32, #tpu.memory_space<vmem>>
      %dma_wait3A_795 = tpu.memref_squeeze %dma_wait3A_794 : memref<1x128xf32, #tpu.memory_space<vmem>> -> memref<128xf32, #tpu.memory_space<vmem>>
      %dma_wait3A_796 = arith.constant 0 : i32
      %dma_wait3A_797 = tpu.memref_slice %arg12[%scan3A_793, %dma_wait3A_796] : memref<50x128xi32, #tpu.memory_space<vmem>> -> memref<1x128xi32, #tpu.memory_space<vmem>>
      %dma_wait3A_798 = tpu.memref_squeeze %dma_wait3A_797 : memref<1x128xi32, #tpu.memory_space<vmem>> -> memref<128xi32, #tpu.memory_space<vmem>>
      %dma_wait3A_799 = arith.constant 0 : i32
      %dma_wait3A_800 = tpu.memref_slice %arg16[%dma_wait3A_799] : memref<500480xf32, #tpu.memory_space<vmem_shared>> -> memref<500480xf32, #tpu.memory_space<vmem_shared>>
      tpu.wait_indirect_dma semaphore(%arg20 : memref<!tpu.dma_semaphore, #tpu.memory_space<semaphore_mem>>) src(%dma_wait3A_800 : memref<500480xf32, #tpu.memory_space<vmem_shared>>) dst(%dma_wait3A_795 : memref<128xf32, #tpu.memory_space<vmem>>)
    }
    %scan3A_738 = arith.constant 50 : i32
    %get3A_739 = arith.constant 0 : i32
    %get3A_740 = arith.index_cast %get3A_739 : i32 to index
    %get3A_741 = arith.constant 0 : index
    %get3A_742 = tpu.vector_load %arg14[%get3A_740, %get3A_741] {strides = array<i32>} : memref<50x128xf32, #tpu.memory_space<vmem>>, vector<16xf32>,
    %get3A_743 = arith.constant 0 : i32
    %get3A_744 = arith.index_cast %get3A_743 : i32 to index
    %get3A_745 = arith.constant 16 : index
    %get3A_746 = tpu.vector_load %arg14[%get3A_744, %get3A_745] {strides = array<i32>} : memref<50x128xf32, #tpu.memory_space<vmem>>, vector<16xf32>,
    %get3A_747 = arith.constant 0 : i32
    %get3A_748 = arith.index_cast %get3A_747 : i32 to index
    %get3A_749 = arith.constant 32 : index
    %get3A_750 = tpu.vector_load %arg14[%get3A_748, %get3A_749] {strides = array<i32>} : memref<50x128xf32, #tpu.memory_space<vmem>>, vector<16xf32>,
    %get3A_751 = arith.constant 0 : i32
    %get3A_752 = arith.index_cast %get3A_751 : i32 to index
    %get3A_753 = arith.constant 48 : index
    %get3A_754 = tpu.vector_load %arg14[%get3A_752, %get3A_753] {strides = array<i32>} : memref<50x128xf32, #tpu.memory_space<vmem>>, vector<16xf32>,
    %get3A_755 = arith.constant 0 : i32
    %get3A_756 = arith.index_cast %get3A_755 : i32 to index
    %get3A_757 = arith.constant 64 : index
    %get3A_758 = tpu.vector_load %arg14[%get3A_756, %get3A_757] {strides = array<i32>} : memref<50x128xf32, #tpu.memory_space<vmem>>, vector<16xf32>,
    %get3A_759 = arith.constant 0 : i32
    %get3A_760 = arith.index_cast %get3A_759 : i32 to index
    %get3A_761 = arith.constant 80 : index
    %get3A_762 = tpu.vector_load %arg14[%get3A_760, %get3A_761] {strides = array<i32>} : memref<50x128xf32, #tpu.memory_space<vmem>>, vector<16xf32>,
    %get3A_763 = arith.constant 0 : i32
    %get3A_764 = arith.index_cast %get3A_763 : i32 to index
    %get3A_765 = arith.constant 96 : index
    %get3A_766 = tpu.vector_load %arg14[%get3A_764, %get3A_765] {strides = array<i32>} : memref<50x128xf32, #tpu.memory_space<vmem>>, vector<16xf32>,
    %get3A_767 = arith.constant 0 : i32
    %get3A_768 = arith.index_cast %get3A_767 : i32 to index
    %get3A_769 = arith.constant 112 : index
    %get3A_770 = tpu.vector_load %arg14[%get3A_768, %get3A_769] {strides = array<i32>} : memref<50x128xf32, #tpu.memory_space<vmem>>, vector<16xf32>,
    %scan3A_771 = arith.constant 1 : i32
    %scan3A_772 = arith.constant 49 : i32
    %scan3A_773 = arith.addi %scan3A_771, %scan3A_772 : i32
    %scan3A_774 = arith.constant 1 : i32
    %scan3A_775:8 = scf.for %scan3A_793 = %scan3A_771 to %scan3A_773 step %scan3A_774 iter_args(%scan3A_794 = %get3A_742, %scan3A_795 = %get3A_746, %scan3A_796 = %get3A_750, %scan3A_797 = %get3A_754, %scan3A_798 = %get3A_758, %scan3A_799 = %get3A_762, %scan3A_800 = %get3A_766, %scan3A_801 = %get3A_770) -> (vector<16xf32>, vector<16xf32>, vector<16xf32>, vector<16xf32>, vector<16xf32>, vector<16xf32>, vector<16xf32>, vector<16xf32>)  : i32 {
      %get3A_802 = arith.index_cast %scan3A_793 : i32 to index
      %get3A_803 = arith.constant 0 : index
      %get3A_804 = tpu.vector_load %arg14[%get3A_802, %get3A_803] {strides = array<i32>} : memref<50x128xf32, #tpu.memory_space<vmem>>, vector<16xf32>,
      %add3A_805 = arith.addf %scan3A_794, %get3A_804 : vector<16xf32>
      %get3A_806 = arith.index_cast %scan3A_793 : i32 to index
      %get3A_807 = arith.constant 16 : index
      %get3A_808 = tpu.vector_load %arg14[%get3A_806, %get3A_807] {strides = array<i32>} : memref<50x128xf32, #tpu.memory_space<vmem>>, vector<16xf32>,
      %add3A_809 = arith.addf %scan3A_795, %get3A_808 : vector<16xf32>
      %get3A_810 = arith.index_cast %scan3A_793 : i32 to index
      %get3A_811 = arith.constant 32 : index
      %get3A_812 = tpu.vector_load %arg14[%get3A_810, %get3A_811] {strides = array<i32>} : memref<50x128xf32, #tpu.memory_space<vmem>>, vector<16xf32>,
      %add3A_813 = arith.addf %scan3A_796, %get3A_812 : vector<16xf32>
      %get3A_814 = arith.index_cast %scan3A_793 : i32 to index
      %get3A_815 = arith.constant 48 : index
      %get3A_816 = tpu.vector_load %arg14[%get3A_814, %get3A_815] {strides = array<i32>} : memref<50x128xf32, #tpu.memory_space<vmem>>, vector<16xf32>,
      %add3A_817 = arith.addf %scan3A_797, %get3A_816 : vector<16xf32>
      %get3A_818 = arith.index_cast %scan3A_793 : i32 to index
      %get3A_819 = arith.constant 64 : index
      %get3A_820 = tpu.vector_load %arg14[%get3A_818, %get3A_819] {strides = array<i32>} : memref<50x128xf32, #tpu.memory_space<vmem>>, vector<16xf32>,
      %add3A_821 = arith.addf %scan3A_798, %get3A_820 : vector<16xf32>
      %get3A_822 = arith.index_cast %scan3A_793 : i32 to index
      %get3A_823 = arith.constant 80 : index
      %get3A_824 = tpu.vector_load %arg14[%get3A_822, %get3A_823] {strides = array<i32>} : memref<50x128xf32, #tpu.memory_space<vmem>>, vector<16xf32>,
      %add3A_825 = arith.addf %scan3A_799, %get3A_824 : vector<16xf32>
      %get3A_826 = arith.index_cast %scan3A_793 : i32 to index
      %get3A_827 = arith.constant 96 : index
      %get3A_828 = tpu.vector_load %arg14[%get3A_826, %get3A_827] {strides = array<i32>} : memref<50x128xf32, #tpu.memory_space<vmem>>, vector<16xf32>,
      %add3A_829 = arith.addf %scan3A_800, %get3A_828 : vector<16xf32>
      %get3A_830 = arith.index_cast %scan3A_793 : i32 to index
      %get3A_831 = arith.constant 112 : index
      %get3A_832 = tpu.vector_load %arg14[%get3A_830, %get3A_831] {strides = array<i32>} : memref<50x128xf32, #tpu.memory_space<vmem>>, vector<16xf32>,
      %add3A_833 = arith.addf %scan3A_801, %get3A_832 : vector<16xf32>
      scf.yield %add3A_805, %add3A_809, %add3A_813, %add3A_817, %add3A_821, %add3A_825, %add3A_829, %add3A_833 : vector<16xf32>, vector<16xf32>, vector<16xf32>, vector<16xf32>, vector<16xf32>, vector<16xf32>, vector<16xf32>, vector<16xf32>
    }
    %scan3A_776 = arith.constant 49 : i32
    %swap3A_777 = arith.constant 0 : index
    %swap3A_778 = tpu.vector_load %arg15[%swap3A_777] {strides = array<i32>} : memref<128xf32, #tpu.memory_space<vmem>>, vector<16xf32>,
    tpu.vector_store %arg15[%swap3A_777], %scan3A_775#0 {strides = array<i32>} : memref<128xf32, #tpu.memory_space<vmem>>, vector<16xf32>,
    %swap3A_779 = arith.constant 16 : index
    %swap3A_780 = tpu.vector_load %arg15[%swap3A_779] {strides = array<i32>} : memref<128xf32, #tpu.memory_space<vmem>>, vector<16xf32>,
    tpu.vector_store %arg15[%swap3A_779], %scan3A_775#1 {strides = array<i32>} : memref<128xf32, #tpu.memory_space<vmem>>, vector<16xf32>,
    %swap3A_781 = arith.constant 32 : index
    %swap3A_782 = tpu.vector_load %arg15[%swap3A_781] {strides = array<i32>} : memref<128xf32, #tpu.memory_space<vmem>>, vector<16xf32>,
    tpu.vector_store %arg15[%swap3A_781], %scan3A_775#2 {strides = array<i32>} : memref<128xf32, #tpu.memory_space<vmem>>, vector<16xf32>,
    %swap3A_783 = arith.constant 48 : index
    %swap3A_784 = tpu.vector_load %arg15[%swap3A_783] {strides = array<i32>} : memref<128xf32, #tpu.memory_space<vmem>>, vector<16xf32>,
    tpu.vector_store %arg15[%swap3A_783], %scan3A_775#3 {strides = array<i32>} : memref<128xf32, #tpu.memory_space<vmem>>, vector<16xf32>,
    %swap3A_785 = arith.constant 64 : index
    %swap3A_786 = tpu.vector_load %arg15[%swap3A_785] {strides = array<i32>} : memref<128xf32, #tpu.memory_space<vmem>>, vector<16xf32>,
    tpu.vector_store %arg15[%swap3A_785], %scan3A_775#4 {strides = array<i32>} : memref<128xf32, #tpu.memory_space<vmem>>, vector<16xf32>,
    %swap3A_787 = arith.constant 80 : index
    %swap3A_788 = tpu.vector_load %arg15[%swap3A_787] {strides = array<i32>} : memref<128xf32, #tpu.memory_space<vmem>>, vector<16xf32>,
    tpu.vector_store %arg15[%swap3A_787], %scan3A_775#5 {strides = array<i32>} : memref<128xf32, #tpu.memory_space<vmem>>, vector<16xf32>,
    %swap3A_789 = arith.constant 96 : index
    %swap3A_790 = tpu.vector_load %arg15[%swap3A_789] {strides = array<i32>} : memref<128xf32, #tpu.memory_space<vmem>>, vector<16xf32>,
    tpu.vector_store %arg15[%swap3A_789], %scan3A_775#6 {strides = array<i32>} : memref<128xf32, #tpu.memory_space<vmem>>, vector<16xf32>,
    %swap3A_791 = arith.constant 112 : index
    %swap3A_792 = tpu.vector_load %arg15[%swap3A_791] {strides = array<i32>} : memref<128xf32, #tpu.memory_space<vmem>>, vector<16xf32>,
    tpu.vector_store %arg15[%swap3A_791], %scan3A_775#7 {strides = array<i32>} : memref<128xf32, #tpu.memory_space<vmem>>, vector<16xf32>,
    "tpu.region"() ({
      %run_scoped3A = tpu.sem_alloc : memref<!tpu.dma_semaphore, #tpu.memory_space<semaphore_mem>>
      %dma_start3A_793 = tpu.memref_slice %arg6[%arg0, %add3A_732] : memref<2x16384xf32, #tpu.memory_space<hbm>> -> memref<1x128xf32, #tpu.memory_space<hbm>>
      %dma_start3A_794 = tpu.memref_squeeze %dma_start3A_793 : memref<1x128xf32, #tpu.memory_space<hbm>> -> memref<128xf32, #tpu.memory_space<hbm>>
      %dma_start3A_795 = tpu.memref_slice %arg6[%arg0, %add3A_732] : memref<2x16384xf32, #tpu.memory_space<hbm>> -> memref<1x128xf32, #tpu.memory_space<hbm>>
      %dma_start3A_796 = tpu.memref_squeeze %dma_start3A_795 : memref<1x128xf32, #tpu.memory_space<hbm>> -> memref<128xf32, #tpu.memory_space<hbm>>
      tpu.enqueue_dma source(%arg15 : memref<128xf32, #tpu.memory_space<vmem>>) target(%dma_start3A_796 : memref<128xf32, #tpu.memory_space<hbm>>) target_semaphore(%run_scoped3A : memref<!tpu.dma_semaphore, #tpu.memory_space<semaphore_mem>>)
      %dma_wait3A = tpu.memref_slice %arg6[%arg0, %add3A_732] : memref<2x16384xf32, #tpu.memory_space<hbm>> -> memref<1x128xf32, #tpu.memory_space<hbm>>
      %dma_wait3A_797 = tpu.memref_squeeze %dma_wait3A : memref<1x128xf32, #tpu.memory_space<hbm>> -> memref<128xf32, #tpu.memory_space<hbm>>
      %dma_wait3A_798 = tpu.memref_slice %arg6[%arg0, %add3A_732] : memref<2x16384xf32, #tpu.memory_space<hbm>> -> memref<1x128xf32, #tpu.memory_space<hbm>>
      %dma_wait3A_799 = tpu.memref_squeeze %dma_wait3A_798 : memref<1x128xf32, #tpu.memory_space<hbm>> -> memref<128xf32, #tpu.memory_space<hbm>>
      tpu.wait_dma2 semaphore(%run_scoped3A : memref<!tpu.dma_semaphore, #tpu.memory_space<semaphore_mem>>) src(%arg15 : memref<128xf32, #tpu.memory_space<vmem>>) dst(%dma_wait3A_799 : memref<128xf32, #tpu.memory_space<hbm>>)
      tpu.yield
    }) : () -> ()
    return
  }
}

module attributes {stable_mosaic.version = 14 : i64} {
  func.func @_act_body(%arg0: i32, %arg1: memref<512x1000xf32, #tpu.memory_space<vmem>>, %arg2: memref<1000x16xf32, #tpu.memory_space<vmem>>, %arg3: memref<1x32xf32, #tpu.memory_space<vmem>>, %arg4: memref<1x1xf32, #tpu.memory_space<vmem>>, %arg5: memref<512x1xf32, #tpu.memory_space<vmem>>) attributes {dimension_semantics = [#tpu.dimension_semantics<arbitrary>], iteration_bounds = array<i64: 32>, scalar_prefetch = 0 : i64, scratch_operands = 0 : i64, tpu.core_type = #tpu.core_type<tc>, window_params = [{transform_indices = @transform_0, window_bounds = array<i64: 512, 1000>}, {pipeline_mode = #tpu.pipeline_mode<synchronous>, transform_indices = @transform_1, window_bounds = array<i64: 1000, 16>}, {pipeline_mode = #tpu.pipeline_mode<synchronous>, transform_indices = @transform_2, window_bounds = array<i64: 1, 32>}, {pipeline_mode = #tpu.pipeline_mode<synchronous>, transform_indices = @transform_3, window_bounds = array<i64: 1, 1>}, {transform_indices = @transform_4, window_bounds = array<i64: 512, 1>}]} {
    %get3A = arith.constant 0 : index
    %get3A_0 = arith.constant 0 : index
    %get3A_1 = vector.load %arg1[%get3A, %get3A_0] : memref<512x1000xf32, #tpu.memory_space<vmem>>, vector<512x1000xf32>
    %reduce_max3A = arith.constant dense<0xFF800000> : vector<512xf32>
    %reduce_max3A_2 = vector.multi_reduction <maximumf>, %get3A_1, %reduce_max3A [1] : vector<512x1000xf32> to vector<512xf32>
    %broadcast_in_dim3A = vector.shape_cast %reduce_max3A_2 : vector<512xf32> to vector<512x1xf32>
    %iota3A = tpu.iota {dimensions = array<i32: 1>} : vector<512x1000xi32>
    %eq3A = vector.broadcast %broadcast_in_dim3A : vector<512x1xf32> to vector<512x1000xf32>
    %eq3A_3 = arith.cmpf oeq, %get3A_1, %eq3A : vector<512x1000xf32>
    %jit3A = arith.constant 1000 : i32
    %broadcast_in_dim3A_4 = vector.broadcast %jit3A : i32 to vector<512x1000xi32>
    %select_n3A = arith.select %eq3A_3, %iota3A, %broadcast_in_dim3A_4 : vector<512x1000xi1>, vector<512x1000xi32>
    %reduce_min3A = arith.constant dense<2147483647> : vector<512xi32>
    %reduce_min3A_5 = vector.multi_reduction <minsi>, %select_n3A, %reduce_min3A [1] : vector<512x1000xi32> to vector<512xi32>
    %broadcast_in_dim3A_6 = vector.shape_cast %reduce_min3A_5 : vector<512xi32> to vector<512x1xi32>
    %eq3A_7 = vector.broadcast %broadcast_in_dim3A_6 : vector<512x1xi32> to vector<512x1000xi32>
    %eq3A_8 = arith.cmpi eq, %iota3A, %eq3A_7 : vector<512x1000xi32>
    %convert_element_type3A = arith.extui %eq3A_8 : vector<512x1000xi1> to vector<512x1000xi32>
    %convert_element_type3A_9 = arith.sitofp %convert_element_type3A : vector<512x1000xi32> to vector<512x1000xf32>
    %get3A_10 = arith.constant 0 : index
    %get3A_11 = arith.constant 0 : index
    %get3A_12 = vector.load %arg2[%get3A_10, %get3A_11] : memref<1000x16xf32, #tpu.memory_space<vmem>>, vector<1000x16xf32>
    %dot_general3A = arith.constant dense<0.000000e+00> : vector<512x16xf32>
    %dot_general3A_13 = tpu.matmul %convert_element_type3A_9, %get3A_12, %dot_general3A {dimension_numbers = #tpu.dot_dimension_numbers<[1], [0], [0], [1], [0, 0, 1, 1], [], []>, transpose_lhs_hint = false} : vector<512x1000xf32>, vector<1000x16xf32>, vector<512x16xf32> -> vector<512x16xf32>
    %get3A_14 = arith.constant 0 : index
    %get3A_15 = arith.constant 16 : index
    %get3A_16 = vector.load %arg3[%get3A_14, %get3A_15] : memref<1x32xf32, #tpu.memory_space<vmem>>, vector<1x16xf32>
    %mul3A = vector.broadcast %get3A_16 : vector<1x16xf32> to vector<512x16xf32>
    %mul3A_17 = arith.mulf %dot_general3A_13, %mul3A : vector<512x16xf32>
    %reduce_sum3A = arith.constant dense<0.000000e+00> : vector<512xf32>
    %reduce_sum3A_18 = vector.multi_reduction <add>, %mul3A_17, %reduce_sum3A [1] : vector<512x16xf32> to vector<512xf32>
    %broadcast_in_dim3A_19 = vector.shape_cast %reduce_sum3A_18 : vector<512xf32> to vector<512x1xf32>
    %get3A_20 = arith.constant 0 : index
    %get3A_21 = arith.constant 0 : index
    %get3A_22 = vector.load %arg4[%get3A_20, %get3A_21] : memref<1x1xf32, #tpu.memory_space<vmem>>, vector<1x1xf32>
    %get3A_23 = vector.extract %get3A_22[0, 0] : f32 from vector<1x1xf32>
    %add3A = vector.broadcast %get3A_23 : f32 to vector<512x1xf32>
    %add3A_24 = arith.addf %broadcast_in_dim3A_19, %add3A : vector<512x1xf32>
    %swap3A = arith.constant 0 : index
    %swap3A_25 = arith.constant 0 : index
    %swap3A_26 = vector.load %arg5[%swap3A, %swap3A_25] : memref<512x1xf32, #tpu.memory_space<vmem>>, vector<512x1xf32>
    tpu.vector_store %arg5[%swap3A, %swap3A_25], %add3A_24 {strides = array<i32>} : memref<512x1xf32, #tpu.memory_space<vmem>>, vector<512x1xf32>,
    return
  }
  func.func @transform_0(%arg0: i32) -> (i32, i32) {
    %c0_i32 = arith.constant 0 : i32
    %c0_i32_0 = arith.constant 0 : i32
    return %arg0, %c0_i32 : i32, i32
  }
  func.func @transform_1(%arg0: i32) -> (i32, i32) {
    %c0_i32 = arith.constant 0 : i32
    %c0_i32_0 = arith.constant 0 : i32
    %c0_i32_1 = arith.constant 0 : i32
    return %c0_i32, %c0_i32_0 : i32, i32
  }
  func.func @transform_2(%arg0: i32) -> (i32, i32) {
    %c0_i32 = arith.constant 0 : i32
    %c0_i32_0 = arith.constant 0 : i32
    %c0_i32_1 = arith.constant 0 : i32
    return %c0_i32, %c0_i32_0 : i32, i32
  }
  func.func @transform_3(%arg0: i32) -> (i32, i32) {
    %c0_i32 = arith.constant 0 : i32
    %c0_i32_0 = arith.constant 0 : i32
    %c0_i32_1 = arith.constant 0 : i32
    return %c0_i32, %c0_i32_0 : i32, i32
  }
  func.func @transform_4(%arg0: i32) -> (i32, i32) {
    %c0_i32 = arith.constant 0 : i32
    %c0_i32_0 = arith.constant 0 : i32
    return %arg0, %c0_i32 : i32, i32
  }
}

module attributes {stable_mosaic.version = 14 : i64} {
  func.func @_comb_body(%arg0: i32, %arg1: memref<2x2048xf32, #tpu.memory_space<vmem>>, %arg2: memref<1x2048xf32, #tpu.memory_space<vmem>>, %arg3: memref<1x2048xf32, #tpu.memory_space<vmem>>) attributes {dimension_semantics = [#tpu.dimension_semantics<arbitrary>], iteration_bounds = array<i64: 8>, scalar_prefetch = 0 : i64, scratch_operands = 0 : i64, tpu.core_type = #tpu.core_type<tc>, window_params = [{transform_indices = @transform_0, window_bounds = array<i64: 2, 2048>}, {transform_indices = @transform_1, window_bounds = array<i64: 1, 2048>}, {transform_indices = @transform_2, window_bounds = array<i64: 1, 2048>}]} {
    %get3A = arith.constant 0 : index
    %get3A_0 = arith.constant 0 : index
    %get3A_1 = vector.load %arg1[%get3A, %get3A_0] : memref<2x2048xf32, #tpu.memory_space<vmem>>, vector<1x2048xf32>
    %get3A_2 = arith.constant 1 : index
    %get3A_3 = arith.constant 0 : index
    %get3A_4 = vector.load %arg1[%get3A_2, %get3A_3] : memref<2x2048xf32, #tpu.memory_space<vmem>>, vector<1x2048xf32>
    %add3A = arith.addf %get3A_1, %get3A_4 : vector<1x2048xf32>
    %get3A_5 = arith.constant 0 : index
    %get3A_6 = arith.constant 0 : index
    %get3A_7 = vector.load %arg2[%get3A_5, %get3A_6] : memref<1x2048xf32, #tpu.memory_space<vmem>>, vector<1x2048xf32>
    %add3A_8 = arith.addf %add3A, %get3A_7 : vector<1x2048xf32>
    %swap3A = arith.constant 0 : index
    %swap3A_9 = arith.constant 0 : index
    %swap3A_10 = vector.load %arg3[%swap3A, %swap3A_9] : memref<1x2048xf32, #tpu.memory_space<vmem>>, vector<1x2048xf32>
    tpu.vector_store %arg3[%swap3A, %swap3A_9], %add3A_8 {strides = array<i32>} : memref<1x2048xf32, #tpu.memory_space<vmem>>, vector<1x2048xf32>,
    return
  }
  func.func @transform_0(%arg0: i32) -> (i32, i32) {
    %c0_i32 = arith.constant 0 : i32
    %c0_i32_0 = arith.constant 0 : i32
    return %c0_i32, %arg0 : i32, i32
  }
  func.func @transform_1(%arg0: i32) -> (i32, i32) {
    %c0_i32 = arith.constant 0 : i32
    %c0_i32_0 = arith.constant 0 : i32
    return %c0_i32, %arg0 : i32, i32
  }
  func.func @transform_2(%arg0: i32) -> (i32, i32) {
    %c0_i32 = arith.constant 0 : i32
    %c0_i32_0 = arith.constant 0 : i32
    return %c0_i32, %arg0 : i32, i32
  }
}

</mosaic_0001>

<sc_bundles>
// kernel: kernel.5.cloned.1.call-start
scs
__scs_entry_jumppad:
0x0: {  	(pc) =	sbr.rel $0x88, $3  }
0x1: {  	(tag) =	ssettag $0x0;
	lr =	simm.s32 $0x1  }
0x2: {  	[smem:$0x3F9B] =	sst lr;
	_ =	strace $0xD0000000  }
0x3: {  	_ = 	snop  }
0x4: {  	_ = 	snop  }
0x5: {  	_ = 	snop  }
0x6: {  	_ = 	snop  }
0x7: {  	_ = 	snop  }
__scs_overlays_trampoline_lowered:
0x8: {  	[smem:$0x3FAA] =	sst s0  }
0x9: {  	[smem:$0x3FAB] =	sst s1  }
0xa: {  	[smem:$0x3FAC] =	sst s2  }
0xb: {  	[smem:$0x3FAD] =	sst s3  }
0xc: {  	[smem:$0x3FAE] =	sst s4  }
0xd: {  	[smem:$0x3FAF] =	sst s5  }
0xe: {  	[smem:$0x3FB0] =	sst s6  }
0xf: {  	[smem:$0x3FB1] =	sst s7  }
0x10: {  	[smem:$0x3FB2] =	sst s8  }
0x11: {  	[smem:$0x3FB3] =	sst s9;
	s0 =	simm.s32 @!p0 $0x0  }
0x12: {  	s1 =	sld [smem:$0x3F99];
	s0 =	simm.s32 @p0 $0x1  }
0x13: {  	[smem:$0x3FB4] =	sst s0;
	s0 =	simm.s32 @!p1 $0x0  }
0x14: {  	s2 =	sld [smem:$0x3F98];
	s0 =	simm.s32 @p1 $0x1  }
0x15: {  	[smem:$0x3FB5] =	sst s0;
	s0 =	simm.s32 @!p2 $0x0  }
0x16: {  	s3 =	sld [smem:$0x3FDB];
	s0 =	simm.s32 @p2 $0x1  }
0x17: {  	s4 =	simm.s32 $0x1BF5;
	[smem:$0x3FB7] =	sst s0  }
0x18: {  	s0 =	sld [smem:$0x3F9A];
	_ =	swait.ge [sflag:s4], $0x0  }
0x19: {  	s7 =	sld [smem:$0x3F9B]  }
0x1a: {  	s8 =	sadd.s32 $0xFFFFE003, lr  }
0x1b: {  	s9 =	sadd.s32 $0xFFFFFEF7, lr;
	s5 =	simm.s32 $0xFFFFFFFF;
	p2 =	slt.u32 s8, $0xFFFFF086  }
0x1c: {  	p1 =	slt.u32 s9, $0xF7A;
	s5 =	simm.s32 @!p2 $0x0  }
0x1d: {  	s5 =	simm.s32 @p1 $0x1;
	p0 =	seq.s32 s7, s2  }
0x1e: {  	s7 =	smul.u32 @!p0 $0xF7A, s2;
	p2 =	seq.s32 @!p0 s5, $0x0  }
0x1f: {  	s9 =	smul.u32 $0xF7A, s1;
	s8 =	simm.s32 @!p0 $0x1BF5;
	p2 =	por !p2, p0  }
0x20: {  	[sflag:s8] =	ssyncset.s32 @!p0 $0xFFFFF086;
	s6 =	sadd.s32 @!p0 s3, s7;
	s7 =	simm.s32 @!p0 $0x108  }
0x21: {  	s3 =	sadd.s32 s3, s9;
	s6 =	sadd.s32 @!p0 $0x88, s6;
	s7 =	simm.s32 @p2 $0x1082  }
0x22: {  	[simem:s7], [sflag:s8] =	dma.local @!p0 [hbm:s6], $0xF7A  }
0x23: {  	s9 =	sor.u32 $0xD0000000, s2;
	s6 =	simm.s32 $0x108;
	_ =	swait.ge @!p0 [sflag:s8], $0x0  }
0x24: {  	s3 =	sadd.s32 $0x88, s3;
	s6 =	simm.s32 @!p1 $0x1082;
	[sflag:s4] =	ssyncset.s32 $0xFFFFF086  }
0x25: {  	[simem:s6], [sflag:s4] =	dma.local [hbm:s3], $0xF7A  }
0x26: {  	[smem:$0x3F9B] =	sst s1;
	(tag) =	ssettag s2;
	_ =	strace s9  }
0x27: {  	s1 =	sld [smem:$0x3FAB]  }
0x28: {  	s2 =	sld [smem:$0x3FAC]  }
0x29: {  	s4 =	sld [smem:$0x3FAE]  }
0x2a: {  	p0 =	seq.s32 s5, $0x0;
	s5 =	sld [smem:$0x3FAF]  }
0x2b: {  	s6 =	sld [smem:$0x3FB0]  }
0x2c: {  	s7 =	sld [smem:$0x3FB1]  }
0x2d: {  	s3 =	simm.s32 $0x108;
	s8 =	sld [smem:$0x3FB2]  }
0x2e: {  	s3 =	simm.s32 @!p0 $0x1082;
	s9 =	sld [smem:$0x3FB3]  }
0x2f: {  	lr =	sadd.s32 s0, s3;
	s0 =	sld [smem:$0x3FAA]  }
0x30: {  	s3 =	sld [smem:$0x3FAD]  }
0x31: {  	[smem:$0x3FB6] =	sst s10  }
0x32: {  	s10 =	sld [smem:$0x3FB4];
	_ =	sdelay $0x3  }
0x33: {  	p0 =	seq.s32 s10, $0x1;
	s10 =	sld [smem:$0x3FB6];
	_ =	sdelay $0x3  }
0x34: {  	[smem:$0x3FB6] =	sst s10  }
0x35: {  	s10 =	sld [smem:$0x3FB5];
	_ =	sdelay $0x3  }
0x36: {  	p1 =	seq.s32 s10, $0x1;
	s10 =	sld [smem:$0x3FB6];
	_ =	sdelay $0x3  }
0x37: {  	[smem:$0x3FB6] =	sst s10  }
0x38: {  	s10 =	sld [smem:$0x3FB7]  }
0x39: {  	_ = 	snop;
	(pc) =	sbr.ind lr, $3  }
0x3a: {  	_ = 	snop  }
0x3b: {  	_ = 	snop  }
0x3c: {  	p2 =	seq.s32 s10, $0x1;
	s10 =	sld [smem:$0x3FB6]  }
0x3d: {  	_ =	shalt  }
0x3e: {  	_ =	shalt  }
0x3f: {  	_ =	shalt  }
0x40: {  	_ =	shalt  }
0x41: {  	_ =	shalt  }
0x42: {  	_ =	shalt  }
0x43: {  	_ =	shalt  }
0x44: {  	_ =	shalt  }
0x45: {  	_ =	shalt  }
0x46: {  	_ =	shalt  }
0x47: {  	_ =	shalt  }
0x48: {  	_ =	shalt  }
0x49: {  	_ =	shalt  }
0x4a: {  	_ =	shalt  }
0x4b: {  	_ =	shalt  }
0x4c: {  	_ =	shalt  }
0x4d: {  	_ =	shalt  }
0x4e: {  	_ =	shalt  }
0x4f: {  	_ =	shalt  }
0x50: {  	_ =	shalt  }
0x51: {  	_ =	shalt  }
0x52: {  	_ =	shalt  }
0x53: {  	_ =	shalt  }
0x54: {  	_ =	shalt  }
0x55: {  	_ =	shalt  }
0x56: {  	_ =	shalt  }
0x57: {  	_ =	shalt  }
0x58: {  	_ =	shalt  }
0x59: {  	_ =	shalt  }
0x5a: {  	_ =	shalt  }
0x5b: {  	_ =	shalt  }
0x5c: {  	_ =	shalt  }
0x5d: {  	_ =	shalt  }
0x5e: {  	_ =	shalt  }
0x5f: {  	_ =	shalt  }
0x60: {  	_ =	shalt  }
0x61: {  	_ =	shalt  }
0x62: {  	_ =	shalt  }
0x63: {  	_ =	shalt  }
0x64: {  	_ =	shalt  }
0x65: {  	_ =	shalt  }
0x66: {  	_ =	shalt  }
0x67: {  	_ =	shalt  }
0x68: {  	_ =	shalt  }
0x69: {  	_ =	shalt  }
0x6a: {  	_ =	shalt  }
0x6b: {  	_ =	shalt  }
0x6c: {  	_ =	shalt  }
0x6d: {  	_ =	shalt  }
0x6e: {  	_ =	shalt  }
0x6f: {  	_ =	shalt  }
0x70: {  	_ =	shalt  }
0x71: {  	_ =	shalt  }
0x72: {  	_ =	shalt  }
0x73: {  	_ =	shalt  }
0x74: {  	_ =	shalt  }
0x75: {  	_ =	shalt  }
0x76: {  	_ =	shalt  }
0x77: {  	_ =	shalt  }
0x78: {  	_ =	shalt  }
0x79: {  	_ =	shalt  }
0x7a: {  	_ =	shalt  }
0x7b: {  	_ =	shalt  }
0x7c: {  	_ =	shalt  }
0x7d: {  	_ =	shalt  }
0x7e: {  	_ =	shalt  }
0x7f: {  	_ =	shalt  }
0x80: {  	_ =	shalt  }
0x81: {  	_ =	shalt  }
0x82: {  	_ =	shalt  }
0x83: {  	_ =	shalt  }
0x84: {  	_ =	shalt  }
0x85: {  	_ =	shalt  }
0x86: {  	_ =	shalt  }
0x87: {  	_ =	shalt  }
.Lfunc_end0:
.L_simem_size_0:
called_computation_lowered:
.L_overlay_start_0:
0x88: {  	s2 =	sld [smem:$0x3FD9]  }
0x89: {  	s3 =	sld [smem:$0x3FFE];
	_ =	sdelay $0x1  }
0x8a: {  	s1 =	srdreg.scid  }
0x8b: {  	s0 =	sand.u32 $0x1, s1  }
0x8c: {  	s17 =	sshll.u32 s0, $0xA;
	s2 =	sadd.s32 s3, s2  }
0x8d: {  	s2 =	sadd.s32 s2, s17  }
0x8e: {  	[smem:$0x3FC2] =	sst s2  }
0x8f: {  	_ = 	snop  }
0x90: {  	s2 =	sld [smem:$0x3FC9]  }
0x91: {  	s18 =	sld [smem:$0x3FC7]  }
0x92: {  	s4 =	sld [smem:$0x3FD0];
	(tm) =	ssettm $0x1  }
0x93: {  	s5 =	sld [smem:$0x3FFB];
	_ =	sdelay $0x3  }
0x94: {  	_ =	strace s5  }
0x95: {  	s5 =	sld [smem:$0x3FFC];
	_ =	sdelay $0x3  }
0x96: {  	_ =	strace s5  }
0x97: {  	s5 =	sld [smem:$0x3FFD];
	_ =	sdelay $0x3  }
0x98: {  	_ =	strace s5  }
0x99: {  	_ =	strace $0x8FFFFFFF  }
0x9a: {  	s19 =	sld [smem:$0x3FDB];
	_ =	sdelay $0x1  }
0x9b: {  	s6 =	simm.s32 $_scs_section_size  }
0x9c: {  	s7 =	simm.s32 $_size__tile_overlayer_lowered;
	s8 =	simm.s32 $_tile_overlayer_lowered  }
0x9d: {  	s22 =	simm.s32 $0x1BFF;
	s21 =	sshll.u32 s8, $0x1;
	s5 =	sadd.s32 s6, s19  }
0x9e: {  	s9 =	simm.s32 $0x0;
	s20 =	sshll.u32 s7, $0x1;
	s7 =	sadd.s32 s21, s5  }
0x9f: {  	[timem:s9], [sflag:s22] =	dma.local [hbm:s7], s20  }
0xa0: {  	_ =	swait.ge [sflag:s22], s20  }
0xa1: {  	s6 =	ssub.s32 $0x0, s20;
	[sflag:s22] =	ssyncset.done $0x0  }
0xa2: {  	[sflag:s22] =	ssyncadd.s32 s6;
	_ =	sdelay $0x1  }
0xa3: {  	s23 =	simm.s32 $0x1B8B  }
0xa4: {  	_ =	swait.ge [sflag:s23], $0x1  }
0xa5: {  	[sflag:s23] =	ssyncset.done $0x0  }
0xa6: {  	s25 =	simm.s32 $0x1B8E;
	s24 =	sld [smem:$0x3FFE];
	[sflag:s23] =	ssyncadd.s32 $0xFFFFFFFF  }
0xa7: {  	s26 =	simm.s32 $execute0_lowered;
	[smem:$0x3FD2] =	sst s25  }
0xa8: {  	s7 =	sshll.u32 s26, $0x1;
	_ =	strace $0x80000046;
	[dreg:$0x1] =	wrdreg $0xFFFFFFFF  }
0xa9: {  	s28 =	simm.s32 $_size_execute0_lowered;
	s5 =	sadd.s32 s5, s7;
	[dreg:$0x0] =	wrdreg $0x0  }
0xaa: {  	s7 =	sshll.u32 s28, $0x1;
	[dreg:$0x2] =	wrdreg s5  }
0xab: {  	[dreg:$0x3] =	wrdreg s7  }
0xac: {  	[dreg:$0x4] =	wrdreg $0xC0  }
0xad: {  	_ =	task [dreg:s9], $0x5FFFF  }
0xae: {  	[dreg:$0x1] =	wrdreg $0xFFFFFFFF  }
0xaf: {  	[dreg:$0x0] =	wrdreg $0x60  }
0xb0: {  	[dreg:$0x2] =	wrdreg s18  }
0xb1: {  	[dreg:$0x3] =	wrdreg s4  }
0xb2: {  	[dreg:$0x4] =	wrdreg s2  }
0xb3: {  	[dreg:$0x5] =	wrdreg s24  }
0xb4: {  	[dreg:$0x6] =	wrdreg $0xB3800  }
0xb5: {  	[dreg:$0x7] =	wrdreg $0x9  }
0xb6: {  	_ =	task.clear_ibuf [dreg:s9], $0x8FFFF;
	_ =	strace $0x90000046  }
0xb7: {  	s29 =	simm.s32 $0x9;
	_ =	strace $0x80000048  }
0xb8: {  	_ =	swait.ge [sflag:s29], $0x1  }
0xb9: {  	[sflag:s29] =	ssyncadd.s32 $0xFFFFFFFF  }
0xba: {  	_ =	strace $0x90000048  }
0xbb: {  	_ =	sfence  }
0xbc: {  	s30 =	sld [smem:$0x0];
	_ =	sdelay $0x2  }
0xbd: {  	s31 =	sshll.u32 s1, $0xD;
	s1 =	sshrl.u32 s1, $0x2  }
0xbe: {  	s3 =	sand.u32 $0x4000, s31;
	s1 =	sadd.s32 s1, s30  }
0xbf: {  	s0 =	sor.u32 s3, s0;
	s1 =	sshll.u32 s1, $0x11  }
0xc0: {  	s0 =	sor.u32 s1, s0  }
0xc1: {  	s0 =	sadd.s32 $0x8F2B, s0  }
0xc2: {  	[sflag:s0] =	ssyncadd.remote.s32 $0x1  }
0xc3: {  	_ =	sfence.sel $0xFFFF  }
0xc4: {  	[dreg:$0x0] =	wrdreg $0xFFFFFFFF;
	(pc) =	sbr.abs _section_cstart, $3  }
0xc5: {  	[dreg:$0x1] =	wrdreg $0xFFFFFFFF  }
0xc6: {  	_ =	task.clear_ibuf [dreg:s9], $0x2FFFF;
	_ =	strace $0x9FFFFFFF  }
0xc7: {  	(tm) =	ssettm $0x7FFFFFFF  }
tec
execute0_lowered:
.L_overlay_start_1:
0x0: {  	(tag) =	ssettag $0x1  }
0x1: {  	s3 =	rddreg [dreg:$0x0]  }
0x2: {  	s19 =	rddreg [dreg:$0x1]  }
0x3: {  	s5 =	rddreg [dreg:$0x2]  }
0x4: {  	s1 =	srdreg.scid;
	s0 =	rddreg [dreg:$0x3]  }
0x5: {  	s23 =	simm.s32 $0x0;
	s20 =	stileid.u32;
	s31 =	simm.s32 $0x1  }
0x6: {  	s28 =	simm.s32 $0x6;
	s29 =	simm.s32 $0x2;
	s30 =	simm.s32 $0x400  }
0x7: {  	s6 =	sand.u32 $0x1, s1;
	[smem:$0x7FF] =	sst s23;
	s7 =	sshll.u32 s20, $0xC  }
0x8: {  	s21 =	sshll.u32 s20, $0x9;
	s10 =	sshll.u32 s20, $0x3;
	s22 =	sshll.u32 s20, $0xA  }
0x9: {  	p6 =	seq.s32 s20, $0x0;
	s1 =	smul.u32 $0x3D0000, s6;
	s4 =	ssub.s32 $0x2, s6  }
0xa: {  	s2 =	smul.u32 $0x7A000, s6;
	p0 =	seq.s32 s6, $0x0;
	p1 =	seq.s32 s6, $0x1  }
0xb: {  	s6 =	sshll.u32 s6, $0x7;
	s13 =	sor.u32 $0x2, s10;
	s14 =	sor.u32 $0x3, s10  }
0xc: {  	s15 =	sor.u32 $0x4, s10;
	s16 =	sor.u32 $0x5, s10;
	s8 =	sshrl.u32 s4, $0x1  }
0xd: {  	s25 =	sshll.u32 s13, $0x7;
	s26 =	sshll.u32 s14, $0x7;
	s11 =	sshll.u32 s15, $0x7  }
0xe: {  	s12 =	sshll.u32 s16, $0x7;
	s13 =	sshll.u32 s13, $0x8;
	s14 =	sshll.u32 s14, $0x8  }
0xf: {  	s15 =	sshll.u32 s15, $0x8;
	s16 =	sshll.u32 s16, $0x8;
	s7 =	sor.u32 s1, s7  }
0x10: {  	s1 =	ssub.s32 s4, s8;
	s18 =	sadd.s32 s2, s3;
	s8 =	sadd.s32 s5, s22  }
0x11: {  	s13 =	sor.u32 s6, s13;
	s14 =	sor.u32 s6, s14;
	s15 =	sor.u32 s6, s15  }
0x12: {  	s16 =	sor.u32 s6, s16;
	s22 =	sadd.s32 $0x800, s0;
	s0 =	sadd.s32 $0x600, s0  }
0x13: {  	s17 =	sshrl.u32 s7, $0x3;
	s4 =	sadd.s32 s18, s21;
	s7 =	sor.u32 $0x1, s10  }
0x14: {  	[dreg:$0x7] =	wrdreg s8;
	s8 =	sadd.s32 s5, s25;
	s18 =	sshllo.u32 s20, $0x3  }
0x15: {  	s25 =	sshrl.u32 s13, $0x3;
	s13 =	sshrl.u32 s16, $0x3;
	s3 =	sadd.s32 s3, s17  }
0x16: {  	s9 =	sshll.u32 s7, $0x7;
	[dreg:$0x9] =	wrdreg s8;
	s17 =	sor.u32 $0x6, s10  }
0x17: {  	s10 =	sadd.s32 s5, s12;
	s12 =	sshll.u32 s18, $0x7;
	s7 =	sshll.u32 s7, $0x8  }
0x18: {  	s18 =	sshll.u32 s18, $0x8;
	s8 =	sshrl.u32 s15, $0x3;
	[dreg:$0x6] =	wrdreg s3  }
0x19: {  	s3 =	sshll.u32 s20, $0xB;
	s24 =	sadd.s32 s5, s9;
	s9 =	sadd.s32 s5, s26  }
0x1a: {  	s12 =	sadd.s32 s5, s12;
	s7 =	sor.u32 s6, s7;
	s26 =	sadd.s32 s22, s25  }
0x1b: {  	s25 =	sadd.s32 $0x280, s19;
	s19 =	simm.s32 $0xB300;
	[dreg:$0x8] =	wrdreg s24  }
0x1c: {  	[dreg:$0xa] =	wrdreg s9;
	s9 =	sadd.s32 s5, s11;
	s11 =	sshll.u32 s17, $0x7  }
0x1d: {  	s21 =	sor.u32 s6, s3;
	s17 =	sshll.u32 s17, $0x8;
	s24 =	sshrl.u32 s7, $0x3  }
0x1e: {  	[dreg:$0xd] =	wrdreg s26;
	s7 =	sshrl.u32 s14, $0x3;
	s14 =	sadd.s32 s22, s13  }
0x1f: {  	s26 =	sadd.s32 $0x4000, s4;
	s13 =	simm.s32 $0x5B00;
	s11 =	sadd.s32 s5, s11  }
0x20: {  	s17 =	sor.u32 s6, s17;
	s6 =	sor.u32 s6, s18;
	[dreg:$0x10] =	wrdreg s14  }
0x21: {  	s5 =	sshrl.u32 s21, $0x3;
	s21 =	rddreg [dreg:$0x4];
	s18 =	smax.u32 s1, $0x1  }
0x22: {  	s1 =	simm.s32 $0x20000;
	s14 =	simm.s32 $0x80;
	s5 =	sadd.s32 s22, s5  }
0x23: {  	s15 =	sshrl.u32 s17, $0x3;
	[dreg:$0xb] =	wrdreg s5;
	s5 =	sadd.s32 s22, s24  }
0x24: {  	s16 =	sshrl.u32 s6, $0x3;
	[dreg:$0xc] =	wrdreg s5;
	s5 =	sadd.s32 s22, s7  }
0x25: {  	s17 =	sshrl.u32 s3, $0x2;
	[dreg:$0xe] =	wrdreg s5;
	s5 =	sadd.s32 s22, s8  }
0x26: {  	s3 =	simm.s32 $0x4300;
	[dreg:$0xf] =	wrdreg s5;
	s5 =	sadd.s32 s22, s15  }
0x27: {  	vm0 =	vmmov $0x1;
	s24 =	sadd.s32 s17, s21;
	[dreg:$0x11] =	wrdreg s5;
	s5 =	sadd.s32 s22, s16  }
0x28: {  	vm6 =	vcmask $0x171C;
	vm7 =	vcmask $0x1B20;
	vm8 =	vcmask $0x1F24;
	s17 =	simm.s32 $0x3;
	s15 =	simm.s32 $0x5F00;
	[dreg:$0x12] =	wrdreg s5  }
0x29: {  	vm9 =	vcmask $0x2328;
	vm10 =	vcmask $0x272C;
	vm11 =	vcmask $0x2B30;
	s22 =	sadd.s32 $0x7A280, s21;
	_ =	strace $0x80000047;
	[dreg:$0x13] =	wrdreg s0  }
0x2a: {  	vm12 =	vcmask $0x2F34;
	vm13 =	vcmask $0x3338;
	v9 =	vlaneseq.u32;
	s16 =	simm.s32 $0x7700;
	s5 =	simm.s32 $0x7A000;
	[dreg:$0x14] =	wrdreg s18  }
0x2b: {  	vm14 =	vcmask $0x373C;
	vm15 =	vmmov $0x7fff;
	v2 =	vor.u32 $0x7A280, v9;
	s5 =	simm.s32 @!p0 $0x7A240;
	p0 =	por !p6, !p1;
	[dreg:$0x16] =	wrdreg s22  }
0x2c: {  	v3 =	vor.u32 $0x7A290, v9;
	v4 =	vor.u32 $0x7A2A0, v9;
	v5 =	vor.u32 $0x7A2B0, v9;
	p1 =	sne.s32 s20, $0x1;
	s20 =	sadd.s32 $0x7A000, s21;
	[dreg:$0x17] =	wrdreg s25  }
0x2d: {  	v6 =	vor.u32 $0x7A2C0, v9;
	v7 =	vor.u32 $0x7A2D0, v9;
	v8 =	vor.u32 $0x7A2E0, v9;
	s18 =	simm.s32 $0x5;
	s0 =	simm.s32 $0x4000;
	s22 =	simm.s32 $0x0  }
0x2e: {  	v9 =	vor.u32 $0x7A2F0, v9;
	v0 =	vmov s2;
	v1 =	vmov s5;
	p0 =	por !p0, !p0;
	[dreg:$0x15] =	wrdreg s20;
	s20 =	simm.s32 $0x4  }
.LBB2_1:
0x2f: {  	s2 =	rddreg [dreg:$0x13];
	s5 =	simm.s32 $0x4280  }
0x30: {  	[tilespmem:s5], [sflag:$0x5] =	stream.linear.gather [hbm4b:s2+s23], $0x80, $0x38;
	[tilespmem:$0x12DB0] =	vst v63  }
0x31: {  	_ =	swait.ge [sflag:s18], $0x80  }
0x32: {  	[sflag:s18] =	ssyncset.done $0x0  }
0x33: {  	[sflag:s18] =	ssyncadd.s32 $0xFFFFFF80  }
0x34: {  	v10 =	vld [tilespmem:$0x4280];
	_ =	sdelay $0x4  }
0x35: {  	vm1 =	vcmask $0x308;
	v11 =	vnsel vm0, $0x0, v10  }
0x36: {  	(xrf2) =	vadd.scan.msk.f32 $0xffff, v11;
	v11 =	vsel vm1, $0x0, v10;
	vm1 =	vcmask $0x70C  }
0x37: {  	(xrf2) =	vadd.scan.msk.f32 $0xffff, v11;
	v11 =	vsel vm1, $0x0, v10;
	vm1 =	vcmask $0xB10  }
0x38: {  	(xrf2) =	vadd.scan.msk.f32 $0xffff, v11;
	v11 =	vsel vm1, $0x0, v10;
	vm1 =	vcmask $0xF14  }
0x39: {  	(xrf2) =	vadd.scan.msk.f32 $0xffff, v11;
	v11 =	vsel vm1, $0x0, v10;
	vm1 =	vcmask $0x1318  }
0x3a: {  	(xrf2) =	vadd.scan.msk.f32 $0xffff, v11;
	v11 =	vsel vm1, $0x0, v10  }
0x3b: {  	(xrf2) =	vadd.scan.msk.f32 $0xffff, v11;
	v11 =	vsel vm6, $0x0, v10  }
0x3c: {  	(xrf2) =	vadd.scan.msk.f32 $0xffff, v11;
	v11 =	vsel vm7, $0x0, v10  }
0x3d: {  	(xrf2) =	vadd.scan.msk.f32 $0xffff, v11;
	v11 =	vsel vm8, $0x0, v10  }
0x3e: {  	(xrf2) =	vadd.scan.msk.f32 $0xffff, v11;
	v11 =	vsel vm9, $0x0, v10  }
0x3f: {  	(xrf2) =	vadd.scan.msk.f32 $0xffff, v11;
	v11 =	vsel vm10, $0x0, v10  }
0x40: {  	v12, _, _ =	vpop (xrf2);
	(xrf2) =	vadd.scan.msk.f32 $0xffff, v11;
	v11 =	vsel vm11, $0x0, v10  }
0x41: {  	v13, _, _ =	vpop (xrf2);
	(xrf2) =	vadd.scan.msk.f32 $0xffff, v11;
	v11 =	vsel vm12, $0x0, v10  }
0x42: {  	v14, _, _ =	vpop (xrf2);
	(xrf2) =	vadd.scan.msk.f32 $0xffff, v11;
	v11 =	vsel vm13, $0x0, v10  }
0x43: {  	v15, _, _ =	vpop (xrf2);
	(xrf2) =	vadd.scan.msk.f32 $0xffff, v11;
	v11 =	vsel vm14, $0x0, v10  }
0x44: {  	v10 =	vsel vm15, $0x0, v10  }
0x45: {  	v16, _, _ =	vpop (xrf2);
	(xrf2) =	vadd.scan.msk.f32 $0xffff, v11  }
0x46: {  	v11, _, _ =	vpop (xrf2);
	(xrf2) =	vadd.scan.msk.f32 $0xffff, v10  }
0x47: {  	v10, _, _ =	vpop (xrf2)  }
0x48: {  	v17, _, _ =	vpop (xrf2)  }
0x49: {  	v26, _, _ =	vpop (xrf2)  }
0x4a: {  	v24 =	vbroadcast v12, $0xF;
	v25 =	vbroadcast v13, $0xF;
	v27, _, _ =	vpop (xrf2)  }
0x4b: {  	v23 =	vbroadcast v14, $0xF;
	v22 =	vbroadcast v15, $0xF;
	v12, _, _ =	vpop (xrf2)  }
0x4c: {  	v21 =	vbroadcast v16, $0xF;
	v20 =	vbroadcast v11, $0xF;
	v13, _, _ =	vpop (xrf2)  }
.Ltmp0:
0x4d: {  	v19 =	vbroadcast v10, $0xF;
	v18 =	vbroadcast v17, $0xF;
	v11, _, _ =	vpop (xrf2);
	(pc) =	sbr.rel .LBB2_2-.Ltmp0, $4  }
0x4e: {  	v17 =	vbroadcast v26, $0xF;
	v15 =	vbroadcast v27, $0xF;
	v10, _, _ =	vpop (xrf2)  }
0x4f: {  	s25 =	simm.s32 $0x1000;
	s6 =	simm.s32 $0x7A1400;
	s8 =	rddreg [dreg:$0x6];
	v16 =	vbroadcast v12, $0xF;
	v14 =	vbroadcast v13, $0xF;
	v26, _, _ =	vpop (xrf2)  }
0x50: {  	[tilespmem:s23], [sflag:$0x1] =	stream.strided.gather [hbm4b:s8+s25], $0x2000, s6, s25, $0x38;
	v13 =	vbroadcast v11, $0xF;
	v12 =	vbroadcast v10, $0xF;
	v27, _, _ =	vpop (xrf2);
	[tilespmem:$0x12DB0] =	vst v63  }
0x51: {  	s23 =	simm.s32 $0x0;
	v11 =	vbroadcast v26, $0xF;
	v10 =	vbroadcast v27, $0xF  }
.LBB2_8:
0x52: {  	s23 =	sadd.s32 $0x1, s23  }
0x53: {  	p2 =	sne.s32 s23, $0x1F  }
.Ltmp1:
0x54: {  	_ = 	snop;
	(pc) =	sbr.rel @!p2 .LBB2_9-.Ltmp1, $1  }
0x55: {  	_ =	sdelay $0x3  }
.LBB2_2:
0x56: {  	s25 =	sshllo.u32 s23, $0x1  }
0x57: {  	p2 =	sgt.u32 s25, $0x3C  }
0x58: {  	s2 =	sshll.u32 @!p2 s25, $0xD;
	s5 =	simm.s32 @!p2 $0x1000  }
0x59: {  	s6 =	simm.s32 @!p2 $0x7A1400;
	s7 =	simm.s32 @!p2 $0x2000;
	s2 =	sadd.s32 @!p2 s2, s4  }
0x5a: {  	[tilespmem:s7], [sflag:$0x2] =	stream.strided.gather @!p2 [hbm4b:s2+s5], $0x2000, s6, s5, $0x38;
	[tilespmem:$0x12DB0] =	vst v63  }
0x5b: {  	s5 =	simm.s32 $0x0;
	_ =	swait.ge [sflag:s31], $0x2000  }
0x5c: {  	s6 =	sand.u32 $0x70, s5;
	s2 =	sand.u32 $0xC00, s5;
	[sflag:s31] =	ssyncset.done $0x0  }
0x5d: {  	s2 =	sor.u32 s6, s2;
	[sflag:s31] =	ssyncadd.s32 $0xFFFFE000  }
0x5e: {  	v26 =	vld [tilespmem:s2+$0x0]  }
0x5f: {  	v27 =	vld [tilespmem:s2+$0x80];
	_ =	sdelay $0x1  }
0x60: {  	v28 =	vld [tilespmem:s2+$0x100];
	_ =	sdelay $0x1  }
0x61: {  	v29 =	vld [tilespmem:s2+$0x180]  }
0x62: {  	v26 =	vmul.f32 v26, v24;
	v27 =	vmul.f32 v27, v25  }
0x63: {  	v30 =	vld [tilespmem:s2+$0x200]  }
0x64: {  	v26 =	vadd.f32 v27, v26;
	v27 =	vmul.f32 v28, v23  }
0x65: {  	v53 =	vld [tilespmem:s2+$0x280]  }
0x66: {  	v26 =	vadd.f32 v27, v26;
	v27 =	vmul.f32 v29, v22  }
0x67: {  	v54 =	vld [tilespmem:s2+$0x300]  }
0x68: {  	v26 =	vadd.f32 v27, v26;
	v27 =	vmul.f32 v30, v21  }
0x69: {  	v55 =	vld [tilespmem:s2+$0x380]  }
0x6a: {  	v26 =	vadd.f32 v27, v26;
	v27 =	vmul.f32 v53, v20  }
0x6b: {  	v56 =	vld [tilespmem:s2+$0x1000]  }
0x6c: {  	v26 =	vadd.f32 v27, v26;
	v27 =	vmul.f32 v54, v19  }
0x6d: {  	v57 =	vld [tilespmem:s2+$0x1080]  }
0x6e: {  	v26 =	vadd.f32 v27, v26;
	v27 =	vmul.f32 v55, v18  }
0x6f: {  	v58 =	vld [tilespmem:s2+$0x1100]  }
0x70: {  	v26 =	vadd.f32 v27, v26;
	v27 =	vmul.f32 v56, v17  }
0x71: {  	v59 =	vld [tilespmem:s2+$0x1180]  }
0x72: {  	v26 =	vadd.f32 v27, v26;
	v27 =	vmul.f32 v57, v15  }
0x73: {  	v60 =	vld [tilespmem:s2+$0x1200]  }
0x74: {  	v26 =	vadd.f32 v27, v26;
	v27 =	vmul.f32 v58, v16  }
0x75: {  	v61 =	vld [tilespmem:s2+$0x1280]  }
0x76: {  	v26 =	vadd.f32 v27, v26;
	v27 =	vmul.f32 v59, v14  }
0x77: {  	v62 =	vld [tilespmem:s2+$0x1300]  }
0x78: {  	v26 =	vadd.f32 v27, v26;
	v27 =	vmul.f32 v60, v13  }
0x79: {  	v63 =	vld [tilespmem:s2+$0x1380]  }
0x7a: {  	v26 =	vadd.f32 v27, v26;
	v27 =	vmul.f32 v61, v12;
	_ =	sdelay $0x1  }
0x7b: {  	v26 =	vadd.f32 v27, v26;
	v27 =	vmul.f32 v62, v11;
	_ =	sdelay $0x1  }
0x7c: {  	v26 =	vadd.f32 v27, v26;
	v27 =	vmul.f32 v63, v10;
	_ =	sdelay $0x1  }
0x7d: {  	s7 =	simm.s32 $0x10;
	s6 =	simm.s32 $0x80;
	v26 =	vadd.f32 v27, v26  }
0x7e: {  	s5 =	sand.u32 $0x70, s7;
	s8 =	sand.u32 $0xC00, s6;
	s2 =	simm.s32 $0x4000  }
0x7f: {  	s7 =	simm.s32 $0x20;
	s5 =	sor.u32 s5, s8;
	[tilespmem:s2+$0x0] =	vst v26  }
.LBB2_3:
0x80: {  	p3 =	sne.s32 s7, $0x1F0;
	v26 =	vld [tilespmem:s5+$0x0]  }
0x81: {  	v27 =	vld [tilespmem:s5+$0x80];
	_ =	sdelay $0x1  }
0x82: {  	v28 =	vld [tilespmem:s5+$0x100];
	_ =	sdelay $0x1  }
0x83: {  	v29 =	vld [tilespmem:s5+$0x180]  }
0x84: {  	v26 =	vmul.f32 v26, v24;
	v27 =	vmul.f32 v27, v25  }
0x85: {  	v30 =	vld [tilespmem:s5+$0x200]  }
0x86: {  	v26 =	vadd.f32 v27, v26;
	v27 =	vmul.f32 v28, v23  }
0x87: {  	v28 =	vld [tilespmem:s5+$0x280]  }
0x88: {  	v26 =	vadd.f32 v27, v26;
	v27 =	vmul.f32 v29, v22  }
0x89: {  	v29 =	vld [tilespmem:s5+$0x300]  }
0x8a: {  	v26 =	vadd.f32 v27, v26;
	v27 =	vmul.f32 v30, v21  }
0x8b: {  	v30 =	vld [tilespmem:s5+$0x380]  }
0x8c: {  	v26 =	vadd.f32 v27, v26;
	v27 =	vmul.f32 v28, v20  }
0x8d: {  	v28 =	vld [tilespmem:s5+$0x1000]  }
0x8e: {  	v26 =	vadd.f32 v27, v26;
	v27 =	vmul.f32 v29, v19  }
0x8f: {  	v29 =	vld [tilespmem:s5+$0x1080]  }
0x90: {  	v26 =	vadd.f32 v27, v26;
	v27 =	vmul.f32 v30, v18  }
0x91: {  	v30 =	vld [tilespmem:s5+$0x1100]  }
0x92: {  	v26 =	vadd.f32 v27, v26;
	v27 =	vmul.f32 v28, v17  }
0x93: {  	v28 =	vld [tilespmem:s5+$0x1180]  }
0x94: {  	v26 =	vadd.f32 v27, v26;
	v27 =	vmul.f32 v29, v15  }
0x95: {  	v29 =	vld [tilespmem:s5+$0x1200]  }
0x96: {  	v26 =	vadd.f32 v27, v26;
	v27 =	vmul.f32 v30, v16  }
0x97: {  	v30 =	vld [tilespmem:s5+$0x1280]  }
0x98: {  	v26 =	vadd.f32 v27, v26;
	v27 =	vmul.f32 v28, v14  }
0x99: {  	v28 =	vld [tilespmem:s5+$0x1300]  }
0x9a: {  	v26 =	vadd.f32 v27, v26;
	v27 =	vmul.f32 v29, v13  }
0x9b: {  	v29 =	vld [tilespmem:s5+$0x1380]  }
0x9c: {  	v26 =	vadd.f32 v27, v26;
	v27 =	vmul.f32 v30, v12;
	_ =	sdelay $0x1  }
0x9d: {  	v26 =	vadd.f32 v27, v26;
	v27 =	vmul.f32 v28, v11;
	_ =	sdelay $0x1  }
.Ltmp2:
0x9e: {  	v26 =	vadd.f32 v27, v26;
	v27 =	vmul.f32 v29, v10;
	(pc) =	sbr.rel @p3 .LBB2_3-.Ltmp2, $4  }
0x9f: {  	_ = 	snop  }
0xa0: {  	s6 =	sadd.s32 $0x80, s6;
	v26 =	vadd.f32 v27, v26  }
0xa1: {  	s2 =	sadd.s32 $0x10, s2;
	s8 =	sand.u32 $0xC00, s6;
	s5 =	sand.u32 $0x70, s7  }
0xa2: {  	s7 =	sadd.s32 $0x10, s7;
	s5 =	sor.u32 s5, s8;
	[tilespmem:s2+$0x0] =	vst v26  }
0xa3: {  	v26 =	vld [tilespmem:s5+$0x0]  }
0xa4: {  	v27 =	vld [tilespmem:s5+$0x80];
	_ =	sdelay $0x1  }
0xa5: {  	v28 =	vld [tilespmem:s5+$0x100];
	_ =	sdelay $0x1  }
0xa6: {  	v29 =	vld [tilespmem:s5+$0x180]  }
0xa7: {  	v26 =	vmul.f32 v26, v24;
	v27 =	vmul.f32 v27, v25  }
0xa8: {  	v30 =	vld [tilespmem:s5+$0x200]  }
0xa9: {  	v26 =	vadd.f32 v27, v26;
	v27 =	vmul.f32 v28, v23  }
0xaa: {  	v53 =	vld [tilespmem:s5+$0x280]  }
0xab: {  	v26 =	vadd.f32 v27, v26;
	v27 =	vmul.f32 v29, v22  }
0xac: {  	v54 =	vld [tilespmem:s5+$0x300]  }
0xad: {  	v26 =	vadd.f32 v27, v26;
	v27 =	vmul.f32 v30, v21  }
0xae: {  	v55 =	vld [tilespmem:s5+$0x380]  }
0xaf: {  	v26 =	vadd.f32 v27, v26;
	v27 =	vmul.f32 v53, v20  }
0xb0: {  	v56 =	vld [tilespmem:s5+$0x1000]  }
0xb1: {  	v26 =	vadd.f32 v27, v26;
	v27 =	vmul.f32 v54, v19  }
0xb2: {  	v57 =	vld [tilespmem:s5+$0x1080]  }
0xb3: {  	v26 =	vadd.f32 v27, v26;
	v27 =	vmul.f32 v55, v18  }
0xb4: {  	v58 =	vld [tilespmem:s5+$0x1100]  }
0xb5: {  	v26 =	vadd.f32 v27, v26;
	v27 =	vmul.f32 v56, v17  }
0xb6: {  	v59 =	vld [tilespmem:s5+$0x1180]  }
0xb7: {  	v26 =	vadd.f32 v27, v26;
	v27 =	vmul.f32 v57, v15  }
0xb8: {  	v60 =	vld [tilespmem:s5+$0x1200]  }
0xb9: {  	v26 =	vadd.f32 v27, v26;
	v27 =	vmul.f32 v58, v16  }
0xba: {  	v61 =	vld [tilespmem:s5+$0x1280]  }
0xbb: {  	v26 =	vadd.f32 v27, v26;
	v27 =	vmul.f32 v59, v14  }
0xbc: {  	v62 =	vld [tilespmem:s5+$0x1300]  }
0xbd: {  	v26 =	vadd.f32 v27, v26;
	v27 =	vmul.f32 v60, v13  }
0xbe: {  	v63 =	vld [tilespmem:s5+$0x1380]  }
0xbf: {  	v26 =	vadd.f32 v27, v26;
	v27 =	vmul.f32 v61, v12;
	_ =	sdelay $0x1  }
0xc0: {  	v26 =	vadd.f32 v27, v26;
	v27 =	vmul.f32 v62, v11;
	_ =	sdelay $0x1  }
0xc1: {  	v26 =	vadd.f32 v27, v26;
	v27 =	vmul.f32 v63, v10;
	_ =	sdelay $0x1  }
0xc2: {  	s7 =	sshll.u32 s23, $0xE;
	v26 =	vadd.f32 v27, v26  }
0xc3: {  	s2 =	sadd.s32 $0x10, s2;
	s5 =	sand.u32 $0x3FFFC000, s7  }
0xc4: {  	s8 =	sadd.s32 s5, s24;
	[tilespmem:s2+$0x0] =	vst v26  }
0xc5: {  	[spmem:s8] =	stream.linear.scatter [tilespmem:s0], [sflag:$0x6], $0x200, $0x38;
	[tilespmem:$0x12DB0] =	vst v63  }
.Ltmp3:
0xc6: {  	p3 =	seq.s32 s23, $0x1E;
	(pc) =	sbr.rel @p2 .LBB2_8-.Ltmp3, $4  }
0xc7: {  	s6 =	simm.s32 @!p3 $0x7A1400;
	_ =	swait.ge [sflag:s28], $0x200  }
0xc8: {  	s7 =	simm.s32 @!p3 $0x0;
	s2 =	sshll.u32 @!p3 s23, $0xE;
	[sflag:s28] =	ssyncset.done $0x0  }
0xc9: {  	s5 =	simm.s32 @!p3 $0x1000;
	s2 =	sadd.s32 @!p3 s2, s26;
	[sflag:s28] =	ssyncadd.s32 $0xFFFFFE00  }
0xca: {  	[tilespmem:s7], [sflag:$0x1] =	stream.strided.gather @!p3 [hbm4b:s2+s5], $0x2000, s6, s5, $0x38;
	[tilespmem:$0x12DB0] =	vst v63  }
0xcb: {  	_ =	swait.ge [sflag:s29], $0x2000;
	s2 =	simm.s32 $0x0  }
0xcc: {  	[sflag:s29] =	ssyncset.done $0x0;
	s5 =	sand.u32 $0x70, s2;
	s2 =	sand.u32 $0xC00, s2  }
0xcd: {  	[sflag:s29] =	ssyncadd.s32 $0xFFFFE000;
	s2 =	sor.u32 s5, s2  }
0xce: {  	v26 =	vld [tilespmem:s2+$0x2000]  }
0xcf: {  	v27 =	vld [tilespmem:s2+$0x2080];
	_ =	sdelay $0x1  }
0xd0: {  	v28 =	vld [tilespmem:s2+$0x2100];
	_ =	sdelay $0x1  }
0xd1: {  	v29 =	vld [tilespmem:s2+$0x2180]  }
0xd2: {  	v26 =	vmul.f32 v26, v24;
	v27 =	vmul.f32 v27, v25  }
0xd3: {  	v30 =	vld [tilespmem:s2+$0x2200]  }
0xd4: {  	v26 =	vadd.f32 v27, v26;
	v27 =	vmul.f32 v28, v23  }
0xd5: {  	v53 =	vld [tilespmem:s2+$0x2280]  }
0xd6: {  	v26 =	vadd.f32 v27, v26;
	v27 =	vmul.f32 v29, v22  }
0xd7: {  	v54 =	vld [tilespmem:s2+$0x2300]  }
0xd8: {  	v26 =	vadd.f32 v27, v26;
	v27 =	vmul.f32 v30, v21  }
0xd9: {  	v55 =	vld [tilespmem:s2+$0x2380]  }
0xda: {  	v26 =	vadd.f32 v27, v26;
	v27 =	vmul.f32 v53, v20  }
0xdb: {  	v56 =	vld [tilespmem:s2+$0x3000]  }
0xdc: {  	v26 =	vadd.f32 v27, v26;
	v27 =	vmul.f32 v54, v19  }
0xdd: {  	v57 =	vld [tilespmem:s2+$0x3080]  }
0xde: {  	v26 =	vadd.f32 v27, v26;
	v27 =	vmul.f32 v55, v18  }
0xdf: {  	v58 =	vld [tilespmem:s2+$0x3100]  }
0xe0: {  	v26 =	vadd.f32 v27, v26;
	v27 =	vmul.f32 v56, v17  }
0xe1: {  	v59 =	vld [tilespmem:s2+$0x3180]  }
0xe2: {  	v26 =	vadd.f32 v27, v26;
	v27 =	vmul.f32 v57, v15  }
0xe3: {  	v60 =	vld [tilespmem:s2+$0x3200]  }
0xe4: {  	v26 =	vadd.f32 v27, v26;
	v27 =	vmul.f32 v58, v16  }
0xe5: {  	v61 =	vld [tilespmem:s2+$0x3280]  }
0xe6: {  	v26 =	vadd.f32 v27, v26;
	v27 =	vmul.f32 v59, v14  }
0xe7: {  	v62 =	vld [tilespmem:s2+$0x3300]  }
0xe8: {  	v26 =	vadd.f32 v27, v26;
	v27 =	vmul.f32 v60, v13  }
0xe9: {  	v63 =	vld [tilespmem:s2+$0x3380]  }
0xea: {  	v26 =	vadd.f32 v27, v26;
	v27 =	vmul.f32 v61, v12;
	_ =	sdelay $0x1  }
0xeb: {  	v26 =	vadd.f32 v27, v26;
	v27 =	vmul.f32 v62, v11;
	_ =	sdelay $0x1  }
0xec: {  	v26 =	vadd.f32 v27, v26;
	v27 =	vmul.f32 v63, v10;
	_ =	sdelay $0x1  }
0xed: {  	s8 =	simm.s32 $0x10;
	s6 =	simm.s32 $0x80;
	v26 =	vadd.f32 v27, v26  }
0xee: {  	s7 =	sand.u32 $0xC00, s6;
	s5 =	sand.u32 $0x70, s8;
	s2 =	simm.s32 $0x4000  }
0xef: {  	s5 =	sor.u32 s5, s7;
	s7 =	simm.s32 $0x20;
	[tilespmem:s2+$0x0] =	vst v26  }
.LBB2_6:
0xf0: {  	p2 =	sne.s32 s7, $0x1F0;
	v26 =	vld [tilespmem:s5+$0x2000]  }
0xf1: {  	v27 =	vld [tilespmem:s5+$0x2080];
	_ =	sdelay $0x1  }
0xf2: {  	v28 =	vld [tilespmem:s5+$0x2100];
	_ =	sdelay $0x1  }
0xf3: {  	v29 =	vld [tilespmem:s5+$0x2180]  }
0xf4: {  	v26 =	vmul.f32 v26, v24;
	v27 =	vmul.f32 v27, v25  }
0xf5: {  	v30 =	vld [tilespmem:s5+$0x2200]  }
0xf6: {  	v26 =	vadd.f32 v27, v26;
	v27 =	vmul.f32 v28, v23  }
0xf7: {  	v28 =	vld [tilespmem:s5+$0x2280]  }
0xf8: {  	v26 =	vadd.f32 v27, v26;
	v27 =	vmul.f32 v29, v22  }
0xf9: {  	v29 =	vld [tilespmem:s5+$0x2300]  }
0xfa: {  	v26 =	vadd.f32 v27, v26;
	v27 =	vmul.f32 v30, v21  }
0xfb: {  	v30 =	vld [tilespmem:s5+$0x2380]  }
0xfc: {  	v26 =	vadd.f32 v27, v26;
	v27 =	vmul.f32 v28, v20  }
0xfd: {  	v28 =	vld [tilespmem:s5+$0x3000]  }
0xfe: {  	v26 =	vadd.f32 v27, v26;
	v27 =	vmul.f32 v29, v19  }
0xff: {  	v29 =	vld [tilespmem:s5+$0x3080]  }
0x100: {  	v26 =	vadd.f32 v27, v26;
	v27 =	vmul.f32 v30, v18  }
0x101: {  	v30 =	vld [tilespmem:s5+$0x3100]  }
0x102: {  	v26 =	vadd.f32 v27, v26;
	v27 =	vmul.f32 v28, v17  }
0x103: {  	v28 =	vld [tilespmem:s5+$0x3180]  }
0x104: {  	v26 =	vadd.f32 v27, v26;
	v27 =	vmul.f32 v29, v15  }
0x105: {  	v29 =	vld [tilespmem:s5+$0x3200]  }
0x106: {  	v26 =	vadd.f32 v27, v26;
	v27 =	vmul.f32 v30, v16  }
0x107: {  	v30 =	vld [tilespmem:s5+$0x3280]  }
0x108: {  	v26 =	vadd.f32 v27, v26;
	v27 =	vmul.f32 v28, v14  }
0x109: {  	v28 =	vld [tilespmem:s5+$0x3300]  }
0x10a: {  	v26 =	vadd.f32 v27, v26;
	v27 =	vmul.f32 v29, v13  }
0x10b: {  	v29 =	vld [tilespmem:s5+$0x3380]  }
0x10c: {  	v26 =	vadd.f32 v27, v26;
	v27 =	vmul.f32 v30, v12;
	_ =	sdelay $0x1  }
0x10d: {  	v26 =	vadd.f32 v27, v26;
	v27 =	vmul.f32 v28, v11;
	_ =	sdelay $0x1  }
.Ltmp4:
0x10e: {  	v26 =	vadd.f32 v27, v26;
	v27 =	vmul.f32 v29, v10;
	(pc) =	sbr.rel @p2 .LBB2_6-.Ltmp4, $4  }
0x10f: {  	_ = 	snop  }
0x110: {  	s6 =	sadd.s32 $0x80, s6;
	v26 =	vadd.f32 v27, v26  }
0x111: {  	s2 =	sadd.s32 $0x10, s2;
	s8 =	sand.u32 $0xC00, s6;
	s5 =	sand.u32 $0x70, s7  }
0x112: {  	s7 =	sadd.s32 $0x10, s7;
	s5 =	sor.u32 s5, s8;
	[tilespmem:s2+$0x0] =	vst v26  }
0x113: {  	v26 =	vld [tilespmem:s5+$0x2000]  }
0x114: {  	v27 =	vld [tilespmem:s5+$0x2080];
	_ =	sdelay $0x1  }
0x115: {  	v28 =	vld [tilespmem:s5+$0x2100];
	_ =	sdelay $0x1  }
0x116: {  	v29 =	vld [tilespmem:s5+$0x2180]  }
0x117: {  	v26 =	vmul.f32 v26, v24;
	v27 =	vmul.f32 v27, v25  }
0x118: {  	v30 =	vld [tilespmem:s5+$0x2200]  }
0x119: {  	v26 =	vadd.f32 v27, v26;
	v27 =	vmul.f32 v28, v23  }
0x11a: {  	v53 =	vld [tilespmem:s5+$0x2280]  }
0x11b: {  	v26 =	vadd.f32 v27, v26;
	v27 =	vmul.f32 v29, v22  }
0x11c: {  	v54 =	vld [tilespmem:s5+$0x2300]  }
0x11d: {  	v26 =	vadd.f32 v27, v26;
	v27 =	vmul.f32 v30, v21  }
0x11e: {  	v55 =	vld [tilespmem:s5+$0x2380]  }
0x11f: {  	v26 =	vadd.f32 v27, v26;
	v27 =	vmul.f32 v53, v20  }
0x120: {  	v56 =	vld [tilespmem:s5+$0x3000]  }
0x121: {  	v26 =	vadd.f32 v27, v26;
	v27 =	vmul.f32 v54, v19  }
0x122: {  	v57 =	vld [tilespmem:s5+$0x3080]  }
0x123: {  	v26 =	vadd.f32 v27, v26;
	v27 =	vmul.f32 v55, v18  }
0x124: {  	v58 =	vld [tilespmem:s5+$0x3100]  }
0x125: {  	v26 =	vadd.f32 v27, v26;
	v27 =	vmul.f32 v56, v17  }
0x126: {  	v59 =	vld [tilespmem:s5+$0x3180]  }
0x127: {  	v26 =	vadd.f32 v27, v26;
	v27 =	vmul.f32 v57, v15  }
0x128: {  	v60 =	vld [tilespmem:s5+$0x3200]  }
0x129: {  	v26 =	vadd.f32 v27, v26;
	v27 =	vmul.f32 v58, v16  }
0x12a: {  	v61 =	vld [tilespmem:s5+$0x3280]  }
0x12b: {  	v26 =	vadd.f32 v27, v26;
	v27 =	vmul.f32 v59, v14  }
0x12c: {  	v62 =	vld [tilespmem:s5+$0x3300]  }
0x12d: {  	v26 =	vadd.f32 v27, v26;
	v27 =	vmul.f32 v60, v13  }
0x12e: {  	v63 =	vld [tilespmem:s5+$0x3380]  }
0x12f: {  	v26 =	vadd.f32 v27, v26;
	v27 =	vmul.f32 v61, v12;
	_ =	sdelay $0x1  }
0x130: {  	v26 =	vadd.f32 v27, v26;
	v27 =	vmul.f32 v62, v11;
	_ =	sdelay $0x1  }
0x131: {  	v26 =	vadd.f32 v27, v26;
	v27 =	vmul.f32 v63, v10;
	_ =	sdelay $0x1  }
0x132: {  	s8 =	sshll.u32 s25, $0xD;
	v26 =	vadd.f32 v27, v26  }
0x133: {  	s2 =	sadd.s32 $0x10, s2;
	s5 =	sand.u32 $0x3FFFE000, s8  }
.Ltmp5:
0x134: {  	s25 =	sadd.s32 s5, s24;
	[tilespmem:s2+$0x0] =	vst v26;
	(pc) =	sbr.rel .LBB2_8-.Ltmp5, $4  }
0x135: {  	[spmem:s25] =	stream.linear.scatter [tilespmem:s0], [sflag:$0x5], $0x200, $0x38;
	[tilespmem:$0x12DB0] =	vst v63  }
0x136: {  	_ =	swait.ge [sflag:s18], $0x200  }
0x137: {  	[sflag:s18] =	ssyncset.done $0x0  }
0x138: {  	[sflag:s18] =	ssyncadd.s32 $0xFFFFFE00  }
.LBB2_9:
.Ltmp6:
0x139: {  	(pc) =	sbr.rel @!p0 .LBB2_13-.Ltmp6, $1  }
0x13a: {  	_ =	sdelay $0x3  }
0x13b: {  	s2 =	simm.s32 $0x0;
	s5 =	rddreg [dreg:$0x1]  }
0x13c: {  	[tilespmem:s2], [sflag:$0x5] =	stream.linear.gather [hbm4b:s5+s2], $0x1400, $0x38;
	[tilespmem:$0x12DB0] =	vst v63  }
0x13d: {  	s8 =	rddreg [dreg:$0x17];
	s6 =	simm.s32 $0x1000  }
0x13e: {  	[tilespmem:s6], [sflag:$0x5] =	stream.linear.gather [hbm4b:s8+s2], $0x1400, $0x38;
	[tilespmem:$0x12DB0] =	vst v63  }
0x13f: {  	_ =	swait.ge [sflag:s18], $0x2800  }
0x140: {  	s23 =	sand.u32 $0x70, s2;
	s2 =	sand.u32 $0x1C00, s2;
	[sflag:s18] =	ssyncset.done $0x0  }
0x141: {  	s2 =	sor.u32 s23, s2;
	[sflag:s18] =	ssyncadd.s32 $0xFFFFD800  }
0x142: {  	v26 =	vld [tilespmem:s2+$0x0]  }
0x143: {  	v27 =	vld [tilespmem:s2+$0x80];
	_ =	sdelay $0x1  }
0x144: {  	v28 =	vld [tilespmem:s2+$0x100];
	_ =	sdelay $0x1  }
0x145: {  	v29 =	vld [tilespmem:s2+$0x180]  }
0x146: {  	v26 =	vmul.f32 v26, v24;
	v27 =	vmul.f32 v27, v25  }
0x147: {  	v30 =	vld [tilespmem:s2+$0x200]  }
0x148: {  	v26 =	vadd.f32 v27, v26;
	v27 =	vmul.f32 v28, v23  }
0x149: {  	v53 =	vld [tilespmem:s2+$0x280]  }
0x14a: {  	v26 =	vadd.f32 v27, v26;
	v27 =	vmul.f32 v29, v22  }
0x14b: {  	v54 =	vld [tilespmem:s2+$0x300]  }
0x14c: {  	v26 =	vadd.f32 v27, v26;
	v27 =	vmul.f32 v30, v21  }
0x14d: {  	v55 =	vld [tilespmem:s2+$0x380]  }
0x14e: {  	v26 =	vadd.f32 v27, v26;
	v27 =	vmul.f32 v53, v20  }
0x14f: {  	v56 =	vld [tilespmem:s2+$0x1000]  }
0x150: {  	v26 =	vadd.f32 v27, v26;
	v27 =	vmul.f32 v54, v19  }
0x151: {  	v57 =	vld [tilespmem:s2+$0x1080]  }
0x152: {  	v26 =	vadd.f32 v27, v26;
	v27 =	vmul.f32 v55, v18  }
0x153: {  	v58 =	vld [tilespmem:s2+$0x1100]  }
0x154: {  	v26 =	vadd.f32 v27, v26;
	v27 =	vmul.f32 v56, v17  }
0x155: {  	v59 =	vld [tilespmem:s2+$0x1180]  }
0x156: {  	v26 =	vadd.f32 v27, v26;
	v27 =	vmul.f32 v57, v15  }
0x157: {  	v60 =	vld [tilespmem:s2+$0x1200]  }
0x158: {  	v26 =	vadd.f32 v27, v26;
	v27 =	vmul.f32 v58, v16  }
0x159: {  	v61 =	vld [tilespmem:s2+$0x1280]  }
0x15a: {  	v26 =	vadd.f32 v27, v26;
	v27 =	vmul.f32 v59, v14  }
0x15b: {  	v62 =	vld [tilespmem:s2+$0x1300]  }
0x15c: {  	v26 =	vadd.f32 v27, v26;
	v27 =	vmul.f32 v60, v13  }
0x15d: {  	v63 =	vld [tilespmem:s2+$0x1380]  }
0x15e: {  	v26 =	vadd.f32 v27, v26;
	v27 =	vmul.f32 v61, v12;
	_ =	sdelay $0x1  }
0x15f: {  	v26 =	vadd.f32 v27, v26;
	v27 =	vmul.f32 v62, v11;
	_ =	sdelay $0x1  }
0x160: {  	v26 =	vadd.f32 v27, v26;
	v27 =	vmul.f32 v63, v10;
	_ =	sdelay $0x1  }
0x161: {  	s25 =	simm.s32 $0x10;
	s6 =	simm.s32 $0x80;
	v26 =	vadd.f32 v27, v26  }
0x162: {  	s5 =	sand.u32 $0x70, s25;
	s7 =	sand.u32 $0x1C00, s6;
	s2 =	simm.s32 $0x4000  }
0x163: {  	s5 =	sor.u32 s5, s7;
	s7 =	simm.s32 $0x20;
	[tilespmem:s2+$0x0] =	vst v26  }
.LBB2_11:
0x164: {  	p2 =	sne.s32 s7, $0x270;
	v26 =	vld [tilespmem:s5+$0x0]  }
0x165: {  	v27 =	vld [tilespmem:s5+$0x80];
	_ =	sdelay $0x1  }
0x166: {  	v28 =	vld [tilespmem:s5+$0x100];
	_ =	sdelay $0x1  }
0x167: {  	v29 =	vld [tilespmem:s5+$0x180]  }
0x168: {  	v26 =	vmul.f32 v26, v24;
	v27 =	vmul.f32 v27, v25  }
0x169: {  	v30 =	vld [tilespmem:s5+$0x200]  }
0x16a: {  	v26 =	vadd.f32 v27, v26;
	v27 =	vmul.f32 v28, v23  }
0x16b: {  	v28 =	vld [tilespmem:s5+$0x280]  }
0x16c: {  	v26 =	vadd.f32 v27, v26;
	v27 =	vmul.f32 v29, v22  }
0x16d: {  	v29 =	vld [tilespmem:s5+$0x300]  }
0x16e: {  	v26 =	vadd.f32 v27, v26;
	v27 =	vmul.f32 v30, v21  }
0x16f: {  	v30 =	vld [tilespmem:s5+$0x380]  }
0x170: {  	v26 =	vadd.f32 v27, v26;
	v27 =	vmul.f32 v28, v20  }
0x171: {  	v28 =	vld [tilespmem:s5+$0x1000]  }
0x172: {  	v26 =	vadd.f32 v27, v26;
	v27 =	vmul.f32 v29, v19  }
0x173: {  	v29 =	vld [tilespmem:s5+$0x1080]  }
0x174: {  	v26 =	vadd.f32 v27, v26;
	v27 =	vmul.f32 v30, v18  }
0x175: {  	v30 =	vld [tilespmem:s5+$0x1100]  }
0x176: {  	v26 =	vadd.f32 v27, v26;
	v27 =	vmul.f32 v28, v17  }
0x177: {  	v28 =	vld [tilespmem:s5+$0x1180]  }
0x178: {  	v26 =	vadd.f32 v27, v26;
	v27 =	vmul.f32 v29, v15  }
0x179: {  	v29 =	vld [tilespmem:s5+$0x1200]  }
0x17a: {  	v26 =	vadd.f32 v27, v26;
	v27 =	vmul.f32 v30, v16  }
0x17b: {  	v30 =	vld [tilespmem:s5+$0x1280]  }
0x17c: {  	v26 =	vadd.f32 v27, v26;
	v27 =	vmul.f32 v28, v14  }
0x17d: {  	v28 =	vld [tilespmem:s5+$0x1300]  }
0x17e: {  	v26 =	vadd.f32 v27, v26;
	v27 =	vmul.f32 v29, v13  }
0x17f: {  	v29 =	vld [tilespmem:s5+$0x1380]  }
0x180: {  	v26 =	vadd.f32 v27, v26;
	v27 =	vmul.f32 v30, v12;
	_ =	sdelay $0x1  }
0x181: {  	v26 =	vadd.f32 v27, v26;
	v27 =	vmul.f32 v28, v11;
	_ =	sdelay $0x1  }
.Ltmp7:
0x182: {  	v26 =	vadd.f32 v27, v26;
	v27 =	vmul.f32 v29, v10;
	(pc) =	sbr.rel @p2 .LBB2_11-.Ltmp7, $4  }
0x183: {  	_ = 	snop  }
0x184: {  	s6 =	sadd.s32 $0x80, s6;
	v26 =	vadd.f32 v27, v26  }
0x185: {  	s2 =	sadd.s32 $0x10, s2;
	s8 =	sand.u32 $0x1C00, s6;
	s5 =	sand.u32 $0x70, s7  }
0x186: {  	s7 =	sadd.s32 $0x10, s7;
	s5 =	sor.u32 s5, s8;
	[tilespmem:s2+$0x0] =	vst v26  }
0x187: {  	v26 =	vld [tilespmem:s5+$0x0]  }
0x188: {  	v27 =	vld [tilespmem:s5+$0x80];
	_ =	sdelay $0x1  }
0x189: {  	v28 =	vld [tilespmem:s5+$0x100];
	_ =	sdelay $0x1  }
0x18a: {  	v29 =	vld [tilespmem:s5+$0x180]  }
0x18b: {  	v24 =	vmul.f32 v26, v24;
	v25 =	vmul.f32 v27, v25  }
0x18c: {  	v52 =	vld [tilespmem:s5+$0x200]  }
0x18d: {  	v23 =	vmul.f32 v28, v23;
	v24 =	vadd.f32 v25, v24  }
0x18e: {  	v53 =	vld [tilespmem:s5+$0x280]  }
0x18f: {  	v22 =	vmul.f32 v29, v22;
	v23 =	vadd.f32 v23, v24  }
0x190: {  	v54 =	vld [tilespmem:s5+$0x300]  }
0x191: {  	v21 =	vmul.f32 v52, v21;
	v22 =	vadd.f32 v22, v23  }
0x192: {  	v55 =	vld [tilespmem:s5+$0x380]  }
0x193: {  	v20 =	vmul.f32 v53, v20;
	v21 =	vadd.f32 v21, v22  }
0x194: {  	v56 =	vld [tilespmem:s5+$0x1000]  }
0x195: {  	v19 =	vmul.f32 v54, v19;
	v20 =	vadd.f32 v20, v21  }
0x196: {  	v57 =	vld [tilespmem:s5+$0x1080]  }
0x197: {  	v18 =	vmul.f32 v55, v18;
	v19 =	vadd.f32 v19, v20  }
0x198: {  	v58 =	vld [tilespmem:s5+$0x1100]  }
0x199: {  	v17 =	vmul.f32 v56, v17;
	v18 =	vadd.f32 v18, v19  }
0x19a: {  	v59 =	vld [tilespmem:s5+$0x1180]  }
0x19b: {  	v15 =	vmul.f32 v57, v15;
	v17 =	vadd.f32 v17, v18  }
0x19c: {  	v60 =	vld [tilespmem:s5+$0x1200]  }
0x19d: {  	v16 =	vmul.f32 v58, v16;
	v15 =	vadd.f32 v15, v17  }
0x19e: {  	v61 =	vld [tilespmem:s5+$0x1280]  }
0x19f: {  	v14 =	vmul.f32 v59, v14;
	v15 =	vadd.f32 v16, v15  }
0x1a0: {  	v62 =	vld [tilespmem:s5+$0x1300]  }
0x1a1: {  	v13 =	vmul.f32 v60, v13;
	v14 =	vadd.f32 v14, v15  }
0x1a2: {  	v63 =	vld [tilespmem:s5+$0x1380]  }
0x1a3: {  	v12 =	vmul.f32 v61, v12;
	v13 =	vadd.f32 v13, v14;
	_ =	sdelay $0x1  }
0x1a4: {  	v11 =	vmul.f32 v62, v11;
	v12 =	vadd.f32 v12, v13;
	_ =	sdelay $0x1  }
0x1a5: {  	v10 =	vmul.f32 v63, v10;
	v11 =	vadd.f32 v11, v12;
	_ =	sdelay $0x1  }
0x1a6: {  	v10 =	vadd.f32 v10, v11  }
0x1a7: {  	s2 =	sadd.s32 $0x10, s2  }
.Ltmp8:
0x1a8: {  	s25 =	rddreg [dreg:$0x15];
	[tilespmem:s2+$0x0] =	vst v10;
	(pc) =	sbr.rel .LBB2_14-.Ltmp8, $4  }
0x1a9: {  	[spmem:s25] =	stream.linear.scatter [tilespmem:s0], [sflag:$0x5], $0x280, $0x38;
	[tilespmem:$0x12DB0] =	vst v63  }
0x1aa: {  	_ =	swait.ge [sflag:s18], $0x280  }
0x1ab: {  	[sflag:s18] =	ssyncset.done $0x0  }
0x1ac: {  	[sflag:s18] =	ssyncadd.s32 $0xFFFFFD80  }
.LBB2_13:
0x1ad: {  	v10 =	vimm.f32 @!p1 $0.0e+00  }
0x1ae: {  	[tilespmem:$0x4000] =	vst @!p1 v10  }
0x1af: {  	[tilespmem:$0x4010] =	vst @!p1 v10  }
0x1b0: {  	[tilespmem:$0x4020] =	vst @!p1 v10  }
0x1b1: {  	[tilespmem:$0x4030] =	vst @!p1 v10  }
0x1b2: {  	[tilespmem:$0x4040] =	vst @!p1 v10  }
0x1b3: {  	[tilespmem:$0x4050] =	vst @!p1 v10  }
0x1b4: {  	[tilespmem:$0x4060] =	vst @!p1 v10  }
0x1b5: {  	s2 =	simm.s32 @!p1 $0x4000;
	s5 =	rddreg [dreg:$0x16];
	[tilespmem:$0x4070] =	vst @!p1 v10  }
0x1b6: {  	[spmem:s5] =	stream.linear.scatter @!p1 [tilespmem:s2], [sflag:$0x5], $0x80, $0x38;
	[tilespmem:$0x12DB0] =	vst v63  }
0x1b7: {  	s2 =	simm.s32 @!p1 $0x5  }
0x1b8: {  	_ =	swait.ge @!p1 [sflag:s2], $0x80  }
0x1b9: {  	[sflag:s2] =	ssyncset.done @!p1 $0x0  }
0x1ba: {  	[sflag:s2] =	ssyncadd.s32 @!p1 $0xFFFFFF80  }
.LBB2_14:
0x1bb: {  	[bflag:$0x0] =	sbarrier.arrive $0xFFFF  }
0x1bc: {  	s2 =	rddreg [dreg:$0x7]  }
0x1bd: {  	[tilespmem:s3], [sflag:$0x5] =	stream.strided.gather [hbm4b:s2+s30], $0x1800, s1, s30, $0x38;
	[tilespmem:$0x12DB0] =	vst v63  }
0x1be: {  	s5 =	simm.s32 $0x0;
	s2 =	sadd.s32 $0x18000, s2  }
0x1bf: {  	[tilespmem:s13], [sflag:$0x5] =	stream.linear.gather [hbm4b:s2+s5], $0x100, $0x38;
	[tilespmem:$0x12DB0] =	vst v63  }
0x1c0: {  	_ =	swait.ge [sflag:s18], $0x1900  }
0x1c1: {  	[sflag:s18] =	ssyncset.done $0x0  }
0x1c2: {  	s2 =	simm.s32 $0x0;
	[sflag:s18] =	ssyncadd.s32 $0xFFFFE700  }
0x1c3: {  	v10 =	vld [tilespmem:s2+$0x4300]  }
0x1c4: {  	v11 =	vld [tilespmem:s2+$0x4310]  }
0x1c5: {  	v12 =	vld [tilespmem:s2+$0x4320];
	_ =	sdelay $0x3  }
0x1c6: {  	v15 =	vld [tilespmem:s2+$0x4330];
	v10 =	vsub.s32 v10, v0  }
0x1c7: {  	v11 =	vsub.s32 v11, v0;
	v17 =	vsub.s32 v12, v0;
	v12 =	vld [tilespmem:s2+$0x4340];
	vm1 =	vgt.s32 v10, $0xFFFFFFFF  }
0x1c8: {  	v13 =	vld [tilespmem:s2+$0x4350];
	vm2 =	vlt.s32 v10, v1;
	vm3 =	vlt.s32 v11, v1;
	vm4 =	vgt.s32 v17, $0xFFFFFFFF  }
0x1c9: {  	vm5 =	vlt.s32 v17, v1;
	vm1 =	vmand vm1, vm2;
	vm2 =	vgt.s32 v11, $0xFFFFFFFF  }
0x1ca: {  	v16 =	vsel vm1, v10, v2;
	vm1 =	vmand vm2, vm3;
	vm2 =	vmand vm4, vm5  }
0x1cb: {  	s5 =	simm.s32 $0x200;
	v15 =	vsub.s32 v15, v0;
	v10 =	vld [tilespmem:s2+$0x4360];
	v14 =	vsel vm1, v11, v3;
	v11 =	vsel vm2, v17, v4  }
.LBB2_15:
0x1cc: {  	p2 =	sne.s32 s5, $0x6200;
	vm1 =	vgt.s32 v15, $0xFFFFFFFF;
	vm2 =	vlt.s32 v15, v1;
	v12 =	vsub.s32 v12, v0;
	v17 =	vld [tilespmem:s2+$0x4370]  }
0x1cd: {  	vm1 =	vmand vm1, vm2;
	vm2 =	vgt.s32 v12, $0xFFFFFFFF;
	v13 =	vsub.s32 v13, v0  }
0x1ce: {  	s6 =	sshra.s32 s5, $0x2;
	vm3 =	vlt.s32 v12, v1;
	[tilespmem:s2+$0x4300] =	vst v16;
	vm4 =	vgt.s32 v13, $0xFFFFFFFF;
	vm5 =	vlt.s32 v13, v1  }
0x1cf: {  	v16 =	vld [tilespmem:s6+$0x4300];
	[tilespmem:s2+$0x4310] =	vst v14;
	v14 =	vsel vm1, v15, v5;
	vm1 =	vmand vm2, vm3;
	vm2 =	vmand vm4, vm5  }
0x1d0: {  	v15 =	vld [tilespmem:s6+$0x4310];
	[tilespmem:s2+$0x4320] =	vst v11;
	v11 =	vsel vm1, v12, v6;
	v12 =	vsel vm2, v13, v7;
	v10 =	vsub.s32 v10, v0  }
0x1d1: {  	v13 =	vld [tilespmem:s6+$0x4320];
	[tilespmem:s2+$0x4330] =	vst v14;
	vm1 =	vgt.s32 v10, $0xFFFFFFFF;
	vm2 =	vlt.s32 v10, v1;
	v14 =	vsub.s32 v17, v0  }
0x1d2: {  	[tilespmem:s2+$0x4340] =	vst v11;
	vm1 =	vmand vm1, vm2;
	vm2 =	vgt.s32 v14, $0xFFFFFFFF;
	vm3 =	vlt.s32 v14, v1  }
0x1d3: {  	[tilespmem:s2+$0x4350] =	vst v12;
	v10 =	vsel vm1, v10, v8;
	vm1 =	vmand vm2, vm3  }
0x1d4: {  	v11 =	vsub.s32 v16, v0;
	v17 =	vld [tilespmem:s6+$0x4330];
	[tilespmem:s2+$0x4360] =	vst v10;
	v10 =	vsel vm1, v14, v9  }
.Ltmp9:
0x1d5: {  	vm1 =	vgt.s32 v11, $0xFFFFFFFF;
	vm2 =	vlt.s32 v11, v1;
	v14 =	vsub.s32 v15, v0;
	v12 =	vld [tilespmem:s6+$0x4340];
	[tilespmem:s2+$0x4370] =	vst v10;
	s2 =	smov.u32 s6;
	(pc) =	sbr.rel @p2 .LBB2_15-.Ltmp9, $4  }
0x1d6: {  	vm1 =	vmand vm1, vm2;
	vm2 =	vgt.s32 v14, $0xFFFFFFFF;
	v10 =	vsub.s32 v13, v0;
	v13 =	vld [tilespmem:s2+$0x4350]  }
0x1d7: {  	vm3 =	vlt.s32 v14, v1;
	vm4 =	vgt.s32 v10, $0xFFFFFFFF;
	vm5 =	vlt.s32 v10, v1  }
0x1d8: {  	v16 =	vsel vm1, v11, v2;
	vm1 =	vmand vm2, vm3;
	vm2 =	vmand vm4, vm5  }
0x1d9: {  	s5 =	sadd.s32 $0x200, s5;
	v14 =	vsel vm1, v14, v3;
	v11 =	vsel vm2, v10, v4;
	v15 =	vsub.s32 v17, v0;
	v10 =	vld [tilespmem:s2+$0x4360]  }
0x1da: {  	vm1 =	vgt.s32 v15, $0xFFFFFFFF;
	vm2 =	vlt.s32 v15, v1;
	v12 =	vsub.s32 v12, v0;
	v17 =	vld [tilespmem:s2+$0x4370]  }
0x1db: {  	vm1 =	vmand vm1, vm2;
	vm2 =	vgt.s32 v12, $0xFFFFFFFF;
	v13 =	vsub.s32 v13, v0  }
0x1dc: {  	[tilespmem:s2+$0x4300] =	vst v16;
	vm3 =	vlt.s32 v12, v1;
	vm4 =	vgt.s32 v13, $0xFFFFFFFF;
	vm5 =	vlt.s32 v13, v1  }
0x1dd: {  	[tilespmem:s2+$0x4310] =	vst v14;
	v61 =	vsel vm1, v15, v5;
	vm1 =	vmand vm2, vm3;
	vm2 =	vmand vm4, vm5  }
0x1de: {  	[tilespmem:s2+$0x4320] =	vst v11;
	v11 =	vsel vm1, v12, v6;
	v62 =	vsel vm2, v13, v7;
	v10 =	vsub.s32 v10, v0  }
0x1df: {  	[tilespmem:s2+$0x4330] =	vst v61;
	vm1 =	vgt.s32 v10, $0xFFFFFFFF;
	vm2 =	vlt.s32 v10, v1;
	v63 =	vsub.s32 v17, v0  }
0x1e0: {  	[tilespmem:s2+$0x4340] =	vst v11;
	vm1 =	vmand vm1, vm2;
	vm2 =	vgt.s32 v63, $0xFFFFFFFF;
	vm3 =	vlt.s32 v63, v1  }
0x1e1: {  	[tilespmem:s2+$0x4350] =	vst v62;
	v10 =	vsel vm1, v10, v8;
	vm1 =	vmand vm2, vm3  }
0x1e2: {  	[tilespmem:s2+$0x4360] =	vst v10;
	v10 =	vsel vm1, v63, v9  }
0x1e3: {  	s5 =	simm.s32 $0x7B00;
	s6 =	simm.s32 $0x4300;
	[tilespmem:s2+$0x4370] =	vst v10;
	s2 =	simm.s32 $0x200  }
.LBB2_17:
0x1e4: {  	[tilespmem:s5], [sflag:$0x3] =	stream.indirect.gather [spmem:s21], $0x1, s6, s14, $0xb8;
	[tilespmem:$0x12DB0] =	vst v63  }
0x1e5: {  	s5 =	smov.u32 s2;
	p2 =	sne.s32 s2, $0x6200  }
.Ltmp10:
0x1e6: {  	s2 =	sadd.s32 $0x200, s2;
	(pc) =	sbr.rel @p2 .LBB2_17-.Ltmp10, $3  }
0x1e7: {  	_ =	sdelay $0x1  }
0x1e8: {  	s6 =	sshra.s32 s5, $0x2  }
0x1e9: {  	s5 =	sadd.s32 $0x7B00, s6;
	s6 =	sadd.s32 $0x4300, s6  }
0x1ea: {  	[tilespmem:s5], [sflag:$0x3] =	stream.indirect.gather [spmem:s21], $0x1, s6, s14, $0xb8;
	[tilespmem:$0x12DB0] =	vst v63  }
0x1eb: {  	s2 =	rddreg [dreg:$0x8]  }
0x1ec: {  	[tilespmem:s15], [sflag:$0x5] =	stream.strided.gather [hbm4b:s2+s30], $0x1800, s1, s30, $0x38;
	[tilespmem:$0x12DB0] =	vst v63  }
0x1ed: {  	s25 =	sadd.s32 $0x18000, s2;
	s2 =	simm.s32 $0x0  }
0x1ee: {  	[tilespmem:s16], [sflag:$0x5] =	stream.linear.gather [hbm4b:s25+s2], $0x100, $0x38;
	[tilespmem:$0x12DB0] =	vst v63  }
0x1ef: {  	_ =	swait.ge [sflag:s18], $0x1900  }
0x1f0: {  	[sflag:s18] =	ssyncset.done $0x0  }
0x1f1: {  	s23 =	simm.s32 $0x0;
	[sflag:s18] =	ssyncadd.s32 $0xFFFFE700  }
0x1f2: {  	v10 =	vld [tilespmem:s23+$0x5F00]  }
0x1f3: {  	v11 =	vld [tilespmem:s23+$0x5F10]  }
0x1f4: {  	v12 =	vld [tilespmem:s23+$0x5F20];
	_ =	sdelay $0x3  }
0x1f5: {  	v15 =	vld [tilespmem:s23+$0x5F30];
	v10 =	vsub.s32 v10, v0  }
0x1f6: {  	v11 =	vsub.s32 v11, v0;
	v17 =	vsub.s32 v12, v0;
	v12 =	vld [tilespmem:s23+$0x5F40];
	vm1 =	vgt.s32 v10, $0xFFFFFFFF  }
0x1f7: {  	v13 =	vld [tilespmem:s23+$0x5F50];
	vm2 =	vlt.s32 v10, v1;
	vm3 =	vlt.s32 v11, v1;
	vm4 =	vgt.s32 v17, $0xFFFFFFFF  }
0x1f8: {  	vm5 =	vlt.s32 v17, v1;
	vm1 =	vmand vm1, vm2;
	vm2 =	vgt.s32 v11, $0xFFFFFFFF  }
0x1f9: {  	v16 =	vsel vm1, v10, v2;
	vm1 =	vmand vm2, vm3;
	vm2 =	vmand vm4, vm5  }
0x1fa: {  	s5 =	simm.s32 $0x200;
	v15 =	vsub.s32 v15, v0;
	v10 =	vld [tilespmem:s23+$0x5F60];
	v14 =	vsel vm1, v11, v3;
	v11 =	vsel vm2, v17, v4  }
.LBB2_19:
0x1fb: {  	p2 =	sne.s32 s5, $0x6200;
	vm1 =	vgt.s32 v15, $0xFFFFFFFF;
	vm2 =	vlt.s32 v15, v1;
	v12 =	vsub.s32 v12, v0;
	v17 =	vld [tilespmem:s23+$0x5F70]  }
0x1fc: {  	vm1 =	vmand vm1, vm2;
	vm2 =	vgt.s32 v12, $0xFFFFFFFF;
	v13 =	vsub.s32 v13, v0  }
0x1fd: {  	s6 =	sshra.s32 s5, $0x2;
	vm3 =	vlt.s32 v12, v1;
	[tilespmem:s23+$0x5F00] =	vst v16;
	vm4 =	vgt.s32 v13, $0xFFFFFFFF;
	vm5 =	vlt.s32 v13, v1  }
0x1fe: {  	v16 =	vld [tilespmem:s6+$0x5F00];
	[tilespmem:s23+$0x5F10] =	vst v14;
	v14 =	vsel vm1, v15, v5;
	vm1 =	vmand vm2, vm3;
	vm2 =	vmand vm4, vm5  }
0x1ff: {  	v15 =	vld [tilespmem:s6+$0x5F10];
	[tilespmem:s23+$0x5F20] =	vst v11;
	v11 =	vsel vm1, v12, v6;
	v12 =	vsel vm2, v13, v7;
	v10 =	vsub.s32 v10, v0  }
0x200: {  	v13 =	vld [tilespmem:s6+$0x5F20];
	[tilespmem:s23+$0x5F30] =	vst v14;
	vm1 =	vgt.s32 v10, $0xFFFFFFFF;
	vm2 =	vlt.s32 v10, v1;
	v14 =	vsub.s32 v17, v0  }
0x201: {  	[tilespmem:s23+$0x5F40] =	vst v11;
	vm1 =	vmand vm1, vm2;
	vm2 =	vgt.s32 v14, $0xFFFFFFFF;
	vm3 =	vlt.s32 v14, v1  }
0x202: {  	[tilespmem:s23+$0x5F50] =	vst v12;
	v10 =	vsel vm1, v10, v8;
	vm1 =	vmand vm2, vm3  }
0x203: {  	v11 =	vsub.s32 v16, v0;
	v17 =	vld [tilespmem:s6+$0x5F30];
	[tilespmem:s23+$0x5F60] =	vst v10;
	v10 =	vsel vm1, v14, v9  }
.Ltmp11:
0x204: {  	vm1 =	vgt.s32 v11, $0xFFFFFFFF;
	vm2 =	vlt.s32 v11, v1;
	v14 =	vsub.s32 v15, v0;
	v12 =	vld [tilespmem:s6+$0x5F40];
	[tilespmem:s23+$0x5F70] =	vst v10;
	s23 =	smov.u32 s6;
	(pc) =	sbr.rel @p2 .LBB2_19-.Ltmp11, $4  }
0x205: {  	vm1 =	vmand vm1, vm2;
	vm2 =	vgt.s32 v14, $0xFFFFFFFF;
	v10 =	vsub.s32 v13, v0;
	v13 =	vld [tilespmem:s23+$0x5F50]  }
0x206: {  	vm3 =	vlt.s32 v14, v1;
	vm4 =	vgt.s32 v10, $0xFFFFFFFF;
	vm5 =	vlt.s32 v10, v1  }
0x207: {  	v16 =	vsel vm1, v11, v2;
	vm1 =	vmand vm2, vm3;
	vm2 =	vmand vm4, vm5  }
0x208: {  	s5 =	sadd.s32 $0x200, s5;
	v14 =	vsel vm1, v14, v3;
	v11 =	vsel vm2, v10, v4;
	v15 =	vsub.s32 v17, v0;
	v10 =	vld [tilespmem:s23+$0x5F60]  }
0x209: {  	vm1 =	vgt.s32 v15, $0xFFFFFFFF;
	vm2 =	vlt.s32 v15, v1;
	v12 =	vsub.s32 v12, v0;
	v17 =	vld [tilespmem:s23+$0x5F70]  }
0x20a: {  	vm1 =	vmand vm1, vm2;
	vm2 =	vgt.s32 v12, $0xFFFFFFFF;
	v13 =	vsub.s32 v13, v0  }
0x20b: {  	[tilespmem:s23+$0x5F00] =	vst v16;
	vm3 =	vlt.s32 v12, v1;
	vm4 =	vgt.s32 v13, $0xFFFFFFFF;
	vm5 =	vlt.s32 v13, v1  }
0x20c: {  	[tilespmem:s23+$0x5F10] =	vst v14;
	v61 =	vsel vm1, v15, v5;
	vm1 =	vmand vm2, vm3;
	vm2 =	vmand vm4, vm5  }
0x20d: {  	[tilespmem:s23+$0x5F20] =	vst v11;
	v11 =	vsel vm1, v12, v6;
	v62 =	vsel vm2, v13, v7;
	v10 =	vsub.s32 v10, v0  }
0x20e: {  	[tilespmem:s23+$0x5F30] =	vst v61;
	vm1 =	vgt.s32 v10, $0xFFFFFFFF;
	vm2 =	vlt.s32 v10, v1;
	v63 =	vsub.s32 v17, v0  }
0x20f: {  	[tilespmem:s23+$0x5F40] =	vst v11;
	vm1 =	vmand vm1, vm2;
	vm2 =	vgt.s32 v63, $0xFFFFFFFF;
	vm3 =	vlt.s32 v63, v1  }
0x210: {  	[tilespmem:s23+$0x5F50] =	vst v62;
	v10 =	vsel vm1, v10, v8;
	vm1 =	vmand vm2, vm3  }
0x211: {  	[tilespmem:s23+$0x5F60] =	vst v10;
	v10 =	vsel vm1, v63, v9  }
0x212: {  	[tilespmem:s23+$0x5F70] =	vst v10  }
.LBB2_21:
0x213: {  	p2 =	sne.s32 s2, $0x6200  }
.Ltmp12:
0x214: {  	_ = 	snop;
	(pc) =	sbr.rel @p2 .LBB2_21-.Ltmp12, $4  }
0x215: {  	_ = 	snop  }
0x216: {  	s5 =	sshra.s32 s2, $0x2  }
0x217: {  	s2 =	sadd.s32 $0x200, s2;
	s6 =	sadd.s32 $0x9700, s5;
	s5 =	sadd.s32 $0x5F00, s5  }
0x218: {  	[tilespmem:s6], [sflag:$0x4] =	stream.indirect.gather [spmem:s21], $0x1, s5, s14, $0xb8;
	[tilespmem:$0x12DB0] =	vst v63  }
0x219: {  	_ =	swait.ge [sflag:s17], $0x80  }
0x21a: {  	s2 =	simm.s32 $0x31;
	[sflag:s17] =	ssyncset.done $0x0  }
.LBB2_23:
0x21b: {  	p2 =	sne.s32 s2, $0x1;
	s2 =	sadd.s32 $0xFFFFFFFF, s2;
	[sflag:s17] =	ssyncadd.s32 $0xFFFFFF80  }
.Ltmp13:
0x21c: {  	(pc) =	sbr.rel @p2 .LBB2_23-.Ltmp13, $3  }
0x21d: {  	_ =	sdelay $0x1  }
0x21e: {  	_ =	swait.ge [sflag:s17], $0x80  }
0x21f: {  	[sflag:s17] =	ssyncset.done $0x0  }
0x220: {  	[sflag:s17] =	ssyncadd.s32 $0xFFFFFF80  }
0x221: {  	v18 =	vld [tilespmem:$0x7B00]  }
0x222: {  	v19 =	vld [tilespmem:$0x7B10]  }
0x223: {  	v15 =	vld [tilespmem:$0x7B20]  }
0x224: {  	v14 =	vld [tilespmem:$0x7B30]  }
0x225: {  	v13 =	vld [tilespmem:$0x7B40]  }
0x226: {  	v11 =	vld [tilespmem:$0x7B50]  }
0x227: {  	v10 =	vld [tilespmem:$0x7B60]  }
0x228: {  	s6 =	simm.s32 $0xF0;
	v12 =	vld [tilespmem:$0x7B70]  }
0x229: {  	v17 =	vld [tilespmem:s6+$0x7B00]  }
0x22a: {  	v21 =	vld [tilespmem:s6+$0x7A90]  }
0x22b: {  	v23 =	vld [tilespmem:s6+$0x7AA0]  }
0x22c: {  	v22 =	vld [tilespmem:s6+$0x7AB0]  }
0x22d: {  	v20 =	vld [tilespmem:s6+$0x7AC0]  }
0x22e: {  	v16 =	vld [tilespmem:s6+$0x7AD0]  }
0x22f: {  	v12 =	vadd.f32 v17, v12;
	v17 =	vld [tilespmem:s6+$0x7AE0]  }
0x230: {  	s2 =	simm.s32 $0x170;
	s5 =	simm.s32 $0x7C0;
	v18 =	vadd.f32 v21, v18;
	v19 =	vadd.f32 v23, v19;
	v21 =	vld [tilespmem:s6+$0x7AF0]  }
.LBB2_25:
0x231: {  	p2 =	sne.s32 s5, $0x63C0;
	v23 =	vld [tilespmem:s2+$0x7B00];
	v15 =	vadd.f32 v22, v15  }
0x232: {  	v24 =	vld [tilespmem:s2+$0x7A90];
	v14 =	vadd.f32 v20, v14  }
0x233: {  	v25 =	vld [tilespmem:s2+$0x7AA0];
	v13 =	vadd.f32 v16, v13  }
.Ltmp14:
0x234: {  	v22 =	vld [tilespmem:s2+$0x7AB0];
	v11 =	vadd.f32 v17, v11;
	(pc) =	sbr.rel @p2 .LBB2_25-.Ltmp14, $4  }
0x235: {  	v20 =	vld [tilespmem:s2+$0x7AC0];
	v10 =	vadd.f32 v21, v10  }
0x236: {  	v16 =	vld [tilespmem:s2+$0x7AD0];
	v12 =	vadd.f32 v23, v12  }
0x237: {  	v18 =	vadd.f32 v24, v18;
	v17 =	vld [tilespmem:s2+$0x7AE0]  }
0x238: {  	v19 =	vadd.f32 v25, v19;
	v21 =	vld [tilespmem:s2+$0x7AF0];
	s2 =	sshra.s32 s5, $0x2;
	s5 =	sadd.s32 $0x200, s5  }
0x239: {  	v24 =	vld [tilespmem:s2+$0x7A90]  }
0x23a: {  	v25 =	vld [tilespmem:s2+$0x7AA0]  }
0x23b: {  	v26 =	vld [tilespmem:s2+$0x7AB0]  }
0x23c: {  	v27 =	vld [tilespmem:s2+$0x7AC0]  }
0x23d: {  	v28 =	vld [tilespmem:s2+$0x7AD0]  }
0x23e: {  	v15 =	vadd.f32 v22, v15;
	v62 =	vld [tilespmem:s2+$0x7AE0];
	v18 =	vadd.f32 v24, v18  }
0x23f: {  	v23 =	vld [tilespmem:s2+$0x7B00];
	v14 =	vadd.f32 v20, v14;
	v19 =	vadd.f32 v25, v19  }
0x240: {  	v63 =	vld [tilespmem:s2+$0x7AF0];
	v13 =	vadd.f32 v16, v13;
	v15 =	vadd.f32 v26, v15;
	[tilespmem:$0xB300] =	vst v18  }
0x241: {  	v11 =	vadd.f32 v17, v11;
	v14 =	vadd.f32 v27, v14;
	[tilespmem:$0xB310] =	vst v19  }
0x242: {  	v13 =	vadd.f32 v28, v13;
	[tilespmem:$0xB320] =	vst v15  }
0x243: {  	v10 =	vadd.f32 v21, v10;
	v11 =	vadd.f32 v62, v11;
	[tilespmem:$0xB330] =	vst v14  }
0x244: {  	v12 =	vadd.f32 v23, v12;
	[tilespmem:$0xB340] =	vst v13  }
0x245: {  	v10 =	vadd.f32 v63, v10;
	[tilespmem:$0xB350] =	vst v11  }
0x246: {  	[tilespmem:$0xB370] =	vst v12  }
0x247: {  	s23 =	simm.s32 $0x0;
	s8 =	rddreg [dreg:$0xb];
	[tilespmem:$0xB360] =	vst v10  }
0x248: {  	[hbm4b:s8+s23] =	stream.linear.scatter [tilespmem:s19], [sflag:$0x5], $0x80, $0x38;
	[tilespmem:$0x12DB0] =	vst v63  }
0x249: {  	_ =	swait.ge [sflag:s18], $0x80  }
0x24a: {  	[sflag:s18] =	ssyncset.done $0x0  }
0x24b: {  	s25 =	rddreg [dreg:$0x9];
	[sflag:s18] =	ssyncadd.s32 $0xFFFFFF80  }
0x24c: {  	[tilespmem:s3], [sflag:$0x5] =	stream.strided.gather [hbm4b:s25+s30], $0x1800, s1, s30, $0x38;
	[tilespmem:$0x12DB0] =	vst v63  }
0x24d: {  	s2 =	sadd.s32 $0x18000, s25  }
0x24e: {  	[tilespmem:s13], [sflag:$0x5] =	stream.linear.gather [hbm4b:s2+s23], $0x100, $0x38;
	[tilespmem:$0x12DB0] =	vst v63  }
0x24f: {  	_ =	swait.ge [sflag:s18], $0x1900  }
0x250: {  	[sflag:s18] =	ssyncset.done $0x0  }
0x251: {  	s2 =	simm.s32 $0x0;
	[sflag:s18] =	ssyncadd.s32 $0xFFFFE700  }
0x252: {  	v10 =	vld [tilespmem:s2+$0x4300]  }
0x253: {  	v11 =	vld [tilespmem:s2+$0x4310]  }
0x254: {  	v12 =	vld [tilespmem:s2+$0x4320];
	_ =	sdelay $0x3  }
0x255: {  	v15 =	vld [tilespmem:s2+$0x4330];
	v10 =	vsub.s32 v10, v0  }
0x256: {  	v11 =	vsub.s32 v11, v0;
	v17 =	vsub.s32 v12, v0;
	v12 =	vld [tilespmem:s2+$0x4340];
	vm1 =	vgt.s32 v10, $0xFFFFFFFF  }
0x257: {  	v13 =	vld [tilespmem:s2+$0x4350];
	vm2 =	vlt.s32 v10, v1;
	vm3 =	vlt.s32 v11, v1;
	vm4 =	vgt.s32 v17, $0xFFFFFFFF  }
0x258: {  	vm5 =	vlt.s32 v17, v1;
	vm1 =	vmand vm1, vm2;
	vm2 =	vgt.s32 v11, $0xFFFFFFFF  }
0x259: {  	v16 =	vsel vm1, v10, v2;
	vm1 =	vmand vm2, vm3;
	vm2 =	vmand vm4, vm5  }
0x25a: {  	s5 =	simm.s32 $0x200;
	v15 =	vsub.s32 v15, v0;
	v10 =	vld [tilespmem:s2+$0x4360];
	v14 =	vsel vm1, v11, v3;
	v11 =	vsel vm2, v17, v4  }
.LBB2_27:
0x25b: {  	p2 =	sne.s32 s5, $0x6200;
	vm1 =	vgt.s32 v15, $0xFFFFFFFF;
	vm2 =	vlt.s32 v15, v1;
	v12 =	vsub.s32 v12, v0;
	v17 =	vld [tilespmem:s2+$0x4370]  }
0x25c: {  	vm1 =	vmand vm1, vm2;
	vm2 =	vgt.s32 v12, $0xFFFFFFFF;
	v13 =	vsub.s32 v13, v0  }
0x25d: {  	s6 =	sshra.s32 s5, $0x2;
	vm3 =	vlt.s32 v12, v1;
	[tilespmem:s2+$0x4300] =	vst v16;
	vm4 =	vgt.s32 v13, $0xFFFFFFFF;
	vm5 =	vlt.s32 v13, v1  }
0x25e: {  	v16 =	vld [tilespmem:s6+$0x4300];
	[tilespmem:s2+$0x4310] =	vst v14;
	v14 =	vsel vm1, v15, v5;
	vm1 =	vmand vm2, vm3;
	vm2 =	vmand vm4, vm5  }
0x25f: {  	v15 =	vld [tilespmem:s6+$0x4310];
	[tilespmem:s2+$0x4320] =	vst v11;
	v11 =	vsel vm1, v12, v6;
	v12 =	vsel vm2, v13, v7;
	v10 =	vsub.s32 v10, v0  }
0x260: {  	v13 =	vld [tilespmem:s6+$0x4320];
	[tilespmem:s2+$0x4330] =	vst v14;
	vm1 =	vgt.s32 v10, $0xFFFFFFFF;
	vm2 =	vlt.s32 v10, v1;
	v14 =	vsub.s32 v17, v0  }
0x261: {  	[tilespmem:s2+$0x4340] =	vst v11;
	vm1 =	vmand vm1, vm2;
	vm2 =	vgt.s32 v14, $0xFFFFFFFF;
	vm3 =	vlt.s32 v14, v1  }
0x262: {  	[tilespmem:s2+$0x4350] =	vst v12;
	v10 =	vsel vm1, v10, v8;
	vm1 =	vmand vm2, vm3  }
0x263: {  	v11 =	vsub.s32 v16, v0;
	v17 =	vld [tilespmem:s6+$0x4330];
	[tilespmem:s2+$0x4360] =	vst v10;
	v10 =	vsel vm1, v14, v9  }
.Ltmp15:
0x264: {  	vm1 =	vgt.s32 v11, $0xFFFFFFFF;
	vm2 =	vlt.s32 v11, v1;
	v14 =	vsub.s32 v15, v0;
	v12 =	vld [tilespmem:s6+$0x4340];
	[tilespmem:s2+$0x4370] =	vst v10;
	s2 =	smov.u32 s6;
	(pc) =	sbr.rel @p2 .LBB2_27-.Ltmp15, $4  }
0x265: {  	vm1 =	vmand vm1, vm2;
	vm2 =	vgt.s32 v14, $0xFFFFFFFF;
	v10 =	vsub.s32 v13, v0;
	v13 =	vld [tilespmem:s2+$0x4350]  }
0x266: {  	vm3 =	vlt.s32 v14, v1;
	vm4 =	vgt.s32 v10, $0xFFFFFFFF;
	vm5 =	vlt.s32 v10, v1  }
0x267: {  	v16 =	vsel vm1, v11, v2;
	vm1 =	vmand vm2, vm3;
	vm2 =	vmand vm4, vm5  }
0x268: {  	s5 =	sadd.s32 $0x200, s5;
	v14 =	vsel vm1, v14, v3;
	v11 =	vsel vm2, v10, v4;
	v15 =	vsub.s32 v17, v0;
	v10 =	vld [tilespmem:s2+$0x4360]  }
0x269: {  	vm1 =	vgt.s32 v15, $0xFFFFFFFF;
	vm2 =	vlt.s32 v15, v1;
	v12 =	vsub.s32 v12, v0;
	v17 =	vld [tilespmem:s2+$0x4370]  }
0x26a: {  	vm1 =	vmand vm1, vm2;
	vm2 =	vgt.s32 v12, $0xFFFFFFFF;
	v13 =	vsub.s32 v13, v0  }
0x26b: {  	[tilespmem:s2+$0x4300] =	vst v16;
	vm3 =	vlt.s32 v12, v1;
	vm4 =	vgt.s32 v13, $0xFFFFFFFF;
	vm5 =	vlt.s32 v13, v1  }
0x26c: {  	[tilespmem:s2+$0x4310] =	vst v14;
	v61 =	vsel vm1, v15, v5;
	vm1 =	vmand vm2, vm3;
	vm2 =	vmand vm4, vm5  }
0x26d: {  	[tilespmem:s2+$0x4320] =	vst v11;
	v11 =	vsel vm1, v12, v6;
	v62 =	vsel vm2, v13, v7;
	v10 =	vsub.s32 v10, v0  }
0x26e: {  	[tilespmem:s2+$0x4330] =	vst v61;
	vm1 =	vgt.s32 v10, $0xFFFFFFFF;
	vm2 =	vlt.s32 v10, v1;
	v63 =	vsub.s32 v17, v0  }
0x26f: {  	[tilespmem:s2+$0x4340] =	vst v11;
	vm1 =	vmand vm1, vm2;
	vm2 =	vgt.s32 v63, $0xFFFFFFFF;
	vm3 =	vlt.s32 v63, v1  }
0x270: {  	[tilespmem:s2+$0x4350] =	vst v62;
	v10 =	vsel vm1, v10, v8;
	vm1 =	vmand vm2, vm3  }
0x271: {  	[tilespmem:s2+$0x4360] =	vst v10;
	v10 =	vsel vm1, v63, v9  }
0x272: {  	[tilespmem:s2+$0x4370] =	vst v10  }
.LBB2_29:
0x273: {  	p2 =	sne.s32 s23, $0x6200  }
.Ltmp16:
0x274: {  	_ = 	snop;
	(pc) =	sbr.rel @p2 .LBB2_29-.Ltmp16, $4  }
0x275: {  	_ = 	snop  }
0x276: {  	s2 =	sshra.s32 s23, $0x2  }
0x277: {  	s23 =	sadd.s32 $0x200, s23;
	s5 =	sadd.s32 $0x7B00, s2;
	s2 =	sadd.s32 $0x4300, s2  }
0x278: {  	[tilespmem:s5], [sflag:$0x3] =	stream.indirect.gather [spmem:s21], $0x1, s2, s14, $0xb8;
	[tilespmem:$0x12DB0] =	vst v63  }
0x279: {  	_ =	swait.ge [sflag:s20], $0x80  }
0x27a: {  	s2 =	simm.s32 $0x31;
	[sflag:s20] =	ssyncset.done $0x0  }
.LBB2_31:
0x27b: {  	p2 =	sne.s32 s2, $0x1;
	s2 =	sadd.s32 $0xFFFFFFFF, s2;
	[sflag:s20] =	ssyncadd.s32 $0xFFFFFF80  }
.Ltmp17:
0x27c: {  	(pc) =	sbr.rel @p2 .LBB2_31-.Ltmp17, $3  }
0x27d: {  	_ =	sdelay $0x1  }
0x27e: {  	_ =	swait.ge [sflag:s20], $0x80  }
0x27f: {  	[sflag:s20] =	ssyncset.done $0x0  }
0x280: {  	[sflag:s20] =	ssyncadd.s32 $0xFFFFFF80  }
0x281: {  	v18 =	vld [tilespmem:$0x9700]  }
0x282: {  	v19 =	vld [tilespmem:$0x9710]  }
0x283: {  	v15 =	vld [tilespmem:$0x9720]  }
0x284: {  	v14 =	vld [tilespmem:$0x9730]  }
0x285: {  	v13 =	vld [tilespmem:$0x9740]  }
0x286: {  	v11 =	vld [tilespmem:$0x9750]  }
0x287: {  	v10 =	vld [tilespmem:$0x9760]  }
0x288: {  	s6 =	simm.s32 $0xF0;
	v12 =	vld [tilespmem:$0x9770]  }
0x289: {  	v17 =	vld [tilespmem:s6+$0x9700]  }
0x28a: {  	v21 =	vld [tilespmem:s6+$0x9690]  }
0x28b: {  	v23 =	vld [tilespmem:s6+$0x96A0]  }
0x28c: {  	v22 =	vld [tilespmem:s6+$0x96B0]  }
0x28d: {  	v20 =	vld [tilespmem:s6+$0x96C0]  }
0x28e: {  	v16 =	vld [tilespmem:s6+$0x96D0]  }
0x28f: {  	v12 =	vadd.f32 v17, v12;
	v17 =	vld [tilespmem:s6+$0x96E0]  }
0x290: {  	s2 =	simm.s32 $0x170;
	s5 =	simm.s32 $0x7C0;
	v18 =	vadd.f32 v21, v18;
	v19 =	vadd.f32 v23, v19;
	v21 =	vld [tilespmem:s6+$0x96F0]  }
.LBB2_33:
0x291: {  	p2 =	sne.s32 s5, $0x63C0;
	v23 =	vld [tilespmem:s2+$0x9700];
	v15 =	vadd.f32 v22, v15  }
0x292: {  	v24 =	vld [tilespmem:s2+$0x9690];
	v14 =	vadd.f32 v20, v14  }
0x293: {  	v25 =	vld [tilespmem:s2+$0x96A0];
	v13 =	vadd.f32 v16, v13  }
.Ltmp18:
0x294: {  	v22 =	vld [tilespmem:s2+$0x96B0];
	v11 =	vadd.f32 v17, v11;
	(pc) =	sbr.rel @p2 .LBB2_33-.Ltmp18, $4  }
0x295: {  	v20 =	vld [tilespmem:s2+$0x96C0];
	v10 =	vadd.f32 v21, v10  }
0x296: {  	v16 =	vld [tilespmem:s2+$0x96D0];
	v12 =	vadd.f32 v23, v12  }
0x297: {  	v18 =	vadd.f32 v24, v18;
	v17 =	vld [tilespmem:s2+$0x96E0]  }
0x298: {  	v19 =	vadd.f32 v25, v19;
	v21 =	vld [tilespmem:s2+$0x96F0];
	s2 =	sshra.s32 s5, $0x2;
	s5 =	sadd.s32 $0x200, s5  }
0x299: {  	v24 =	vld [tilespmem:s2+$0x9690]  }
0x29a: {  	v25 =	vld [tilespmem:s2+$0x96A0]  }
0x29b: {  	v26 =	vld [tilespmem:s2+$0x96B0]  }
0x29c: {  	v27 =	vld [tilespmem:s2+$0x96C0]  }
0x29d: {  	v28 =	vld [tilespmem:s2+$0x96D0]  }
0x29e: {  	v15 =	vadd.f32 v22, v15;
	v62 =	vld [tilespmem:s2+$0x96E0];
	v18 =	vadd.f32 v24, v18  }
0x29f: {  	v23 =	vld [tilespmem:s2+$0x9700];
	v14 =	vadd.f32 v20, v14;
	v19 =	vadd.f32 v25, v19  }
0x2a0: {  	v63 =	vld [tilespmem:s2+$0x96F0];
	v13 =	vadd.f32 v16, v13;
	v15 =	vadd.f32 v26, v15;
	[tilespmem:$0xB300] =	vst v18  }
0x2a1: {  	v11 =	vadd.f32 v17, v11;
	v14 =	vadd.f32 v27, v14;
	[tilespmem:$0xB310] =	vst v19  }
0x2a2: {  	v13 =	vadd.f32 v28, v13;
	[tilespmem:$0xB320] =	vst v15  }
0x2a3: {  	v10 =	vadd.f32 v21, v10;
	v11 =	vadd.f32 v62, v11;
	[tilespmem:$0xB330] =	vst v14  }
0x2a4: {  	v12 =	vadd.f32 v23, v12;
	[tilespmem:$0xB340] =	vst v13  }
0x2a5: {  	v10 =	vadd.f32 v63, v10;
	[tilespmem:$0xB350] =	vst v11  }
0x2a6: {  	[tilespmem:$0xB370] =	vst v12  }
0x2a7: {  	s23 =	simm.s32 $0x0;
	s8 =	rddreg [dreg:$0xc];
	[tilespmem:$0xB360] =	vst v10  }
0x2a8: {  	[hbm4b:s8+s23] =	stream.linear.scatter [tilespmem:s19], [sflag:$0x5], $0x80, $0x38;
	[tilespmem:$0x12DB0] =	vst v63  }
0x2a9: {  	_ =	swait.ge [sflag:s18], $0x80  }
0x2aa: {  	[sflag:s18] =	ssyncset.done $0x0  }
0x2ab: {  	s25 =	rddreg [dreg:$0xa];
	[sflag:s18] =	ssyncadd.s32 $0xFFFFFF80  }
0x2ac: {  	[tilespmem:s15], [sflag:$0x5] =	stream.strided.gather [hbm4b:s25+s30], $0x1800, s1, s30, $0x38;
	[tilespmem:$0x12DB0] =	vst v63  }
0x2ad: {  	s2 =	sadd.s32 $0x18000, s25  }
0x2ae: {  	[tilespmem:s16], [sflag:$0x5] =	stream.linear.gather [hbm4b:s2+s23], $0x100, $0x38;
	[tilespmem:$0x12DB0] =	vst v63  }
0x2af: {  	_ =	swait.ge [sflag:s18], $0x1900  }
0x2b0: {  	[sflag:s18] =	ssyncset.done $0x0  }
0x2b1: {  	s2 =	simm.s32 $0x0;
	[sflag:s18] =	ssyncadd.s32 $0xFFFFE700  }
0x2b2: {  	v10 =	vld [tilespmem:s2+$0x5F00]  }
0x2b3: {  	v11 =	vld [tilespmem:s2+$0x5F10]  }
0x2b4: {  	v12 =	vld [tilespmem:s2+$0x5F20];
	_ =	sdelay $0x3  }
0x2b5: {  	v15 =	vld [tilespmem:s2+$0x5F30];
	v10 =	vsub.s32 v10, v0  }
0x2b6: {  	v11 =	vsub.s32 v11, v0;
	v17 =	vsub.s32 v12, v0;
	v12 =	vld [tilespmem:s2+$0x5F40];
	vm1 =	vgt.s32 v10, $0xFFFFFFFF  }
0x2b7: {  	v13 =	vld [tilespmem:s2+$0x5F50];
	vm2 =	vlt.s32 v10, v1;
	vm3 =	vlt.s32 v11, v1;
	vm4 =	vgt.s32 v17, $0xFFFFFFFF  }
0x2b8: {  	vm5 =	vlt.s32 v17, v1;
	vm1 =	vmand vm1, vm2;
	vm2 =	vgt.s32 v11, $0xFFFFFFFF  }
0x2b9: {  	v16 =	vsel vm1, v10, v2;
	vm1 =	vmand vm2, vm3;
	vm2 =	vmand vm4, vm5  }
0x2ba: {  	s5 =	simm.s32 $0x200;
	v15 =	vsub.s32 v15, v0;
	v10 =	vld [tilespmem:s2+$0x5F60];
	v14 =	vsel vm1, v11, v3;
	v11 =	vsel vm2, v17, v4  }
.LBB2_35:
0x2bb: {  	p2 =	sne.s32 s5, $0x6200;
	vm1 =	vgt.s32 v15, $0xFFFFFFFF;
	vm2 =	vlt.s32 v15, v1;
	v12 =	vsub.s32 v12, v0;
	v17 =	vld [tilespmem:s2+$0x5F70]  }
0x2bc: {  	vm1 =	vmand vm1, vm2;
	vm2 =	vgt.s32 v12, $0xFFFFFFFF;
	v13 =	vsub.s32 v13, v0  }
0x2bd: {  	s6 =	sshra.s32 s5, $0x2;
	vm3 =	vlt.s32 v12, v1;
	[tilespmem:s2+$0x5F00] =	vst v16;
	vm4 =	vgt.s32 v13, $0xFFFFFFFF;
	vm5 =	vlt.s32 v13, v1  }
0x2be: {  	v16 =	vld [tilespmem:s6+$0x5F00];
	[tilespmem:s2+$0x5F10] =	vst v14;
	v14 =	vsel vm1, v15, v5;
	vm1 =	vmand vm2, vm3;
	vm2 =	vmand vm4, vm5  }
0x2bf: {  	v15 =	vld [tilespmem:s6+$0x5F10];
	[tilespmem:s2+$0x5F20] =	vst v11;
	v11 =	vsel vm1, v12, v6;
	v12 =	vsel vm2, v13, v7;
	v10 =	vsub.s32 v10, v0  }
0x2c0: {  	v13 =	vld [tilespmem:s6+$0x5F20];
	[tilespmem:s2+$0x5F30] =	vst v14;
	vm1 =	vgt.s32 v10, $0xFFFFFFFF;
	vm2 =	vlt.s32 v10, v1;
	v14 =	vsub.s32 v17, v0  }
0x2c1: {  	[tilespmem:s2+$0x5F40] =	vst v11;
	vm1 =	vmand vm1, vm2;
	vm2 =	vgt.s32 v14, $0xFFFFFFFF;
	vm3 =	vlt.s32 v14, v1  }
0x2c2: {  	[tilespmem:s2+$0x5F50] =	vst v12;
	v10 =	vsel vm1, v10, v8;
	vm1 =	vmand vm2, vm3  }
0x2c3: {  	v11 =	vsub.s32 v16, v0;
	v17 =	vld [tilespmem:s6+$0x5F30];
	[tilespmem:s2+$0x5F60] =	vst v10;
	v10 =	vsel vm1, v14, v9  }
.Ltmp19:
0x2c4: {  	vm1 =	vgt.s32 v11, $0xFFFFFFFF;
	vm2 =	vlt.s32 v11, v1;
	v14 =	vsub.s32 v15, v0;
	v12 =	vld [tilespmem:s6+$0x5F40];
	[tilespmem:s2+$0x5F70] =	vst v10;
	s2 =	smov.u32 s6;
	(pc) =	sbr.rel @p2 .LBB2_35-.Ltmp19, $4  }
0x2c5: {  	vm1 =	vmand vm1, vm2;
	vm2 =	vgt.s32 v14, $0xFFFFFFFF;
	v10 =	vsub.s32 v13, v0;
	v13 =	vld [tilespmem:s2+$0x5F50]  }
0x2c6: {  	vm3 =	vlt.s32 v14, v1;
	vm4 =	vgt.s32 v10, $0xFFFFFFFF;
	vm5 =	vlt.s32 v10, v1  }
0x2c7: {  	v16 =	vsel vm1, v11, v2;
	vm1 =	vmand vm2, vm3;
	vm2 =	vmand vm4, vm5  }
0x2c8: {  	s5 =	sadd.s32 $0x200, s5;
	v14 =	vsel vm1, v14, v3;
	v11 =	vsel vm2, v10, v4;
	v15 =	vsub.s32 v17, v0;
	v10 =	vld [tilespmem:s2+$0x5F60]  }
0x2c9: {  	vm1 =	vgt.s32 v15, $0xFFFFFFFF;
	vm2 =	vlt.s32 v15, v1;
	v12 =	vsub.s32 v12, v0;
	v17 =	vld [tilespmem:s2+$0x5F70]  }
0x2ca: {  	vm1 =	vmand vm1, vm2;
	vm2 =	vgt.s32 v12, $0xFFFFFFFF;
	v13 =	vsub.s32 v13, v0  }
0x2cb: {  	[tilespmem:s2+$0x5F00] =	vst v16;
	vm3 =	vlt.s32 v12, v1;
	vm4 =	vgt.s32 v13, $0xFFFFFFFF;
	vm5 =	vlt.s32 v13, v1  }
0x2cc: {  	[tilespmem:s2+$0x5F10] =	vst v14;
	v61 =	vsel vm1, v15, v5;
	vm1 =	vmand vm2, vm3;
	vm2 =	vmand vm4, vm5  }
0x2cd: {  	[tilespmem:s2+$0x5F20] =	vst v11;
	v11 =	vsel vm1, v12, v6;
	v62 =	vsel vm2, v13, v7;
	v10 =	vsub.s32 v10, v0  }
0x2ce: {  	[tilespmem:s2+$0x5F30] =	vst v61;
	vm1 =	vgt.s32 v10, $0xFFFFFFFF;
	vm2 =	vlt.s32 v10, v1;
	v63 =	vsub.s32 v17, v0  }
0x2cf: {  	[tilespmem:s2+$0x5F40] =	vst v11;
	vm1 =	vmand vm1, vm2;
	vm2 =	vgt.s32 v63, $0xFFFFFFFF;
	vm3 =	vlt.s32 v63, v1  }
0x2d0: {  	[tilespmem:s2+$0x5F50] =	vst v62;
	v10 =	vsel vm1, v10, v8;
	vm1 =	vmand vm2, vm3  }
0x2d1: {  	[tilespmem:s2+$0x5F60] =	vst v10;
	v10 =	vsel vm1, v63, v9  }
0x2d2: {  	[tilespmem:s2+$0x5F70] =	vst v10  }
.LBB2_37:
0x2d3: {  	p2 =	sne.s32 s23, $0x6200  }
.Ltmp20:
0x2d4: {  	_ = 	snop;
	(pc) =	sbr.rel @p2 .LBB2_37-.Ltmp20, $4  }
0x2d5: {  	_ = 	snop  }
0x2d6: {  	s2 =	sshra.s32 s23, $0x2  }
0x2d7: {  	s23 =	sadd.s32 $0x200, s23;
	s5 =	sadd.s32 $0x9700, s2;
	s2 =	sadd.s32 $0x5F00, s2  }
0x2d8: {  	[tilespmem:s5], [sflag:$0x4] =	stream.indirect.gather [spmem:s21], $0x1, s2, s14, $0xb8;
	[tilespmem:$0x12DB0] =	vst v63  }
0x2d9: {  	_ =	swait.ge [sflag:s17], $0x80  }
0x2da: {  	s2 =	simm.s32 $0x31;
	[sflag:s17] =	ssyncset.done $0x0  }
.LBB2_39:
0x2db: {  	p2 =	sne.s32 s2, $0x1;
	s2 =	sadd.s32 $0xFFFFFFFF, s2;
	[sflag:s17] =	ssyncadd.s32 $0xFFFFFF80  }
.Ltmp21:
0x2dc: {  	(pc) =	sbr.rel @p2 .LBB2_39-.Ltmp21, $3  }
0x2dd: {  	_ =	sdelay $0x1  }
0x2de: {  	_ =	swait.ge [sflag:s17], $0x80  }
0x2df: {  	[sflag:s17] =	ssyncset.done $0x0  }
0x2e0: {  	[sflag:s17] =	ssyncadd.s32 $0xFFFFFF80  }
0x2e1: {  	v18 =	vld [tilespmem:$0x7B00]  }
0x2e2: {  	v19 =	vld [tilespmem:$0x7B10]  }
0x2e3: {  	v15 =	vld [tilespmem:$0x7B20]  }
0x2e4: {  	v14 =	vld [tilespmem:$0x7B30]  }
0x2e5: {  	v13 =	vld [tilespmem:$0x7B40]  }
0x2e6: {  	v11 =	vld [tilespmem:$0x7B50]  }
0x2e7: {  	v10 =	vld [tilespmem:$0x7B60]  }
0x2e8: {  	s6 =	simm.s32 $0xF0;
	v12 =	vld [tilespmem:$0x7B70]  }
0x2e9: {  	v17 =	vld [tilespmem:s6+$0x7B00]  }
0x2ea: {  	v21 =	vld [tilespmem:s6+$0x7A90]  }
0x2eb: {  	v23 =	vld [tilespmem:s6+$0x7AA0]  }
0x2ec: {  	v22 =	vld [tilespmem:s6+$0x7AB0]  }
0x2ed: {  	v20 =	vld [tilespmem:s6+$0x7AC0]  }
0x2ee: {  	v16 =	vld [tilespmem:s6+$0x7AD0]  }
0x2ef: {  	v12 =	vadd.f32 v17, v12;
	v17 =	vld [tilespmem:s6+$0x7AE0]  }
0x2f0: {  	s2 =	simm.s32 $0x170;
	s5 =	simm.s32 $0x7C0;
	v18 =	vadd.f32 v21, v18;
	v19 =	vadd.f32 v23, v19;
	v21 =	vld [tilespmem:s6+$0x7AF0]  }
.LBB2_41:
0x2f1: {  	p2 =	sne.s32 s5, $0x63C0;
	v23 =	vld [tilespmem:s2+$0x7B00];
	v15 =	vadd.f32 v22, v15  }
0x2f2: {  	v24 =	vld [tilespmem:s2+$0x7A90];
	v14 =	vadd.f32 v20, v14  }
0x2f3: {  	v25 =	vld [tilespmem:s2+$0x7AA0];
	v13 =	vadd.f32 v16, v13  }
.Ltmp22:
0x2f4: {  	v22 =	vld [tilespmem:s2+$0x7AB0];
	v11 =	vadd.f32 v17, v11;
	(pc) =	sbr.rel @p2 .LBB2_41-.Ltmp22, $4  }
0x2f5: {  	v20 =	vld [tilespmem:s2+$0x7AC0];
	v10 =	vadd.f32 v21, v10  }
0x2f6: {  	v16 =	vld [tilespmem:s2+$0x7AD0];
	v12 =	vadd.f32 v23, v12  }
0x2f7: {  	v18 =	vadd.f32 v24, v18;
	v17 =	vld [tilespmem:s2+$0x7AE0]  }
0x2f8: {  	v19 =	vadd.f32 v25, v19;
	v21 =	vld [tilespmem:s2+$0x7AF0];
	s2 =	sshra.s32 s5, $0x2;
	s5 =	sadd.s32 $0x200, s5  }
0x2f9: {  	v24 =	vld [tilespmem:s2+$0x7A90]  }
0x2fa: {  	v25 =	vld [tilespmem:s2+$0x7AA0]  }
0x2fb: {  	v26 =	vld [tilespmem:s2+$0x7AB0]  }
0x2fc: {  	v27 =	vld [tilespmem:s2+$0x7AC0]  }
0x2fd: {  	v28 =	vld [tilespmem:s2+$0x7AD0]  }
0x2fe: {  	v15 =	vadd.f32 v22, v15;
	v62 =	vld [tilespmem:s2+$0x7AE0];
	v18 =	vadd.f32 v24, v18  }
0x2ff: {  	v23 =	vld [tilespmem:s2+$0x7B00];
	v14 =	vadd.f32 v20, v14;
	v19 =	vadd.f32 v25, v19  }
0x300: {  	v63 =	vld [tilespmem:s2+$0x7AF0];
	v13 =	vadd.f32 v16, v13;
	v15 =	vadd.f32 v26, v15;
	[tilespmem:$0xB300] =	vst v18  }
0x301: {  	v11 =	vadd.f32 v17, v11;
	v14 =	vadd.f32 v27, v14;
	[tilespmem:$0xB310] =	vst v19  }
0x302: {  	v13 =	vadd.f32 v28, v13;
	[tilespmem:$0xB320] =	vst v15  }
0x303: {  	v10 =	vadd.f32 v21, v10;
	v11 =	vadd.f32 v62, v11;
	[tilespmem:$0xB330] =	vst v14  }
0x304: {  	v12 =	vadd.f32 v23, v12;
	[tilespmem:$0xB340] =	vst v13  }
0x305: {  	v10 =	vadd.f32 v63, v10;
	[tilespmem:$0xB350] =	vst v11  }
0x306: {  	[tilespmem:$0xB370] =	vst v12  }
0x307: {  	s23 =	simm.s32 $0x0;
	s8 =	rddreg [dreg:$0xd];
	[tilespmem:$0xB360] =	vst v10  }
0x308: {  	[hbm4b:s8+s23] =	stream.linear.scatter [tilespmem:s19], [sflag:$0x5], $0x80, $0x38;
	[tilespmem:$0x12DB0] =	vst v63  }
0x309: {  	_ =	swait.ge [sflag:s18], $0x80  }
0x30a: {  	[sflag:s18] =	ssyncset.done $0x0  }
0x30b: {  	[sflag:s18] =	ssyncadd.s32 $0xFFFFFF80  }
0x30c: {  	[tilespmem:s3], [sflag:$0x5] =	stream.strided.gather [hbm4b:s9+s30], $0x1800, s1, s30, $0x38;
	[tilespmem:$0x12DB0] =	vst v63  }
0x30d: {  	s25 =	sadd.s32 $0x18000, s9  }
0x30e: {  	[tilespmem:s13], [sflag:$0x5] =	stream.linear.gather [hbm4b:s25+s23], $0x100, $0x38;
	[tilespmem:$0x12DB0] =	vst v63  }
0x30f: {  	_ =	swait.ge [sflag:s18], $0x1900  }
0x310: {  	[sflag:s18] =	ssyncset.done $0x0  }
0x311: {  	s2 =	simm.s32 $0x0;
	[sflag:s18] =	ssyncadd.s32 $0xFFFFE700  }
0x312: {  	v10 =	vld [tilespmem:s2+$0x4300]  }
0x313: {  	v11 =	vld [tilespmem:s2+$0x4310]  }
0x314: {  	v12 =	vld [tilespmem:s2+$0x4320];
	_ =	sdelay $0x3  }
0x315: {  	v15 =	vld [tilespmem:s2+$0x4330];
	v10 =	vsub.s32 v10, v0  }
0x316: {  	v11 =	vsub.s32 v11, v0;
	v17 =	vsub.s32 v12, v0;
	v12 =	vld [tilespmem:s2+$0x4340];
	vm1 =	vgt.s32 v10, $0xFFFFFFFF  }
0x317: {  	v13 =	vld [tilespmem:s2+$0x4350];
	vm2 =	vlt.s32 v10, v1;
	vm3 =	vlt.s32 v11, v1;
	vm4 =	vgt.s32 v17, $0xFFFFFFFF  }
0x318: {  	vm5 =	vlt.s32 v17, v1;
	vm1 =	vmand vm1, vm2;
	vm2 =	vgt.s32 v11, $0xFFFFFFFF  }
0x319: {  	v16 =	vsel vm1, v10, v2;
	vm1 =	vmand vm2, vm3;
	vm2 =	vmand vm4, vm5  }
0x31a: {  	s5 =	simm.s32 $0x200;
	v15 =	vsub.s32 v15, v0;
	v10 =	vld [tilespmem:s2+$0x4360];
	v14 =	vsel vm1, v11, v3;
	v11 =	vsel vm2, v17, v4  }
.LBB2_43:
0x31b: {  	p2 =	sne.s32 s5, $0x6200;
	vm1 =	vgt.s32 v15, $0xFFFFFFFF;
	vm2 =	vlt.s32 v15, v1;
	v12 =	vsub.s32 v12, v0;
	v17 =	vld [tilespmem:s2+$0x4370]  }
0x31c: {  	vm1 =	vmand vm1, vm2;
	vm2 =	vgt.s32 v12, $0xFFFFFFFF;
	v13 =	vsub.s32 v13, v0  }
0x31d: {  	s6 =	sshra.s32 s5, $0x2;
	vm3 =	vlt.s32 v12, v1;
	[tilespmem:s2+$0x4300] =	vst v16;
	vm4 =	vgt.s32 v13, $0xFFFFFFFF;
	vm5 =	vlt.s32 v13, v1  }
0x31e: {  	v16 =	vld [tilespmem:s6+$0x4300];
	[tilespmem:s2+$0x4310] =	vst v14;
	v14 =	vsel vm1, v15, v5;
	vm1 =	vmand vm2, vm3;
	vm2 =	vmand vm4, vm5  }
0x31f: {  	v15 =	vld [tilespmem:s6+$0x4310];
	[tilespmem:s2+$0x4320] =	vst v11;
	v11 =	vsel vm1, v12, v6;
	v12 =	vsel vm2, v13, v7;
	v10 =	vsub.s32 v10, v0  }
0x320: {  	v13 =	vld [tilespmem:s6+$0x4320];
	[tilespmem:s2+$0x4330] =	vst v14;
	vm1 =	vgt.s32 v10, $0xFFFFFFFF;
	vm2 =	vlt.s32 v10, v1;
	v14 =	vsub.s32 v17, v0  }
0x321: {  	[tilespmem:s2+$0x4340] =	vst v11;
	vm1 =	vmand vm1, vm2;
	vm2 =	vgt.s32 v14, $0xFFFFFFFF;
	vm3 =	vlt.s32 v14, v1  }
0x322: {  	[tilespmem:s2+$0x4350] =	vst v12;
	v10 =	vsel vm1, v10, v8;
	vm1 =	vmand vm2, vm3  }
0x323: {  	v11 =	vsub.s32 v16, v0;
	v17 =	vld [tilespmem:s6+$0x4330];
	[tilespmem:s2+$0x4360] =	vst v10;
	v10 =	vsel vm1, v14, v9  }
.Ltmp23:
0x324: {  	vm1 =	vgt.s32 v11, $0xFFFFFFFF;
	vm2 =	vlt.s32 v11, v1;
	v14 =	vsub.s32 v15, v0;
	v12 =	vld [tilespmem:s6+$0x4340];
	[tilespmem:s2+$0x4370] =	vst v10;
	s2 =	smov.u32 s6;
	(pc) =	sbr.rel @p2 .LBB2_43-.Ltmp23, $4  }
0x325: {  	vm1 =	vmand vm1, vm2;
	vm2 =	vgt.s32 v14, $0xFFFFFFFF;
	v10 =	vsub.s32 v13, v0;
	v13 =	vld [tilespmem:s2+$0x4350]  }
0x326: {  	vm3 =	vlt.s32 v14, v1;
	vm4 =	vgt.s32 v10, $0xFFFFFFFF;
	vm5 =	vlt.s32 v10, v1  }
0x327: {  	v16 =	vsel vm1, v11, v2;
	vm1 =	vmand vm2, vm3;
	vm2 =	vmand vm4, vm5  }
0x328: {  	s5 =	sadd.s32 $0x200, s5;
	v14 =	vsel vm1, v14, v3;
	v11 =	vsel vm2, v10, v4;
	v15 =	vsub.s32 v17, v0;
	v10 =	vld [tilespmem:s2+$0x4360]  }
0x329: {  	vm1 =	vgt.s32 v15, $0xFFFFFFFF;
	vm2 =	vlt.s32 v15, v1;
	v12 =	vsub.s32 v12, v0;
	v17 =	vld [tilespmem:s2+$0x4370]  }
0x32a: {  	vm1 =	vmand vm1, vm2;
	vm2 =	vgt.s32 v12, $0xFFFFFFFF;
	v13 =	vsub.s32 v13, v0  }
0x32b: {  	[tilespmem:s2+$0x4300] =	vst v16;
	vm3 =	vlt.s32 v12, v1;
	vm4 =	vgt.s32 v13, $0xFFFFFFFF;
	vm5 =	vlt.s32 v13, v1  }
0x32c: {  	[tilespmem:s2+$0x4310] =	vst v14;
	v61 =	vsel vm1, v15, v5;
	vm1 =	vmand vm2, vm3;
	vm2 =	vmand vm4, vm5  }
0x32d: {  	[tilespmem:s2+$0x4320] =	vst v11;
	v11 =	vsel vm1, v12, v6;
	v62 =	vsel vm2, v13, v7;
	v10 =	vsub.s32 v10, v0  }
0x32e: {  	[tilespmem:s2+$0x4330] =	vst v61;
	vm1 =	vgt.s32 v10, $0xFFFFFFFF;
	vm2 =	vlt.s32 v10, v1;
	v63 =	vsub.s32 v17, v0  }
0x32f: {  	[tilespmem:s2+$0x4340] =	vst v11;
	vm1 =	vmand vm1, vm2;
	vm2 =	vgt.s32 v63, $0xFFFFFFFF;
	vm3 =	vlt.s32 v63, v1  }
0x330: {  	[tilespmem:s2+$0x4350] =	vst v62;
	v10 =	vsel vm1, v10, v8;
	vm1 =	vmand vm2, vm3  }
0x331: {  	[tilespmem:s2+$0x4360] =	vst v10;
	v10 =	vsel vm1, v63, v9  }
0x332: {  	[tilespmem:s2+$0x4370] =	vst v10  }
.LBB2_45:
0x333: {  	p2 =	sne.s32 s23, $0x6200  }
.Ltmp24:
0x334: {  	_ = 	snop;
	(pc) =	sbr.rel @p2 .LBB2_45-.Ltmp24, $4  }
0x335: {  	_ = 	snop  }
0x336: {  	s2 =	sshra.s32 s23, $0x2  }
0x337: {  	s23 =	sadd.s32 $0x200, s23;
	s5 =	sadd.s32 $0x7B00, s2;
	s2 =	sadd.s32 $0x4300, s2  }
0x338: {  	[tilespmem:s5], [sflag:$0x3] =	stream.indirect.gather [spmem:s21], $0x1, s2, s14, $0xb8;
	[tilespmem:$0x12DB0] =	vst v63  }
0x339: {  	_ =	swait.ge [sflag:s20], $0x80  }
0x33a: {  	s2 =	simm.s32 $0x31;
	[sflag:s20] =	ssyncset.done $0x0  }
.LBB2_47:
0x33b: {  	p2 =	sne.s32 s2, $0x1;
	s2 =	sadd.s32 $0xFFFFFFFF, s2;
	[sflag:s20] =	ssyncadd.s32 $0xFFFFFF80  }
.Ltmp25:
0x33c: {  	(pc) =	sbr.rel @p2 .LBB2_47-.Ltmp25, $3  }
0x33d: {  	_ =	sdelay $0x1  }
0x33e: {  	_ =	swait.ge [sflag:s20], $0x80  }
0x33f: {  	[sflag:s20] =	ssyncset.done $0x0  }
0x340: {  	[sflag:s20] =	ssyncadd.s32 $0xFFFFFF80  }
0x341: {  	v18 =	vld [tilespmem:$0x9700]  }
0x342: {  	v19 =	vld [tilespmem:$0x9710]  }
0x343: {  	v15 =	vld [tilespmem:$0x9720]  }
0x344: {  	v14 =	vld [tilespmem:$0x9730]  }
0x345: {  	v13 =	vld [tilespmem:$0x9740]  }
0x346: {  	v11 =	vld [tilespmem:$0x9750]  }
0x347: {  	v10 =	vld [tilespmem:$0x9760]  }
0x348: {  	s6 =	simm.s32 $0xF0;
	v12 =	vld [tilespmem:$0x9770]  }
0x349: {  	v17 =	vld [tilespmem:s6+$0x9700]  }
0x34a: {  	v21 =	vld [tilespmem:s6+$0x9690]  }
0x34b: {  	v23 =	vld [tilespmem:s6+$0x96A0]  }
0x34c: {  	v22 =	vld [tilespmem:s6+$0x96B0]  }
0x34d: {  	v20 =	vld [tilespmem:s6+$0x96C0]  }
0x34e: {  	v16 =	vld [tilespmem:s6+$0x96D0]  }
0x34f: {  	v12 =	vadd.f32 v17, v12;
	v17 =	vld [tilespmem:s6+$0x96E0]  }
0x350: {  	s2 =	simm.s32 $0x170;
	s5 =	simm.s32 $0x7C0;
	v18 =	vadd.f32 v21, v18;
	v19 =	vadd.f32 v23, v19;
	v21 =	vld [tilespmem:s6+$0x96F0]  }
.LBB2_49:
0x351: {  	p2 =	sne.s32 s5, $0x63C0;
	v23 =	vld [tilespmem:s2+$0x9700];
	v15 =	vadd.f32 v22, v15  }
0x352: {  	v24 =	vld [tilespmem:s2+$0x9690];
	v14 =	vadd.f32 v20, v14  }
0x353: {  	v25 =	vld [tilespmem:s2+$0x96A0];
	v13 =	vadd.f32 v16, v13  }
.Ltmp26:
0x354: {  	v22 =	vld [tilespmem:s2+$0x96B0];
	v11 =	vadd.f32 v17, v11;
	(pc) =	sbr.rel @p2 .LBB2_49-.Ltmp26, $4  }
0x355: {  	v20 =	vld [tilespmem:s2+$0x96C0];
	v10 =	vadd.f32 v21, v10  }
0x356: {  	v16 =	vld [tilespmem:s2+$0x96D0];
	v12 =	vadd.f32 v23, v12  }
0x357: {  	v18 =	vadd.f32 v24, v18;
	v17 =	vld [tilespmem:s2+$0x96E0]  }
0x358: {  	v19 =	vadd.f32 v25, v19;
	v21 =	vld [tilespmem:s2+$0x96F0];
	s2 =	sshra.s32 s5, $0x2;
	s5 =	sadd.s32 $0x200, s5  }
0x359: {  	v24 =	vld [tilespmem:s2+$0x9690]  }
0x35a: {  	v25 =	vld [tilespmem:s2+$0x96A0]  }
0x35b: {  	v26 =	vld [tilespmem:s2+$0x96B0]  }
0x35c: {  	v27 =	vld [tilespmem:s2+$0x96C0]  }
0x35d: {  	v28 =	vld [tilespmem:s2+$0x96D0]  }
0x35e: {  	v15 =	vadd.f32 v22, v15;
	v62 =	vld [tilespmem:s2+$0x96E0];
	v18 =	vadd.f32 v24, v18  }
0x35f: {  	v23 =	vld [tilespmem:s2+$0x9700];
	v14 =	vadd.f32 v20, v14;
	v19 =	vadd.f32 v25, v19  }
0x360: {  	v63 =	vld [tilespmem:s2+$0x96F0];
	v13 =	vadd.f32 v16, v13;
	v15 =	vadd.f32 v26, v15;
	[tilespmem:$0xB300] =	vst v18  }
0x361: {  	v11 =	vadd.f32 v17, v11;
	v14 =	vadd.f32 v27, v14;
	[tilespmem:$0xB310] =	vst v19  }
0x362: {  	v13 =	vadd.f32 v28, v13;
	[tilespmem:$0xB320] =	vst v15  }
0x363: {  	v10 =	vadd.f32 v21, v10;
	v11 =	vadd.f32 v62, v11;
	[tilespmem:$0xB330] =	vst v14  }
0x364: {  	v12 =	vadd.f32 v23, v12;
	[tilespmem:$0xB340] =	vst v13  }
0x365: {  	v10 =	vadd.f32 v63, v10;
	[tilespmem:$0xB350] =	vst v11  }
0x366: {  	[tilespmem:$0xB370] =	vst v12  }
0x367: {  	s23 =	simm.s32 $0x0;
	s8 =	rddreg [dreg:$0xe];
	[tilespmem:$0xB360] =	vst v10  }
0x368: {  	[hbm4b:s8+s23] =	stream.linear.scatter [tilespmem:s19], [sflag:$0x5], $0x80, $0x38;
	[tilespmem:$0x12DB0] =	vst v63  }
0x369: {  	_ =	swait.ge [sflag:s18], $0x80  }
0x36a: {  	[sflag:s18] =	ssyncset.done $0x0  }
0x36b: {  	[sflag:s18] =	ssyncadd.s32 $0xFFFFFF80  }
0x36c: {  	[tilespmem:s15], [sflag:$0x5] =	stream.strided.gather [hbm4b:s10+s30], $0x1800, s1, s30, $0x38;
	[tilespmem:$0x12DB0] =	vst v63  }
0x36d: {  	s25 =	sadd.s32 $0x18000, s10  }
0x36e: {  	[tilespmem:s16], [sflag:$0x5] =	stream.linear.gather [hbm4b:s25+s23], $0x100, $0x38;
	[tilespmem:$0x12DB0] =	vst v63  }
0x36f: {  	_ =	swait.ge [sflag:s18], $0x1900  }
0x370: {  	[sflag:s18] =	ssyncset.done $0x0  }
0x371: {  	s2 =	simm.s32 $0x0;
	[sflag:s18] =	ssyncadd.s32 $0xFFFFE700  }
0x372: {  	v10 =	vld [tilespmem:s2+$0x5F00]  }
0x373: {  	v11 =	vld [tilespmem:s2+$0x5F10]  }
0x374: {  	v12 =	vld [tilespmem:s2+$0x5F20];
	_ =	sdelay $0x3  }
0x375: {  	v15 =	vld [tilespmem:s2+$0x5F30];
	v10 =	vsub.s32 v10, v0  }
0x376: {  	v11 =	vsub.s32 v11, v0;
	v17 =	vsub.s32 v12, v0;
	v12 =	vld [tilespmem:s2+$0x5F40];
	vm1 =	vgt.s32 v10, $0xFFFFFFFF  }
0x377: {  	v13 =	vld [tilespmem:s2+$0x5F50];
	vm2 =	vlt.s32 v10, v1;
	vm3 =	vlt.s32 v11, v1;
	vm4 =	vgt.s32 v17, $0xFFFFFFFF  }
0x378: {  	vm5 =	vlt.s32 v17, v1;
	vm1 =	vmand vm1, vm2;
	vm2 =	vgt.s32 v11, $0xFFFFFFFF  }
0x379: {  	v16 =	vsel vm1, v10, v2;
	vm1 =	vmand vm2, vm3;
	vm2 =	vmand vm4, vm5  }
0x37a: {  	s5 =	simm.s32 $0x200;
	v15 =	vsub.s32 v15, v0;
	v10 =	vld [tilespmem:s2+$0x5F60];
	v14 =	vsel vm1, v11, v3;
	v11 =	vsel vm2, v17, v4  }
.LBB2_51:
0x37b: {  	p2 =	sne.s32 s5, $0x6200;
	vm1 =	vgt.s32 v15, $0xFFFFFFFF;
	vm2 =	vlt.s32 v15, v1;
	v12 =	vsub.s32 v12, v0;
	v17 =	vld [tilespmem:s2+$0x5F70]  }
0x37c: {  	vm1 =	vmand vm1, vm2;
	vm2 =	vgt.s32 v12, $0xFFFFFFFF;
	v13 =	vsub.s32 v13, v0  }
0x37d: {  	s6 =	sshra.s32 s5, $0x2;
	vm3 =	vlt.s32 v12, v1;
	[tilespmem:s2+$0x5F00] =	vst v16;
	vm4 =	vgt.s32 v13, $0xFFFFFFFF;
	vm5 =	vlt.s32 v13, v1  }
0x37e: {  	v16 =	vld [tilespmem:s6+$0x5F00];
	[tilespmem:s2+$0x5F10] =	vst v14;
	v14 =	vsel vm1, v15, v5;
	vm1 =	vmand vm2, vm3;
	vm2 =	vmand vm4, vm5  }
0x37f: {  	v15 =	vld [tilespmem:s6+$0x5F10];
	[tilespmem:s2+$0x5F20] =	vst v11;
	v11 =	vsel vm1, v12, v6;
	v12 =	vsel vm2, v13, v7;
	v10 =	vsub.s32 v10, v0  }
0x380: {  	v13 =	vld [tilespmem:s6+$0x5F20];
	[tilespmem:s2+$0x5F30] =	vst v14;
	vm1 =	vgt.s32 v10, $0xFFFFFFFF;
	vm2 =	vlt.s32 v10, v1;
	v14 =	vsub.s32 v17, v0  }
0x381: {  	[tilespmem:s2+$0x5F40] =	vst v11;
	vm1 =	vmand vm1, vm2;
	vm2 =	vgt.s32 v14, $0xFFFFFFFF;
	vm3 =	vlt.s32 v14, v1  }
0x382: {  	[tilespmem:s2+$0x5F50] =	vst v12;
	v10 =	vsel vm1, v10, v8;
	vm1 =	vmand vm2, vm3  }
0x383: {  	v11 =	vsub.s32 v16, v0;
	v17 =	vld [tilespmem:s6+$0x5F30];
	[tilespmem:s2+$0x5F60] =	vst v10;
	v10 =	vsel vm1, v14, v9  }
.Ltmp27:
0x384: {  	vm1 =	vgt.s32 v11, $0xFFFFFFFF;
	vm2 =	vlt.s32 v11, v1;
	v14 =	vsub.s32 v15, v0;
	v12 =	vld [tilespmem:s6+$0x5F40];
	[tilespmem:s2+$0x5F70] =	vst v10;
	s2 =	smov.u32 s6;
	(pc) =	sbr.rel @p2 .LBB2_51-.Ltmp27, $4  }
0x385: {  	vm1 =	vmand vm1, vm2;
	vm2 =	vgt.s32 v14, $0xFFFFFFFF;
	v10 =	vsub.s32 v13, v0;
	v13 =	vld [tilespmem:s2+$0x5F50]  }
0x386: {  	vm3 =	vlt.s32 v14, v1;
	vm4 =	vgt.s32 v10, $0xFFFFFFFF;
	vm5 =	vlt.s32 v10, v1  }
0x387: {  	v16 =	vsel vm1, v11, v2;
	vm1 =	vmand vm2, vm3;
	vm2 =	vmand vm4, vm5  }
0x388: {  	s5 =	sadd.s32 $0x200, s5;
	v14 =	vsel vm1, v14, v3;
	v11 =	vsel vm2, v10, v4;
	v15 =	vsub.s32 v17, v0;
	v10 =	vld [tilespmem:s2+$0x5F60]  }
0x389: {  	vm1 =	vgt.s32 v15, $0xFFFFFFFF;
	vm2 =	vlt.s32 v15, v1;
	v12 =	vsub.s32 v12, v0;
	v17 =	vld [tilespmem:s2+$0x5F70]  }
0x38a: {  	vm1 =	vmand vm1, vm2;
	vm2 =	vgt.s32 v12, $0xFFFFFFFF;
	v13 =	vsub.s32 v13, v0  }
0x38b: {  	[tilespmem:s2+$0x5F00] =	vst v16;
	vm3 =	vlt.s32 v12, v1;
	vm4 =	vgt.s32 v13, $0xFFFFFFFF;
	vm5 =	vlt.s32 v13, v1  }
0x38c: {  	[tilespmem:s2+$0x5F10] =	vst v14;
	v61 =	vsel vm1, v15, v5;
	vm1 =	vmand vm2, vm3;
	vm2 =	vmand vm4, vm5  }
0x38d: {  	[tilespmem:s2+$0x5F20] =	vst v11;
	v11 =	vsel vm1, v12, v6;
	v62 =	vsel vm2, v13, v7;
	v10 =	vsub.s32 v10, v0  }
0x38e: {  	[tilespmem:s2+$0x5F30] =	vst v61;
	vm1 =	vgt.s32 v10, $0xFFFFFFFF;
	vm2 =	vlt.s32 v10, v1;
	v63 =	vsub.s32 v17, v0  }
0x38f: {  	[tilespmem:s2+$0x5F40] =	vst v11;
	vm1 =	vmand vm1, vm2;
	vm2 =	vgt.s32 v63, $0xFFFFFFFF;
	vm3 =	vlt.s32 v63, v1  }
0x390: {  	[tilespmem:s2+$0x5F50] =	vst v62;
	v10 =	vsel vm1, v10, v8;
	vm1 =	vmand vm2, vm3  }
0x391: {  	[tilespmem:s2+$0x5F60] =	vst v10;
	v10 =	vsel vm1, v63, v9  }
0x392: {  	[tilespmem:s2+$0x5F70] =	vst v10  }
.LBB2_53:
0x393: {  	p2 =	sne.s32 s23, $0x6200  }
.Ltmp28:
0x394: {  	_ = 	snop;
	(pc) =	sbr.rel @p2 .LBB2_53-.Ltmp28, $4  }
0x395: {  	_ = 	snop  }
0x396: {  	s2 =	sshra.s32 s23, $0x2  }
0x397: {  	s23 =	sadd.s32 $0x200, s23;
	s5 =	sadd.s32 $0x9700, s2;
	s2 =	sadd.s32 $0x5F00, s2  }
0x398: {  	[tilespmem:s5], [sflag:$0x4] =	stream.indirect.gather [spmem:s21], $0x1, s2, s14, $0xb8;
	[tilespmem:$0x12DB0] =	vst v63  }
0x399: {  	_ =	swait.ge [sflag:s17], $0x80  }
0x39a: {  	s2 =	simm.s32 $0x31;
	[sflag:s17] =	ssyncset.done $0x0  }
.LBB2_55:
0x39b: {  	p2 =	sne.s32 s2, $0x1;
	s2 =	sadd.s32 $0xFFFFFFFF, s2;
	[sflag:s17] =	ssyncadd.s32 $0xFFFFFF80  }
.Ltmp29:
0x39c: {  	(pc) =	sbr.rel @p2 .LBB2_55-.Ltmp29, $3  }
0x39d: {  	_ =	sdelay $0x1  }
0x39e: {  	_ =	swait.ge [sflag:s17], $0x80  }
0x39f: {  	[sflag:s17] =	ssyncset.done $0x0  }
0x3a0: {  	[sflag:s17] =	ssyncadd.s32 $0xFFFFFF80  }
0x3a1: {  	v18 =	vld [tilespmem:$0x7B00]  }
0x3a2: {  	v19 =	vld [tilespmem:$0x7B10]  }
0x3a3: {  	v15 =	vld [tilespmem:$0x7B20]  }
0x3a4: {  	v14 =	vld [tilespmem:$0x7B30]  }
0x3a5: {  	v13 =	vld [tilespmem:$0x7B40]  }
0x3a6: {  	v11 =	vld [tilespmem:$0x7B50]  }
0x3a7: {  	v10 =	vld [tilespmem:$0x7B60]  }
0x3a8: {  	s6 =	simm.s32 $0xF0;
	v12 =	vld [tilespmem:$0x7B70]  }
0x3a9: {  	v17 =	vld [tilespmem:s6+$0x7B00]  }
0x3aa: {  	v21 =	vld [tilespmem:s6+$0x7A90]  }
0x3ab: {  	v23 =	vld [tilespmem:s6+$0x7AA0]  }
0x3ac: {  	v22 =	vld [tilespmem:s6+$0x7AB0]  }
0x3ad: {  	v20 =	vld [tilespmem:s6+$0x7AC0]  }
0x3ae: {  	v16 =	vld [tilespmem:s6+$0x7AD0]  }
0x3af: {  	v12 =	vadd.f32 v17, v12;
	v17 =	vld [tilespmem:s6+$0x7AE0]  }
0x3b0: {  	s2 =	simm.s32 $0x170;
	s5 =	simm.s32 $0x7C0;
	v18 =	vadd.f32 v21, v18;
	v19 =	vadd.f32 v23, v19;
	v21 =	vld [tilespmem:s6+$0x7AF0]  }
.LBB2_57:
0x3b1: {  	p2 =	sne.s32 s5, $0x63C0;
	v23 =	vld [tilespmem:s2+$0x7B00];
	v15 =	vadd.f32 v22, v15  }
0x3b2: {  	v24 =	vld [tilespmem:s2+$0x7A90];
	v14 =	vadd.f32 v20, v14  }
0x3b3: {  	v25 =	vld [tilespmem:s2+$0x7AA0];
	v13 =	vadd.f32 v16, v13  }
.Ltmp30:
0x3b4: {  	v22 =	vld [tilespmem:s2+$0x7AB0];
	v11 =	vadd.f32 v17, v11;
	(pc) =	sbr.rel @p2 .LBB2_57-.Ltmp30, $4  }
0x3b5: {  	v20 =	vld [tilespmem:s2+$0x7AC0];
	v10 =	vadd.f32 v21, v10  }
0x3b6: {  	v16 =	vld [tilespmem:s2+$0x7AD0];
	v12 =	vadd.f32 v23, v12  }
0x3b7: {  	v18 =	vadd.f32 v24, v18;
	v17 =	vld [tilespmem:s2+$0x7AE0]  }
0x3b8: {  	v19 =	vadd.f32 v25, v19;
	v21 =	vld [tilespmem:s2+$0x7AF0];
	s2 =	sshra.s32 s5, $0x2;
	s5 =	sadd.s32 $0x200, s5  }
0x3b9: {  	v24 =	vld [tilespmem:s2+$0x7A90]  }
0x3ba: {  	v25 =	vld [tilespmem:s2+$0x7AA0]  }
0x3bb: {  	v26 =	vld [tilespmem:s2+$0x7AB0]  }
0x3bc: {  	v27 =	vld [tilespmem:s2+$0x7AC0]  }
0x3bd: {  	v28 =	vld [tilespmem:s2+$0x7AD0]  }
0x3be: {  	v15 =	vadd.f32 v22, v15;
	v62 =	vld [tilespmem:s2+$0x7AE0];
	v18 =	vadd.f32 v24, v18  }
0x3bf: {  	v23 =	vld [tilespmem:s2+$0x7B00];
	v14 =	vadd.f32 v20, v14;
	v19 =	vadd.f32 v25, v19  }
0x3c0: {  	v63 =	vld [tilespmem:s2+$0x7AF0];
	v13 =	vadd.f32 v16, v13;
	v15 =	vadd.f32 v26, v15;
	[tilespmem:$0xB300] =	vst v18  }
0x3c1: {  	v11 =	vadd.f32 v17, v11;
	v14 =	vadd.f32 v27, v14;
	[tilespmem:$0xB310] =	vst v19  }
0x3c2: {  	v13 =	vadd.f32 v28, v13;
	[tilespmem:$0xB320] =	vst v15  }
0x3c3: {  	v10 =	vadd.f32 v21, v10;
	v11 =	vadd.f32 v62, v11;
	[tilespmem:$0xB330] =	vst v14  }
0x3c4: {  	v12 =	vadd.f32 v23, v12;
	[tilespmem:$0xB340] =	vst v13  }
0x3c5: {  	v10 =	vadd.f32 v63, v10;
	[tilespmem:$0xB350] =	vst v11  }
0x3c6: {  	[tilespmem:$0xB370] =	vst v12  }
0x3c7: {  	s23 =	simm.s32 $0x0;
	s8 =	rddreg [dreg:$0xf];
	[tilespmem:$0xB360] =	vst v10  }
0x3c8: {  	[hbm4b:s8+s23] =	stream.linear.scatter [tilespmem:s19], [sflag:$0x5], $0x80, $0x38;
	[tilespmem:$0x12DB0] =	vst v63  }
0x3c9: {  	_ =	swait.ge [sflag:s18], $0x80  }
0x3ca: {  	[sflag:s18] =	ssyncset.done $0x0  }
0x3cb: {  	[sflag:s18] =	ssyncadd.s32 $0xFFFFFF80  }
0x3cc: {  	[tilespmem:s3], [sflag:$0x5] =	stream.strided.gather [hbm4b:s11+s30], $0x1800, s1, s30, $0x38;
	[tilespmem:$0x12DB0] =	vst v63  }
0x3cd: {  	s25 =	sadd.s32 $0x18000, s11  }
0x3ce: {  	[tilespmem:s13], [sflag:$0x5] =	stream.linear.gather [hbm4b:s25+s23], $0x100, $0x38;
	[tilespmem:$0x12DB0] =	vst v63  }
0x3cf: {  	_ =	swait.ge [sflag:s18], $0x1900  }
0x3d0: {  	[sflag:s18] =	ssyncset.done $0x0  }
0x3d1: {  	s2 =	simm.s32 $0x0;
	[sflag:s18] =	ssyncadd.s32 $0xFFFFE700  }
0x3d2: {  	v10 =	vld [tilespmem:s2+$0x4300]  }
0x3d3: {  	v11 =	vld [tilespmem:s2+$0x4310]  }
0x3d4: {  	v12 =	vld [tilespmem:s2+$0x4320];
	_ =	sdelay $0x3  }
0x3d5: {  	v15 =	vld [tilespmem:s2+$0x4330];
	v10 =	vsub.s32 v10, v0  }
0x3d6: {  	v11 =	vsub.s32 v11, v0;
	v17 =	vsub.s32 v12, v0;
	v12 =	vld [tilespmem:s2+$0x4340];
	vm1 =	vgt.s32 v10, $0xFFFFFFFF  }
0x3d7: {  	v13 =	vld [tilespmem:s2+$0x4350];
	vm2 =	vlt.s32 v10, v1;
	vm3 =	vlt.s32 v11, v1;
	vm4 =	vgt.s32 v17, $0xFFFFFFFF  }
0x3d8: {  	vm5 =	vlt.s32 v17, v1;
	vm1 =	vmand vm1, vm2;
	vm2 =	vgt.s32 v11, $0xFFFFFFFF  }
0x3d9: {  	v16 =	vsel vm1, v10, v2;
	vm1 =	vmand vm2, vm3;
	vm2 =	vmand vm4, vm5  }
0x3da: {  	s5 =	simm.s32 $0x200;
	v15 =	vsub.s32 v15, v0;
	v10 =	vld [tilespmem:s2+$0x4360];
	v14 =	vsel vm1, v11, v3;
	v11 =	vsel vm2, v17, v4  }
.LBB2_59:
0x3db: {  	p2 =	sne.s32 s5, $0x6200;
	vm1 =	vgt.s32 v15, $0xFFFFFFFF;
	vm2 =	vlt.s32 v15, v1;
	v12 =	vsub.s32 v12, v0;
	v17 =	vld [tilespmem:s2+$0x4370]  }
0x3dc: {  	vm1 =	vmand vm1, vm2;
	vm2 =	vgt.s32 v12, $0xFFFFFFFF;
	v13 =	vsub.s32 v13, v0  }
0x3dd: {  	s6 =	sshra.s32 s5, $0x2;
	vm3 =	vlt.s32 v12, v1;
	[tilespmem:s2+$0x4300] =	vst v16;
	vm4 =	vgt.s32 v13, $0xFFFFFFFF;
	vm5 =	vlt.s32 v13, v1  }
0x3de: {  	v16 =	vld [tilespmem:s6+$0x4300];
	[tilespmem:s2+$0x4310] =	vst v14;
	v14 =	vsel vm1, v15, v5;
	vm1 =	vmand vm2, vm3;
	vm2 =	vmand vm4, vm5  }
0x3df: {  	v15 =	vld [tilespmem:s6+$0x4310];
	[tilespmem:s2+$0x4320] =	vst v11;
	v11 =	vsel vm1, v12, v6;
	v12 =	vsel vm2, v13, v7;
	v10 =	vsub.s32 v10, v0  }
0x3e0: {  	v13 =	vld [tilespmem:s6+$0x4320];
	[tilespmem:s2+$0x4330] =	vst v14;
	vm1 =	vgt.s32 v10, $0xFFFFFFFF;
	vm2 =	vlt.s32 v10, v1;
	v14 =	vsub.s32 v17, v0  }
0x3e1: {  	[tilespmem:s2+$0x4340] =	vst v11;
	vm1 =	vmand vm1, vm2;
	vm2 =	vgt.s32 v14, $0xFFFFFFFF;
	vm3 =	vlt.s32 v14, v1  }
0x3e2: {  	[tilespmem:s2+$0x4350] =	vst v12;
	v10 =	vsel vm1, v10, v8;
	vm1 =	vmand vm2, vm3  }
0x3e3: {  	v11 =	vsub.s32 v16, v0;
	v17 =	vld [tilespmem:s6+$0x4330];
	[tilespmem:s2+$0x4360] =	vst v10;
	v10 =	vsel vm1, v14, v9  }
.Ltmp31:
0x3e4: {  	vm1 =	vgt.s32 v11, $0xFFFFFFFF;
	vm2 =	vlt.s32 v11, v1;
	v14 =	vsub.s32 v15, v0;
	v12 =	vld [tilespmem:s6+$0x4340];
	[tilespmem:s2+$0x4370] =	vst v10;
	s2 =	smov.u32 s6;
	(pc) =	sbr.rel @p2 .LBB2_59-.Ltmp31, $4  }
0x3e5: {  	vm1 =	vmand vm1, vm2;
	vm2 =	vgt.s32 v14, $0xFFFFFFFF;
	v10 =	vsub.s32 v13, v0;
	v13 =	vld [tilespmem:s2+$0x4350]  }
0x3e6: {  	vm3 =	vlt.s32 v14, v1;
	vm4 =	vgt.s32 v10, $0xFFFFFFFF;
	vm5 =	vlt.s32 v10, v1  }
0x3e7: {  	v16 =	vsel vm1, v11, v2;
	vm1 =	vmand vm2, vm3;
	vm2 =	vmand vm4, vm5  }
0x3e8: {  	s5 =	sadd.s32 $0x200, s5;
	v14 =	vsel vm1, v14, v3;
	v11 =	vsel vm2, v10, v4;
	v15 =	vsub.s32 v17, v0;
	v10 =	vld [tilespmem:s2+$0x4360]  }
0x3e9: {  	vm1 =	vgt.s32 v15, $0xFFFFFFFF;
	vm2 =	vlt.s32 v15, v1;
	v12 =	vsub.s32 v12, v0;
	v17 =	vld [tilespmem:s2+$0x4370]  }
0x3ea: {  	vm1 =	vmand vm1, vm2;
	vm2 =	vgt.s32 v12, $0xFFFFFFFF;
	v13 =	vsub.s32 v13, v0  }
0x3eb: {  	[tilespmem:s2+$0x4300] =	vst v16;
	vm3 =	vlt.s32 v12, v1;
	vm4 =	vgt.s32 v13, $0xFFFFFFFF;
	vm5 =	vlt.s32 v13, v1  }
0x3ec: {  	[tilespmem:s2+$0x4310] =	vst v14;
	v61 =	vsel vm1, v15, v5;
	vm1 =	vmand vm2, vm3;
	vm2 =	vmand vm4, vm5  }
0x3ed: {  	[tilespmem:s2+$0x4320] =	vst v11;
	v11 =	vsel vm1, v12, v6;
	v62 =	vsel vm2, v13, v7;
	v10 =	vsub.s32 v10, v0  }
0x3ee: {  	[tilespmem:s2+$0x4330] =	vst v61;
	vm1 =	vgt.s32 v10, $0xFFFFFFFF;
	vm2 =	vlt.s32 v10, v1;
	v63 =	vsub.s32 v17, v0  }
0x3ef: {  	[tilespmem:s2+$0x4340] =	vst v11;
	vm1 =	vmand vm1, vm2;
	vm2 =	vgt.s32 v63, $0xFFFFFFFF;
	vm3 =	vlt.s32 v63, v1  }
0x3f0: {  	[tilespmem:s2+$0x4350] =	vst v62;
	v10 =	vsel vm1, v10, v8;
	vm1 =	vmand vm2, vm3  }
0x3f1: {  	[tilespmem:s2+$0x4360] =	vst v10;
	v10 =	vsel vm1, v63, v9  }
0x3f2: {  	[tilespmem:s2+$0x4370] =	vst v10  }
.LBB2_61:
0x3f3: {  	p2 =	sne.s32 s23, $0x6200  }
.Ltmp32:
0x3f4: {  	_ = 	snop;
	(pc) =	sbr.rel @p2 .LBB2_61-.Ltmp32, $4  }
0x3f5: {  	_ = 	snop  }
0x3f6: {  	s2 =	sshra.s32 s23, $0x2  }
0x3f7: {  	s23 =	sadd.s32 $0x200, s23;
	s5 =	sadd.s32 $0x7B00, s2;
	s2 =	sadd.s32 $0x4300, s2  }
0x3f8: {  	[tilespmem:s5], [sflag:$0x3] =	stream.indirect.gather [spmem:s21], $0x1, s2, s14, $0xb8;
	[tilespmem:$0x12DB0] =	vst v63  }
0x3f9: {  	_ =	swait.ge [sflag:s20], $0x80  }
0x3fa: {  	s2 =	simm.s32 $0x31;
	[sflag:s20] =	ssyncset.done $0x0  }
.LBB2_63:
0x3fb: {  	p2 =	sne.s32 s2, $0x1;
	s2 =	sadd.s32 $0xFFFFFFFF, s2;
	[sflag:s20] =	ssyncadd.s32 $0xFFFFFF80  }
.Ltmp33:
0x3fc: {  	(pc) =	sbr.rel @p2 .LBB2_63-.Ltmp33, $3  }
0x3fd: {  	_ =	sdelay $0x1  }
0x3fe: {  	_ =	swait.ge [sflag:s20], $0x80  }
0x3ff: {  	[sflag:s20] =	ssyncset.done $0x0  }
0x400: {  	[sflag:s20] =	ssyncadd.s32 $0xFFFFFF80  }
0x401: {  	v18 =	vld [tilespmem:$0x9700]  }
0x402: {  	v19 =	vld [tilespmem:$0x9710]  }
0x403: {  	v15 =	vld [tilespmem:$0x9720]  }
0x404: {  	v14 =	vld [tilespmem:$0x9730]  }
0x405: {  	v13 =	vld [tilespmem:$0x9740]  }
0x406: {  	v11 =	vld [tilespmem:$0x9750]  }
0x407: {  	v10 =	vld [tilespmem:$0x9760]  }
0x408: {  	s6 =	simm.s32 $0xF0;
	v12 =	vld [tilespmem:$0x9770]  }
0x409: {  	v17 =	vld [tilespmem:s6+$0x9700]  }
0x40a: {  	v21 =	vld [tilespmem:s6+$0x9690]  }
0x40b: {  	v23 =	vld [tilespmem:s6+$0x96A0]  }
0x40c: {  	v22 =	vld [tilespmem:s6+$0x96B0]  }
0x40d: {  	v20 =	vld [tilespmem:s6+$0x96C0]  }
0x40e: {  	v16 =	vld [tilespmem:s6+$0x96D0]  }
0x40f: {  	v12 =	vadd.f32 v17, v12;
	v17 =	vld [tilespmem:s6+$0x96E0]  }
0x410: {  	s2 =	simm.s32 $0x170;
	s5 =	simm.s32 $0x7C0;
	v18 =	vadd.f32 v21, v18;
	v19 =	vadd.f32 v23, v19;
	v21 =	vld [tilespmem:s6+$0x96F0]  }
.LBB2_65:
0x411: {  	p2 =	sne.s32 s5, $0x63C0;
	v23 =	vld [tilespmem:s2+$0x9700];
	v15 =	vadd.f32 v22, v15  }
0x412: {  	v24 =	vld [tilespmem:s2+$0x9690];
	v14 =	vadd.f32 v20, v14  }
0x413: {  	v25 =	vld [tilespmem:s2+$0x96A0];
	v13 =	vadd.f32 v16, v13  }
.Ltmp34:
0x414: {  	v22 =	vld [tilespmem:s2+$0x96B0];
	v11 =	vadd.f32 v17, v11;
	(pc) =	sbr.rel @p2 .LBB2_65-.Ltmp34, $4  }
0x415: {  	v20 =	vld [tilespmem:s2+$0x96C0];
	v10 =	vadd.f32 v21, v10  }
0x416: {  	v16 =	vld [tilespmem:s2+$0x96D0];
	v12 =	vadd.f32 v23, v12  }
0x417: {  	v18 =	vadd.f32 v24, v18;
	v17 =	vld [tilespmem:s2+$0x96E0]  }
0x418: {  	v19 =	vadd.f32 v25, v19;
	v21 =	vld [tilespmem:s2+$0x96F0];
	s2 =	sshra.s32 s5, $0x2;
	s5 =	sadd.s32 $0x200, s5  }
0x419: {  	v24 =	vld [tilespmem:s2+$0x9690]  }
0x41a: {  	v25 =	vld [tilespmem:s2+$0x96A0]  }
0x41b: {  	v26 =	vld [tilespmem:s2+$0x96B0]  }
0x41c: {  	v27 =	vld [tilespmem:s2+$0x96C0]  }
0x41d: {  	v28 =	vld [tilespmem:s2+$0x96D0]  }
0x41e: {  	v15 =	vadd.f32 v22, v15;
	v62 =	vld [tilespmem:s2+$0x96E0];
	v18 =	vadd.f32 v24, v18  }
0x41f: {  	v23 =	vld [tilespmem:s2+$0x9700];
	v14 =	vadd.f32 v20, v14;
	v19 =	vadd.f32 v25, v19  }
0x420: {  	v63 =	vld [tilespmem:s2+$0x96F0];
	v13 =	vadd.f32 v16, v13;
	v15 =	vadd.f32 v26, v15;
	[tilespmem:$0xB300] =	vst v18  }
0x421: {  	v11 =	vadd.f32 v17, v11;
	v14 =	vadd.f32 v27, v14;
	[tilespmem:$0xB310] =	vst v19  }
0x422: {  	v13 =	vadd.f32 v28, v13;
	[tilespmem:$0xB320] =	vst v15  }
0x423: {  	v10 =	vadd.f32 v21, v10;
	v11 =	vadd.f32 v62, v11;
	[tilespmem:$0xB330] =	vst v14  }
0x424: {  	v12 =	vadd.f32 v23, v12;
	[tilespmem:$0xB340] =	vst v13  }
0x425: {  	v10 =	vadd.f32 v63, v10;
	[tilespmem:$0xB350] =	vst v11  }
0x426: {  	[tilespmem:$0xB370] =	vst v12  }
0x427: {  	s23 =	simm.s32 $0x0;
	s8 =	rddreg [dreg:$0x10];
	[tilespmem:$0xB360] =	vst v10  }
0x428: {  	[hbm4b:s8+s23] =	stream.linear.scatter [tilespmem:s19], [sflag:$0x5], $0x80, $0x38;
	[tilespmem:$0x12DB0] =	vst v63  }
0x429: {  	_ =	swait.ge [sflag:s18], $0x80  }
0x42a: {  	[sflag:s18] =	ssyncset.done $0x0  }
0x42b: {  	[sflag:s18] =	ssyncadd.s32 $0xFFFFFF80  }
0x42c: {  	[tilespmem:s15], [sflag:$0x5] =	stream.strided.gather [hbm4b:s12+s30], $0x1800, s1, s30, $0x38;
	[tilespmem:$0x12DB0] =	vst v63  }
0x42d: {  	s25 =	sadd.s32 $0x18000, s12  }
0x42e: {  	[tilespmem:s16], [sflag:$0x5] =	stream.linear.gather [hbm4b:s25+s23], $0x100, $0x38;
	[tilespmem:$0x12DB0] =	vst v63  }
0x42f: {  	_ =	swait.ge [sflag:s18], $0x1900  }
0x430: {  	[sflag:s18] =	ssyncset.done $0x0  }
0x431: {  	s2 =	simm.s32 $0x0;
	[sflag:s18] =	ssyncadd.s32 $0xFFFFE700  }
0x432: {  	v10 =	vld [tilespmem:s2+$0x5F00]  }
0x433: {  	v11 =	vld [tilespmem:s2+$0x5F10]  }
0x434: {  	v12 =	vld [tilespmem:s2+$0x5F20];
	_ =	sdelay $0x3  }
0x435: {  	v15 =	vld [tilespmem:s2+$0x5F30];
	v10 =	vsub.s32 v10, v0  }
0x436: {  	v11 =	vsub.s32 v11, v0;
	v17 =	vsub.s32 v12, v0;
	v12 =	vld [tilespmem:s2+$0x5F40];
	vm1 =	vgt.s32 v10, $0xFFFFFFFF  }
0x437: {  	v13 =	vld [tilespmem:s2+$0x5F50];
	vm2 =	vlt.s32 v10, v1;
	vm3 =	vlt.s32 v11, v1;
	vm4 =	vgt.s32 v17, $0xFFFFFFFF  }
0x438: {  	vm5 =	vlt.s32 v17, v1;
	vm1 =	vmand vm1, vm2;
	vm2 =	vgt.s32 v11, $0xFFFFFFFF  }
0x439: {  	v16 =	vsel vm1, v10, v2;
	vm1 =	vmand vm2, vm3;
	vm2 =	vmand vm4, vm5  }
0x43a: {  	s5 =	simm.s32 $0x200;
	v15 =	vsub.s32 v15, v0;
	v10 =	vld [tilespmem:s2+$0x5F60];
	v14 =	vsel vm1, v11, v3;
	v11 =	vsel vm2, v17, v4  }
.LBB2_67:
0x43b: {  	p2 =	sne.s32 s5, $0x6200;
	vm1 =	vgt.s32 v15, $0xFFFFFFFF;
	vm2 =	vlt.s32 v15, v1;
	v12 =	vsub.s32 v12, v0;
	v17 =	vld [tilespmem:s2+$0x5F70]  }
0x43c: {  	vm1 =	vmand vm1, vm2;
	vm2 =	vgt.s32 v12, $0xFFFFFFFF;
	v13 =	vsub.s32 v13, v0  }
0x43d: {  	s6 =	sshra.s32 s5, $0x2;
	vm3 =	vlt.s32 v12, v1;
	[tilespmem:s2+$0x5F00] =	vst v16;
	vm4 =	vgt.s32 v13, $0xFFFFFFFF;
	vm5 =	vlt.s32 v13, v1  }
0x43e: {  	v16 =	vld [tilespmem:s6+$0x5F00];
	[tilespmem:s2+$0x5F10] =	vst v14;
	v14 =	vsel vm1, v15, v5;
	vm1 =	vmand vm2, vm3;
	vm2 =	vmand vm4, vm5  }
0x43f: {  	v15 =	vld [tilespmem:s6+$0x5F10];
	[tilespmem:s2+$0x5F20] =	vst v11;
	v11 =	vsel vm1, v12, v6;
	v12 =	vsel vm2, v13, v7;
	v10 =	vsub.s32 v10, v0  }
0x440: {  	v13 =	vld [tilespmem:s6+$0x5F20];
	[tilespmem:s2+$0x5F30] =	vst v14;
	vm1 =	vgt.s32 v10, $0xFFFFFFFF;
	vm2 =	vlt.s32 v10, v1;
	v14 =	vsub.s32 v17, v0  }
0x441: {  	[tilespmem:s2+$0x5F40] =	vst v11;
	vm1 =	vmand vm1, vm2;
	vm2 =	vgt.s32 v14, $0xFFFFFFFF;
	vm3 =	vlt.s32 v14, v1  }
0x442: {  	[tilespmem:s2+$0x5F50] =	vst v12;
	v10 =	vsel vm1, v10, v8;
	vm1 =	vmand vm2, vm3  }
0x443: {  	v11 =	vsub.s32 v16, v0;
	v17 =	vld [tilespmem:s6+$0x5F30];
	[tilespmem:s2+$0x5F60] =	vst v10;
	v10 =	vsel vm1, v14, v9  }
.Ltmp35:
0x444: {  	vm1 =	vgt.s32 v11, $0xFFFFFFFF;
	vm2 =	vlt.s32 v11, v1;
	v14 =	vsub.s32 v15, v0;
	v12 =	vld [tilespmem:s6+$0x5F40];
	[tilespmem:s2+$0x5F70] =	vst v10;
	s2 =	smov.u32 s6;
	(pc) =	sbr.rel @p2 .LBB2_67-.Ltmp35, $4  }
0x445: {  	vm1 =	vmand vm1, vm2;
	vm2 =	vgt.s32 v14, $0xFFFFFFFF;
	v10 =	vsub.s32 v13, v0;
	v13 =	vld [tilespmem:s2+$0x5F50]  }
0x446: {  	vm3 =	vlt.s32 v14, v1;
	vm4 =	vgt.s32 v10, $0xFFFFFFFF;
	vm5 =	vlt.s32 v10, v1  }
0x447: {  	v16 =	vsel vm1, v11, v2;
	vm1 =	vmand vm2, vm3;
	vm2 =	vmand vm4, vm5  }
0x448: {  	s5 =	sadd.s32 $0x200, s5;
	v14 =	vsel vm1, v14, v3;
	v11 =	vsel vm2, v10, v4;
	v15 =	vsub.s32 v17, v0;
	v10 =	vld [tilespmem:s2+$0x5F60]  }
0x449: {  	vm1 =	vgt.s32 v15, $0xFFFFFFFF;
	vm2 =	vlt.s32 v15, v1;
	v12 =	vsub.s32 v12, v0;
	v17 =	vld [tilespmem:s2+$0x5F70]  }
0x44a: {  	vm1 =	vmand vm1, vm2;
	vm2 =	vgt.s32 v12, $0xFFFFFFFF;
	v13 =	vsub.s32 v13, v0  }
0x44b: {  	[tilespmem:s2+$0x5F00] =	vst v16;
	vm3 =	vlt.s32 v12, v1;
	vm4 =	vgt.s32 v13, $0xFFFFFFFF;
	vm5 =	vlt.s32 v13, v1  }
0x44c: {  	[tilespmem:s2+$0x5F10] =	vst v14;
	v61 =	vsel vm1, v15, v5;
	vm1 =	vmand vm2, vm3;
	vm2 =	vmand vm4, vm5  }
0x44d: {  	[tilespmem:s2+$0x5F20] =	vst v11;
	v11 =	vsel vm1, v12, v6;
	v62 =	vsel vm2, v13, v7;
	v10 =	vsub.s32 v10, v0  }
0x44e: {  	[tilespmem:s2+$0x5F30] =	vst v61;
	vm1 =	vgt.s32 v10, $0xFFFFFFFF;
	vm2 =	vlt.s32 v10, v1;
	v63 =	vsub.s32 v17, v0  }
0x44f: {  	[tilespmem:s2+$0x5F40] =	vst v11;
	vm1 =	vmand vm1, vm2;
	vm2 =	vgt.s32 v63, $0xFFFFFFFF;
	vm3 =	vlt.s32 v63, v1  }
0x450: {  	[tilespmem:s2+$0x5F50] =	vst v62;
	v10 =	vsel vm1, v10, v8;
	vm1 =	vmand vm2, vm3  }
0x451: {  	[tilespmem:s2+$0x5F60] =	vst v10;
	v10 =	vsel vm1, v63, v9  }
0x452: {  	[tilespmem:s2+$0x5F70] =	vst v10  }
.LBB2_69:
0x453: {  	p2 =	sne.s32 s23, $0x6200  }
.Ltmp36:
0x454: {  	_ = 	snop;
	(pc) =	sbr.rel @p2 .LBB2_69-.Ltmp36, $4  }
0x455: {  	_ = 	snop  }
0x456: {  	s2 =	sshra.s32 s23, $0x2  }
0x457: {  	s23 =	sadd.s32 $0x200, s23;
	s5 =	sadd.s32 $0x9700, s2;
	s2 =	sadd.s32 $0x5F00, s2  }
0x458: {  	[tilespmem:s5], [sflag:$0x4] =	stream.indirect.gather [spmem:s21], $0x1, s2, s14, $0xb8;
	[tilespmem:$0x12DB0] =	vst v63  }
0x459: {  	_ =	swait.ge [sflag:s17], $0x80  }
0x45a: {  	s2 =	simm.s32 $0x31;
	[sflag:s17] =	ssyncset.done $0x0  }
.LBB2_71:
0x45b: {  	p2 =	sne.s32 s2, $0x1;
	s2 =	sadd.s32 $0xFFFFFFFF, s2;
	[sflag:s17] =	ssyncadd.s32 $0xFFFFFF80  }
.Ltmp37:
0x45c: {  	(pc) =	sbr.rel @p2 .LBB2_71-.Ltmp37, $3  }
0x45d: {  	_ =	sdelay $0x1  }
0x45e: {  	_ =	swait.ge [sflag:s17], $0x80  }
0x45f: {  	[sflag:s17] =	ssyncset.done $0x0  }
0x460: {  	[sflag:s17] =	ssyncadd.s32 $0xFFFFFF80  }
0x461: {  	v18 =	vld [tilespmem:$0x7B00]  }
0x462: {  	v19 =	vld [tilespmem:$0x7B10]  }
0x463: {  	v15 =	vld [tilespmem:$0x7B20]  }
0x464: {  	v14 =	vld [tilespmem:$0x7B30]  }
0x465: {  	v13 =	vld [tilespmem:$0x7B40]  }
0x466: {  	v11 =	vld [tilespmem:$0x7B50]  }
0x467: {  	v10 =	vld [tilespmem:$0x7B60]  }
0x468: {  	s6 =	simm.s32 $0xF0;
	v12 =	vld [tilespmem:$0x7B70]  }
0x469: {  	v17 =	vld [tilespmem:s6+$0x7B00]  }
0x46a: {  	v21 =	vld [tilespmem:s6+$0x7A90]  }
0x46b: {  	v23 =	vld [tilespmem:s6+$0x7AA0]  }
0x46c: {  	v22 =	vld [tilespmem:s6+$0x7AB0]  }
0x46d: {  	v20 =	vld [tilespmem:s6+$0x7AC0]  }
0x46e: {  	v16 =	vld [tilespmem:s6+$0x7AD0]  }
0x46f: {  	v12 =	vadd.f32 v17, v12;
	v17 =	vld [tilespmem:s6+$0x7AE0]  }
0x470: {  	s2 =	simm.s32 $0x170;
	s5 =	simm.s32 $0x7C0;
	s23 =	simm.s32 $0x0;
	v18 =	vadd.f32 v21, v18;
	v19 =	vadd.f32 v23, v19;
	v21 =	vld [tilespmem:s6+$0x7AF0]  }
.LBB2_73:
0x471: {  	p2 =	sne.s32 s5, $0x63C0;
	v23 =	vld [tilespmem:s2+$0x7B00];
	v15 =	vadd.f32 v22, v15  }
0x472: {  	v24 =	vld [tilespmem:s2+$0x7A90];
	v14 =	vadd.f32 v20, v14  }
0x473: {  	v25 =	vld [tilespmem:s2+$0x7AA0];
	v13 =	vadd.f32 v16, v13  }
.Ltmp38:
0x474: {  	v22 =	vld [tilespmem:s2+$0x7AB0];
	v11 =	vadd.f32 v17, v11;
	(pc) =	sbr.rel @p2 .LBB2_73-.Ltmp38, $4  }
0x475: {  	v20 =	vld [tilespmem:s2+$0x7AC0];
	v10 =	vadd.f32 v21, v10  }
0x476: {  	v16 =	vld [tilespmem:s2+$0x7AD0];
	v12 =	vadd.f32 v23, v12  }
0x477: {  	v18 =	vadd.f32 v24, v18;
	v17 =	vld [tilespmem:s2+$0x7AE0]  }
0x478: {  	v19 =	vadd.f32 v25, v19;
	v21 =	vld [tilespmem:s2+$0x7AF0];
	s2 =	sshra.s32 s5, $0x2;
	s5 =	sadd.s32 $0x200, s5  }
0x479: {  	v24 =	vld [tilespmem:s2+$0x7A90]  }
0x47a: {  	v25 =	vld [tilespmem:s2+$0x7AA0]  }
0x47b: {  	v26 =	vld [tilespmem:s2+$0x7AB0]  }
0x47c: {  	v27 =	vld [tilespmem:s2+$0x7AC0]  }
0x47d: {  	v28 =	vld [tilespmem:s2+$0x7AD0]  }
0x47e: {  	v15 =	vadd.f32 v22, v15;
	v62 =	vld [tilespmem:s2+$0x7AE0];
	v18 =	vadd.f32 v24, v18  }
0x47f: {  	v23 =	vld [tilespmem:s2+$0x7B00];
	v14 =	vadd.f32 v20, v14;
	v19 =	vadd.f32 v25, v19  }
0x480: {  	v63 =	vld [tilespmem:s2+$0x7AF0];
	v13 =	vadd.f32 v16, v13;
	v15 =	vadd.f32 v26, v15;
	[tilespmem:$0xB300] =	vst v18  }
0x481: {  	v11 =	vadd.f32 v17, v11;
	v14 =	vadd.f32 v27, v14;
	[tilespmem:$0xB310] =	vst v19  }
0x482: {  	v13 =	vadd.f32 v28, v13;
	[tilespmem:$0xB320] =	vst v15  }
0x483: {  	v10 =	vadd.f32 v21, v10;
	v11 =	vadd.f32 v62, v11;
	[tilespmem:$0xB330] =	vst v14  }
0x484: {  	v12 =	vadd.f32 v23, v12;
	[tilespmem:$0xB340] =	vst v13  }
0x485: {  	v10 =	vadd.f32 v63, v10;
	[tilespmem:$0xB350] =	vst v11  }
0x486: {  	[tilespmem:$0xB370] =	vst v12  }
0x487: {  	s25 =	rddreg [dreg:$0x11];
	[tilespmem:$0xB360] =	vst v10  }
0x488: {  	[hbm4b:s25+s23] =	stream.linear.scatter [tilespmem:s19], [sflag:$0x5], $0x80, $0x38;
	[tilespmem:$0x12DB0] =	vst v63  }
0x489: {  	_ =	swait.ge [sflag:s18], $0x80  }
0x48a: {  	[sflag:s18] =	ssyncset.done $0x0  }
0x48b: {  	[sflag:s18] =	ssyncadd.s32 $0xFFFFFF80  }
0x48c: {  	_ =	swait.ge [sflag:s20], $0x80  }
0x48d: {  	s2 =	simm.s32 $0x31;
	[sflag:s20] =	ssyncset.done $0x0  }
.LBB2_75:
0x48e: {  	p2 =	sne.s32 s2, $0x1;
	s2 =	sadd.s32 $0xFFFFFFFF, s2;
	[sflag:s20] =	ssyncadd.s32 $0xFFFFFF80  }
.Ltmp39:
0x48f: {  	(pc) =	sbr.rel @p2 .LBB2_75-.Ltmp39, $3  }
0x490: {  	_ =	sdelay $0x1  }
0x491: {  	_ =	swait.ge [sflag:s20], $0x80  }
0x492: {  	[sflag:s20] =	ssyncset.done $0x0  }
0x493: {  	[sflag:s20] =	ssyncadd.s32 $0xFFFFFF80  }
0x494: {  	v18 =	vld [tilespmem:$0x9700]  }
0x495: {  	v19 =	vld [tilespmem:$0x9710]  }
0x496: {  	v15 =	vld [tilespmem:$0x9720]  }
0x497: {  	v14 =	vld [tilespmem:$0x9730]  }
0x498: {  	v13 =	vld [tilespmem:$0x9740]  }
0x499: {  	v11 =	vld [tilespmem:$0x9750]  }
0x49a: {  	v10 =	vld [tilespmem:$0x9760]  }
0x49b: {  	s6 =	simm.s32 $0xF0;
	v12 =	vld [tilespmem:$0x9770]  }
0x49c: {  	v17 =	vld [tilespmem:s6+$0x9700]  }
0x49d: {  	v21 =	vld [tilespmem:s6+$0x9690]  }
0x49e: {  	v23 =	vld [tilespmem:s6+$0x96A0]  }
0x49f: {  	v22 =	vld [tilespmem:s6+$0x96B0]  }
0x4a0: {  	v20 =	vld [tilespmem:s6+$0x96C0]  }
0x4a1: {  	v16 =	vld [tilespmem:s6+$0x96D0]  }
0x4a2: {  	v12 =	vadd.f32 v17, v12;
	v17 =	vld [tilespmem:s6+$0x96E0]  }
0x4a3: {  	s2 =	simm.s32 $0x170;
	s5 =	simm.s32 $0x7C0;
	v18 =	vadd.f32 v21, v18;
	v19 =	vadd.f32 v23, v19;
	v21 =	vld [tilespmem:s6+$0x96F0]  }
.LBB2_77:
0x4a4: {  	p2 =	sne.s32 s5, $0x63C0;
	v23 =	vld [tilespmem:s2+$0x9700];
	v15 =	vadd.f32 v22, v15  }
0x4a5: {  	v24 =	vld [tilespmem:s2+$0x9690];
	v14 =	vadd.f32 v20, v14  }
0x4a6: {  	v25 =	vld [tilespmem:s2+$0x96A0];
	v13 =	vadd.f32 v16, v13  }
.Ltmp40:
0x4a7: {  	v22 =	vld [tilespmem:s2+$0x96B0];
	v11 =	vadd.f32 v17, v11;
	(pc) =	sbr.rel @p2 .LBB2_77-.Ltmp40, $4  }
0x4a8: {  	v20 =	vld [tilespmem:s2+$0x96C0];
	v10 =	vadd.f32 v21, v10  }
0x4a9: {  	v16 =	vld [tilespmem:s2+$0x96D0];
	v12 =	vadd.f32 v23, v12  }
0x4aa: {  	v18 =	vadd.f32 v24, v18;
	v17 =	vld [tilespmem:s2+$0x96E0]  }
0x4ab: {  	v19 =	vadd.f32 v25, v19;
	v21 =	vld [tilespmem:s2+$0x96F0];
	s2 =	sshra.s32 s5, $0x2;
	s5 =	sadd.s32 $0x200, s5  }
0x4ac: {  	v24 =	vld [tilespmem:s2+$0x9690]  }
0x4ad: {  	v25 =	vld [tilespmem:s2+$0x96A0]  }
0x4ae: {  	v26 =	vld [tilespmem:s2+$0x96B0]  }
0x4af: {  	v27 =	vld [tilespmem:s2+$0x96C0]  }
0x4b0: {  	v28 =	vld [tilespmem:s2+$0x96D0]  }
0x4b1: {  	v15 =	vadd.f32 v22, v15;
	v62 =	vld [tilespmem:s2+$0x96E0];
	v18 =	vadd.f32 v24, v18  }
0x4b2: {  	v23 =	vld [tilespmem:s2+$0x9700];
	v14 =	vadd.f32 v20, v14;
	v19 =	vadd.f32 v25, v19  }
0x4b3: {  	v63 =	vld [tilespmem:s2+$0x96F0];
	v13 =	vadd.f32 v16, v13;
	v15 =	vadd.f32 v26, v15;
	[tilespmem:$0xB300] =	vst v18  }
0x4b4: {  	v11 =	vadd.f32 v17, v11;
	v14 =	vadd.f32 v27, v14;
	[tilespmem:$0xB310] =	vst v19  }
0x4b5: {  	v13 =	vadd.f32 v28, v13;
	[tilespmem:$0xB320] =	vst v15  }
0x4b6: {  	v10 =	vadd.f32 v21, v10;
	v11 =	vadd.f32 v62, v11;
	[tilespmem:$0xB330] =	vst v14  }
0x4b7: {  	v12 =	vadd.f32 v23, v12;
	[tilespmem:$0xB340] =	vst v13  }
0x4b8: {  	v10 =	vadd.f32 v63, v10;
	[tilespmem:$0xB350] =	vst v11  }
0x4b9: {  	[tilespmem:$0xB370] =	vst v12  }
0x4ba: {  	s8 =	rddreg [dreg:$0x12];
	[tilespmem:$0xB360] =	vst v10  }
0x4bb: {  	[hbm4b:s8+s23] =	stream.linear.scatter [tilespmem:s19], [sflag:$0x5], $0x80, $0x38;
	[tilespmem:$0x12DB0] =	vst v63  }
0x4bc: {  	_ =	swait.ge [sflag:s18], $0x80  }
0x4bd: {  	s22 =	sadd.s32 $0x1, s22;
	s25 =	rddreg [dreg:$0x14]  }
0x4be: {  	p2 =	sne.s32 s22, s25  }
.Ltmp41:
0x4bf: {  	_ = 	snop;
	(pc) =	sbr.rel @p2 .LBB2_1-.Ltmp41, $3  }
0x4c0: {  	_ =	sdelay $0x1  }
0x4c1: {  	[sflag:s18] =	ssyncset.done $0x0  }
0x4c2: {  	[sflag:s18] =	ssyncadd.s32 $0xFFFFFF80  }
0x4c3: {  	_ =	sfence.sel $0x180000  }
0x4c4: {  	[bflag:$0x0] =	sbarrier.arrive $0xFFFF  }
0x4c5: {  	_ =	strace $0x90000047  }
0x4c6: {  	s0 =	stileid.u32;
	[bflag:$0x2] =	sbarrier.arrive $0xFFFF  }
0x4c7: {  	p0 =	sne.s32 s0, $0x0;
	s0 =	rddreg [dreg:$0x5]  }
0x4c8: {  	s0 =	sadd.s32 @!p0 $0x100000, s0  }
0x4c9: {  	[sflag:s0] =	ssyncadd.tile.s32 @!p0 $0x1;
	_ =	shalt  }
.Lfunc_end2:
_tile_overlayer_lowered:
.L_overlay_start_2:
0x4ca: {  	(tag) =	ssettag $0x2  }
0x4cb: {  	s0 =	rddreg [dreg:$0x0];
	s2 =	stileid.u32  }
0x4cc: {  	s1 =	rddreg [dreg:$0x1];
	p0 =	sne.s32 s2, $0x0  }
0x4cd: {  	s3 =	rddreg [dreg:$0x2];
	[bflag:$0x3] =	sbarrier.arrive $0xFFFF;
	s2 =	simm.s32 @!p0 $0x1C05  }
0x4ce: {  	[timem:s3], [sflag:s2] =	dma.local @!p0 [hbm:s0], s1  }
0x4cf: {  	s0 =	simm.s32 @!p0 $0x5  }
0x4d0: {  	_ =	swait.ge @!p0 [sflag:s0], s1  }
0x4d1: {  	s1 =	ssub.s32 @!p0 $0x0, s1;
	[sflag:s0] =	ssyncset.done @!p0 $0x0  }
0x4d2: {  	[sflag:s0] =	ssyncadd.s32 @!p0 s1  }
0x4d3: {  	[bflag:$0x3] =	sbarrier.arrive $0xFFFF  }
0x4d4: {  	_ =	shalt  }

</sc_bundles>
